<compile_context>
chip_gen: v7x
topology: tpu7x:2x2x1
jax: 0.10.2.dev20260603
libtpu: 0.0.44.dev20260713+nightly
codegen_flags: <defaults>
</compile_context>

<pallas_src>
import functools

import jax
import jax.numpy as jnp
from jax import lax
from jax.experimental import pallas as pl
from jax.experimental.pallas import tpu as pltpu
from jax.experimental.pallas import tpu_sc as plsc

N_NODES = 100000
MEM_DIM = 128
MSG_DIM = 256
BATCH = 16384

NC = 2
NS = 16
NW = NC * NS
LANES = 16

CHUNK = BATCH // NW
NVEC = BATCH // LANES
HVEC = NVEC // NC
RANGE = (N_NODES + NS - 1) // NS

_mesh = plsc.VectorSubcoreMesh(
    core_axis_name="c", subcore_axis_name="s", num_cores=NC, num_subcores=NS
)
_sc_params = pltpu.CompilerParams(needs_layout_passes=False)


def _wid():
    return lax.axis_index("s") * NC + lax.axis_index("c")


@functools.partial(
    pl.kernel,
    out_type=jax.ShapeDtypeStruct((BATCH, MEM_DIM), jnp.float32),
    mesh=_mesh,
    compiler_params=_sc_params,
    scratch_types=[
        pltpu.VMEM((CHUNK,), jnp.int32),
        pltpu.VMEM((CHUNK, MEM_DIM), jnp.float32),
        pltpu.SemaphoreType.DMA,
    ],
)
def _gather(mem_hbm, ids_hbm, h_hbm, ids_l, rows, sem):
    base = _wid() * CHUNK
    pltpu.sync_copy(ids_hbm.at[pl.ds(base, CHUNK)], ids_l)
    cps = [
        pltpu.async_copy(mem_hbm.at[ids_l.at[pl.ds(j * 128, 128)]],
                         rows.at[pl.ds(j * 128, 128)], sem)
        for j in range(4)
    ]
    for cp in cps:
        cp.wait()
    pltpu.sync_copy(rows, h_hbm.at[pl.ds(base, CHUNK)])


@functools.partial(
    pl.kernel,
    out_type=jax.ShapeDtypeStruct((NS, BATCH), jnp.int32),
    mesh=_mesh,
    compiler_params=_sc_params,
    scratch_types=[
        pltpu.VMEM((BATCH,), jnp.int32),
        pltpu.VMEM((RANGE + 16,), jnp.int32),
        pltpu.VMEM((BATCH // NC,), jnp.int32),
    ],
)
def _dedup(ids_hbm, adj_hbm, ids_v, winner, adj_buf):
    s = lax.axis_index("s")
    k = lax.axis_index("c")
    lo = s * RANGE
    hi = lo + RANGE
    pltpu.sync_copy(ids_hbm, ids_v)

    lane = lax.iota(jnp.int32, LANES)

    def p1(i, _):
        v = ids_v[pl.ds(i * LANES, LANES)]
        m = (v >= lo) & (v < hi)
        plsc.store_scatter(winner, [v - lo], lane + i * LANES, mask=m)
        return 0

    lax.fori_loop(0, NVEC, p1, 0, unroll=8)

    vbase = k * HVEC

    def p2(j, _):
        i = vbase + j
        v = ids_v[pl.ds(i * LANES, LANES)]
        m = (v >= lo) & (v < hi)
        w = plsc.load_gather(winner, [v - lo], mask=m)
        adj_buf[pl.ds(j * LANES, LANES)] = jnp.where(m, w, 0)
        return 0

    lax.fori_loop(0, HVEC, p2, 0, unroll=8)
    pltpu.sync_copy(adj_buf, adj_hbm.at[s, pl.ds(k * (BATCH // NC), BATCH // NC)])


@functools.partial(
    pl.kernel,
    out_type=(),
    mesh=_mesh,
    compiler_params=_sc_params,
    scratch_types=[
        pltpu.VMEM((8, 128), jnp.int32),
        pltpu.VMEM((4, 128), jnp.int32),
        pltpu.VMEM((NS, CHUNK), jnp.int32),
        pltpu.VMEM((BATCH,), jnp.float32),
        pltpu.VMEM((CHUNK, MEM_DIM), jnp.float32),
        pltpu.VMEM((4, 128), jnp.float32),
        pltpu.SemaphoreType.DMA,
        pltpu.SemaphoreType.DMA,
        pltpu.SemaphoreType.DMA((4,)),
        pltpu.SemaphoreType.DMA((4,)),
    ],
)
def _scatter(rows_hbm, ids128_hbm, ts_hbm, adj2d_hbm, mem_ref, lu_ref,
             idx8, adj2, a16, ts_v, rows, ts4, sem_i, sem_a, semg, semt):
    c = _wid()
    base = c * CHUNK
    roff = 4 * (c % 2)
    cpi = pltpu.async_copy(ids128_hbm.at[pl.ds(8 * (c // 2), 8)], idx8, sem_i)
    cpt = pltpu.async_copy(ts_hbm, ts_v, sem_i)
    cpa = pltpu.async_copy(adj2d_hbm.at[:, pl.ds(base, CHUNK)], a16, sem_a)
    cpa.wait()
    cpt.wait()
    g = []
    for j in range(4):
        for q in range(8):
            p = j * 8 + q
            acc = a16[0, pl.ds(p * LANES, LANES)]
            for r_ in range(1, NS):
                acc = acc + a16[r_, pl.ds(p * LANES, LANES)]
            adj2[j, pl.ds(q * LANES, LANES)] = acc
        g.append(pltpu.async_copy(rows_hbm.at[adj2.at[j]],
                                  rows.at[pl.ds(j * 128, 128)], semg.at[j]))
        for q in range(8):
            av = adj2[j, pl.ds(q * LANES, LANES)]
            ts4[j, pl.ds(q * LANES, LANES)] = plsc.load_gather(ts_v, [av])
    cpi.wait()
    s, s2 = [], []
    for j in range(4):
        g[j].wait()
        s.append(pltpu.async_copy(rows.at[pl.ds(j * 128, 128)],
                                  mem_ref.at[idx8.at[roff + j]], semg.at[j]))
        s2.append(pltpu.async_copy(ts4.at[j], lu_ref.at[idx8.at[roff + j]],
                                   semt.at[j]))
    for cp in s + s2:
        cp.wait()


GRU_BLK = 2048
MEM_BLK = 12512


def _gru_body(x_ref, h_ref, wih_ref, whh_ref, bih_ref, bhh_ref, memin_ref,
              out_ref, memout_ref):
    x = x_ref[...]
    h = h_ref[...]
    dn = (((1,), (1,)), ((), ()))
    gi = lax.dot_general(x, wih_ref[...], dn, preferred_element_type=jnp.float32)
    gi = gi + bih_ref[...]
    gh = lax.dot_general(h, whh_ref[...], dn, preferred_element_type=jnp.float32)
    gh = gh + bhh_ref[...]
    H = MEM_DIM
    r = jax.nn.sigmoid(gi[:, :H] + gh[:, :H])
    z = jax.nn.sigmoid(gi[:, H:2 * H] + gh[:, H:2 * H])
    n = jnp.tanh(gi[:, 2 * H:] + r * gh[:, 2 * H:])
    out_ref[...] = (1.0 - z) * n + z * h
    memout_ref[...] = memin_ref[...]


_gru = pl.pallas_call(
    _gru_body,
    grid=(BATCH // GRU_BLK,),
    in_specs=[
        pl.BlockSpec((GRU_BLK, MSG_DIM), lambda i: (i, 0)),
        pl.BlockSpec((GRU_BLK, MEM_DIM), lambda i: (i, 0)),
        pl.BlockSpec((3 * MEM_DIM, MSG_DIM), lambda i: (0, 0)),
        pl.BlockSpec((3 * MEM_DIM, MEM_DIM), lambda i: (0, 0)),
        pl.BlockSpec((1, 3 * MEM_DIM), lambda i: (0, 0)),
        pl.BlockSpec((1, 3 * MEM_DIM), lambda i: (0, 0)),
        pl.BlockSpec((MEM_BLK, MEM_DIM), lambda i: (i, 0)),
    ],
    out_specs=(
        pl.BlockSpec((GRU_BLK, MEM_DIM), lambda i: (i, 0)),
        pl.BlockSpec((MEM_BLK, MEM_DIM), lambda i: (i, 0)),
    ),
    out_shape=(
        jax.ShapeDtypeStruct((BATCH, MEM_DIM), jnp.float32),
        jax.ShapeDtypeStruct((N_NODES, MEM_DIM), jnp.float32),
    ),
)


def kernel(node_memory, last_update, unique_node_ids, unique_messages,
           timestamps, W_ih, W_hh, b_ih, b_hh):
    ids = unique_node_ids.astype(jnp.int32)
    h = _gather(node_memory, ids)
    adj = _dedup(ids)
    rows, mem_copy = _gru(unique_messages, h, W_ih, W_hh,
                          b_ih.reshape(1, -1), b_hh.reshape(1, -1),
                          node_memory)
    mem_ref = jax.new_ref(mem_copy)
    lu_ref = jax.new_ref(last_update)
    _scatter(rows, ids.reshape(BATCH // 128, 128), timestamps, adj,
             mem_ref, lu_ref)
    return mem_ref[...], lu_ref[...]

# --- scband reference (transcript-rebuilt; emitter-appended) ---
"""Pipeline reference for scband-grumemory-updater-75600014344279 (READ-ONLY COPY).

The authoritative reference and input builder live on the scoring server;
editing this copy changes nothing except your own understanding.
"""

import jax, jax.numpy as jnp
import numpy as np

N_NODES = 100000
MEM_DIM = 128
MSG_DIM = 256
BATCH = 16384


def gru_cell(x, h, W_ih, W_hh, b_ih, b_hh):
    # PyTorch GRUCell semantics; gate order r, z, n
    gi = x @ W_ih.T + b_ih
    gh = h @ W_hh.T + b_hh
    i_r, i_z, i_n = jnp.split(gi, 3, axis=1)
    h_r, h_z, h_n = jnp.split(gh, 3, axis=1)
    r = jax.nn.sigmoid(i_r + h_r)
    z = jax.nn.sigmoid(i_z + h_z)
    n = jnp.tanh(i_n + r * h_n)
    return (1.0 - z) * n + z * h


def setup_inputs(seed: int = 0) -> dict:
    key = jax.random.key(seed)
    ks = jax.random.split(key, 8)
    node_memory = jax.random.normal(ks[0], (N_NODES, MEM_DIM), dtype=jnp.float32)
    last_update = jnp.zeros((N_NODES,), dtype=jnp.float32)
    unique_node_ids = jax.random.randint(ks[1], (BATCH,), 0, N_NODES, dtype=jnp.int64 if jax.config.jax_enable_x64 else jnp.int32).astype(jnp.int32)
    unique_messages = jax.random.normal(ks[2], (BATCH, MSG_DIM), dtype=jnp.float32)
    timestamps = jax.random.uniform(ks[3], (BATCH,), dtype=jnp.float32)
    # GRUCell learned parameters (PyTorch layout: [3*H, I], [3*H, H])
    s_ih = 1.0 / np.sqrt(MEM_DIM)
    W_ih = jax.random.uniform(ks[4], (3 * MEM_DIM, MSG_DIM), minval=-s_ih, maxval=s_ih, dtype=jnp.float32)
    W_hh = jax.random.uniform(ks[5], (3 * MEM_DIM, MEM_DIM), minval=-s_ih, maxval=s_ih, dtype=jnp.float32)
    b_ih = jax.random.uniform(ks[6], (3 * MEM_DIM,), minval=-s_ih, maxval=s_ih, dtype=jnp.float32)
    b_hh = jax.random.uniform(ks[7], (3 * MEM_DIM,), minval=-s_ih, maxval=s_ih, dtype=jnp.float32)
    return {
        "node_memory": node_memory,
        "last_update": last_update,
        "unique_node_ids": unique_node_ids,
        "unique_messages": unique_messages,
        "timestamps": timestamps,
        "W_ih": W_ih,
        "W_hh": W_hh,
        "b_ih": b_ih,
        "b_hh": b_hh,
    }


def reference(node_memory, last_update, unique_node_ids, unique_messages, timestamps, W_ih, W_hh, b_ih, b_hh):
    # Faithful translation of GRUMemoryUpdater.get_updated_memory:
    #   gather memory rows -> GRUCell -> scatter-overwrite rows; overwrite last_update.
    h = jnp.take(node_memory, unique_node_ids, axis=0)
    updated_rows = gru_cell(unique_messages, h, W_ih, W_hh, b_ih, b_hh)
    updated_memory = node_memory.at[unique_node_ids].set(updated_rows)
    updated_last_update = last_update.at[unique_node_ids].set(timestamps)
    return (updated_memory, updated_last_update)

if __name__ == "__main__":
    import jax
    _d = setup_inputs()
    print(jax.jit(kernel)(*tuple(_d.values())))

</pallas_src>

<mosaic_0001>
#map = affine_map<(d0, d1) -> (0)>
#map1 = affine_map<(d0, d1) -> (0, 0)>
module attributes {stable_mosaic.version = 14 : i64} {
  func.func @_dedup(%arg0: i32, %arg1: i32, %arg2: memref<16384xi32, #tpu.memory_space<hbm>>, %arg3: memref<16x16384xi32, #tpu.memory_space<hbm>>, %arg4: memref<16384xi32, #tpu.memory_space<vmem>>, %arg5: memref<6266xi32, #tpu.memory_space<vmem>>, %arg6: memref<8192xi32, #tpu.memory_space<vmem>>) attributes {dimension_semantics = [#tpu.dimension_semantics<core_parallel>, #tpu.dimension_semantics<subcore_parallel>], iteration_bounds = array<i64: 2, 16>, scalar_prefetch = 0 : i64, scratch_operands = 3 : i64, tpu.core_type = #tpu.core_type<sc_vector_subcore>, window_params = [{transform_indices = #map}, {transform_indices = #map1}]} {
    %mul3A = arith.constant 6250 : i32
    %mul3A_0 = arith.muli %arg1, %mul3A : i32
    %add3A = arith.constant 6250 : i32
    %add3A_1 = arith.addi %mul3A_0, %add3A : i32
    "tpu.region"() ({
      %run_scoped3A = tpu.sem_alloc : memref<!tpu.dma_semaphore, #tpu.memory_space<semaphore_mem>>
      tpu.enqueue_dma source(%arg2 : memref<16384xi32, #tpu.memory_space<hbm>>) target(%arg4 : memref<16384xi32, #tpu.memory_space<vmem>>) target_semaphore(%run_scoped3A : memref<!tpu.dma_semaphore, #tpu.memory_space<semaphore_mem>>)
      tpu.wait_dma2 semaphore(%run_scoped3A : memref<!tpu.dma_semaphore, #tpu.memory_space<semaphore_mem>>) src(%arg2 : memref<16384xi32, #tpu.memory_space<hbm>>) dst(%arg4 : memref<16384xi32, #tpu.memory_space<vmem>>)
      tpu.yield
    }) : () -> ()
    %iota3A = tpu.iota {dimensions = array<i32: 0>} : vector<16xi32>
    %scan3A = arith.constant 0 : i32
    %scan3A_2 = arith.constant 0 : i32
    %scan3A_3 = arith.constant 1024 : i32
    %scan3A_4 = arith.addi %scan3A_2, %scan3A_3 : i32
    %scan3A_5 = arith.constant 8 : i32
    %scan3A_6 = scf.for %scan3A_19 = %scan3A_2 to %scan3A_4 step %scan3A_5 iter_args(%scan3A_20 = %scan3A) -> (i32)  : i32 {
      %mul3A_21 = arith.constant 16 : i32
      %mul3A_22 = arith.muli %scan3A_19, %mul3A_21 : i32
      %get3A = arith.index_cast %mul3A_22 : i32 to index
      %get3A_23 = tpu.vector_load %arg4[%get3A] {strides = array<i32>} : memref<16384xi32, #tpu.memory_space<vmem>>, vector<16xi32>,
      %ge3A = vector.broadcast %mul3A_0 : i32 to vector<16xi32>
      %ge3A_24 = arith.cmpi sge, %get3A_23, %ge3A : vector<16xi32>
      %lt3A = vector.broadcast %add3A_1 : i32 to vector<16xi32>
      %lt3A_25 = arith.cmpi slt, %get3A_23, %lt3A : vector<16xi32>
      %and3A = arith.andi %ge3A_24, %lt3A_25 : vector<16xi1>
      %sub3A = vector.broadcast %mul3A_0 : i32 to vector<16xi32>
      %sub3A_26 = arith.subi %get3A_23, %sub3A : vector<16xi32>
      %mul3A_27 = arith.constant 16 : i32
      %mul3A_28 = arith.muli %scan3A_19, %mul3A_27 : i32
      %add3A_29 = vector.broadcast %mul3A_28 : i32 to vector<16xi32>
      %add3A_30 = arith.addi %iota3A, %add3A_29 : vector<16xi32>
      tpu.vector_store_idx %arg5[%sub3A_26], %add3A_30 masked %and3A : memref<6266xi32, #tpu.memory_space<vmem>>[vector<16xi32>], vector<16xi32>, vector<16xi1>
      %scan3A_31 = arith.constant 0 : i32
      %scan3A_32 = arith.constant 1 : i32
      %scan3A_33 = arith.addi %scan3A_19, %scan3A_32 : i32
      %mul3A_34 = arith.constant 16 : i32
      %mul3A_35 = arith.muli %scan3A_33, %mul3A_34 : i32
      %get3A_36 = arith.index_cast %mul3A_35 : i32 to index
      %get3A_37 = tpu.vector_load %arg4[%get3A_36] {strides = array<i32>} : memref<16384xi32, #tpu.memory_space<vmem>>, vector<16xi32>,
      %ge3A_38 = vector.broadcast %mul3A_0 : i32 to vector<16xi32>
      %ge3A_39 = arith.cmpi sge, %get3A_37, %ge3A_38 : vector<16xi32>
      %lt3A_40 = vector.broadcast %add3A_1 : i32 to vector<16xi32>
      %lt3A_41 = arith.cmpi slt, %get3A_37, %lt3A_40 : vector<16xi32>
      %and3A_42 = arith.andi %ge3A_39, %lt3A_41 : vector<16xi1>
      %sub3A_43 = vector.broadcast %mul3A_0 : i32 to vector<16xi32>
      %sub3A_44 = arith.subi %get3A_37, %sub3A_43 : vector<16xi32>
      %mul3A_45 = arith.constant 16 : i32
      %mul3A_46 = arith.muli %scan3A_33, %mul3A_45 : i32
      %add3A_47 = vector.broadcast %mul3A_46 : i32 to vector<16xi32>
      %add3A_48 = arith.addi %iota3A, %add3A_47 : vector<16xi32>
      tpu.vector_store_idx %arg5[%sub3A_44], %add3A_48 masked %and3A_42 : memref<6266xi32, #tpu.memory_space<vmem>>[vector<16xi32>], vector<16xi32>, vector<16xi1>
      %scan3A_49 = arith.constant 0 : i32
      %scan3A_50 = arith.constant 2 : i32
      %scan3A_51 = arith.addi %scan3A_19, %scan3A_50 : i32
      %mul3A_52 = arith.constant 16 : i32
      %mul3A_53 = arith.muli %scan3A_51, %mul3A_52 : i32
      %get3A_54 = arith.index_cast %mul3A_53 : i32 to index
      %get3A_55 = tpu.vector_load %arg4[%get3A_54] {strides = array<i32>} : memref<16384xi32, #tpu.memory_space<vmem>>, vector<16xi32>,
      %ge3A_56 = vector.broadcast %mul3A_0 : i32 to vector<16xi32>
      %ge3A_57 = arith.cmpi sge, %get3A_55, %ge3A_56 : vector<16xi32>
      %lt3A_58 = vector.broadcast %add3A_1 : i32 to vector<16xi32>
      %lt3A_59 = arith.cmpi slt, %get3A_55, %lt3A_58 : vector<16xi32>
      %and3A_60 = arith.andi %ge3A_57, %lt3A_59 : vector<16xi1>
      %sub3A_61 = vector.broadcast %mul3A_0 : i32 to vector<16xi32>
      %sub3A_62 = arith.subi %get3A_55, %sub3A_61 : vector<16xi32>
      %mul3A_63 = arith.constant 16 : i32
      %mul3A_64 = arith.muli %scan3A_51, %mul3A_63 : i32
      %add3A_65 = vector.broadcast %mul3A_64 : i32 to vector<16xi32>
      %add3A_66 = arith.addi %iota3A, %add3A_65 : vector<16xi32>
      tpu.vector_store_idx %arg5[%sub3A_62], %add3A_66 masked %and3A_60 : memref<6266xi32, #tpu.memory_space<vmem>>[vector<16xi32>], vector<16xi32>, vector<16xi1>
      %scan3A_67 = arith.constant 0 : i32
      %scan3A_68 = arith.constant 3 : i32
      %scan3A_69 = arith.addi %scan3A_19, %scan3A_68 : i32
      %mul3A_70 = arith.constant 16 : i32
      %mul3A_71 = arith.muli %scan3A_69, %mul3A_70 : i32
      %get3A_72 = arith.index_cast %mul3A_71 : i32 to index
      %get3A_73 = tpu.vector_load %arg4[%get3A_72] {strides = array<i32>} : memref<16384xi32, #tpu.memory_space<vmem>>, vector<16xi32>,
      %ge3A_74 = vector.broadcast %mul3A_0 : i32 to vector<16xi32>
      %ge3A_75 = arith.cmpi sge, %get3A_73, %ge3A_74 : vector<16xi32>
      %lt3A_76 = vector.broadcast %add3A_1 : i32 to vector<16xi32>
      %lt3A_77 = arith.cmpi slt, %get3A_73, %lt3A_76 : vector<16xi32>
      %and3A_78 = arith.andi %ge3A_75, %lt3A_77 : vector<16xi1>
      %sub3A_79 = vector.broadcast %mul3A_0 : i32 to vector<16xi32>
      %sub3A_80 = arith.subi %get3A_73, %sub3A_79 : vector<16xi32>
      %mul3A_81 = arith.constant 16 : i32
      %mul3A_82 = arith.muli %scan3A_69, %mul3A_81 : i32
      %add3A_83 = vector.broadcast %mul3A_82 : i32 to vector<16xi32>
      %add3A_84 = arith.addi %iota3A, %add3A_83 : vector<16xi32>
      tpu.vector_store_idx %arg5[%sub3A_80], %add3A_84 masked %and3A_78 : memref<6266xi32, #tpu.memory_space<vmem>>[vector<16xi32>], vector<16xi32>, vector<16xi1>
      %scan3A_85 = arith.constant 0 : i32
      %scan3A_86 = arith.constant 4 : i32
      %scan3A_87 = arith.addi %scan3A_19, %scan3A_86 : i32
      %mul3A_88 = arith.constant 16 : i32
      %mul3A_89 = arith.muli %scan3A_87, %mul3A_88 : i32
      %get3A_90 = arith.index_cast %mul3A_89 : i32 to index
      %get3A_91 = tpu.vector_load %arg4[%get3A_90] {strides = array<i32>} : memref<16384xi32, #tpu.memory_space<vmem>>, vector<16xi32>,
      %ge3A_92 = vector.broadcast %mul3A_0 : i32 to vector<16xi32>
      %ge3A_93 = arith.cmpi sge, %get3A_91, %ge3A_92 : vector<16xi32>
      %lt3A_94 = vector.broadcast %add3A_1 : i32 to vector<16xi32>
      %lt3A_95 = arith.cmpi slt, %get3A_91, %lt3A_94 : vector<16xi32>
      %and3A_96 = arith.andi %ge3A_93, %lt3A_95 : vector<16xi1>
      %sub3A_97 = vector.broadcast %mul3A_0 : i32 to vector<16xi32>
      %sub3A_98 = arith.subi %get3A_91, %sub3A_97 : vector<16xi32>
      %mul3A_99 = arith.constant 16 : i32
      %mul3A_100 = arith.muli %scan3A_87, %mul3A_99 : i32
      %add3A_101 = vector.broadcast %mul3A_100 : i32 to vector<16xi32>
      %add3A_102 = arith.addi %iota3A, %add3A_101 : vector<16xi32>
      tpu.vector_store_idx %arg5[%sub3A_98], %add3A_102 masked %and3A_96 : memref<6266xi32, #tpu.memory_space<vmem>>[vector<16xi32>], vector<16xi32>, vector<16xi1>
      %scan3A_103 = arith.constant 0 : i32
      %scan3A_104 = arith.constant 5 : i32
      %scan3A_105 = arith.addi %scan3A_19, %scan3A_104 : i32
      %mul3A_106 = arith.constant 16 : i32
      %mul3A_107 = arith.muli %scan3A_105, %mul3A_106 : i32
      %get3A_108 = arith.index_cast %mul3A_107 : i32 to index
      %get3A_109 = tpu.vector_load %arg4[%get3A_108] {strides = array<i32>} : memref<16384xi32, #tpu.memory_space<vmem>>, vector<16xi32>,
      %ge3A_110 = vector.broadcast %mul3A_0 : i32 to vector<16xi32>
      %ge3A_111 = arith.cmpi sge, %get3A_109, %ge3A_110 : vector<16xi32>
      %lt3A_112 = vector.broadcast %add3A_1 : i32 to vector<16xi32>
      %lt3A_113 = arith.cmpi slt, %get3A_109, %lt3A_112 : vector<16xi32>
      %and3A_114 = arith.andi %ge3A_111, %lt3A_113 : vector<16xi1>
      %sub3A_115 = vector.broadcast %mul3A_0 : i32 to vector<16xi32>
      %sub3A_116 = arith.subi %get3A_109, %sub3A_115 : vector<16xi32>
      %mul3A_117 = arith.constant 16 : i32
      %mul3A_118 = arith.muli %scan3A_105, %mul3A_117 : i32
      %add3A_119 = vector.broadcast %mul3A_118 : i32 to vector<16xi32>
      %add3A_120 = arith.addi %iota3A, %add3A_119 : vector<16xi32>
      tpu.vector_store_idx %arg5[%sub3A_116], %add3A_120 masked %and3A_114 : memref<6266xi32, #tpu.memory_space<vmem>>[vector<16xi32>], vector<16xi32>, vector<16xi1>
      %scan3A_121 = arith.constant 0 : i32
      %scan3A_122 = arith.constant 6 : i32
      %scan3A_123 = arith.addi %scan3A_19, %scan3A_122 : i32
      %mul3A_124 = arith.constant 16 : i32
      %mul3A_125 = arith.muli %scan3A_123, %mul3A_124 : i32
      %get3A_126 = arith.index_cast %mul3A_125 : i32 to index
      %get3A_127 = tpu.vector_load %arg4[%get3A_126] {strides = array<i32>} : memref<16384xi32, #tpu.memory_space<vmem>>, vector<16xi32>,
      %ge3A_128 = vector.broadcast %mul3A_0 : i32 to vector<16xi32>
      %ge3A_129 = arith.cmpi sge, %get3A_127, %ge3A_128 : vector<16xi32>
      %lt3A_130 = vector.broadcast %add3A_1 : i32 to vector<16xi32>
      %lt3A_131 = arith.cmpi slt, %get3A_127, %lt3A_130 : vector<16xi32>
      %and3A_132 = arith.andi %ge3A_129, %lt3A_131 : vector<16xi1>
      %sub3A_133 = vector.broadcast %mul3A_0 : i32 to vector<16xi32>
      %sub3A_134 = arith.subi %get3A_127, %sub3A_133 : vector<16xi32>
      %mul3A_135 = arith.constant 16 : i32
      %mul3A_136 = arith.muli %scan3A_123, %mul3A_135 : i32
      %add3A_137 = vector.broadcast %mul3A_136 : i32 to vector<16xi32>
      %add3A_138 = arith.addi %iota3A, %add3A_137 : vector<16xi32>
      tpu.vector_store_idx %arg5[%sub3A_134], %add3A_138 masked %and3A_132 : memref<6266xi32, #tpu.memory_space<vmem>>[vector<16xi32>], vector<16xi32>, vector<16xi1>
      %scan3A_139 = arith.constant 0 : i32
      %scan3A_140 = arith.constant 7 : i32
      %scan3A_141 = arith.addi %scan3A_19, %scan3A_140 : i32
      %mul3A_142 = arith.constant 16 : i32
      %mul3A_143 = arith.muli %scan3A_141, %mul3A_142 : i32
      %get3A_144 = arith.index_cast %mul3A_143 : i32 to index
      %get3A_145 = tpu.vector_load %arg4[%get3A_144] {strides = array<i32>} : memref<16384xi32, #tpu.memory_space<vmem>>, vector<16xi32>,
      %ge3A_146 = vector.broadcast %mul3A_0 : i32 to vector<16xi32>
      %ge3A_147 = arith.cmpi sge, %get3A_145, %ge3A_146 : vector<16xi32>
      %lt3A_148 = vector.broadcast %add3A_1 : i32 to vector<16xi32>
      %lt3A_149 = arith.cmpi slt, %get3A_145, %lt3A_148 : vector<16xi32>
      %and3A_150 = arith.andi %ge3A_147, %lt3A_149 : vector<16xi1>
      %sub3A_151 = vector.broadcast %mul3A_0 : i32 to vector<16xi32>
      %sub3A_152 = arith.subi %get3A_145, %sub3A_151 : vector<16xi32>
      %mul3A_153 = arith.constant 16 : i32
      %mul3A_154 = arith.muli %scan3A_141, %mul3A_153 : i32
      %add3A_155 = vector.broadcast %mul3A_154 : i32 to vector<16xi32>
      %add3A_156 = arith.addi %iota3A, %add3A_155 : vector<16xi32>
      tpu.vector_store_idx %arg5[%sub3A_152], %add3A_156 masked %and3A_150 : memref<6266xi32, #tpu.memory_space<vmem>>[vector<16xi32>], vector<16xi32>, vector<16xi1>
      %scan3A_157 = arith.constant 0 : i32
      scf.yield %scan3A_157 : i32
    }
    %scan3A_7 = arith.constant 1024 : i32
    %mul3A_8 = arith.constant 512 : i32
    %mul3A_9 = arith.muli %arg0, %mul3A_8 : i32
    %scan3A_10 = arith.constant 0 : i32
    %scan3A_11 = arith.constant 0 : i32
    %scan3A_12 = arith.constant 512 : i32
    %scan3A_13 = arith.addi %scan3A_11, %scan3A_12 : i32
    %scan3A_14 = arith.constant 8 : i32
    %scan3A_15 = scf.for %scan3A_19 = %scan3A_11 to %scan3A_13 step %scan3A_14 iter_args(%scan3A_20 = %scan3A_10) -> (i32)  : i32 {
      %add3A_21 = arith.addi %mul3A_9, %scan3A_19 : i32
      %mul3A_22 = arith.constant 16 : i32
      %mul3A_23 = arith.muli %add3A_21, %mul3A_22 : i32
      %get3A = arith.index_cast %mul3A_23 : i32 to index
      %get3A_24 = tpu.vector_load %arg4[%get3A] {strides = array<i32>} : memref<16384xi32, #tpu.memory_space<vmem>>, vector<16xi32>,
      %ge3A = vector.broadcast %mul3A_0 : i32 to vector<16xi32>
      %ge3A_25 = arith.cmpi sge, %get3A_24, %ge3A : vector<16xi32>
      %lt3A = vector.broadcast %add3A_1 : i32 to vector<16xi32>
      %lt3A_26 = arith.cmpi slt, %get3A_24, %lt3A : vector<16xi32>
      %and3A = arith.andi %ge3A_25, %lt3A_26 : vector<16xi1>
      %sub3A = vector.broadcast %mul3A_0 : i32 to vector<16xi32>
      %sub3A_27 = arith.subi %get3A_24, %sub3A : vector<16xi32>
      %gather3A = tpu.vector_load_idx %arg5[%sub3A_27] masked %and3A : memref<6266xi32, #tpu.memory_space<vmem>>[vector<16xi32>], vector<16xi32>, vector<16xi1>
      %jit3A = arith.constant 0 : i32
      %broadcast_in_dim3A = vector.broadcast %jit3A : i32 to vector<16xi32>
      %select_n3A = arith.select %and3A, %gather3A, %broadcast_in_dim3A : vector<16xi1>, vector<16xi32>
      %mul3A_28 = arith.constant 16 : i32
      %mul3A_29 = arith.muli %scan3A_19, %mul3A_28 : i32
      %swap3A = arith.index_cast %mul3A_29 : i32 to index
      %swap3A_30 = tpu.vector_load %arg6[%swap3A] {strides = array<i32>} : memref<8192xi32, #tpu.memory_space<vmem>>, vector<16xi32>,
      tpu.vector_store %arg6[%swap3A], %select_n3A {strides = array<i32>} : memref<8192xi32, #tpu.memory_space<vmem>>, vector<16xi32>,
      %scan3A_31 = arith.constant 0 : i32
      %scan3A_32 = arith.constant 1 : i32
      %scan3A_33 = arith.addi %scan3A_19, %scan3A_32 : i32
      %add3A_34 = arith.addi %mul3A_9, %scan3A_33 : i32
      %mul3A_35 = arith.constant 16 : i32
      %mul3A_36 = arith.muli %add3A_34, %mul3A_35 : i32
      %get3A_37 = arith.index_cast %mul3A_36 : i32 to index
      %get3A_38 = tpu.vector_load %arg4[%get3A_37] {strides = array<i32>} : memref<16384xi32, #tpu.memory_space<vmem>>, vector<16xi32>,
      %ge3A_39 = vector.broadcast %mul3A_0 : i32 to vector<16xi32>
      %ge3A_40 = arith.cmpi sge, %get3A_38, %ge3A_39 : vector<16xi32>
      %lt3A_41 = vector.broadcast %add3A_1 : i32 to vector<16xi32>
      %lt3A_42 = arith.cmpi slt, %get3A_38, %lt3A_41 : vector<16xi32>
      %and3A_43 = arith.andi %ge3A_40, %lt3A_42 : vector<16xi1>
      %sub3A_44 = vector.broadcast %mul3A_0 : i32 to vector<16xi32>
      %sub3A_45 = arith.subi %get3A_38, %sub3A_44 : vector<16xi32>
      %gather3A_46 = tpu.vector_load_idx %arg5[%sub3A_45] masked %and3A_43 : memref<6266xi32, #tpu.memory_space<vmem>>[vector<16xi32>], vector<16xi32>, vector<16xi1>
      %jit3A_47 = arith.constant 0 : i32
      %broadcast_in_dim3A_48 = vector.broadcast %jit3A_47 : i32 to vector<16xi32>
      %select_n3A_49 = arith.select %and3A_43, %gather3A_46, %broadcast_in_dim3A_48 : vector<16xi1>, vector<16xi32>
      %mul3A_50 = arith.constant 16 : i32
      %mul3A_51 = arith.muli %scan3A_33, %mul3A_50 : i32
      %swap3A_52 = arith.index_cast %mul3A_51 : i32 to index
      %swap3A_53 = tpu.vector_load %arg6[%swap3A_52] {strides = array<i32>} : memref<8192xi32, #tpu.memory_space<vmem>>, vector<16xi32>,
      tpu.vector_store %arg6[%swap3A_52], %select_n3A_49 {strides = array<i32>} : memref<8192xi32, #tpu.memory_space<vmem>>, vector<16xi32>,
      %scan3A_54 = arith.constant 0 : i32
      %scan3A_55 = arith.constant 2 : i32
      %scan3A_56 = arith.addi %scan3A_19, %scan3A_55 : i32
      %add3A_57 = arith.addi %mul3A_9, %scan3A_56 : i32
      %mul3A_58 = arith.constant 16 : i32
      %mul3A_59 = arith.muli %add3A_57, %mul3A_58 : i32
      %get3A_60 = arith.index_cast %mul3A_59 : i32 to index
      %get3A_61 = tpu.vector_load %arg4[%get3A_60] {strides = array<i32>} : memref<16384xi32, #tpu.memory_space<vmem>>, vector<16xi32>,
      %ge3A_62 = vector.broadcast %mul3A_0 : i32 to vector<16xi32>
      %ge3A_63 = arith.cmpi sge, %get3A_61, %ge3A_62 : vector<16xi32>
      %lt3A_64 = vector.broadcast %add3A_1 : i32 to vector<16xi32>
      %lt3A_65 = arith.cmpi slt, %get3A_61, %lt3A_64 : vector<16xi32>
      %and3A_66 = arith.andi %ge3A_63, %lt3A_65 : vector<16xi1>
      %sub3A_67 = vector.broadcast %mul3A_0 : i32 to vector<16xi32>
      %sub3A_68 = arith.subi %get3A_61, %sub3A_67 : vector<16xi32>
      %gather3A_69 = tpu.vector_load_idx %arg5[%sub3A_68] masked %and3A_66 : memref<6266xi32, #tpu.memory_space<vmem>>[vector<16xi32>], vector<16xi32>, vector<16xi1>
      %jit3A_70 = arith.constant 0 : i32
      %broadcast_in_dim3A_71 = vector.broadcast %jit3A_70 : i32 to vector<16xi32>
      %select_n3A_72 = arith.select %and3A_66, %gather3A_69, %broadcast_in_dim3A_71 : vector<16xi1>, vector<16xi32>
      %mul3A_73 = arith.constant 16 : i32
      %mul3A_74 = arith.muli %scan3A_56, %mul3A_73 : i32
      %swap3A_75 = arith.index_cast %mul3A_74 : i32 to index
      %swap3A_76 = tpu.vector_load %arg6[%swap3A_75] {strides = array<i32>} : memref<8192xi32, #tpu.memory_space<vmem>>, vector<16xi32>,
      tpu.vector_store %arg6[%swap3A_75], %select_n3A_72 {strides = array<i32>} : memref<8192xi32, #tpu.memory_space<vmem>>, vector<16xi32>,
      %scan3A_77 = arith.constant 0 : i32
      %scan3A_78 = arith.constant 3 : i32
      %scan3A_79 = arith.addi %scan3A_19, %scan3A_78 : i32
      %add3A_80 = arith.addi %mul3A_9, %scan3A_79 : i32
      %mul3A_81 = arith.constant 16 : i32
      %mul3A_82 = arith.muli %add3A_80, %mul3A_81 : i32
      %get3A_83 = arith.index_cast %mul3A_82 : i32 to index
      %get3A_84 = tpu.vector_load %arg4[%get3A_83] {strides = array<i32>} : memref<16384xi32, #tpu.memory_space<vmem>>, vector<16xi32>,
      %ge3A_85 = vector.broadcast %mul3A_0 : i32 to vector<16xi32>
      %ge3A_86 = arith.cmpi sge, %get3A_84, %ge3A_85 : vector<16xi32>
      %lt3A_87 = vector.broadcast %add3A_1 : i32 to vector<16xi32>
      %lt3A_88 = arith.cmpi slt, %get3A_84, %lt3A_87 : vector<16xi32>
      %and3A_89 = arith.andi %ge3A_86, %lt3A_88 : vector<16xi1>
      %sub3A_90 = vector.broadcast %mul3A_0 : i32 to vector<16xi32>
      %sub3A_91 = arith.subi %get3A_84, %sub3A_90 : vector<16xi32>
      %gather3A_92 = tpu.vector_load_idx %arg5[%sub3A_91] masked %and3A_89 : memref<6266xi32, #tpu.memory_space<vmem>>[vector<16xi32>], vector<16xi32>, vector<16xi1>
      %jit3A_93 = arith.constant 0 : i32
      %broadcast_in_dim3A_94 = vector.broadcast %jit3A_93 : i32 to vector<16xi32>
      %select_n3A_95 = arith.select %and3A_89, %gather3A_92, %broadcast_in_dim3A_94 : vector<16xi1>, vector<16xi32>
      %mul3A_96 = arith.constant 16 : i32
      %mul3A_97 = arith.muli %scan3A_79, %mul3A_96 : i32
      %swap3A_98 = arith.index_cast %mul3A_97 : i32 to index
      %swap3A_99 = tpu.vector_load %arg6[%swap3A_98] {strides = array<i32>} : memref<8192xi32, #tpu.memory_space<vmem>>, vector<16xi32>,
      tpu.vector_store %arg6[%swap3A_98], %select_n3A_95 {strides = array<i32>} : memref<8192xi32, #tpu.memory_space<vmem>>, vector<16xi32>,
      %scan3A_100 = arith.constant 0 : i32
      %scan3A_101 = arith.constant 4 : i32
      %scan3A_102 = arith.addi %scan3A_19, %scan3A_101 : i32
      %add3A_103 = arith.addi %mul3A_9, %scan3A_102 : i32
      %mul3A_104 = arith.constant 16 : i32
      %mul3A_105 = arith.muli %add3A_103, %mul3A_104 : i32
      %get3A_106 = arith.index_cast %mul3A_105 : i32 to index
      %get3A_107 = tpu.vector_load %arg4[%get3A_106] {strides = array<i32>} : memref<16384xi32, #tpu.memory_space<vmem>>, vector<16xi32>,
      %ge3A_108 = vector.broadcast %mul3A_0 : i32 to vector<16xi32>
      %ge3A_109 = arith.cmpi sge, %get3A_107, %ge3A_108 : vector<16xi32>
      %lt3A_110 = vector.broadcast %add3A_1 : i32 to vector<16xi32>
      %lt3A_111 = arith.cmpi slt, %get3A_107, %lt3A_110 : vector<16xi32>
      %and3A_112 = arith.andi %ge3A_109, %lt3A_111 : vector<16xi1>
      %sub3A_113 = vector.broadcast %mul3A_0 : i32 to vector<16xi32>
      %sub3A_114 = arith.subi %get3A_107, %sub3A_113 : vector<16xi32>
      %gather3A_115 = tpu.vector_load_idx %arg5[%sub3A_114] masked %and3A_112 : memref<6266xi32, #tpu.memory_space<vmem>>[vector<16xi32>], vector<16xi32>, vector<16xi1>
      %jit3A_116 = arith.constant 0 : i32
      %broadcast_in_dim3A_117 = vector.broadcast %jit3A_116 : i32 to vector<16xi32>
      %select_n3A_118 = arith.select %and3A_112, %gather3A_115, %broadcast_in_dim3A_117 : vector<16xi1>, vector<16xi32>
      %mul3A_119 = arith.constant 16 : i32
      %mul3A_120 = arith.muli %scan3A_102, %mul3A_119 : i32
      %swap3A_121 = arith.index_cast %mul3A_120 : i32 to index
      %swap3A_122 = tpu.vector_load %arg6[%swap3A_121] {strides = array<i32>} : memref<8192xi32, #tpu.memory_space<vmem>>, vector<16xi32>,
      tpu.vector_store %arg6[%swap3A_121], %select_n3A_118 {strides = array<i32>} : memref<8192xi32, #tpu.memory_space<vmem>>, vector<16xi32>,
      %scan3A_123 = arith.constant 0 : i32
      %scan3A_124 = arith.constant 5 : i32
      %scan3A_125 = arith.addi %scan3A_19, %scan3A_124 : i32
      %add3A_126 = arith.addi %mul3A_9, %scan3A_125 : i32
      %mul3A_127 = arith.constant 16 : i32
      %mul3A_128 = arith.muli %add3A_126, %mul3A_127 : i32
      %get3A_129 = arith.index_cast %mul3A_128 : i32 to index
      %get3A_130 = tpu.vector_load %arg4[%get3A_129] {strides = array<i32>} : memref<16384xi32, #tpu.memory_space<vmem>>, vector<16xi32>,
      %ge3A_131 = vector.broadcast %mul3A_0 : i32 to vector<16xi32>
      %ge3A_132 = arith.cmpi sge, %get3A_130, %ge3A_131 : vector<16xi32>
      %lt3A_133 = vector.broadcast %add3A_1 : i32 to vector<16xi32>
      %lt3A_134 = arith.cmpi slt, %get3A_130, %lt3A_133 : vector<16xi32>
      %and3A_135 = arith.andi %ge3A_132, %lt3A_134 : vector<16xi1>
      %sub3A_136 = vector.broadcast %mul3A_0 : i32 to vector<16xi32>
      %sub3A_137 = arith.subi %get3A_130, %sub3A_136 : vector<16xi32>
      %gather3A_138 = tpu.vector_load_idx %arg5[%sub3A_137] masked %and3A_135 : memref<6266xi32, #tpu.memory_space<vmem>>[vector<16xi32>], vector<16xi32>, vector<16xi1>
      %jit3A_139 = arith.constant 0 : i32
      %broadcast_in_dim3A_140 = vector.broadcast %jit3A_139 : i32 to vector<16xi32>
      %select_n3A_141 = arith.select %and3A_135, %gather3A_138, %broadcast_in_dim3A_140 : vector<16xi1>, vector<16xi32>
      %mul3A_142 = arith.constant 16 : i32
      %mul3A_143 = arith.muli %scan3A_125, %mul3A_142 : i32
      %swap3A_144 = arith.index_cast %mul3A_143 : i32 to index
      %swap3A_145 = tpu.vector_load %arg6[%swap3A_144] {strides = array<i32>} : memref<8192xi32, #tpu.memory_space<vmem>>, vector<16xi32>,
      tpu.vector_store %arg6[%swap3A_144], %select_n3A_141 {strides = array<i32>} : memref<8192xi32, #tpu.memory_space<vmem>>, vector<16xi32>,
      %scan3A_146 = arith.constant 0 : i32
      %scan3A_147 = arith.constant 6 : i32
      %scan3A_148 = arith.addi %scan3A_19, %scan3A_147 : i32
      %add3A_149 = arith.addi %mul3A_9, %scan3A_148 : i32
      %mul3A_150 = arith.constant 16 : i32
      %mul3A_151 = arith.muli %add3A_149, %mul3A_150 : i32
      %get3A_152 = arith.index_cast %mul3A_151 : i32 to index
      %get3A_153 = tpu.vector_load %arg4[%get3A_152] {strides = array<i32>} : memref<16384xi32, #tpu.memory_space<vmem>>, vector<16xi32>,
      %ge3A_154 = vector.broadcast %mul3A_0 : i32 to vector<16xi32>
      %ge3A_155 = arith.cmpi sge, %get3A_153, %ge3A_154 : vector<16xi32>
      %lt3A_156 = vector.broadcast %add3A_1 : i32 to vector<16xi32>
      %lt3A_157 = arith.cmpi slt, %get3A_153, %lt3A_156 : vector<16xi32>
      %and3A_158 = arith.andi %ge3A_155, %lt3A_157 : vector<16xi1>
      %sub3A_159 = vector.broadcast %mul3A_0 : i32 to vector<16xi32>
      %sub3A_160 = arith.subi %get3A_153, %sub3A_159 : vector<16xi32>
      %gather3A_161 = tpu.vector_load_idx %arg5[%sub3A_160] masked %and3A_158 : memref<6266xi32, #tpu.memory_space<vmem>>[vector<16xi32>], vector<16xi32>, vector<16xi1>
      %jit3A_162 = arith.constant 0 : i32
      %broadcast_in_dim3A_163 = vector.broadcast %jit3A_162 : i32 to vector<16xi32>
      %select_n3A_164 = arith.select %and3A_158, %gather3A_161, %broadcast_in_dim3A_163 : vector<16xi1>, vector<16xi32>
      %mul3A_165 = arith.constant 16 : i32
      %mul3A_166 = arith.muli %scan3A_148, %mul3A_165 : i32
      %swap3A_167 = arith.index_cast %mul3A_166 : i32 to index
      %swap3A_168 = tpu.vector_load %arg6[%swap3A_167] {strides = array<i32>} : memref<8192xi32, #tpu.memory_space<vmem>>, vector<16xi32>,
      tpu.vector_store %arg6[%swap3A_167], %select_n3A_164 {strides = array<i32>} : memref<8192xi32, #tpu.memory_space<vmem>>, vector<16xi32>,
      %scan3A_169 = arith.constant 0 : i32
      %scan3A_170 = arith.constant 7 : i32
      %scan3A_171 = arith.addi %scan3A_19, %scan3A_170 : i32
      %add3A_172 = arith.addi %mul3A_9, %scan3A_171 : i32
      %mul3A_173 = arith.constant 16 : i32
      %mul3A_174 = arith.muli %add3A_172, %mul3A_173 : i32
      %get3A_175 = arith.index_cast %mul3A_174 : i32 to index
      %get3A_176 = tpu.vector_load %arg4[%get3A_175] {strides = array<i32>} : memref<16384xi32, #tpu.memory_space<vmem>>, vector<16xi32>,
      %ge3A_177 = vector.broadcast %mul3A_0 : i32 to vector<16xi32>
      %ge3A_178 = arith.cmpi sge, %get3A_176, %ge3A_177 : vector<16xi32>
      %lt3A_179 = vector.broadcast %add3A_1 : i32 to vector<16xi32>
      %lt3A_180 = arith.cmpi slt, %get3A_176, %lt3A_179 : vector<16xi32>
      %and3A_181 = arith.andi %ge3A_178, %lt3A_180 : vector<16xi1>
      %sub3A_182 = vector.broadcast %mul3A_0 : i32 to vector<16xi32>
      %sub3A_183 = arith.subi %get3A_176, %sub3A_182 : vector<16xi32>
      %gather3A_184 = tpu.vector_load_idx %arg5[%sub3A_183] masked %and3A_181 : memref<6266xi32, #tpu.memory_space<vmem>>[vector<16xi32>], vector<16xi32>, vector<16xi1>
      %jit3A_185 = arith.constant 0 : i32
      %broadcast_in_dim3A_186 = vector.broadcast %jit3A_185 : i32 to vector<16xi32>
      %select_n3A_187 = arith.select %and3A_181, %gather3A_184, %broadcast_in_dim3A_186 : vector<16xi1>, vector<16xi32>
      %mul3A_188 = arith.constant 16 : i32
      %mul3A_189 = arith.muli %scan3A_171, %mul3A_188 : i32
      %swap3A_190 = arith.index_cast %mul3A_189 : i32 to index
      %swap3A_191 = tpu.vector_load %arg6[%swap3A_190] {strides = array<i32>} : memref<8192xi32, #tpu.memory_space<vmem>>, vector<16xi32>,
      tpu.vector_store %arg6[%swap3A_190], %select_n3A_187 {strides = array<i32>} : memref<8192xi32, #tpu.memory_space<vmem>>, vector<16xi32>,
      %scan3A_192 = arith.constant 0 : i32
      scf.yield %scan3A_192 : i32
    }
    %scan3A_16 = arith.constant 512 : i32
    %mul3A_17 = arith.constant 8192 : i32
    %mul3A_18 = arith.muli %arg0, %mul3A_17 : i32
    "tpu.region"() ({
      %run_scoped3A = tpu.sem_alloc : memref<!tpu.dma_semaphore, #tpu.memory_space<semaphore_mem>>
      %dma_start3A = tpu.memref_slice %arg3[%arg1, %mul3A_18] : memref<16x16384xi32, #tpu.memory_space<hbm>> -> memref<1x8192xi32, #tpu.memory_space<hbm>>
      %dma_start3A_19 = tpu.memref_squeeze %dma_start3A : memref<1x8192xi32, #tpu.memory_space<hbm>> -> memref<8192xi32, #tpu.memory_space<hbm>>
      %dma_start3A_20 = tpu.memref_slice %arg3[%arg1, %mul3A_18] : memref<16x16384xi32, #tpu.memory_space<hbm>> -> memref<1x8192xi32, #tpu.memory_space<hbm>>
      %dma_start3A_21 = tpu.memref_squeeze %dma_start3A_20 : memref<1x8192xi32, #tpu.memory_space<hbm>> -> memref<8192xi32, #tpu.memory_space<hbm>>
      tpu.enqueue_dma source(%arg6 : memref<8192xi32, #tpu.memory_space<vmem>>) target(%dma_start3A_21 : memref<8192xi32, #tpu.memory_space<hbm>>) target_semaphore(%run_scoped3A : memref<!tpu.dma_semaphore, #tpu.memory_space<semaphore_mem>>)
      %dma_wait3A = tpu.memref_slice %arg3[%arg1, %mul3A_18] : memref<16x16384xi32, #tpu.memory_space<hbm>> -> memref<1x8192xi32, #tpu.memory_space<hbm>>
      %dma_wait3A_22 = tpu.memref_squeeze %dma_wait3A : memref<1x8192xi32, #tpu.memory_space<hbm>> -> memref<8192xi32, #tpu.memory_space<hbm>>
      %dma_wait3A_23 = tpu.memref_slice %arg3[%arg1, %mul3A_18] : memref<16x16384xi32, #tpu.memory_space<hbm>> -> memref<1x8192xi32, #tpu.memory_space<hbm>>
      %dma_wait3A_24 = tpu.memref_squeeze %dma_wait3A_23 : memref<1x8192xi32, #tpu.memory_space<hbm>> -> memref<8192xi32, #tpu.memory_space<hbm>>
      tpu.wait_dma2 semaphore(%run_scoped3A : memref<!tpu.dma_semaphore, #tpu.memory_space<semaphore_mem>>) src(%arg6 : memref<8192xi32, #tpu.memory_space<vmem>>) dst(%dma_wait3A_24 : memref<8192xi32, #tpu.memory_space<hbm>>)
      tpu.yield
    }) : () -> ()
    return
  }
}

#map = affine_map<(d0, d1) -> (0, 0)>
#map1 = affine_map<(d0, d1) -> (0)>
module attributes {stable_mosaic.version = 14 : i64} {
  func.func @new_body(%arg0: i32, %arg1: i32, %arg2: memref<16384x128xf32, #tpu.memory_space<hbm>>, %arg3: memref<128x128xi32, #tpu.memory_space<hbm>>, %arg4: memref<16384xf32, #tpu.memory_space<hbm>>, %arg5: memref<16x16384xi32, #tpu.memory_space<hbm>>, %arg6: memref<100000x128xf32, #tpu.memory_space<hbm>>, %arg7: memref<100000xf32, #tpu.memory_space<hbm>>, %arg8: memref<100000x128xf32, #tpu.memory_space<hbm>>, %arg9: memref<100000xf32, #tpu.memory_space<hbm>>, %arg10: memref<8x128xi32, #tpu.memory_space<vmem>>, %arg11: memref<4x128xi32, #tpu.memory_space<vmem>>, %arg12: memref<16x512xi32, #tpu.memory_space<vmem>>, %arg13: memref<16384xf32, #tpu.memory_space<vmem>>, %arg14: memref<512x128xf32, #tpu.memory_space<vmem>>, %arg15: memref<4x128xf32, #tpu.memory_space<vmem>>, %arg16: memref<!tpu.dma_semaphore, #tpu.memory_space<semaphore_mem>>, %arg17: memref<!tpu.dma_semaphore, #tpu.memory_space<semaphore_mem>>, %arg18: memref<4x!tpu.dma_semaphore, #tpu.memory_space<semaphore_mem>>, %arg19: memref<4x!tpu.dma_semaphore, #tpu.memory_space<semaphore_mem>>) attributes {dimension_semantics = [#tpu.dimension_semantics<core_parallel>, #tpu.dimension_semantics<subcore_parallel>], iteration_bounds = array<i64: 2, 16>, scalar_prefetch = 0 : i64, scratch_operands = 10 : i64, tpu.core_type = #tpu.core_type<sc_vector_subcore>, window_params = [{transform_indices = #map}, {transform_indices = #map}, {transform_indices = #map1}, {transform_indices = #map}, {transform_indices = #map}, {transform_indices = #map1}, {transform_indices = #map}, {transform_indices = #map1}]} {
    %mul3A = arith.constant 2 : i32
    %mul3A_0 = arith.muli %arg1, %mul3A : i32
    %add3A = arith.addi %mul3A_0, %arg0 : i32
    %mul3A_1 = arith.constant 512 : i32
    %mul3A_2 = arith.muli %add3A, %mul3A_1 : i32
    %jit3A = arith.constant 2 : i32
    %eq3A = arith.constant 0 : i32
    %eq3A_3 = arith.cmpi eq, %jit3A, %eq3A : i32
    %jit3A_4 = arith.constant 1 : i32
    %select_n3A = arith.select %eq3A_3, %jit3A_4, %jit3A : i32
    %rem3A = arith.remsi %add3A, %select_n3A : i32
    %ne3A = arith.constant 0 : i32
    %ne3A_5 = arith.cmpi ne, %rem3A, %ne3A : i32
    %lt3A = arith.constant 0 : i32
    %lt3A_6 = arith.cmpi slt, %rem3A, %lt3A : i32
    %lt3A_7 = arith.constant 0 : i32
    %lt3A_8 = arith.cmpi slt, %select_n3A, %lt3A_7 : i32
    %ne3A_9 = arith.xori %lt3A_6, %lt3A_8 : i1
    %and3A = arith.andi %ne3A_9, %ne3A_5 : i1
    %add3A_10 = arith.addi %rem3A, %select_n3A : i32
    %select_n3A_11 = arith.select %and3A, %add3A_10, %rem3A : i32
    %mul3A_12 = arith.constant 4 : i32
    %mul3A_13 = arith.muli %mul3A_12, %select_n3A_11 : i32
    %jit3A_14 = arith.constant 2 : i32
    %div3A = arith.divsi %add3A, %jit3A_14 : i32
    %sign3A = arith.constant 0 : i32
    %sign3A_15 = arith.cmpi sgt, %add3A, %sign3A : i32
    %sign3A_16 = arith.extui %sign3A_15 : i1 to i32
    %sign3A_17 = arith.constant 0 : i32
    %sign3A_18 = arith.cmpi slt, %add3A, %sign3A_17 : i32
    %sign3A_19 = arith.extui %sign3A_18 : i1 to i32
    %sign3A_20 = arith.subi %sign3A_16, %sign3A_19 : i32
    %sign3A_21 = arith.constant 0 : i32
    %sign3A_22 = arith.cmpi sgt, %jit3A_14, %sign3A_21 : i32
    %sign3A_23 = arith.extui %sign3A_22 : i1 to i32
    %sign3A_24 = arith.constant 0 : i32
    %sign3A_25 = arith.cmpi slt, %jit3A_14, %sign3A_24 : i32
    %sign3A_26 = arith.extui %sign3A_25 : i1 to i32
    %sign3A_27 = arith.subi %sign3A_23, %sign3A_26 : i32
    %ne3A_28 = arith.cmpi ne, %sign3A_20, %sign3A_27 : i32
    %rem3A_29 = arith.remsi %add3A, %jit3A_14 : i32
    %ne3A_30 = arith.constant 0 : i32
    %ne3A_31 = arith.cmpi ne, %rem3A_29, %ne3A_30 : i32
    %and3A_32 = arith.andi %ne3A_28, %ne3A_31 : i1
    %sub3A = arith.constant 1 : i32
    %sub3A_33 = arith.subi %div3A, %sub3A : i32
    %select_n3A_34 = arith.select %and3A_32, %sub3A_33, %div3A : i32
    %mul3A_35 = arith.constant 8 : i32
    %mul3A_36 = arith.muli %mul3A_35, %select_n3A_34 : i32
    %dma_start3A = arith.constant 0 : i32
    %dma_start3A_37 = tpu.memref_slice %arg3[%mul3A_36, %dma_start3A] : memref<128x128xi32, #tpu.memory_space<hbm>> -> memref<8x128xi32, #tpu.memory_space<hbm>>
    %dma_start3A_38 = arith.constant 0 : i32
    %dma_start3A_39 = tpu.memref_slice %arg3[%mul3A_36, %dma_start3A_38] : memref<128x128xi32, #tpu.memory_space<hbm>> -> memref<8x128xi32, #tpu.memory_space<hbm>>
    tpu.enqueue_dma source(%dma_start3A_39 : memref<8x128xi32, #tpu.memory_space<hbm>>) target(%arg10 : memref<8x128xi32, #tpu.memory_space<vmem>>) target_semaphore(%arg16 : memref<!tpu.dma_semaphore, #tpu.memory_space<semaphore_mem>>)
    tpu.enqueue_dma source(%arg4 : memref<16384xf32, #tpu.memory_space<hbm>>) target(%arg13 : memref<16384xf32, #tpu.memory_space<vmem>>) target_semaphore(%arg16 : memref<!tpu.dma_semaphore, #tpu.memory_space<semaphore_mem>>)
    %dma_start3A_40 = arith.constant 0 : i32
    %dma_start3A_41 = tpu.memref_slice %arg5[%dma_start3A_40, %mul3A_2] : memref<16x16384xi32, #tpu.memory_space<hbm>> -> memref<16x512xi32, #tpu.memory_space<hbm>>
    %dma_start3A_42 = arith.constant 0 : i32
    %dma_start3A_43 = tpu.memref_slice %arg5[%dma_start3A_42, %mul3A_2] : memref<16x16384xi32, #tpu.memory_space<hbm>> -> memref<16x512xi32, #tpu.memory_space<hbm>>
    tpu.enqueue_dma source(%dma_start3A_43 : memref<16x512xi32, #tpu.memory_space<hbm>>) target(%arg12 : memref<16x512xi32, #tpu.memory_space<vmem>>) target_semaphore(%arg17 : memref<!tpu.dma_semaphore, #tpu.memory_space<semaphore_mem>>)
    %dma_wait3A = arith.constant 0 : i32
    %dma_wait3A_44 = tpu.memref_slice %arg5[%dma_wait3A, %mul3A_2] : memref<16x16384xi32, #tpu.memory_space<hbm>> -> memref<16x512xi32, #tpu.memory_space<hbm>>
    %dma_wait3A_45 = arith.constant 0 : i32
    %dma_wait3A_46 = tpu.memref_slice %arg5[%dma_wait3A_45, %mul3A_2] : memref<16x16384xi32, #tpu.memory_space<hbm>> -> memref<16x512xi32, #tpu.memory_space<hbm>>
    tpu.wait_dma2 semaphore(%arg17 : memref<!tpu.dma_semaphore, #tpu.memory_space<semaphore_mem>>) src(%dma_wait3A_46 : memref<16x512xi32, #tpu.memory_space<hbm>>) dst(%arg12 : memref<16x512xi32, #tpu.memory_space<vmem>>)
    tpu.wait_dma2 semaphore(%arg16 : memref<!tpu.dma_semaphore, #tpu.memory_space<semaphore_mem>>) src(%arg4 : memref<16384xf32, #tpu.memory_space<hbm>>) dst(%arg13 : memref<16384xf32, #tpu.memory_space<vmem>>)
    %get3A = arith.constant 0 : i32
    %get3A_47 = arith.index_cast %get3A : i32 to index
    %get3A_48 = arith.constant 0 : index
    %get3A_49 = tpu.vector_load %arg12[%get3A_47, %get3A_48] {strides = array<i32>} : memref<16x512xi32, #tpu.memory_space<vmem>>, vector<16xi32>,
    %get3A_50 = arith.constant 1 : i32
    %get3A_51 = arith.index_cast %get3A_50 : i32 to index
    %get3A_52 = arith.constant 0 : index
    %get3A_53 = tpu.vector_load %arg12[%get3A_51, %get3A_52] {strides = array<i32>} : memref<16x512xi32, #tpu.memory_space<vmem>>, vector<16xi32>,
    %add3A_54 = arith.addi %get3A_49, %get3A_53 : vector<16xi32>
    %get3A_55 = arith.constant 2 : i32
    %get3A_56 = arith.index_cast %get3A_55 : i32 to index
    %get3A_57 = arith.constant 0 : index
    %get3A_58 = tpu.vector_load %arg12[%get3A_56, %get3A_57] {strides = array<i32>} : memref<16x512xi32, #tpu.memory_space<vmem>>, vector<16xi32>,
    %add3A_59 = arith.addi %add3A_54, %get3A_58 : vector<16xi32>
    %get3A_60 = arith.constant 3 : i32
    %get3A_61 = arith.index_cast %get3A_60 : i32 to index
    %get3A_62 = arith.constant 0 : index
    %get3A_63 = tpu.vector_load %arg12[%get3A_61, %get3A_62] {strides = array<i32>} : memref<16x512xi32, #tpu.memory_space<vmem>>, vector<16xi32>,
    %add3A_64 = arith.addi %add3A_59, %get3A_63 : vector<16xi32>
    %get3A_65 = arith.constant 4 : i32
    %get3A_66 = arith.index_cast %get3A_65 : i32 to index
    %get3A_67 = arith.constant 0 : index
    %get3A_68 = tpu.vector_load %arg12[%get3A_66, %get3A_67] {strides = array<i32>} : memref<16x512xi32, #tpu.memory_space<vmem>>, vector<16xi32>,
    %add3A_69 = arith.addi %add3A_64, %get3A_68 : vector<16xi32>
    %get3A_70 = arith.constant 5 : i32
    %get3A_71 = arith.index_cast %get3A_70 : i32 to index
    %get3A_72 = arith.constant 0 : index
    %get3A_73 = tpu.vector_load %arg12[%get3A_71, %get3A_72] {strides = array<i32>} : memref<16x512xi32, #tpu.memory_space<vmem>>, vector<16xi32>,
    %add3A_74 = arith.addi %add3A_69, %get3A_73 : vector<16xi32>
    %get3A_75 = arith.constant 6 : i32
    %get3A_76 = arith.index_cast %get3A_75 : i32 to index
    %get3A_77 = arith.constant 0 : index
    %get3A_78 = tpu.vector_load %arg12[%get3A_76, %get3A_77] {strides = array<i32>} : memref<16x512xi32, #tpu.memory_space<vmem>>, vector<16xi32>,
    %add3A_79 = arith.addi %add3A_74, %get3A_78 : vector<16xi32>
    %get3A_80 = arith.constant 7 : i32
    %get3A_81 = arith.index_cast %get3A_80 : i32 to index
    %get3A_82 = arith.constant 0 : index
    %get3A_83 = tpu.vector_load %arg12[%get3A_81, %get3A_82] {strides = array<i32>} : memref<16x512xi32, #tpu.memory_space<vmem>>, vector<16xi32>,
    %add3A_84 = arith.addi %add3A_79, %get3A_83 : vector<16xi32>
    %get3A_85 = arith.constant 8 : i32
    %get3A_86 = arith.index_cast %get3A_85 : i32 to index
    %get3A_87 = arith.constant 0 : index
    %get3A_88 = tpu.vector_load %arg12[%get3A_86, %get3A_87] {strides = array<i32>} : memref<16x512xi32, #tpu.memory_space<vmem>>, vector<16xi32>,
    %add3A_89 = arith.addi %add3A_84, %get3A_88 : vector<16xi32>
    %get3A_90 = arith.constant 9 : i32
    %get3A_91 = arith.index_cast %get3A_90 : i32 to index
    %get3A_92 = arith.constant 0 : index
    %get3A_93 = tpu.vector_load %arg12[%get3A_91, %get3A_92] {strides = array<i32>} : memref<16x512xi32, #tpu.memory_space<vmem>>, vector<16xi32>,
    %add3A_94 = arith.addi %add3A_89, %get3A_93 : vector<16xi32>
    %get3A_95 = arith.constant 10 : i32
    %get3A_96 = arith.index_cast %get3A_95 : i32 to index
    %get3A_97 = arith.constant 0 : index
    %get3A_98 = tpu.vector_load %arg12[%get3A_96, %get3A_97] {strides = array<i32>} : memref<16x512xi32, #tpu.memory_space<vmem>>, vector<16xi32>,
    %add3A_99 = arith.addi %add3A_94, %get3A_98 : vector<16xi32>
    %get3A_100 = arith.constant 11 : i32
    %get3A_101 = arith.index_cast %get3A_100 : i32 to index
    %get3A_102 = arith.constant 0 : index
    %get3A_103 = tpu.vector_load %arg12[%get3A_101, %get3A_102] {strides = array<i32>} : memref<16x512xi32, #tpu.memory_space<vmem>>, vector<16xi32>,
    %add3A_104 = arith.addi %add3A_99, %get3A_103 : vector<16xi32>
    %get3A_105 = arith.constant 12 : i32
    %get3A_106 = arith.index_cast %get3A_105 : i32 to index
    %get3A_107 = arith.constant 0 : index
    %get3A_108 = tpu.vector_load %arg12[%get3A_106, %get3A_107] {strides = array<i32>} : memref<16x512xi32, #tpu.memory_space<vmem>>, vector<16xi32>,
    %add3A_109 = arith.addi %add3A_104, %get3A_108 : vector<16xi32>
    %get3A_110 = arith.constant 13 : i32
    %get3A_111 = arith.index_cast %get3A_110 : i32 to index
    %get3A_112 = arith.constant 0 : index
    %get3A_113 = tpu.vector_load %arg12[%get3A_111, %get3A_112] {strides = array<i32>} : memref<16x512xi32, #tpu.memory_space<vmem>>, vector<16xi32>,
    %add3A_114 = arith.addi %add3A_109, %get3A_113 : vector<16xi32>
    %get3A_115 = arith.constant 14 : i32
    %get3A_116 = arith.index_cast %get3A_115 : i32 to index
    %get3A_117 = arith.constant 0 : index
    %get3A_118 = tpu.vector_load %arg12[%get3A_116, %get3A_117] {strides = array<i32>} : memref<16x512xi32, #tpu.memory_space<vmem>>, vector<16xi32>,
    %add3A_119 = arith.addi %add3A_114, %get3A_118 : vector<16xi32>
    %get3A_120 = arith.constant 15 : i32
    %get3A_121 = arith.index_cast %get3A_120 : i32 to index
    %get3A_122 = arith.constant 0 : index
    %get3A_123 = tpu.vector_load %arg12[%get3A_121, %get3A_122] {strides = array<i32>} : memref<16x512xi32, #tpu.memory_space<vmem>>, vector<16xi32>,
    %add3A_124 = arith.addi %add3A_119, %get3A_123 : vector<16xi32>
    %swap3A = arith.constant 0 : i32
    %swap3A_125 = arith.index_cast %swap3A : i32 to index
    %swap3A_126 = arith.constant 0 : index
    %swap3A_127 = tpu.vector_load %arg11[%swap3A_125, %swap3A_126] {strides = array<i32>} : memref<4x128xi32, #tpu.memory_space<vmem>>, vector<16xi32>,
    tpu.vector_store %arg11[%swap3A_125, %swap3A_126], %add3A_124 {strides = array<i32>} : memref<4x128xi32, #tpu.memory_space<vmem>>, vector<16xi32>,
    %get3A_128 = arith.constant 0 : i32
    %get3A_129 = arith.index_cast %get3A_128 : i32 to index
    %get3A_130 = arith.constant 16 : index
    %get3A_131 = tpu.vector_load %arg12[%get3A_129, %get3A_130] {strides = array<i32>} : memref<16x512xi32, #tpu.memory_space<vmem>>, vector<16xi32>,
    %get3A_132 = arith.constant 1 : i32
    %get3A_133 = arith.index_cast %get3A_132 : i32 to index
    %get3A_134 = arith.constant 16 : index
    %get3A_135 = tpu.vector_load %arg12[%get3A_133, %get3A_134] {strides = array<i32>} : memref<16x512xi32, #tpu.memory_space<vmem>>, vector<16xi32>,
    %add3A_136 = arith.addi %get3A_131, %get3A_135 : vector<16xi32>
    %get3A_137 = arith.constant 2 : i32
    %get3A_138 = arith.index_cast %get3A_137 : i32 to index
    %get3A_139 = arith.constant 16 : index
    %get3A_140 = tpu.vector_load %arg12[%get3A_138, %get3A_139] {strides = array<i32>} : memref<16x512xi32, #tpu.memory_space<vmem>>, vector<16xi32>,
    %add3A_141 = arith.addi %add3A_136, %get3A_140 : vector<16xi32>
    %get3A_142 = arith.constant 3 : i32
    %get3A_143 = arith.index_cast %get3A_142 : i32 to index
    %get3A_144 = arith.constant 16 : index
    %get3A_145 = tpu.vector_load %arg12[%get3A_143, %get3A_144] {strides = array<i32>} : memref<16x512xi32, #tpu.memory_space<vmem>>, vector<16xi32>,
    %add3A_146 = arith.addi %add3A_141, %get3A_145 : vector<16xi32>
    %get3A_147 = arith.constant 4 : i32
    %get3A_148 = arith.index_cast %get3A_147 : i32 to index
    %get3A_149 = arith.constant 16 : index
    %get3A_150 = tpu.vector_load %arg12[%get3A_148, %get3A_149] {strides = array<i32>} : memref<16x512xi32, #tpu.memory_space<vmem>>, vector<16xi32>,
    %add3A_151 = arith.addi %add3A_146, %get3A_150 : vector<16xi32>
    %get3A_152 = arith.constant 5 : i32
    %get3A_153 = arith.index_cast %get3A_152 : i32 to index
    %get3A_154 = arith.constant 16 : index
    %get3A_155 = tpu.vector_load %arg12[%get3A_153, %get3A_154] {strides = array<i32>} : memref<16x512xi32, #tpu.memory_space<vmem>>, vector<16xi32>,
    %add3A_156 = arith.addi %add3A_151, %get3A_155 : vector<16xi32>
    %get3A_157 = arith.constant 6 : i32
    %get3A_158 = arith.index_cast %get3A_157 : i32 to index
    %get3A_159 = arith.constant 16 : index
    %get3A_160 = tpu.vector_load %arg12[%get3A_158, %get3A_159] {strides = array<i32>} : memref<16x512xi32, #tpu.memory_space<vmem>>, vector<16xi32>,
    %add3A_161 = arith.addi %add3A_156, %get3A_160 : vector<16xi32>
    %get3A_162 = arith.constant 7 : i32
    %get3A_163 = arith.index_cast %get3A_162 : i32 to index
    %get3A_164 = arith.constant 16 : index
    %get3A_165 = tpu.vector_load %arg12[%get3A_163, %get3A_164] {strides = array<i32>} : memref<16x512xi32, #tpu.memory_space<vmem>>, vector<16xi32>,
    %add3A_166 = arith.addi %add3A_161, %get3A_165 : vector<16xi32>
    %get3A_167 = arith.constant 8 : i32
    %get3A_168 = arith.index_cast %get3A_167 : i32 to index
    %get3A_169 = arith.constant 16 : index
    %get3A_170 = tpu.vector_load %arg12[%get3A_168, %get3A_169] {strides = array<i32>} : memref<16x512xi32, #tpu.memory_space<vmem>>, vector<16xi32>,
    %add3A_171 = arith.addi %add3A_166, %get3A_170 : vector<16xi32>
    %get3A_172 = arith.constant 9 : i32
    %get3A_173 = arith.index_cast %get3A_172 : i32 to index
    %get3A_174 = arith.constant 16 : index
    %get3A_175 = tpu.vector_load %arg12[%get3A_173, %get3A_174] {strides = array<i32>} : memref<16x512xi32, #tpu.memory_space<vmem>>, vector<16xi32>,
    %add3A_176 = arith.addi %add3A_171, %get3A_175 : vector<16xi32>
    %get3A_177 = arith.constant 10 : i32
    %get3A_178 = arith.index_cast %get3A_177 : i32 to index
    %get3A_179 = arith.constant 16 : index
    %get3A_180 = tpu.vector_load %arg12[%get3A_178, %get3A_179] {strides = array<i32>} : memref<16x512xi32, #tpu.memory_space<vmem>>, vector<16xi32>,
    %add3A_181 = arith.addi %add3A_176, %get3A_180 : vector<16xi32>
    %get3A_182 = arith.constant 11 : i32
    %get3A_183 = arith.index_cast %get3A_182 : i32 to index
    %get3A_184 = arith.constant 16 : index
    %get3A_185 = tpu.vector_load %arg12[%get3A_183, %get3A_184] {strides = array<i32>} : memref<16x512xi32, #tpu.memory_space<vmem>>, vector<16xi32>,
    %add3A_186 = arith.addi %add3A_181, %get3A_185 : vector<16xi32>
    %get3A_187 = arith.constant 12 : i32
    %get3A_188 = arith.index_cast %get3A_187 : i32 to index
    %get3A_189 = arith.constant 16 : index
    %get3A_190 = tpu.vector_load %arg12[%get3A_188, %get3A_189] {strides = array<i32>} : memref<16x512xi32, #tpu.memory_space<vmem>>, vector<16xi32>,
    %add3A_191 = arith.addi %add3A_186, %get3A_190 : vector<16xi32>
    %get3A_192 = arith.constant 13 : i32
    %get3A_193 = arith.index_cast %get3A_192 : i32 to index
    %get3A_194 = arith.constant 16 : index
    %get3A_195 = tpu.vector_load %arg12[%get3A_193, %get3A_194] {strides = array<i32>} : memref<16x512xi32, #tpu.memory_space<vmem>>, vector<16xi32>,
    %add3A_196 = arith.addi %add3A_191, %get3A_195 : vector<16xi32>
    %get3A_197 = arith.constant 14 : i32
    %get3A_198 = arith.index_cast %get3A_197 : i32 to index
    %get3A_199 = arith.constant 16 : index
    %get3A_200 = tpu.vector_load %arg12[%get3A_198, %get3A_199] {strides = array<i32>} : memref<16x512xi32, #tpu.memory_space<vmem>>, vector<16xi32>,
    %add3A_201 = arith.addi %add3A_196, %get3A_200 : vector<16xi32>
    %get3A_202 = arith.constant 15 : i32
    %get3A_203 = arith.index_cast %get3A_202 : i32 to index
    %get3A_204 = arith.constant 16 : index
    %get3A_205 = tpu.vector_load %arg12[%get3A_203, %get3A_204] {strides = array<i32>} : memref<16x512xi32, #tpu.memory_space<vmem>>, vector<16xi32>,
    %add3A_206 = arith.addi %add3A_201, %get3A_205 : vector<16xi32>
    %swap3A_207 = arith.constant 0 : i32
    %swap3A_208 = arith.index_cast %swap3A_207 : i32 to index
    %swap3A_209 = arith.constant 16 : index
    %swap3A_210 = tpu.vector_load %arg11[%swap3A_208, %swap3A_209] {strides = array<i32>} : memref<4x128xi32, #tpu.memory_space<vmem>>, vector<16xi32>,
    tpu.vector_store %arg11[%swap3A_208, %swap3A_209], %add3A_206 {strides = array<i32>} : memref<4x128xi32, #tpu.memory_space<vmem>>, vector<16xi32>,
    %get3A_211 = arith.constant 0 : i32
    %get3A_212 = arith.index_cast %get3A_211 : i32 to index
    %get3A_213 = arith.constant 32 : index
    %get3A_214 = tpu.vector_load %arg12[%get3A_212, %get3A_213] {strides = array<i32>} : memref<16x512xi32, #tpu.memory_space<vmem>>, vector<16xi32>,
    %get3A_215 = arith.constant 1 : i32
    %get3A_216 = arith.index_cast %get3A_215 : i32 to index
    %get3A_217 = arith.constant 32 : index
    %get3A_218 = tpu.vector_load %arg12[%get3A_216, %get3A_217] {strides = array<i32>} : memref<16x512xi32, #tpu.memory_space<vmem>>, vector<16xi32>,
    %add3A_219 = arith.addi %get3A_214, %get3A_218 : vector<16xi32>
    %get3A_220 = arith.constant 2 : i32
    %get3A_221 = arith.index_cast %get3A_220 : i32 to index
    %get3A_222 = arith.constant 32 : index
    %get3A_223 = tpu.vector_load %arg12[%get3A_221, %get3A_222] {strides = array<i32>} : memref<16x512xi32, #tpu.memory_space<vmem>>, vector<16xi32>,
    %add3A_224 = arith.addi %add3A_219, %get3A_223 : vector<16xi32>
    %get3A_225 = arith.constant 3 : i32
    %get3A_226 = arith.index_cast %get3A_225 : i32 to index
    %get3A_227 = arith.constant 32 : index
    %get3A_228 = tpu.vector_load %arg12[%get3A_226, %get3A_227] {strides = array<i32>} : memref<16x512xi32, #tpu.memory_space<vmem>>, vector<16xi32>,
    %add3A_229 = arith.addi %add3A_224, %get3A_228 : vector<16xi32>
    %get3A_230 = arith.constant 4 : i32
    %get3A_231 = arith.index_cast %get3A_230 : i32 to index
    %get3A_232 = arith.constant 32 : index
    %get3A_233 = tpu.vector_load %arg12[%get3A_231, %get3A_232] {strides = array<i32>} : memref<16x512xi32, #tpu.memory_space<vmem>>, vector<16xi32>,
    %add3A_234 = arith.addi %add3A_229, %get3A_233 : vector<16xi32>
    %get3A_235 = arith.constant 5 : i32
    %get3A_236 = arith.index_cast %get3A_235 : i32 to index
    %get3A_237 = arith.constant 32 : index
    %get3A_238 = tpu.vector_load %arg12[%get3A_236, %get3A_237] {strides = array<i32>} : memref<16x512xi32, #tpu.memory_space<vmem>>, vector<16xi32>,
    %add3A_239 = arith.addi %add3A_234, %get3A_238 : vector<16xi32>
    %get3A_240 = arith.constant 6 : i32
    %get3A_241 = arith.index_cast %get3A_240 : i32 to index
    %get3A_242 = arith.constant 32 : index
    %get3A_243 = tpu.vector_load %arg12[%get3A_241, %get3A_242] {strides = array<i32>} : memref<16x512xi32, #tpu.memory_space<vmem>>, vector<16xi32>,
    %add3A_244 = arith.addi %add3A_239, %get3A_243 : vector<16xi32>
    %get3A_245 = arith.constant 7 : i32
    %get3A_246 = arith.index_cast %get3A_245 : i32 to index
    %get3A_247 = arith.constant 32 : index
    %get3A_248 = tpu.vector_load %arg12[%get3A_246, %get3A_247] {strides = array<i32>} : memref<16x512xi32, #tpu.memory_space<vmem>>, vector<16xi32>,
    %add3A_249 = arith.addi %add3A_244, %get3A_248 : vector<16xi32>
    %get3A_250 = arith.constant 8 : i32
    %get3A_251 = arith.index_cast %get3A_250 : i32 to index
    %get3A_252 = arith.constant 32 : index
    %get3A_253 = tpu.vector_load %arg12[%get3A_251, %get3A_252] {strides = array<i32>} : memref<16x512xi32, #tpu.memory_space<vmem>>, vector<16xi32>,
    %add3A_254 = arith.addi %add3A_249, %get3A_253 : vector<16xi32>
    %get3A_255 = arith.constant 9 : i32
    %get3A_256 = arith.index_cast %get3A_255 : i32 to index
    %get3A_257 = arith.constant 32 : index
    %get3A_258 = tpu.vector_load %arg12[%get3A_256, %get3A_257] {strides = array<i32>} : memref<16x512xi32, #tpu.memory_space<vmem>>, vector<16xi32>,
    %add3A_259 = arith.addi %add3A_254, %get3A_258 : vector<16xi32>
    %get3A_260 = arith.constant 10 : i32
    %get3A_261 = arith.index_cast %get3A_260 : i32 to index
    %get3A_262 = arith.constant 32 : index
    %get3A_263 = tpu.vector_load %arg12[%get3A_261, %get3A_262] {strides = array<i32>} : memref<16x512xi32, #tpu.memory_space<vmem>>, vector<16xi32>,
    %add3A_264 = arith.addi %add3A_259, %get3A_263 : vector<16xi32>
    %get3A_265 = arith.constant 11 : i32
    %get3A_266 = arith.index_cast %get3A_265 : i32 to index
    %get3A_267 = arith.constant 32 : index
    %get3A_268 = tpu.vector_load %arg12[%get3A_266, %get3A_267] {strides = array<i32>} : memref<16x512xi32, #tpu.memory_space<vmem>>, vector<16xi32>,
    %add3A_269 = arith.addi %add3A_264, %get3A_268 : vector<16xi32>
    %get3A_270 = arith.constant 12 : i32
    %get3A_271 = arith.index_cast %get3A_270 : i32 to index
    %get3A_272 = arith.constant 32 : index
    %get3A_273 = tpu.vector_load %arg12[%get3A_271, %get3A_272] {strides = array<i32>} : memref<16x512xi32, #tpu.memory_space<vmem>>, vector<16xi32>,
    %add3A_274 = arith.addi %add3A_269, %get3A_273 : vector<16xi32>
    %get3A_275 = arith.constant 13 : i32
    %get3A_276 = arith.index_cast %get3A_275 : i32 to index
    %get3A_277 = arith.constant 32 : index
    %get3A_278 = tpu.vector_load %arg12[%get3A_276, %get3A_277] {strides = array<i32>} : memref<16x512xi32, #tpu.memory_space<vmem>>, vector<16xi32>,
    %add3A_279 = arith.addi %add3A_274, %get3A_278 : vector<16xi32>
    %get3A_280 = arith.constant 14 : i32
    %get3A_281 = arith.index_cast %get3A_280 : i32 to index
    %get3A_282 = arith.constant 32 : index
    %get3A_283 = tpu.vector_load %arg12[%get3A_281, %get3A_282] {strides = array<i32>} : memref<16x512xi32, #tpu.memory_space<vmem>>, vector<16xi32>,
    %add3A_284 = arith.addi %add3A_279, %get3A_283 : vector<16xi32>
    %get3A_285 = arith.constant 15 : i32
    %get3A_286 = arith.index_cast %get3A_285 : i32 to index
    %get3A_287 = arith.constant 32 : index
    %get3A_288 = tpu.vector_load %arg12[%get3A_286, %get3A_287] {strides = array<i32>} : memref<16x512xi32, #tpu.memory_space<vmem>>, vector<16xi32>,
    %add3A_289 = arith.addi %add3A_284, %get3A_288 : vector<16xi32>
    %swap3A_290 = arith.constant 0 : i32
    %swap3A_291 = arith.index_cast %swap3A_290 : i32 to index
    %swap3A_292 = arith.constant 32 : index
    %swap3A_293 = tpu.vector_load %arg11[%swap3A_291, %swap3A_292] {strides = array<i32>} : memref<4x128xi32, #tpu.memory_space<vmem>>, vector<16xi32>,
    tpu.vector_store %arg11[%swap3A_291, %swap3A_292], %add3A_289 {strides = array<i32>} : memref<4x128xi32, #tpu.memory_space<vmem>>, vector<16xi32>,
    %get3A_294 = arith.constant 0 : i32
    %get3A_295 = arith.index_cast %get3A_294 : i32 to index
    %get3A_296 = arith.constant 48 : index
    %get3A_297 = tpu.vector_load %arg12[%get3A_295, %get3A_296] {strides = array<i32>} : memref<16x512xi32, #tpu.memory_space<vmem>>, vector<16xi32>,
    %get3A_298 = arith.constant 1 : i32
    %get3A_299 = arith.index_cast %get3A_298 : i32 to index
    %get3A_300 = arith.constant 48 : index
    %get3A_301 = tpu.vector_load %arg12[%get3A_299, %get3A_300] {strides = array<i32>} : memref<16x512xi32, #tpu.memory_space<vmem>>, vector<16xi32>,
    %add3A_302 = arith.addi %get3A_297, %get3A_301 : vector<16xi32>
    %get3A_303 = arith.constant 2 : i32
    %get3A_304 = arith.index_cast %get3A_303 : i32 to index
    %get3A_305 = arith.constant 48 : index
    %get3A_306 = tpu.vector_load %arg12[%get3A_304, %get3A_305] {strides = array<i32>} : memref<16x512xi32, #tpu.memory_space<vmem>>, vector<16xi32>,
    %add3A_307 = arith.addi %add3A_302, %get3A_306 : vector<16xi32>
    %get3A_308 = arith.constant 3 : i32
    %get3A_309 = arith.index_cast %get3A_308 : i32 to index
    %get3A_310 = arith.constant 48 : index
    %get3A_311 = tpu.vector_load %arg12[%get3A_309, %get3A_310] {strides = array<i32>} : memref<16x512xi32, #tpu.memory_space<vmem>>, vector<16xi32>,
    %add3A_312 = arith.addi %add3A_307, %get3A_311 : vector<16xi32>
    %get3A_313 = arith.constant 4 : i32
    %get3A_314 = arith.index_cast %get3A_313 : i32 to index
    %get3A_315 = arith.constant 48 : index
    %get3A_316 = tpu.vector_load %arg12[%get3A_314, %get3A_315] {strides = array<i32>} : memref<16x512xi32, #tpu.memory_space<vmem>>, vector<16xi32>,
    %add3A_317 = arith.addi %add3A_312, %get3A_316 : vector<16xi32>
    %get3A_318 = arith.constant 5 : i32
    %get3A_319 = arith.index_cast %get3A_318 : i32 to index
    %get3A_320 = arith.constant 48 : index
    %get3A_321 = tpu.vector_load %arg12[%get3A_319, %get3A_320] {strides = array<i32>} : memref<16x512xi32, #tpu.memory_space<vmem>>, vector<16xi32>,
    %add3A_322 = arith.addi %add3A_317, %get3A_321 : vector<16xi32>
    %get3A_323 = arith.constant 6 : i32
    %get3A_324 = arith.index_cast %get3A_323 : i32 to index
    %get3A_325 = arith.constant 48 : index
    %get3A_326 = tpu.vector_load %arg12[%get3A_324, %get3A_325] {strides = array<i32>} : memref<16x512xi32, #tpu.memory_space<vmem>>, vector<16xi32>,
    %add3A_327 = arith.addi %add3A_322, %get3A_326 : vector<16xi32>
    %get3A_328 = arith.constant 7 : i32
    %get3A_329 = arith.index_cast %get3A_328 : i32 to index
    %get3A_330 = arith.constant 48 : index
    %get3A_331 = tpu.vector_load %arg12[%get3A_329, %get3A_330] {strides = array<i32>} : memref<16x512xi32, #tpu.memory_space<vmem>>, vector<16xi32>,
    %add3A_332 = arith.addi %add3A_327, %get3A_331 : vector<16xi32>
    %get3A_333 = arith.constant 8 : i32
    %get3A_334 = arith.index_cast %get3A_333 : i32 to index
    %get3A_335 = arith.constant 48 : index
    %get3A_336 = tpu.vector_load %arg12[%get3A_334, %get3A_335] {strides = array<i32>} : memref<16x512xi32, #tpu.memory_space<vmem>>, vector<16xi32>,
    %add3A_337 = arith.addi %add3A_332, %get3A_336 : vector<16xi32>
    %get3A_338 = arith.constant 9 : i32
    %get3A_339 = arith.index_cast %get3A_338 : i32 to index
    %get3A_340 = arith.constant 48 : index
    %get3A_341 = tpu.vector_load %arg12[%get3A_339, %get3A_340] {strides = array<i32>} : memref<16x512xi32, #tpu.memory_space<vmem>>, vector<16xi32>,
    %add3A_342 = arith.addi %add3A_337, %get3A_341 : vector<16xi32>
    %get3A_343 = arith.constant 10 : i32
    %get3A_344 = arith.index_cast %get3A_343 : i32 to index
    %get3A_345 = arith.constant 48 : index
    %get3A_346 = tpu.vector_load %arg12[%get3A_344, %get3A_345] {strides = array<i32>} : memref<16x512xi32, #tpu.memory_space<vmem>>, vector<16xi32>,
    %add3A_347 = arith.addi %add3A_342, %get3A_346 : vector<16xi32>
    %get3A_348 = arith.constant 11 : i32
    %get3A_349 = arith.index_cast %get3A_348 : i32 to index
    %get3A_350 = arith.constant 48 : index
    %get3A_351 = tpu.vector_load %arg12[%get3A_349, %get3A_350] {strides = array<i32>} : memref<16x512xi32, #tpu.memory_space<vmem>>, vector<16xi32>,
    %add3A_352 = arith.addi %add3A_347, %get3A_351 : vector<16xi32>
    %get3A_353 = arith.constant 12 : i32
    %get3A_354 = arith.index_cast %get3A_353 : i32 to index
    %get3A_355 = arith.constant 48 : index
    %get3A_356 = tpu.vector_load %arg12[%get3A_354, %get3A_355] {strides = array<i32>} : memref<16x512xi32, #tpu.memory_space<vmem>>, vector<16xi32>,
    %add3A_357 = arith.addi %add3A_352, %get3A_356 : vector<16xi32>
    %get3A_358 = arith.constant 13 : i32
    %get3A_359 = arith.index_cast %get3A_358 : i32 to index
    %get3A_360 = arith.constant 48 : index
    %get3A_361 = tpu.vector_load %arg12[%get3A_359, %get3A_360] {strides = array<i32>} : memref<16x512xi32, #tpu.memory_space<vmem>>, vector<16xi32>,
    %add3A_362 = arith.addi %add3A_357, %get3A_361 : vector<16xi32>
    %get3A_363 = arith.constant 14 : i32
    %get3A_364 = arith.index_cast %get3A_363 : i32 to index
    %get3A_365 = arith.constant 48 : index
    %get3A_366 = tpu.vector_load %arg12[%get3A_364, %get3A_365] {strides = array<i32>} : memref<16x512xi32, #tpu.memory_space<vmem>>, vector<16xi32>,
    %add3A_367 = arith.addi %add3A_362, %get3A_366 : vector<16xi32>
    %get3A_368 = arith.constant 15 : i32
    %get3A_369 = arith.index_cast %get3A_368 : i32 to index
    %get3A_370 = arith.constant 48 : index
    %get3A_371 = tpu.vector_load %arg12[%get3A_369, %get3A_370] {strides = array<i32>} : memref<16x512xi32, #tpu.memory_space<vmem>>, vector<16xi32>,
    %add3A_372 = arith.addi %add3A_367, %get3A_371 : vector<16xi32>
    %swap3A_373 = arith.constant 0 : i32
    %swap3A_374 = arith.index_cast %swap3A_373 : i32 to index
    %swap3A_375 = arith.constant 48 : index
    %swap3A_376 = tpu.vector_load %arg11[%swap3A_374, %swap3A_375] {strides = array<i32>} : memref<4x128xi32, #tpu.memory_space<vmem>>, vector<16xi32>,
    tpu.vector_store %arg11[%swap3A_374, %swap3A_375], %add3A_372 {strides = array<i32>} : memref<4x128xi32, #tpu.memory_space<vmem>>, vector<16xi32>,
    %get3A_377 = arith.constant 0 : i32
    %get3A_378 = arith.index_cast %get3A_377 : i32 to index
    %get3A_379 = arith.constant 64 : index
    %get3A_380 = tpu.vector_load %arg12[%get3A_378, %get3A_379] {strides = array<i32>} : memref<16x512xi32, #tpu.memory_space<vmem>>, vector<16xi32>,
    %get3A_381 = arith.constant 1 : i32
    %get3A_382 = arith.index_cast %get3A_381 : i32 to index
    %get3A_383 = arith.constant 64 : index
    %get3A_384 = tpu.vector_load %arg12[%get3A_382, %get3A_383] {strides = array<i32>} : memref<16x512xi32, #tpu.memory_space<vmem>>, vector<16xi32>,
    %add3A_385 = arith.addi %get3A_380, %get3A_384 : vector<16xi32>
    %get3A_386 = arith.constant 2 : i32
    %get3A_387 = arith.index_cast %get3A_386 : i32 to index
    %get3A_388 = arith.constant 64 : index
    %get3A_389 = tpu.vector_load %arg12[%get3A_387, %get3A_388] {strides = array<i32>} : memref<16x512xi32, #tpu.memory_space<vmem>>, vector<16xi32>,
    %add3A_390 = arith.addi %add3A_385, %get3A_389 : vector<16xi32>
    %get3A_391 = arith.constant 3 : i32
    %get3A_392 = arith.index_cast %get3A_391 : i32 to index
    %get3A_393 = arith.constant 64 : index
    %get3A_394 = tpu.vector_load %arg12[%get3A_392, %get3A_393] {strides = array<i32>} : memref<16x512xi32, #tpu.memory_space<vmem>>, vector<16xi32>,
    %add3A_395 = arith.addi %add3A_390, %get3A_394 : vector<16xi32>
    %get3A_396 = arith.constant 4 : i32
    %get3A_397 = arith.index_cast %get3A_396 : i32 to index
    %get3A_398 = arith.constant 64 : index
    %get3A_399 = tpu.vector_load %arg12[%get3A_397, %get3A_398] {strides = array<i32>} : memref<16x512xi32, #tpu.memory_space<vmem>>, vector<16xi32>,
    %add3A_400 = arith.addi %add3A_395, %get3A_399 : vector<16xi32>
    %get3A_401 = arith.constant 5 : i32
    %get3A_402 = arith.index_cast %get3A_401 : i32 to index
    %get3A_403 = arith.constant 64 : index
    %get3A_404 = tpu.vector_load %arg12[%get3A_402, %get3A_403] {strides = array<i32>} : memref<16x512xi32, #tpu.memory_space<vmem>>, vector<16xi32>,
    %add3A_405 = arith.addi %add3A_400, %get3A_404 : vector<16xi32>
    %get3A_406 = arith.constant 6 : i32
    %get3A_407 = arith.index_cast %get3A_406 : i32 to index
    %get3A_408 = arith.constant 64 : index
    %get3A_409 = tpu.vector_load %arg12[%get3A_407, %get3A_408] {strides = array<i32>} : memref<16x512xi32, #tpu.memory_space<vmem>>, vector<16xi32>,
    %add3A_410 = arith.addi %add3A_405, %get3A_409 : vector<16xi32>
    %get3A_411 = arith.constant 7 : i32
    %get3A_412 = arith.index_cast %get3A_411 : i32 to index
    %get3A_413 = arith.constant 64 : index
    %get3A_414 = tpu.vector_load %arg12[%get3A_412, %get3A_413] {strides = array<i32>} : memref<16x512xi32, #tpu.memory_space<vmem>>, vector<16xi32>,
    %add3A_415 = arith.addi %add3A_410, %get3A_414 : vector<16xi32>
    %get3A_416 = arith.constant 8 : i32
    %get3A_417 = arith.index_cast %get3A_416 : i32 to index
    %get3A_418 = arith.constant 64 : index
    %get3A_419 = tpu.vector_load %arg12[%get3A_417, %get3A_418] {strides = array<i32>} : memref<16x512xi32, #tpu.memory_space<vmem>>, vector<16xi32>,
    %add3A_420 = arith.addi %add3A_415, %get3A_419 : vector<16xi32>
    %get3A_421 = arith.constant 9 : i32
    %get3A_422 = arith.index_cast %get3A_421 : i32 to index
    %get3A_423 = arith.constant 64 : index
    %get3A_424 = tpu.vector_load %arg12[%get3A_422, %get3A_423] {strides = array<i32>} : memref<16x512xi32, #tpu.memory_space<vmem>>, vector<16xi32>,
    %add3A_425 = arith.addi %add3A_420, %get3A_424 : vector<16xi32>
    %get3A_426 = arith.constant 10 : i32
    %get3A_427 = arith.index_cast %get3A_426 : i32 to index
    %get3A_428 = arith.constant 64 : index
    %get3A_429 = tpu.vector_load %arg12[%get3A_427, %get3A_428] {strides = array<i32>} : memref<16x512xi32, #tpu.memory_space<vmem>>, vector<16xi32>,
    %add3A_430 = arith.addi %add3A_425, %get3A_429 : vector<16xi32>
    %get3A_431 = arith.constant 11 : i32
    %get3A_432 = arith.index_cast %get3A_431 : i32 to index
    %get3A_433 = arith.constant 64 : index
    %get3A_434 = tpu.vector_load %arg12[%get3A_432, %get3A_433] {strides = array<i32>} : memref<16x512xi32, #tpu.memory_space<vmem>>, vector<16xi32>,
    %add3A_435 = arith.addi %add3A_430, %get3A_434 : vector<16xi32>
    %get3A_436 = arith.constant 12 : i32
    %get3A_437 = arith.index_cast %get3A_436 : i32 to index
    %get3A_438 = arith.constant 64 : index
    %get3A_439 = tpu.vector_load %arg12[%get3A_437, %get3A_438] {strides = array<i32>} : memref<16x512xi32, #tpu.memory_space<vmem>>, vector<16xi32>,
    %add3A_440 = arith.addi %add3A_435, %get3A_439 : vector<16xi32>
    %get3A_441 = arith.constant 13 : i32
    %get3A_442 = arith.index_cast %get3A_441 : i32 to index
    %get3A_443 = arith.constant 64 : index
    %get3A_444 = tpu.vector_load %arg12[%get3A_442, %get3A_443] {strides = array<i32>} : memref<16x512xi32, #tpu.memory_space<vmem>>, vector<16xi32>,
    %add3A_445 = arith.addi %add3A_440, %get3A_444 : vector<16xi32>
    %get3A_446 = arith.constant 14 : i32
    %get3A_447 = arith.index_cast %get3A_446 : i32 to index
    %get3A_448 = arith.constant 64 : index
    %get3A_449 = tpu.vector_load %arg12[%get3A_447, %get3A_448] {strides = array<i32>} : memref<16x512xi32, #tpu.memory_space<vmem>>, vector<16xi32>,
    %add3A_450 = arith.addi %add3A_445, %get3A_449 : vector<16xi32>
    %get3A_451 = arith.constant 15 : i32
    %get3A_452 = arith.index_cast %get3A_451 : i32 to index
    %get3A_453 = arith.constant 64 : index
    %get3A_454 = tpu.vector_load %arg12[%get3A_452, %get3A_453] {strides = array<i32>} : memref<16x512xi32, #tpu.memory_space<vmem>>, vector<16xi32>,
    %add3A_455 = arith.addi %add3A_450, %get3A_454 : vector<16xi32>
    %swap3A_456 = arith.constant 0 : i32
    %swap3A_457 = arith.index_cast %swap3A_456 : i32 to index
    %swap3A_458 = arith.constant 64 : index
    %swap3A_459 = tpu.vector_load %arg11[%swap3A_457, %swap3A_458] {strides = array<i32>} : memref<4x128xi32, #tpu.memory_space<vmem>>, vector<16xi32>,
    tpu.vector_store %arg11[%swap3A_457, %swap3A_458], %add3A_455 {strides = array<i32>} : memref<4x128xi32, #tpu.memory_space<vmem>>, vector<16xi32>,
    %get3A_460 = arith.constant 0 : i32
    %get3A_461 = arith.index_cast %get3A_460 : i32 to index
    %get3A_462 = arith.constant 80 : index
    %get3A_463 = tpu.vector_load %arg12[%get3A_461, %get3A_462] {strides = array<i32>} : memref<16x512xi32, #tpu.memory_space<vmem>>, vector<16xi32>,
    %get3A_464 = arith.constant 1 : i32
    %get3A_465 = arith.index_cast %get3A_464 : i32 to index
    %get3A_466 = arith.constant 80 : index
    %get3A_467 = tpu.vector_load %arg12[%get3A_465, %get3A_466] {strides = array<i32>} : memref<16x512xi32, #tpu.memory_space<vmem>>, vector<16xi32>,
    %add3A_468 = arith.addi %get3A_463, %get3A_467 : vector<16xi32>
    %get3A_469 = arith.constant 2 : i32
    %get3A_470 = arith.index_cast %get3A_469 : i32 to index
    %get3A_471 = arith.constant 80 : index
    %get3A_472 = tpu.vector_load %arg12[%get3A_470, %get3A_471] {strides = array<i32>} : memref<16x512xi32, #tpu.memory_space<vmem>>, vector<16xi32>,
    %add3A_473 = arith.addi %add3A_468, %get3A_472 : vector<16xi32>
    %get3A_474 = arith.constant 3 : i32
    %get3A_475 = arith.index_cast %get3A_474 : i32 to index
    %get3A_476 = arith.constant 80 : index
    %get3A_477 = tpu.vector_load %arg12[%get3A_475, %get3A_476] {strides = array<i32>} : memref<16x512xi32, #tpu.memory_space<vmem>>, vector<16xi32>,
    %add3A_478 = arith.addi %add3A_473, %get3A_477 : vector<16xi32>
    %get3A_479 = arith.constant 4 : i32
    %get3A_480 = arith.index_cast %get3A_479 : i32 to index
    %get3A_481 = arith.constant 80 : index
    %get3A_482 = tpu.vector_load %arg12[%get3A_480, %get3A_481] {strides = array<i32>} : memref<16x512xi32, #tpu.memory_space<vmem>>, vector<16xi32>,
    %add3A_483 = arith.addi %add3A_478, %get3A_482 : vector<16xi32>
    %get3A_484 = arith.constant 5 : i32
    %get3A_485 = arith.index_cast %get3A_484 : i32 to index
    %get3A_486 = arith.constant 80 : index
    %get3A_487 = tpu.vector_load %arg12[%get3A_485, %get3A_486] {strides = array<i32>} : memref<16x512xi32, #tpu.memory_space<vmem>>, vector<16xi32>,
    %add3A_488 = arith.addi %add3A_483, %get3A_487 : vector<16xi32>
    %get3A_489 = arith.constant 6 : i32
    %get3A_490 = arith.index_cast %get3A_489 : i32 to index
    %get3A_491 = arith.constant 80 : index
    %get3A_492 = tpu.vector_load %arg12[%get3A_490, %get3A_491] {strides = array<i32>} : memref<16x512xi32, #tpu.memory_space<vmem>>, vector<16xi32>,
    %add3A_493 = arith.addi %add3A_488, %get3A_492 : vector<16xi32>
    %get3A_494 = arith.constant 7 : i32
    %get3A_495 = arith.index_cast %get3A_494 : i32 to index
    %get3A_496 = arith.constant 80 : index
    %get3A_497 = tpu.vector_load %arg12[%get3A_495, %get3A_496] {strides = array<i32>} : memref<16x512xi32, #tpu.memory_space<vmem>>, vector<16xi32>,
    %add3A_498 = arith.addi %add3A_493, %get3A_497 : vector<16xi32>
    %get3A_499 = arith.constant 8 : i32
    %get3A_500 = arith.index_cast %get3A_499 : i32 to index
    %get3A_501 = arith.constant 80 : index
    %get3A_502 = tpu.vector_load %arg12[%get3A_500, %get3A_501] {strides = array<i32>} : memref<16x512xi32, #tpu.memory_space<vmem>>, vector<16xi32>,
    %add3A_503 = arith.addi %add3A_498, %get3A_502 : vector<16xi32>
    %get3A_504 = arith.constant 9 : i32
    %get3A_505 = arith.index_cast %get3A_504 : i32 to index
    %get3A_506 = arith.constant 80 : index
    %get3A_507 = tpu.vector_load %arg12[%get3A_505, %get3A_506] {strides = array<i32>} : memref<16x512xi32, #tpu.memory_space<vmem>>, vector<16xi32>,
    %add3A_508 = arith.addi %add3A_503, %get3A_507 : vector<16xi32>
    %get3A_509 = arith.constant 10 : i32
    %get3A_510 = arith.index_cast %get3A_509 : i32 to index
    %get3A_511 = arith.constant 80 : index
    %get3A_512 = tpu.vector_load %arg12[%get3A_510, %get3A_511] {strides = array<i32>} : memref<16x512xi32, #tpu.memory_space<vmem>>, vector<16xi32>,
    %add3A_513 = arith.addi %add3A_508, %get3A_512 : vector<16xi32>
    %get3A_514 = arith.constant 11 : i32
    %get3A_515 = arith.index_cast %get3A_514 : i32 to index
    %get3A_516 = arith.constant 80 : index
    %get3A_517 = tpu.vector_load %arg12[%get3A_515, %get3A_516] {strides = array<i32>} : memref<16x512xi32, #tpu.memory_space<vmem>>, vector<16xi32>,
    %add3A_518 = arith.addi %add3A_513, %get3A_517 : vector<16xi32>
    %get3A_519 = arith.constant 12 : i32
    %get3A_520 = arith.index_cast %get3A_519 : i32 to index
    %get3A_521 = arith.constant 80 : index
    %get3A_522 = tpu.vector_load %arg12[%get3A_520, %get3A_521] {strides = array<i32>} : memref<16x512xi32, #tpu.memory_space<vmem>>, vector<16xi32>,
    %add3A_523 = arith.addi %add3A_518, %get3A_522 : vector<16xi32>
    %get3A_524 = arith.constant 13 : i32
    %get3A_525 = arith.index_cast %get3A_524 : i32 to index
    %get3A_526 = arith.constant 80 : index
    %get3A_527 = tpu.vector_load %arg12[%get3A_525, %get3A_526] {strides = array<i32>} : memref<16x512xi32, #tpu.memory_space<vmem>>, vector<16xi32>,
    %add3A_528 = arith.addi %add3A_523, %get3A_527 : vector<16xi32>
    %get3A_529 = arith.constant 14 : i32
    %get3A_530 = arith.index_cast %get3A_529 : i32 to index
    %get3A_531 = arith.constant 80 : index
    %get3A_532 = tpu.vector_load %arg12[%get3A_530, %get3A_531] {strides = array<i32>} : memref<16x512xi32, #tpu.memory_space<vmem>>, vector<16xi32>,
    %add3A_533 = arith.addi %add3A_528, %get3A_532 : vector<16xi32>
    %get3A_534 = arith.constant 15 : i32
    %get3A_535 = arith.index_cast %get3A_534 : i32 to index
    %get3A_536 = arith.constant 80 : index
    %get3A_537 = tpu.vector_load %arg12[%get3A_535, %get3A_536] {strides = array<i32>} : memref<16x512xi32, #tpu.memory_space<vmem>>, vector<16xi32>,
    %add3A_538 = arith.addi %add3A_533, %get3A_537 : vector<16xi32>
    %swap3A_539 = arith.constant 0 : i32
    %swap3A_540 = arith.index_cast %swap3A_539 : i32 to index
    %swap3A_541 = arith.constant 80 : index
    %swap3A_542 = tpu.vector_load %arg11[%swap3A_540, %swap3A_541] {strides = array<i32>} : memref<4x128xi32, #tpu.memory_space<vmem>>, vector<16xi32>,
    tpu.vector_store %arg11[%swap3A_540, %swap3A_541], %add3A_538 {strides = array<i32>} : memref<4x128xi32, #tpu.memory_space<vmem>>, vector<16xi32>,
    %get3A_543 = arith.constant 0 : i32
    %get3A_544 = arith.index_cast %get3A_543 : i32 to index
    %get3A_545 = arith.constant 96 : index
    %get3A_546 = tpu.vector_load %arg12[%get3A_544, %get3A_545] {strides = array<i32>} : memref<16x512xi32, #tpu.memory_space<vmem>>, vector<16xi32>,
    %get3A_547 = arith.constant 1 : i32
    %get3A_548 = arith.index_cast %get3A_547 : i32 to index
    %get3A_549 = arith.constant 96 : index
    %get3A_550 = tpu.vector_load %arg12[%get3A_548, %get3A_549] {strides = array<i32>} : memref<16x512xi32, #tpu.memory_space<vmem>>, vector<16xi32>,
    %add3A_551 = arith.addi %get3A_546, %get3A_550 : vector<16xi32>
    %get3A_552 = arith.constant 2 : i32
    %get3A_553 = arith.index_cast %get3A_552 : i32 to index
    %get3A_554 = arith.constant 96 : index
    %get3A_555 = tpu.vector_load %arg12[%get3A_553, %get3A_554] {strides = array<i32>} : memref<16x512xi32, #tpu.memory_space<vmem>>, vector<16xi32>,
    %add3A_556 = arith.addi %add3A_551, %get3A_555 : vector<16xi32>
    %get3A_557 = arith.constant 3 : i32
    %get3A_558 = arith.index_cast %get3A_557 : i32 to index
    %get3A_559 = arith.constant 96 : index
    %get3A_560 = tpu.vector_load %arg12[%get3A_558, %get3A_559] {strides = array<i32>} : memref<16x512xi32, #tpu.memory_space<vmem>>, vector<16xi32>,
    %add3A_561 = arith.addi %add3A_556, %get3A_560 : vector<16xi32>
    %get3A_562 = arith.constant 4 : i32
    %get3A_563 = arith.index_cast %get3A_562 : i32 to index
    %get3A_564 = arith.constant 96 : index
    %get3A_565 = tpu.vector_load %arg12[%get3A_563, %get3A_564] {strides = array<i32>} : memref<16x512xi32, #tpu.memory_space<vmem>>, vector<16xi32>,
    %add3A_566 = arith.addi %add3A_561, %get3A_565 : vector<16xi32>
    %get3A_567 = arith.constant 5 : i32
    %get3A_568 = arith.index_cast %get3A_567 : i32 to index
    %get3A_569 = arith.constant 96 : index
    %get3A_570 = tpu.vector_load %arg12[%get3A_568, %get3A_569] {strides = array<i32>} : memref<16x512xi32, #tpu.memory_space<vmem>>, vector<16xi32>,
    %add3A_571 = arith.addi %add3A_566, %get3A_570 : vector<16xi32>
    %get3A_572 = arith.constant 6 : i32
    %get3A_573 = arith.index_cast %get3A_572 : i32 to index
    %get3A_574 = arith.constant 96 : index
    %get3A_575 = tpu.vector_load %arg12[%get3A_573, %get3A_574] {strides = array<i32>} : memref<16x512xi32, #tpu.memory_space<vmem>>, vector<16xi32>,
    %add3A_576 = arith.addi %add3A_571, %get3A_575 : vector<16xi32>
    %get3A_577 = arith.constant 7 : i32
    %get3A_578 = arith.index_cast %get3A_577 : i32 to index
    %get3A_579 = arith.constant 96 : index
    %get3A_580 = tpu.vector_load %arg12[%get3A_578, %get3A_579] {strides = array<i32>} : memref<16x512xi32, #tpu.memory_space<vmem>>, vector<16xi32>,
    %add3A_581 = arith.addi %add3A_576, %get3A_580 : vector<16xi32>
    %get3A_582 = arith.constant 8 : i32
    %get3A_583 = arith.index_cast %get3A_582 : i32 to index
    %get3A_584 = arith.constant 96 : index
    %get3A_585 = tpu.vector_load %arg12[%get3A_583, %get3A_584] {strides = array<i32>} : memref<16x512xi32, #tpu.memory_space<vmem>>, vector<16xi32>,
    %add3A_586 = arith.addi %add3A_581, %get3A_585 : vector<16xi32>
    %get3A_587 = arith.constant 9 : i32
    %get3A_588 = arith.index_cast %get3A_587 : i32 to index
    %get3A_589 = arith.constant 96 : index
    %get3A_590 = tpu.vector_load %arg12[%get3A_588, %get3A_589] {strides = array<i32>} : memref<16x512xi32, #tpu.memory_space<vmem>>, vector<16xi32>,
    %add3A_591 = arith.addi %add3A_586, %get3A_590 : vector<16xi32>
    %get3A_592 = arith.constant 10 : i32
    %get3A_593 = arith.index_cast %get3A_592 : i32 to index
    %get3A_594 = arith.constant 96 : index
    %get3A_595 = tpu.vector_load %arg12[%get3A_593, %get3A_594] {strides = array<i32>} : memref<16x512xi32, #tpu.memory_space<vmem>>, vector<16xi32>,
    %add3A_596 = arith.addi %add3A_591, %get3A_595 : vector<16xi32>
    %get3A_597 = arith.constant 11 : i32
    %get3A_598 = arith.index_cast %get3A_597 : i32 to index
    %get3A_599 = arith.constant 96 : index
    %get3A_600 = tpu.vector_load %arg12[%get3A_598, %get3A_599] {strides = array<i32>} : memref<16x512xi32, #tpu.memory_space<vmem>>, vector<16xi32>,
    %add3A_601 = arith.addi %add3A_596, %get3A_600 : vector<16xi32>
    %get3A_602 = arith.constant 12 : i32
    %get3A_603 = arith.index_cast %get3A_602 : i32 to index
    %get3A_604 = arith.constant 96 : index
    %get3A_605 = tpu.vector_load %arg12[%get3A_603, %get3A_604] {strides = array<i32>} : memref<16x512xi32, #tpu.memory_space<vmem>>, vector<16xi32>,
    %add3A_606 = arith.addi %add3A_601, %get3A_605 : vector<16xi32>
    %get3A_607 = arith.constant 13 : i32
    %get3A_608 = arith.index_cast %get3A_607 : i32 to index
    %get3A_609 = arith.constant 96 : index
    %get3A_610 = tpu.vector_load %arg12[%get3A_608, %get3A_609] {strides = array<i32>} : memref<16x512xi32, #tpu.memory_space<vmem>>, vector<16xi32>,
    %add3A_611 = arith.addi %add3A_606, %get3A_610 : vector<16xi32>
    %get3A_612 = arith.constant 14 : i32
    %get3A_613 = arith.index_cast %get3A_612 : i32 to index
    %get3A_614 = arith.constant 96 : index
    %get3A_615 = tpu.vector_load %arg12[%get3A_613, %get3A_614] {strides = array<i32>} : memref<16x512xi32, #tpu.memory_space<vmem>>, vector<16xi32>,
    %add3A_616 = arith.addi %add3A_611, %get3A_615 : vector<16xi32>
    %get3A_617 = arith.constant 15 : i32
    %get3A_618 = arith.index_cast %get3A_617 : i32 to index
    %get3A_619 = arith.constant 96 : index
    %get3A_620 = tpu.vector_load %arg12[%get3A_618, %get3A_619] {strides = array<i32>} : memref<16x512xi32, #tpu.memory_space<vmem>>, vector<16xi32>,
    %add3A_621 = arith.addi %add3A_616, %get3A_620 : vector<16xi32>
    %swap3A_622 = arith.constant 0 : i32
    %swap3A_623 = arith.index_cast %swap3A_622 : i32 to index
    %swap3A_624 = arith.constant 96 : index
    %swap3A_625 = tpu.vector_load %arg11[%swap3A_623, %swap3A_624] {strides = array<i32>} : memref<4x128xi32, #tpu.memory_space<vmem>>, vector<16xi32>,
    tpu.vector_store %arg11[%swap3A_623, %swap3A_624], %add3A_621 {strides = array<i32>} : memref<4x128xi32, #tpu.memory_space<vmem>>, vector<16xi32>,
    %get3A_626 = arith.constant 0 : i32
    %get3A_627 = arith.index_cast %get3A_626 : i32 to index
    %get3A_628 = arith.constant 112 : index
    %get3A_629 = tpu.vector_load %arg12[%get3A_627, %get3A_628] {strides = array<i32>} : memref<16x512xi32, #tpu.memory_space<vmem>>, vector<16xi32>,
    %get3A_630 = arith.constant 1 : i32
    %get3A_631 = arith.index_cast %get3A_630 : i32 to index
    %get3A_632 = arith.constant 112 : index
    %get3A_633 = tpu.vector_load %arg12[%get3A_631, %get3A_632] {strides = array<i32>} : memref<16x512xi32, #tpu.memory_space<vmem>>, vector<16xi32>,
    %add3A_634 = arith.addi %get3A_629, %get3A_633 : vector<16xi32>
    %get3A_635 = arith.constant 2 : i32
    %get3A_636 = arith.index_cast %get3A_635 : i32 to index
    %get3A_637 = arith.constant 112 : index
    %get3A_638 = tpu.vector_load %arg12[%get3A_636, %get3A_637] {strides = array<i32>} : memref<16x512xi32, #tpu.memory_space<vmem>>, vector<16xi32>,
    %add3A_639 = arith.addi %add3A_634, %get3A_638 : vector<16xi32>
    %get3A_640 = arith.constant 3 : i32
    %get3A_641 = arith.index_cast %get3A_640 : i32 to index
    %get3A_642 = arith.constant 112 : index
    %get3A_643 = tpu.vector_load %arg12[%get3A_641, %get3A_642] {strides = array<i32>} : memref<16x512xi32, #tpu.memory_space<vmem>>, vector<16xi32>,
    %add3A_644 = arith.addi %add3A_639, %get3A_643 : vector<16xi32>
    %get3A_645 = arith.constant 4 : i32
    %get3A_646 = arith.index_cast %get3A_645 : i32 to index
    %get3A_647 = arith.constant 112 : index
    %get3A_648 = tpu.vector_load %arg12[%get3A_646, %get3A_647] {strides = array<i32>} : memref<16x512xi32, #tpu.memory_space<vmem>>, vector<16xi32>,
    %add3A_649 = arith.addi %add3A_644, %get3A_648 : vector<16xi32>
    %get3A_650 = arith.constant 5 : i32
    %get3A_651 = arith.index_cast %get3A_650 : i32 to index
    %get3A_652 = arith.constant 112 : index
    %get3A_653 = tpu.vector_load %arg12[%get3A_651, %get3A_652] {strides = array<i32>} : memref<16x512xi32, #tpu.memory_space<vmem>>, vector<16xi32>,
    %add3A_654 = arith.addi %add3A_649, %get3A_653 : vector<16xi32>
    %get3A_655 = arith.constant 6 : i32
    %get3A_656 = arith.index_cast %get3A_655 : i32 to index
    %get3A_657 = arith.constant 112 : index
    %get3A_658 = tpu.vector_load %arg12[%get3A_656, %get3A_657] {strides = array<i32>} : memref<16x512xi32, #tpu.memory_space<vmem>>, vector<16xi32>,
    %add3A_659 = arith.addi %add3A_654, %get3A_658 : vector<16xi32>
    %get3A_660 = arith.constant 7 : i32
    %get3A_661 = arith.index_cast %get3A_660 : i32 to index
    %get3A_662 = arith.constant 112 : index
    %get3A_663 = tpu.vector_load %arg12[%get3A_661, %get3A_662] {strides = array<i32>} : memref<16x512xi32, #tpu.memory_space<vmem>>, vector<16xi32>,
    %add3A_664 = arith.addi %add3A_659, %get3A_663 : vector<16xi32>
    %get3A_665 = arith.constant 8 : i32
    %get3A_666 = arith.index_cast %get3A_665 : i32 to index
    %get3A_667 = arith.constant 112 : index
    %get3A_668 = tpu.vector_load %arg12[%get3A_666, %get3A_667] {strides = array<i32>} : memref<16x512xi32, #tpu.memory_space<vmem>>, vector<16xi32>,
    %add3A_669 = arith.addi %add3A_664, %get3A_668 : vector<16xi32>
    %get3A_670 = arith.constant 9 : i32
    %get3A_671 = arith.index_cast %get3A_670 : i32 to index
    %get3A_672 = arith.constant 112 : index
    %get3A_673 = tpu.vector_load %arg12[%get3A_671, %get3A_672] {strides = array<i32>} : memref<16x512xi32, #tpu.memory_space<vmem>>, vector<16xi32>,
    %add3A_674 = arith.addi %add3A_669, %get3A_673 : vector<16xi32>
    %get3A_675 = arith.constant 10 : i32
    %get3A_676 = arith.index_cast %get3A_675 : i32 to index
    %get3A_677 = arith.constant 112 : index
    %get3A_678 = tpu.vector_load %arg12[%get3A_676, %get3A_677] {strides = array<i32>} : memref<16x512xi32, #tpu.memory_space<vmem>>, vector<16xi32>,
    %add3A_679 = arith.addi %add3A_674, %get3A_678 : vector<16xi32>
    %get3A_680 = arith.constant 11 : i32
    %get3A_681 = arith.index_cast %get3A_680 : i32 to index
    %get3A_682 = arith.constant 112 : index
    %get3A_683 = tpu.vector_load %arg12[%get3A_681, %get3A_682] {strides = array<i32>} : memref<16x512xi32, #tpu.memory_space<vmem>>, vector<16xi32>,
    %add3A_684 = arith.addi %add3A_679, %get3A_683 : vector<16xi32>
    %get3A_685 = arith.constant 12 : i32
    %get3A_686 = arith.index_cast %get3A_685 : i32 to index
    %get3A_687 = arith.constant 112 : index
    %get3A_688 = tpu.vector_load %arg12[%get3A_686, %get3A_687] {strides = array<i32>} : memref<16x512xi32, #tpu.memory_space<vmem>>, vector<16xi32>,
    %add3A_689 = arith.addi %add3A_684, %get3A_688 : vector<16xi32>
    %get3A_690 = arith.constant 13 : i32
    %get3A_691 = arith.index_cast %get3A_690 : i32 to index
    %get3A_692 = arith.constant 112 : index
    %get3A_693 = tpu.vector_load %arg12[%get3A_691, %get3A_692] {strides = array<i32>} : memref<16x512xi32, #tpu.memory_space<vmem>>, vector<16xi32>,
    %add3A_694 = arith.addi %add3A_689, %get3A_693 : vector<16xi32>
    %get3A_695 = arith.constant 14 : i32
    %get3A_696 = arith.index_cast %get3A_695 : i32 to index
    %get3A_697 = arith.constant 112 : index
    %get3A_698 = tpu.vector_load %arg12[%get3A_696, %get3A_697] {strides = array<i32>} : memref<16x512xi32, #tpu.memory_space<vmem>>, vector<16xi32>,
    %add3A_699 = arith.addi %add3A_694, %get3A_698 : vector<16xi32>
    %get3A_700 = arith.constant 15 : i32
    %get3A_701 = arith.index_cast %get3A_700 : i32 to index
    %get3A_702 = arith.constant 112 : index
    %get3A_703 = tpu.vector_load %arg12[%get3A_701, %get3A_702] {strides = array<i32>} : memref<16x512xi32, #tpu.memory_space<vmem>>, vector<16xi32>,
    %add3A_704 = arith.addi %add3A_699, %get3A_703 : vector<16xi32>
    %swap3A_705 = arith.constant 0 : i32
    %swap3A_706 = arith.index_cast %swap3A_705 : i32 to index
    %swap3A_707 = arith.constant 112 : index
    %swap3A_708 = tpu.vector_load %arg11[%swap3A_706, %swap3A_707] {strides = array<i32>} : memref<4x128xi32, #tpu.memory_space<vmem>>, vector<16xi32>,
    tpu.vector_store %arg11[%swap3A_706, %swap3A_707], %add3A_704 {strides = array<i32>} : memref<4x128xi32, #tpu.memory_space<vmem>>, vector<16xi32>,
    %dma_start3A_709 = arith.constant 0 : i32
    %dma_start3A_710 = arith.constant 0 : i32
    %dma_start3A_711 = arith.constant 0 : i32
    %dma_start3A_712 = arith.constant 0 : i32
    %dma_start3A_713 = tpu.memref_slice %arg14[%dma_start3A_711, %dma_start3A_712] : memref<512x128xf32, #tpu.memory_space<vmem>> -> memref<128x128xf32, #tpu.memory_space<vmem>>
    %dma_start3A_714 = arith.constant 0 : i32
    %dma_start3A_715 = tpu.memref_slice %arg11[%dma_start3A_709, %dma_start3A_714] : memref<4x128xi32, #tpu.memory_space<vmem>> -> memref<1x128xi32, #tpu.memory_space<vmem>>
    %dma_start3A_716 = tpu.memref_squeeze %dma_start3A_715 : memref<1x128xi32, #tpu.memory_space<vmem>> -> memref<128xi32, #tpu.memory_space<vmem>>
    %dma_start3A_717 = arith.constant 0 : i32
    %dma_start3A_718 = arith.constant 0 : i32
    %dma_start3A_719 = tpu.memref_slice %arg2[%dma_start3A_717, %dma_start3A_718] : memref<16384x128xf32, #tpu.memory_space<hbm>> -> memref<16384x128xf32, #tpu.memory_space<hbm>>
    %dma_start3A_720 = tpu.memref_slice %arg18[%dma_start3A_710] : memref<4x!tpu.dma_semaphore, #tpu.memory_space<semaphore_mem>> -> memref<1x!tpu.dma_semaphore, #tpu.memory_space<semaphore_mem>>
    %dma_start3A_721 = tpu.memref_squeeze %dma_start3A_720 : memref<1x!tpu.dma_semaphore, #tpu.memory_space<semaphore_mem>> -> memref<!tpu.dma_semaphore, #tpu.memory_space<semaphore_mem>>
    tpu.enqueue_indirect_dma source(%dma_start3A_719 : memref<16384x128xf32, #tpu.memory_space<hbm>>) target(%dma_start3A_713 : memref<128x128xf32, #tpu.memory_space<vmem>>) offsets(%dma_start3A_716 : memref<128xi32, #tpu.memory_space<vmem>>) semaphore(%dma_start3A_721 : memref<!tpu.dma_semaphore, #tpu.memory_space<semaphore_mem>>)
    %get3A_722 = arith.constant 0 : i32
    %get3A_723 = arith.index_cast %get3A_722 : i32 to index
    %get3A_724 = arith.constant 0 : index
    %get3A_725 = tpu.vector_load %arg11[%get3A_723, %get3A_724] {strides = array<i32>} : memref<4x128xi32, #tpu.memory_space<vmem>>, vector<16xi32>,
    %gather3A = tpu.vector_load_idx %arg13[%get3A_725] : memref<16384xf32, #tpu.memory_space<vmem>>[vector<16xi32>], vector<16xf32>,
    %swap3A_726 = arith.constant 0 : i32
    %swap3A_727 = arith.index_cast %swap3A_726 : i32 to index
    %swap3A_728 = arith.constant 0 : index
    %swap3A_729 = tpu.vector_load %arg15[%swap3A_727, %swap3A_728] {strides = array<i32>} : memref<4x128xf32, #tpu.memory_space<vmem>>, vector<16xf32>,
    tpu.vector_store %arg15[%swap3A_727, %swap3A_728], %gather3A {strides = array<i32>} : memref<4x128xf32, #tpu.memory_space<vmem>>, vector<16xf32>,
    %get3A_730 = arith.constant 0 : i32
    %get3A_731 = arith.index_cast %get3A_730 : i32 to index
    %get3A_732 = arith.constant 16 : index
    %get3A_733 = tpu.vector_load %arg11[%get3A_731, %get3A_732] {strides = array<i32>} : memref<4x128xi32, #tpu.memory_space<vmem>>, vector<16xi32>,
    %gather3A_734 = tpu.vector_load_idx %arg13[%get3A_733] : memref<16384xf32, #tpu.memory_space<vmem>>[vector<16xi32>], vector<16xf32>,
    %swap3A_735 = arith.constant 0 : i32
    %swap3A_736 = arith.index_cast %swap3A_735 : i32 to index
    %swap3A_737 = arith.constant 16 : index
    %swap3A_738 = tpu.vector_load %arg15[%swap3A_736, %swap3A_737] {strides = array<i32>} : memref<4x128xf32, #tpu.memory_space<vmem>>, vector<16xf32>,
    tpu.vector_store %arg15[%swap3A_736, %swap3A_737], %gather3A_734 {strides = array<i32>} : memref<4x128xf32, #tpu.memory_space<vmem>>, vector<16xf32>,
    %get3A_739 = arith.constant 0 : i32
    %get3A_740 = arith.index_cast %get3A_739 : i32 to index
    %get3A_741 = arith.constant 32 : index
    %get3A_742 = tpu.vector_load %arg11[%get3A_740, %get3A_741] {strides = array<i32>} : memref<4x128xi32, #tpu.memory_space<vmem>>, vector<16xi32>,
    %gather3A_743 = tpu.vector_load_idx %arg13[%get3A_742] : memref<16384xf32, #tpu.memory_space<vmem>>[vector<16xi32>], vector<16xf32>,
    %swap3A_744 = arith.constant 0 : i32
    %swap3A_745 = arith.index_cast %swap3A_744 : i32 to index
    %swap3A_746 = arith.constant 32 : index
    %swap3A_747 = tpu.vector_load %arg15[%swap3A_745, %swap3A_746] {strides = array<i32>} : memref<4x128xf32, #tpu.memory_space<vmem>>, vector<16xf32>,
    tpu.vector_store %arg15[%swap3A_745, %swap3A_746], %gather3A_743 {strides = array<i32>} : memref<4x128xf32, #tpu.memory_space<vmem>>, vector<16xf32>,
    %get3A_748 = arith.constant 0 : i32
    %get3A_749 = arith.index_cast %get3A_748 : i32 to index
    %get3A_750 = arith.constant 48 : index
    %get3A_751 = tpu.vector_load %arg11[%get3A_749, %get3A_750] {strides = array<i32>} : memref<4x128xi32, #tpu.memory_space<vmem>>, vector<16xi32>,
    %gather3A_752 = tpu.vector_load_idx %arg13[%get3A_751] : memref<16384xf32, #tpu.memory_space<vmem>>[vector<16xi32>], vector<16xf32>,
    %swap3A_753 = arith.constant 0 : i32
    %swap3A_754 = arith.index_cast %swap3A_753 : i32 to index
    %swap3A_755 = arith.constant 48 : index
    %swap3A_756 = tpu.vector_load %arg15[%swap3A_754, %swap3A_755] {strides = array<i32>} : memref<4x128xf32, #tpu.memory_space<vmem>>, vector<16xf32>,
    tpu.vector_store %arg15[%swap3A_754, %swap3A_755], %gather3A_752 {strides = array<i32>} : memref<4x128xf32, #tpu.memory_space<vmem>>, vector<16xf32>,
    %get3A_757 = arith.constant 0 : i32
    %get3A_758 = arith.index_cast %get3A_757 : i32 to index
    %get3A_759 = arith.constant 64 : index
    %get3A_760 = tpu.vector_load %arg11[%get3A_758, %get3A_759] {strides = array<i32>} : memref<4x128xi32, #tpu.memory_space<vmem>>, vector<16xi32>,
    %gather3A_761 = tpu.vector_load_idx %arg13[%get3A_760] : memref<16384xf32, #tpu.memory_space<vmem>>[vector<16xi32>], vector<16xf32>,
    %swap3A_762 = arith.constant 0 : i32
    %swap3A_763 = arith.index_cast %swap3A_762 : i32 to index
    %swap3A_764 = arith.constant 64 : index
    %swap3A_765 = tpu.vector_load %arg15[%swap3A_763, %swap3A_764] {strides = array<i32>} : memref<4x128xf32, #tpu.memory_space<vmem>>, vector<16xf32>,
    tpu.vector_store %arg15[%swap3A_763, %swap3A_764], %gather3A_761 {strides = array<i32>} : memref<4x128xf32, #tpu.memory_space<vmem>>, vector<16xf32>,
    %get3A_766 = arith.constant 0 : i32
    %get3A_767 = arith.index_cast %get3A_766 : i32 to index
    %get3A_768 = arith.constant 80 : index
    %get3A_769 = tpu.vector_load %arg11[%get3A_767, %get3A_768] {strides = array<i32>} : memref<4x128xi32, #tpu.memory_space<vmem>>, vector<16xi32>,
    %gather3A_770 = tpu.vector_load_idx %arg13[%get3A_769] : memref<16384xf32, #tpu.memory_space<vmem>>[vector<16xi32>], vector<16xf32>,
    %swap3A_771 = arith.constant 0 : i32
    %swap3A_772 = arith.index_cast %swap3A_771 : i32 to index
    %swap3A_773 = arith.constant 80 : index
    %swap3A_774 = tpu.vector_load %arg15[%swap3A_772, %swap3A_773] {strides = array<i32>} : memref<4x128xf32, #tpu.memory_space<vmem>>, vector<16xf32>,
    tpu.vector_store %arg15[%swap3A_772, %swap3A_773], %gather3A_770 {strides = array<i32>} : memref<4x128xf32, #tpu.memory_space<vmem>>, vector<16xf32>,
    %get3A_775 = arith.constant 0 : i32
    %get3A_776 = arith.index_cast %get3A_775 : i32 to index
    %get3A_777 = arith.constant 96 : index
    %get3A_778 = tpu.vector_load %arg11[%get3A_776, %get3A_777] {strides = array<i32>} : memref<4x128xi32, #tpu.memory_space<vmem>>, vector<16xi32>,
    %gather3A_779 = tpu.vector_load_idx %arg13[%get3A_778] : memref<16384xf32, #tpu.memory_space<vmem>>[vector<16xi32>], vector<16xf32>,
    %swap3A_780 = arith.constant 0 : i32
    %swap3A_781 = arith.index_cast %swap3A_780 : i32 to index
    %swap3A_782 = arith.constant 96 : index
    %swap3A_783 = tpu.vector_load %arg15[%swap3A_781, %swap3A_782] {strides = array<i32>} : memref<4x128xf32, #tpu.memory_space<vmem>>, vector<16xf32>,
    tpu.vector_store %arg15[%swap3A_781, %swap3A_782], %gather3A_779 {strides = array<i32>} : memref<4x128xf32, #tpu.memory_space<vmem>>, vector<16xf32>,
    %get3A_784 = arith.constant 0 : i32
    %get3A_785 = arith.index_cast %get3A_784 : i32 to index
    %get3A_786 = arith.constant 112 : index
    %get3A_787 = tpu.vector_load %arg11[%get3A_785, %get3A_786] {strides = array<i32>} : memref<4x128xi32, #tpu.memory_space<vmem>>, vector<16xi32>,
    %gather3A_788 = tpu.vector_load_idx %arg13[%get3A_787] : memref<16384xf32, #tpu.memory_space<vmem>>[vector<16xi32>], vector<16xf32>,
    %swap3A_789 = arith.constant 0 : i32
    %swap3A_790 = arith.index_cast %swap3A_789 : i32 to index
    %swap3A_791 = arith.constant 112 : index
    %swap3A_792 = tpu.vector_load %arg15[%swap3A_790, %swap3A_791] {strides = array<i32>} : memref<4x128xf32, #tpu.memory_space<vmem>>, vector<16xf32>,
    tpu.vector_store %arg15[%swap3A_790, %swap3A_791], %gather3A_788 {strides = array<i32>} : memref<4x128xf32, #tpu.memory_space<vmem>>, vector<16xf32>,
    %get3A_793 = arith.constant 0 : i32
    %get3A_794 = arith.index_cast %get3A_793 : i32 to index
    %get3A_795 = arith.constant 128 : index
    %get3A_796 = tpu.vector_load %arg12[%get3A_794, %get3A_795] {strides = array<i32>} : memref<16x512xi32, #tpu.memory_space<vmem>>, vector<16xi32>,
    %get3A_797 = arith.constant 1 : i32
    %get3A_798 = arith.index_cast %get3A_797 : i32 to index
    %get3A_799 = arith.constant 128 : index
    %get3A_800 = tpu.vector_load %arg12[%get3A_798, %get3A_799] {strides = array<i32>} : memref<16x512xi32, #tpu.memory_space<vmem>>, vector<16xi32>,
    %add3A_801 = arith.addi %get3A_796, %get3A_800 : vector<16xi32>
    %get3A_802 = arith.constant 2 : i32
    %get3A_803 = arith.index_cast %get3A_802 : i32 to index
    %get3A_804 = arith.constant 128 : index
    %get3A_805 = tpu.vector_load %arg12[%get3A_803, %get3A_804] {strides = array<i32>} : memref<16x512xi32, #tpu.memory_space<vmem>>, vector<16xi32>,
    %add3A_806 = arith.addi %add3A_801, %get3A_805 : vector<16xi32>
    %get3A_807 = arith.constant 3 : i32
    %get3A_808 = arith.index_cast %get3A_807 : i32 to index
    %get3A_809 = arith.constant 128 : index
    %get3A_810 = tpu.vector_load %arg12[%get3A_808, %get3A_809] {strides = array<i32>} : memref<16x512xi32, #tpu.memory_space<vmem>>, vector<16xi32>,
    %add3A_811 = arith.addi %add3A_806, %get3A_810 : vector<16xi32>
    %get3A_812 = arith.constant 4 : i32
    %get3A_813 = arith.index_cast %get3A_812 : i32 to index
    %get3A_814 = arith.constant 128 : index
    %get3A_815 = tpu.vector_load %arg12[%get3A_813, %get3A_814] {strides = array<i32>} : memref<16x512xi32, #tpu.memory_space<vmem>>, vector<16xi32>,
    %add3A_816 = arith.addi %add3A_811, %get3A_815 : vector<16xi32>
    %get3A_817 = arith.constant 5 : i32
    %get3A_818 = arith.index_cast %get3A_817 : i32 to index
    %get3A_819 = arith.constant 128 : index
    %get3A_820 = tpu.vector_load %arg12[%get3A_818, %get3A_819] {strides = array<i32>} : memref<16x512xi32, #tpu.memory_space<vmem>>, vector<16xi32>,
    %add3A_821 = arith.addi %add3A_816, %get3A_820 : vector<16xi32>
    %get3A_822 = arith.constant 6 : i32
    %get3A_823 = arith.index_cast %get3A_822 : i32 to index
    %get3A_824 = arith.constant 128 : index
    %get3A_825 = tpu.vector_load %arg12[%get3A_823, %get3A_824] {strides = array<i32>} : memref<16x512xi32, #tpu.memory_space<vmem>>, vector<16xi32>,
    %add3A_826 = arith.addi %add3A_821, %get3A_825 : vector<16xi32>
    %get3A_827 = arith.constant 7 : i32
    %get3A_828 = arith.index_cast %get3A_827 : i32 to index
    %get3A_829 = arith.constant 128 : index
    %get3A_830 = tpu.vector_load %arg12[%get3A_828, %get3A_829] {strides = array<i32>} : memref<16x512xi32, #tpu.memory_space<vmem>>, vector<16xi32>,
    %add3A_831 = arith.addi %add3A_826, %get3A_830 : vector<16xi32>
    %get3A_832 = arith.constant 8 : i32
    %get3A_833 = arith.index_cast %get3A_832 : i32 to index
    %get3A_834 = arith.constant 128 : index
    %get3A_835 = tpu.vector_load %arg12[%get3A_833, %get3A_834] {strides = array<i32>} : memref<16x512xi32, #tpu.memory_space<vmem>>, vector<16xi32>,
    %add3A_836 = arith.addi %add3A_831, %get3A_835 : vector<16xi32>
    %get3A_837 = arith.constant 9 : i32
    %get3A_838 = arith.index_cast %get3A_837 : i32 to index
    %get3A_839 = arith.constant 128 : index
    %get3A_840 = tpu.vector_load %arg12[%get3A_838, %get3A_839] {strides = array<i32>} : memref<16x512xi32, #tpu.memory_space<vmem>>, vector<16xi32>,
    %add3A_841 = arith.addi %add3A_836, %get3A_840 : vector<16xi32>
    %get3A_842 = arith.constant 10 : i32
    %get3A_843 = arith.index_cast %get3A_842 : i32 to index
    %get3A_844 = arith.constant 128 : index
    %get3A_845 = tpu.vector_load %arg12[%get3A_843, %get3A_844] {strides = array<i32>} : memref<16x512xi32, #tpu.memory_space<vmem>>, vector<16xi32>,
    %add3A_846 = arith.addi %add3A_841, %get3A_845 : vector<16xi32>
    %get3A_847 = arith.constant 11 : i32
    %get3A_848 = arith.index_cast %get3A_847 : i32 to index
    %get3A_849 = arith.constant 128 : index
    %get3A_850 = tpu.vector_load %arg12[%get3A_848, %get3A_849] {strides = array<i32>} : memref<16x512xi32, #tpu.memory_space<vmem>>, vector<16xi32>,
    %add3A_851 = arith.addi %add3A_846, %get3A_850 : vector<16xi32>
    %get3A_852 = arith.constant 12 : i32
    %get3A_853 = arith.index_cast %get3A_852 : i32 to index
    %get3A_854 = arith.constant 128 : index
    %get3A_855 = tpu.vector_load %arg12[%get3A_853, %get3A_854] {strides = array<i32>} : memref<16x512xi32, #tpu.memory_space<vmem>>, vector<16xi32>,
    %add3A_856 = arith.addi %add3A_851, %get3A_855 : vector<16xi32>
    %get3A_857 = arith.constant 13 : i32
    %get3A_858 = arith.index_cast %get3A_857 : i32 to index
    %get3A_859 = arith.constant 128 : index
    %get3A_860 = tpu.vector_load %arg12[%get3A_858, %get3A_859] {strides = array<i32>} : memref<16x512xi32, #tpu.memory_space<vmem>>, vector<16xi32>,
    %add3A_861 = arith.addi %add3A_856, %get3A_860 : vector<16xi32>
    %get3A_862 = arith.constant 14 : i32
    %get3A_863 = arith.index_cast %get3A_862 : i32 to index
    %get3A_864 = arith.constant 128 : index
    %get3A_865 = tpu.vector_load %arg12[%get3A_863, %get3A_864] {strides = array<i32>} : memref<16x512xi32, #tpu.memory_space<vmem>>, vector<16xi32>,
    %add3A_866 = arith.addi %add3A_861, %get3A_865 : vector<16xi32>
    %get3A_867 = arith.constant 15 : i32
    %get3A_868 = arith.index_cast %get3A_867 : i32 to index
    %get3A_869 = arith.constant 128 : index
    %get3A_870 = tpu.vector_load %arg12[%get3A_868, %get3A_869] {strides = array<i32>} : memref<16x512xi32, #tpu.memory_space<vmem>>, vector<16xi32>,
    %add3A_871 = arith.addi %add3A_866, %get3A_870 : vector<16xi32>
    %swap3A_872 = arith.constant 1 : i32
    %swap3A_873 = arith.index_cast %swap3A_872 : i32 to index
    %swap3A_874 = arith.constant 0 : index
    %swap3A_875 = tpu.vector_load %arg11[%swap3A_873, %swap3A_874] {strides = array<i32>} : memref<4x128xi32, #tpu.memory_space<vmem>>, vector<16xi32>,
    tpu.vector_store %arg11[%swap3A_873, %swap3A_874], %add3A_871 {strides = array<i32>} : memref<4x128xi32, #tpu.memory_space<vmem>>, vector<16xi32>,
    %get3A_876 = arith.constant 0 : i32
    %get3A_877 = arith.index_cast %get3A_876 : i32 to index
    %get3A_878 = arith.constant 144 : index
    %get3A_879 = tpu.vector_load %arg12[%get3A_877, %get3A_878] {strides = array<i32>} : memref<16x512xi32, #tpu.memory_space<vmem>>, vector<16xi32>,
    %get3A_880 = arith.constant 1 : i32
    %get3A_881 = arith.index_cast %get3A_880 : i32 to index
    %get3A_882 = arith.constant 144 : index
    %get3A_883 = tpu.vector_load %arg12[%get3A_881, %get3A_882] {strides = array<i32>} : memref<16x512xi32, #tpu.memory_space<vmem>>, vector<16xi32>,
    %add3A_884 = arith.addi %get3A_879, %get3A_883 : vector<16xi32>
    %get3A_885 = arith.constant 2 : i32
    %get3A_886 = arith.index_cast %get3A_885 : i32 to index
    %get3A_887 = arith.constant 144 : index
    %get3A_888 = tpu.vector_load %arg12[%get3A_886, %get3A_887] {strides = array<i32>} : memref<16x512xi32, #tpu.memory_space<vmem>>, vector<16xi32>,
    %add3A_889 = arith.addi %add3A_884, %get3A_888 : vector<16xi32>
    %get3A_890 = arith.constant 3 : i32
    %get3A_891 = arith.index_cast %get3A_890 : i32 to index
    %get3A_892 = arith.constant 144 : index
    %get3A_893 = tpu.vector_load %arg12[%get3A_891, %get3A_892] {strides = array<i32>} : memref<16x512xi32, #tpu.memory_space<vmem>>, vector<16xi32>,
    %add3A_894 = arith.addi %add3A_889, %get3A_893 : vector<16xi32>
    %get3A_895 = arith.constant 4 : i32
    %get3A_896 = arith.index_cast %get3A_895 : i32 to index
    %get3A_897 = arith.constant 144 : index
    %get3A_898 = tpu.vector_load %arg12[%get3A_896, %get3A_897] {strides = array<i32>} : memref<16x512xi32, #tpu.memory_space<vmem>>, vector<16xi32>,
    %add3A_899 = arith.addi %add3A_894, %get3A_898 : vector<16xi32>
    %get3A_900 = arith.constant 5 : i32
    %get3A_901 = arith.index_cast %get3A_900 : i32 to index
    %get3A_902 = arith.constant 144 : index
    %get3A_903 = tpu.vector_load %arg12[%get3A_901, %get3A_902] {strides = array<i32>} : memref<16x512xi32, #tpu.memory_space<vmem>>, vector<16xi32>,
    %add3A_904 = arith.addi %add3A_899, %get3A_903 : vector<16xi32>
    %get3A_905 = arith.constant 6 : i32
    %get3A_906 = arith.index_cast %get3A_905 : i32 to index
    %get3A_907 = arith.constant 144 : index
    %get3A_908 = tpu.vector_load %arg12[%get3A_906, %get3A_907] {strides = array<i32>} : memref<16x512xi32, #tpu.memory_space<vmem>>, vector<16xi32>,
    %add3A_909 = arith.addi %add3A_904, %get3A_908 : vector<16xi32>
    %get3A_910 = arith.constant 7 : i32
    %get3A_911 = arith.index_cast %get3A_910 : i32 to index
    %get3A_912 = arith.constant 144 : index
    %get3A_913 = tpu.vector_load %arg12[%get3A_911, %get3A_912] {strides = array<i32>} : memref<16x512xi32, #tpu.memory_space<vmem>>, vector<16xi32>,
    %add3A_914 = arith.addi %add3A_909, %get3A_913 : vector<16xi32>
    %get3A_915 = arith.constant 8 : i32
    %get3A_916 = arith.index_cast %get3A_915 : i32 to index
    %get3A_917 = arith.constant 144 : index
    %get3A_918 = tpu.vector_load %arg12[%get3A_916, %get3A_917] {strides = array<i32>} : memref<16x512xi32, #tpu.memory_space<vmem>>, vector<16xi32>,
    %add3A_919 = arith.addi %add3A_914, %get3A_918 : vector<16xi32>
    %get3A_920 = arith.constant 9 : i32
    %get3A_921 = arith.index_cast %get3A_920 : i32 to index
    %get3A_922 = arith.constant 144 : index
    %get3A_923 = tpu.vector_load %arg12[%get3A_921, %get3A_922] {strides = array<i32>} : memref<16x512xi32, #tpu.memory_space<vmem>>, vector<16xi32>,
    %add3A_924 = arith.addi %add3A_919, %get3A_923 : vector<16xi32>
    %get3A_925 = arith.constant 10 : i32
    %get3A_926 = arith.index_cast %get3A_925 : i32 to index
    %get3A_927 = arith.constant 144 : index
    %get3A_928 = tpu.vector_load %arg12[%get3A_926, %get3A_927] {strides = array<i32>} : memref<16x512xi32, #tpu.memory_space<vmem>>, vector<16xi32>,
    %add3A_929 = arith.addi %add3A_924, %get3A_928 : vector<16xi32>
    %get3A_930 = arith.constant 11 : i32
    %get3A_931 = arith.index_cast %get3A_930 : i32 to index
    %get3A_932 = arith.constant 144 : index
    %get3A_933 = tpu.vector_load %arg12[%get3A_931, %get3A_932] {strides = array<i32>} : memref<16x512xi32, #tpu.memory_space<vmem>>, vector<16xi32>,
    %add3A_934 = arith.addi %add3A_929, %get3A_933 : vector<16xi32>
    %get3A_935 = arith.constant 12 : i32
    %get3A_936 = arith.index_cast %get3A_935 : i32 to index
    %get3A_937 = arith.constant 144 : index
    %get3A_938 = tpu.vector_load %arg12[%get3A_936, %get3A_937] {strides = array<i32>} : memref<16x512xi32, #tpu.memory_space<vmem>>, vector<16xi32>,
    %add3A_939 = arith.addi %add3A_934, %get3A_938 : vector<16xi32>
    %get3A_940 = arith.constant 13 : i32
    %get3A_941 = arith.index_cast %get3A_940 : i32 to index
    %get3A_942 = arith.constant 144 : index
    %get3A_943 = tpu.vector_load %arg12[%get3A_941, %get3A_942] {strides = array<i32>} : memref<16x512xi32, #tpu.memory_space<vmem>>, vector<16xi32>,
    %add3A_944 = arith.addi %add3A_939, %get3A_943 : vector<16xi32>
    %get3A_945 = arith.constant 14 : i32
    %get3A_946 = arith.index_cast %get3A_945 : i32 to index
    %get3A_947 = arith.constant 144 : index
    %get3A_948 = tpu.vector_load %arg12[%get3A_946, %get3A_947] {strides = array<i32>} : memref<16x512xi32, #tpu.memory_space<vmem>>, vector<16xi32>,
    %add3A_949 = arith.addi %add3A_944, %get3A_948 : vector<16xi32>
    %get3A_950 = arith.constant 15 : i32
    %get3A_951 = arith.index_cast %get3A_950 : i32 to index
    %get3A_952 = arith.constant 144 : index
    %get3A_953 = tpu.vector_load %arg12[%get3A_951, %get3A_952] {strides = array<i32>} : memref<16x512xi32, #tpu.memory_space<vmem>>, vector<16xi32>,
    %add3A_954 = arith.addi %add3A_949, %get3A_953 : vector<16xi32>
    %swap3A_955 = arith.constant 1 : i32
    %swap3A_956 = arith.index_cast %swap3A_955 : i32 to index
    %swap3A_957 = arith.constant 16 : index
    %swap3A_958 = tpu.vector_load %arg11[%swap3A_956, %swap3A_957] {strides = array<i32>} : memref<4x128xi32, #tpu.memory_space<vmem>>, vector<16xi32>,
    tpu.vector_store %arg11[%swap3A_956, %swap3A_957], %add3A_954 {strides = array<i32>} : memref<4x128xi32, #tpu.memory_space<vmem>>, vector<16xi32>,
    %get3A_959 = arith.constant 0 : i32
    %get3A_960 = arith.index_cast %get3A_959 : i32 to index
    %get3A_961 = arith.constant 160 : index
    %get3A_962 = tpu.vector_load %arg12[%get3A_960, %get3A_961] {strides = array<i32>} : memref<16x512xi32, #tpu.memory_space<vmem>>, vector<16xi32>,
    %get3A_963 = arith.constant 1 : i32
    %get3A_964 = arith.index_cast %get3A_963 : i32 to index
    %get3A_965 = arith.constant 160 : index
    %get3A_966 = tpu.vector_load %arg12[%get3A_964, %get3A_965] {strides = array<i32>} : memref<16x512xi32, #tpu.memory_space<vmem>>, vector<16xi32>,
    %add3A_967 = arith.addi %get3A_962, %get3A_966 : vector<16xi32>
    %get3A_968 = arith.constant 2 : i32
    %get3A_969 = arith.index_cast %get3A_968 : i32 to index
    %get3A_970 = arith.constant 160 : index
    %get3A_971 = tpu.vector_load %arg12[%get3A_969, %get3A_970] {strides = array<i32>} : memref<16x512xi32, #tpu.memory_space<vmem>>, vector<16xi32>,
    %add3A_972 = arith.addi %add3A_967, %get3A_971 : vector<16xi32>
    %get3A_973 = arith.constant 3 : i32
    %get3A_974 = arith.index_cast %get3A_973 : i32 to index
    %get3A_975 = arith.constant 160 : index
    %get3A_976 = tpu.vector_load %arg12[%get3A_974, %get3A_975] {strides = array<i32>} : memref<16x512xi32, #tpu.memory_space<vmem>>, vector<16xi32>,
    %add3A_977 = arith.addi %add3A_972, %get3A_976 : vector<16xi32>
    %get3A_978 = arith.constant 4 : i32
    %get3A_979 = arith.index_cast %get3A_978 : i32 to index
    %get3A_980 = arith.constant 160 : index
    %get3A_981 = tpu.vector_load %arg12[%get3A_979, %get3A_980] {strides = array<i32>} : memref<16x512xi32, #tpu.memory_space<vmem>>, vector<16xi32>,
    %add3A_982 = arith.addi %add3A_977, %get3A_981 : vector<16xi32>
    %get3A_983 = arith.constant 5 : i32
    %get3A_984 = arith.index_cast %get3A_983 : i32 to index
    %get3A_985 = arith.constant 160 : index
    %get3A_986 = tpu.vector_load %arg12[%get3A_984, %get3A_985] {strides = array<i32>} : memref<16x512xi32, #tpu.memory_space<vmem>>, vector<16xi32>,
    %add3A_987 = arith.addi %add3A_982, %get3A_986 : vector<16xi32>
    %get3A_988 = arith.constant 6 : i32
    %get3A_989 = arith.index_cast %get3A_988 : i32 to index
    %get3A_990 = arith.constant 160 : index
    %get3A_991 = tpu.vector_load %arg12[%get3A_989, %get3A_990] {strides = array<i32>} : memref<16x512xi32, #tpu.memory_space<vmem>>, vector<16xi32>,
    %add3A_992 = arith.addi %add3A_987, %get3A_991 : vector<16xi32>
    %get3A_993 = arith.constant 7 : i32
    %get3A_994 = arith.index_cast %get3A_993 : i32 to index
    %get3A_995 = arith.constant 160 : index
    %get3A_996 = tpu.vector_load %arg12[%get3A_994, %get3A_995] {strides = array<i32>} : memref<16x512xi32, #tpu.memory_space<vmem>>, vector<16xi32>,
    %add3A_997 = arith.addi %add3A_992, %get3A_996 : vector<16xi32>
    %get3A_998 = arith.constant 8 : i32
    %get3A_999 = arith.index_cast %get3A_998 : i32 to index
    %get3A_1000 = arith.constant 160 : index
    %get3A_1001 = tpu.vector_load %arg12[%get3A_999, %get3A_1000] {strides = array<i32>} : memref<16x512xi32, #tpu.memory_space<vmem>>, vector<16xi32>,
    %add3A_1002 = arith.addi %add3A_997, %get3A_1001 : vector<16xi32>
    %get3A_1003 = arith.constant 9 : i32
    %get3A_1004 = arith.index_cast %get3A_1003 : i32 to index
    %get3A_1005 = arith.constant 160 : index
    %get3A_1006 = tpu.vector_load %arg12[%get3A_1004, %get3A_1005] {strides = array<i32>} : memref<16x512xi32, #tpu.memory_space<vmem>>, vector<16xi32>,
    %add3A_1007 = arith.addi %add3A_1002, %get3A_1006 : vector<16xi32>
    %get3A_1008 = arith.constant 10 : i32
    %get3A_1009 = arith.index_cast %get3A_1008 : i32 to index
    %get3A_1010 = arith.constant 160 : index
    %get3A_1011 = tpu.vector_load %arg12[%get3A_1009, %get3A_1010] {strides = array<i32>} : memref<16x512xi32, #tpu.memory_space<vmem>>, vector<16xi32>,
    %add3A_1012 = arith.addi %add3A_1007, %get3A_1011 : vector<16xi32>
    %get3A_1013 = arith.constant 11 : i32
    %get3A_1014 = arith.index_cast %get3A_1013 : i32 to index
    %get3A_1015 = arith.constant 160 : index
    %get3A_1016 = tpu.vector_load %arg12[%get3A_1014, %get3A_1015] {strides = array<i32>} : memref<16x512xi32, #tpu.memory_space<vmem>>, vector<16xi32>,
    %add3A_1017 = arith.addi %add3A_1012, %get3A_1016 : vector<16xi32>
    %get3A_1018 = arith.constant 12 : i32
    %get3A_1019 = arith.index_cast %get3A_1018 : i32 to index
    %get3A_1020 = arith.constant 160 : index
    %get3A_1021 = tpu.vector_load %arg12[%get3A_1019, %get3A_1020] {strides = array<i32>} : memref<16x512xi32, #tpu.memory_space<vmem>>, vector<16xi32>,
    %add3A_1022 = arith.addi %add3A_1017, %get3A_1021 : vector<16xi32>
    %get3A_1023 = arith.constant 13 : i32
    %get3A_1024 = arith.index_cast %get3A_1023 : i32 to index
    %get3A_1025 = arith.constant 160 : index
    %get3A_1026 = tpu.vector_load %arg12[%get3A_1024, %get3A_1025] {strides = array<i32>} : memref<16x512xi32, #tpu.memory_space<vmem>>, vector<16xi32>,
    %add3A_1027 = arith.addi %add3A_1022, %get3A_1026 : vector<16xi32>
    %get3A_1028 = arith.constant 14 : i32
    %get3A_1029 = arith.index_cast %get3A_1028 : i32 to index
    %get3A_1030 = arith.constant 160 : index
    %get3A_1031 = tpu.vector_load %arg12[%get3A_1029, %get3A_1030] {strides = array<i32>} : memref<16x512xi32, #tpu.memory_space<vmem>>, vector<16xi32>,
    %add3A_1032 = arith.addi %add3A_1027, %get3A_1031 : vector<16xi32>
    %get3A_1033 = arith.constant 15 : i32
    %get3A_1034 = arith.index_cast %get3A_1033 : i32 to index
    %get3A_1035 = arith.constant 160 : index
    %get3A_1036 = tpu.vector_load %arg12[%get3A_1034, %get3A_1035] {strides = array<i32>} : memref<16x512xi32, #tpu.memory_space<vmem>>, vector<16xi32>,
    %add3A_1037 = arith.addi %add3A_1032, %get3A_1036 : vector<16xi32>
    %swap3A_1038 = arith.constant 1 : i32
    %swap3A_1039 = arith.index_cast %swap3A_1038 : i32 to index
    %swap3A_1040 = arith.constant 32 : index
    %swap3A_1041 = tpu.vector_load %arg11[%swap3A_1039, %swap3A_1040] {strides = array<i32>} : memref<4x128xi32, #tpu.memory_space<vmem>>, vector<16xi32>,
    tpu.vector_store %arg11[%swap3A_1039, %swap3A_1040], %add3A_1037 {strides = array<i32>} : memref<4x128xi32, #tpu.memory_space<vmem>>, vector<16xi32>,
    %get3A_1042 = arith.constant 0 : i32
    %get3A_1043 = arith.index_cast %get3A_1042 : i32 to index
    %get3A_1044 = arith.constant 176 : index
    %get3A_1045 = tpu.vector_load %arg12[%get3A_1043, %get3A_1044] {strides = array<i32>} : memref<16x512xi32, #tpu.memory_space<vmem>>, vector<16xi32>,
    %get3A_1046 = arith.constant 1 : i32
    %get3A_1047 = arith.index_cast %get3A_1046 : i32 to index
    %get3A_1048 = arith.constant 176 : index
    %get3A_1049 = tpu.vector_load %arg12[%get3A_1047, %get3A_1048] {strides = array<i32>} : memref<16x512xi32, #tpu.memory_space<vmem>>, vector<16xi32>,
    %add3A_1050 = arith.addi %get3A_1045, %get3A_1049 : vector<16xi32>
    %get3A_1051 = arith.constant 2 : i32
    %get3A_1052 = arith.index_cast %get3A_1051 : i32 to index
    %get3A_1053 = arith.constant 176 : index
    %get3A_1054 = tpu.vector_load %arg12[%get3A_1052, %get3A_1053] {strides = array<i32>} : memref<16x512xi32, #tpu.memory_space<vmem>>, vector<16xi32>,
    %add3A_1055 = arith.addi %add3A_1050, %get3A_1054 : vector<16xi32>
    %get3A_1056 = arith.constant 3 : i32
    %get3A_1057 = arith.index_cast %get3A_1056 : i32 to index
    %get3A_1058 = arith.constant 176 : index
    %get3A_1059 = tpu.vector_load %arg12[%get3A_1057, %get3A_1058] {strides = array<i32>} : memref<16x512xi32, #tpu.memory_space<vmem>>, vector<16xi32>,
    %add3A_1060 = arith.addi %add3A_1055, %get3A_1059 : vector<16xi32>
    %get3A_1061 = arith.constant 4 : i32
    %get3A_1062 = arith.index_cast %get3A_1061 : i32 to index
    %get3A_1063 = arith.constant 176 : index
    %get3A_1064 = tpu.vector_load %arg12[%get3A_1062, %get3A_1063] {strides = array<i32>} : memref<16x512xi32, #tpu.memory_space<vmem>>, vector<16xi32>,
    %add3A_1065 = arith.addi %add3A_1060, %get3A_1064 : vector<16xi32>
    %get3A_1066 = arith.constant 5 : i32
    %get3A_1067 = arith.index_cast %get3A_1066 : i32 to index
    %get3A_1068 = arith.constant 176 : index
    %get3A_1069 = tpu.vector_load %arg12[%get3A_1067, %get3A_1068] {strides = array<i32>} : memref<16x512xi32, #tpu.memory_space<vmem>>, vector<16xi32>,
    %add3A_1070 = arith.addi %add3A_1065, %get3A_1069 : vector<16xi32>
    %get3A_1071 = arith.constant 6 : i32
    %get3A_1072 = arith.index_cast %get3A_1071 : i32 to index
    %get3A_1073 = arith.constant 176 : index
    %get3A_1074 = tpu.vector_load %arg12[%get3A_1072, %get3A_1073] {strides = array<i32>} : memref<16x512xi32, #tpu.memory_space<vmem>>, vector<16xi32>,
    %add3A_1075 = arith.addi %add3A_1070, %get3A_1074 : vector<16xi32>
    %get3A_1076 = arith.constant 7 : i32
    %get3A_1077 = arith.index_cast %get3A_1076 : i32 to index
    %get3A_1078 = arith.constant 176 : index
    %get3A_1079 = tpu.vector_load %arg12[%get3A_1077, %get3A_1078] {strides = array<i32>} : memref<16x512xi32, #tpu.memory_space<vmem>>, vector<16xi32>,
    %add3A_1080 = arith.addi %add3A_1075, %get3A_1079 : vector<16xi32>
    %get3A_1081 = arith.constant 8 : i32
    %get3A_1082 = arith.index_cast %get3A_1081 : i32 to index
    %get3A_1083 = arith.constant 176 : index
    %get3A_1084 = tpu.vector_load %arg12[%get3A_1082, %get3A_1083] {strides = array<i32>} : memref<16x512xi32, #tpu.memory_space<vmem>>, vector<16xi32>,
    %add3A_1085 = arith.addi %add3A_1080, %get3A_1084 : vector<16xi32>
    %get3A_1086 = arith.constant 9 : i32
    %get3A_1087 = arith.index_cast %get3A_1086 : i32 to index
    %get3A_1088 = arith.constant 176 : index
    %get3A_1089 = tpu.vector_load %arg12[%get3A_1087, %get3A_1088] {strides = array<i32>} : memref<16x512xi32, #tpu.memory_space<vmem>>, vector<16xi32>,
    %add3A_1090 = arith.addi %add3A_1085, %get3A_1089 : vector<16xi32>
    %get3A_1091 = arith.constant 10 : i32
    %get3A_1092 = arith.index_cast %get3A_1091 : i32 to index
    %get3A_1093 = arith.constant 176 : index
    %get3A_1094 = tpu.vector_load %arg12[%get3A_1092, %get3A_1093] {strides = array<i32>} : memref<16x512xi32, #tpu.memory_space<vmem>>, vector<16xi32>,
    %add3A_1095 = arith.addi %add3A_1090, %get3A_1094 : vector<16xi32>
    %get3A_1096 = arith.constant 11 : i32
    %get3A_1097 = arith.index_cast %get3A_1096 : i32 to index
    %get3A_1098 = arith.constant 176 : index
    %get3A_1099 = tpu.vector_load %arg12[%get3A_1097, %get3A_1098] {strides = array<i32>} : memref<16x512xi32, #tpu.memory_space<vmem>>, vector<16xi32>,
    %add3A_1100 = arith.addi %add3A_1095, %get3A_1099 : vector<16xi32>
    %get3A_1101 = arith.constant 12 : i32
    %get3A_1102 = arith.index_cast %get3A_1101 : i32 to index
    %get3A_1103 = arith.constant 176 : index
    %get3A_1104 = tpu.vector_load %arg12[%get3A_1102, %get3A_1103] {strides = array<i32>} : memref<16x512xi32, #tpu.memory_space<vmem>>, vector<16xi32>,
    %add3A_1105 = arith.addi %add3A_1100, %get3A_1104 : vector<16xi32>
    %get3A_1106 = arith.constant 13 : i32
    %get3A_1107 = arith.index_cast %get3A_1106 : i32 to index
    %get3A_1108 = arith.constant 176 : index
    %get3A_1109 = tpu.vector_load %arg12[%get3A_1107, %get3A_1108] {strides = array<i32>} : memref<16x512xi32, #tpu.memory_space<vmem>>, vector<16xi32>,
    %add3A_1110 = arith.addi %add3A_1105, %get3A_1109 : vector<16xi32>
    %get3A_1111 = arith.constant 14 : i32
    %get3A_1112 = arith.index_cast %get3A_1111 : i32 to index
    %get3A_1113 = arith.constant 176 : index
    %get3A_1114 = tpu.vector_load %arg12[%get3A_1112, %get3A_1113] {strides = array<i32>} : memref<16x512xi32, #tpu.memory_space<vmem>>, vector<16xi32>,
    %add3A_1115 = arith.addi %add3A_1110, %get3A_1114 : vector<16xi32>
    %get3A_1116 = arith.constant 15 : i32
    %get3A_1117 = arith.index_cast %get3A_1116 : i32 to index
    %get3A_1118 = arith.constant 176 : index
    %get3A_1119 = tpu.vector_load %arg12[%get3A_1117, %get3A_1118] {strides = array<i32>} : memref<16x512xi32, #tpu.memory_space<vmem>>, vector<16xi32>,
    %add3A_1120 = arith.addi %add3A_1115, %get3A_1119 : vector<16xi32>
    %swap3A_1121 = arith.constant 1 : i32
    %swap3A_1122 = arith.index_cast %swap3A_1121 : i32 to index
    %swap3A_1123 = arith.constant 48 : index
    %swap3A_1124 = tpu.vector_load %arg11[%swap3A_1122, %swap3A_1123] {strides = array<i32>} : memref<4x128xi32, #tpu.memory_space<vmem>>, vector<16xi32>,
    tpu.vector_store %arg11[%swap3A_1122, %swap3A_1123], %add3A_1120 {strides = array<i32>} : memref<4x128xi32, #tpu.memory_space<vmem>>, vector<16xi32>,
    %get3A_1125 = arith.constant 0 : i32
    %get3A_1126 = arith.index_cast %get3A_1125 : i32 to index
    %get3A_1127 = arith.constant 192 : index
    %get3A_1128 = tpu.vector_load %arg12[%get3A_1126, %get3A_1127] {strides = array<i32>} : memref<16x512xi32, #tpu.memory_space<vmem>>, vector<16xi32>,
    %get3A_1129 = arith.constant 1 : i32
    %get3A_1130 = arith.index_cast %get3A_1129 : i32 to index
    %get3A_1131 = arith.constant 192 : index
    %get3A_1132 = tpu.vector_load %arg12[%get3A_1130, %get3A_1131] {strides = array<i32>} : memref<16x512xi32, #tpu.memory_space<vmem>>, vector<16xi32>,
    %add3A_1133 = arith.addi %get3A_1128, %get3A_1132 : vector<16xi32>
    %get3A_1134 = arith.constant 2 : i32
    %get3A_1135 = arith.index_cast %get3A_1134 : i32 to index
    %get3A_1136 = arith.constant 192 : index
    %get3A_1137 = tpu.vector_load %arg12[%get3A_1135, %get3A_1136] {strides = array<i32>} : memref<16x512xi32, #tpu.memory_space<vmem>>, vector<16xi32>,
    %add3A_1138 = arith.addi %add3A_1133, %get3A_1137 : vector<16xi32>
    %get3A_1139 = arith.constant 3 : i32
    %get3A_1140 = arith.index_cast %get3A_1139 : i32 to index
    %get3A_1141 = arith.constant 192 : index
    %get3A_1142 = tpu.vector_load %arg12[%get3A_1140, %get3A_1141] {strides = array<i32>} : memref<16x512xi32, #tpu.memory_space<vmem>>, vector<16xi32>,
    %add3A_1143 = arith.addi %add3A_1138, %get3A_1142 : vector<16xi32>
    %get3A_1144 = arith.constant 4 : i32
    %get3A_1145 = arith.index_cast %get3A_1144 : i32 to index
    %get3A_1146 = arith.constant 192 : index
    %get3A_1147 = tpu.vector_load %arg12[%get3A_1145, %get3A_1146] {strides = array<i32>} : memref<16x512xi32, #tpu.memory_space<vmem>>, vector<16xi32>,
    %add3A_1148 = arith.addi %add3A_1143, %get3A_1147 : vector<16xi32>
    %get3A_1149 = arith.constant 5 : i32
    %get3A_1150 = arith.index_cast %get3A_1149 : i32 to index
    %get3A_1151 = arith.constant 192 : index
    %get3A_1152 = tpu.vector_load %arg12[%get3A_1150, %get3A_1151] {strides = array<i32>} : memref<16x512xi32, #tpu.memory_space<vmem>>, vector<16xi32>,
    %add3A_1153 = arith.addi %add3A_1148, %get3A_1152 : vector<16xi32>
    %get3A_1154 = arith.constant 6 : i32
    %get3A_1155 = arith.index_cast %get3A_1154 : i32 to index
    %get3A_1156 = arith.constant 192 : index
    %get3A_1157 = tpu.vector_load %arg12[%get3A_1155, %get3A_1156] {strides = array<i32>} : memref<16x512xi32, #tpu.memory_space<vmem>>, vector<16xi32>,
    %add3A_1158 = arith.addi %add3A_1153, %get3A_1157 : vector<16xi32>
    %get3A_1159 = arith.constant 7 : i32
    %get3A_1160 = arith.index_cast %get3A_1159 : i32 to index
    %get3A_1161 = arith.constant 192 : index
    %get3A_1162 = tpu.vector_load %arg12[%get3A_1160, %get3A_1161] {strides = array<i32>} : memref<16x512xi32, #tpu.memory_space<vmem>>, vector<16xi32>,
    %add3A_1163 = arith.addi %add3A_1158, %get3A_1162 : vector<16xi32>
    %get3A_1164 = arith.constant 8 : i32
    %get3A_1165 = arith.index_cast %get3A_1164 : i32 to index
    %get3A_1166 = arith.constant 192 : index
    %get3A_1167 = tpu.vector_load %arg12[%get3A_1165, %get3A_1166] {strides = array<i32>} : memref<16x512xi32, #tpu.memory_space<vmem>>, vector<16xi32>,
    %add3A_1168 = arith.addi %add3A_1163, %get3A_1167 : vector<16xi32>
    %get3A_1169 = arith.constant 9 : i32
    %get3A_1170 = arith.index_cast %get3A_1169 : i32 to index
    %get3A_1171 = arith.constant 192 : index
    %get3A_1172 = tpu.vector_load %arg12[%get3A_1170, %get3A_1171] {strides = array<i32>} : memref<16x512xi32, #tpu.memory_space<vmem>>, vector<16xi32>,
    %add3A_1173 = arith.addi %add3A_1168, %get3A_1172 : vector<16xi32>
    %get3A_1174 = arith.constant 10 : i32
    %get3A_1175 = arith.index_cast %get3A_1174 : i32 to index
    %get3A_1176 = arith.constant 192 : index
    %get3A_1177 = tpu.vector_load %arg12[%get3A_1175, %get3A_1176] {strides = array<i32>} : memref<16x512xi32, #tpu.memory_space<vmem>>, vector<16xi32>,
    %add3A_1178 = arith.addi %add3A_1173, %get3A_1177 : vector<16xi32>
    %get3A_1179 = arith.constant 11 : i32
    %get3A_1180 = arith.index_cast %get3A_1179 : i32 to index
    %get3A_1181 = arith.constant 192 : index
    %get3A_1182 = tpu.vector_load %arg12[%get3A_1180, %get3A_1181] {strides = array<i32>} : memref<16x512xi32, #tpu.memory_space<vmem>>, vector<16xi32>,
    %add3A_1183 = arith.addi %add3A_1178, %get3A_1182 : vector<16xi32>
    %get3A_1184 = arith.constant 12 : i32
    %get3A_1185 = arith.index_cast %get3A_1184 : i32 to index
    %get3A_1186 = arith.constant 192 : index
    %get3A_1187 = tpu.vector_load %arg12[%get3A_1185, %get3A_1186] {strides = array<i32>} : memref<16x512xi32, #tpu.memory_space<vmem>>, vector<16xi32>,
    %add3A_1188 = arith.addi %add3A_1183, %get3A_1187 : vector<16xi32>
    %get3A_1189 = arith.constant 13 : i32
    %get3A_1190 = arith.index_cast %get3A_1189 : i32 to index
    %get3A_1191 = arith.constant 192 : index
    %get3A_1192 = tpu.vector_load %arg12[%get3A_1190, %get3A_1191] {strides = array<i32>} : memref<16x512xi32, #tpu.memory_space<vmem>>, vector<16xi32>,
    %add3A_1193 = arith.addi %add3A_1188, %get3A_1192 : vector<16xi32>
    %get3A_1194 = arith.constant 14 : i32
    %get3A_1195 = arith.index_cast %get3A_1194 : i32 to index
    %get3A_1196 = arith.constant 192 : index
    %get3A_1197 = tpu.vector_load %arg12[%get3A_1195, %get3A_1196] {strides = array<i32>} : memref<16x512xi32, #tpu.memory_space<vmem>>, vector<16xi32>,
    %add3A_1198 = arith.addi %add3A_1193, %get3A_1197 : vector<16xi32>
    %get3A_1199 = arith.constant 15 : i32
    %get3A_1200 = arith.index_cast %get3A_1199 : i32 to index
    %get3A_1201 = arith.constant 192 : index
    %get3A_1202 = tpu.vector_load %arg12[%get3A_1200, %get3A_1201] {strides = array<i32>} : memref<16x512xi32, #tpu.memory_space<vmem>>, vector<16xi32>,
    %add3A_1203 = arith.addi %add3A_1198, %get3A_1202 : vector<16xi32>
    %swap3A_1204 = arith.constant 1 : i32
    %swap3A_1205 = arith.index_cast %swap3A_1204 : i32 to index
    %swap3A_1206 = arith.constant 64 : index
    %swap3A_1207 = tpu.vector_load %arg11[%swap3A_1205, %swap3A_1206] {strides = array<i32>} : memref<4x128xi32, #tpu.memory_space<vmem>>, vector<16xi32>,
    tpu.vector_store %arg11[%swap3A_1205, %swap3A_1206], %add3A_1203 {strides = array<i32>} : memref<4x128xi32, #tpu.memory_space<vmem>>, vector<16xi32>,
    %get3A_1208 = arith.constant 0 : i32
    %get3A_1209 = arith.index_cast %get3A_1208 : i32 to index
    %get3A_1210 = arith.constant 208 : index
    %get3A_1211 = tpu.vector_load %arg12[%get3A_1209, %get3A_1210] {strides = array<i32>} : memref<16x512xi32, #tpu.memory_space<vmem>>, vector<16xi32>,
    %get3A_1212 = arith.constant 1 : i32
    %get3A_1213 = arith.index_cast %get3A_1212 : i32 to index
    %get3A_1214 = arith.constant 208 : index
    %get3A_1215 = tpu.vector_load %arg12[%get3A_1213, %get3A_1214] {strides = array<i32>} : memref<16x512xi32, #tpu.memory_space<vmem>>, vector<16xi32>,
    %add3A_1216 = arith.addi %get3A_1211, %get3A_1215 : vector<16xi32>
    %get3A_1217 = arith.constant 2 : i32
    %get3A_1218 = arith.index_cast %get3A_1217 : i32 to index
    %get3A_1219 = arith.constant 208 : index
    %get3A_1220 = tpu.vector_load %arg12[%get3A_1218, %get3A_1219] {strides = array<i32>} : memref<16x512xi32, #tpu.memory_space<vmem>>, vector<16xi32>,
    %add3A_1221 = arith.addi %add3A_1216, %get3A_1220 : vector<16xi32>
    %get3A_1222 = arith.constant 3 : i32
    %get3A_1223 = arith.index_cast %get3A_1222 : i32 to index
    %get3A_1224 = arith.constant 208 : index
    %get3A_1225 = tpu.vector_load %arg12[%get3A_1223, %get3A_1224] {strides = array<i32>} : memref<16x512xi32, #tpu.memory_space<vmem>>, vector<16xi32>,
    %add3A_1226 = arith.addi %add3A_1221, %get3A_1225 : vector<16xi32>
    %get3A_1227 = arith.constant 4 : i32
    %get3A_1228 = arith.index_cast %get3A_1227 : i32 to index
    %get3A_1229 = arith.constant 208 : index
    %get3A_1230 = tpu.vector_load %arg12[%get3A_1228, %get3A_1229] {strides = array<i32>} : memref<16x512xi32, #tpu.memory_space<vmem>>, vector<16xi32>,
    %add3A_1231 = arith.addi %add3A_1226, %get3A_1230 : vector<16xi32>
    %get3A_1232 = arith.constant 5 : i32
    %get3A_1233 = arith.index_cast %get3A_1232 : i32 to index
    %get3A_1234 = arith.constant 208 : index
    %get3A_1235 = tpu.vector_load %arg12[%get3A_1233, %get3A_1234] {strides = array<i32>} : memref<16x512xi32, #tpu.memory_space<vmem>>, vector<16xi32>,
    %add3A_1236 = arith.addi %add3A_1231, %get3A_1235 : vector<16xi32>
    %get3A_1237 = arith.constant 6 : i32
    %get3A_1238 = arith.index_cast %get3A_1237 : i32 to index
    %get3A_1239 = arith.constant 208 : index
    %get3A_1240 = tpu.vector_load %arg12[%get3A_1238, %get3A_1239] {strides = array<i32>} : memref<16x512xi32, #tpu.memory_space<vmem>>, vector<16xi32>,
    %add3A_1241 = arith.addi %add3A_1236, %get3A_1240 : vector<16xi32>
    %get3A_1242 = arith.constant 7 : i32
    %get3A_1243 = arith.index_cast %get3A_1242 : i32 to index
    %get3A_1244 = arith.constant 208 : index
    %get3A_1245 = tpu.vector_load %arg12[%get3A_1243, %get3A_1244] {strides = array<i32>} : memref<16x512xi32, #tpu.memory_space<vmem>>, vector<16xi32>,
    %add3A_1246 = arith.addi %add3A_1241, %get3A_1245 : vector<16xi32>
    %get3A_1247 = arith.constant 8 : i32
    %get3A_1248 = arith.index_cast %get3A_1247 : i32 to index
    %get3A_1249 = arith.constant 208 : index
    %get3A_1250 = tpu.vector_load %arg12[%get3A_1248, %get3A_1249] {strides = array<i32>} : memref<16x512xi32, #tpu.memory_space<vmem>>, vector<16xi32>,
    %add3A_1251 = arith.addi %add3A_1246, %get3A_1250 : vector<16xi32>
    %get3A_1252 = arith.constant 9 : i32
    %get3A_1253 = arith.index_cast %get3A_1252 : i32 to index
    %get3A_1254 = arith.constant 208 : index
    %get3A_1255 = tpu.vector_load %arg12[%get3A_1253, %get3A_1254] {strides = array<i32>} : memref<16x512xi32, #tpu.memory_space<vmem>>, vector<16xi32>,
    %add3A_1256 = arith.addi %add3A_1251, %get3A_1255 : vector<16xi32>
    %get3A_1257 = arith.constant 10 : i32
    %get3A_1258 = arith.index_cast %get3A_1257 : i32 to index
    %get3A_1259 = arith.constant 208 : index
    %get3A_1260 = tpu.vector_load %arg12[%get3A_1258, %get3A_1259] {strides = array<i32>} : memref<16x512xi32, #tpu.memory_space<vmem>>, vector<16xi32>,
    %add3A_1261 = arith.addi %add3A_1256, %get3A_1260 : vector<16xi32>
    %get3A_1262 = arith.constant 11 : i32
    %get3A_1263 = arith.index_cast %get3A_1262 : i32 to index
    %get3A_1264 = arith.constant 208 : index
    %get3A_1265 = tpu.vector_load %arg12[%get3A_1263, %get3A_1264] {strides = array<i32>} : memref<16x512xi32, #tpu.memory_space<vmem>>, vector<16xi32>,
    %add3A_1266 = arith.addi %add3A_1261, %get3A_1265 : vector<16xi32>
    %get3A_1267 = arith.constant 12 : i32
    %get3A_1268 = arith.index_cast %get3A_1267 : i32 to index
    %get3A_1269 = arith.constant 208 : index
    %get3A_1270 = tpu.vector_load %arg12[%get3A_1268, %get3A_1269] {strides = array<i32>} : memref<16x512xi32, #tpu.memory_space<vmem>>, vector<16xi32>,
    %add3A_1271 = arith.addi %add3A_1266, %get3A_1270 : vector<16xi32>
    %get3A_1272 = arith.constant 13 : i32
    %get3A_1273 = arith.index_cast %get3A_1272 : i32 to index
    %get3A_1274 = arith.constant 208 : index
    %get3A_1275 = tpu.vector_load %arg12[%get3A_1273, %get3A_1274] {strides = array<i32>} : memref<16x512xi32, #tpu.memory_space<vmem>>, vector<16xi32>,
    %add3A_1276 = arith.addi %add3A_1271, %get3A_1275 : vector<16xi32>
    %get3A_1277 = arith.constant 14 : i32
    %get3A_1278 = arith.index_cast %get3A_1277 : i32 to index
    %get3A_1279 = arith.constant 208 : index
    %get3A_1280 = tpu.vector_load %arg12[%get3A_1278, %get3A_1279] {strides = array<i32>} : memref<16x512xi32, #tpu.memory_space<vmem>>, vector<16xi32>,
    %add3A_1281 = arith.addi %add3A_1276, %get3A_1280 : vector<16xi32>
    %get3A_1282 = arith.constant 15 : i32
    %get3A_1283 = arith.index_cast %get3A_1282 : i32 to index
    %get3A_1284 = arith.constant 208 : index
    %get3A_1285 = tpu.vector_load %arg12[%get3A_1283, %get3A_1284] {strides = array<i32>} : memref<16x512xi32, #tpu.memory_space<vmem>>, vector<16xi32>,
    %add3A_1286 = arith.addi %add3A_1281, %get3A_1285 : vector<16xi32>
    %swap3A_1287 = arith.constant 1 : i32
    %swap3A_1288 = arith.index_cast %swap3A_1287 : i32 to index
    %swap3A_1289 = arith.constant 80 : index
    %swap3A_1290 = tpu.vector_load %arg11[%swap3A_1288, %swap3A_1289] {strides = array<i32>} : memref<4x128xi32, #tpu.memory_space<vmem>>, vector<16xi32>,
    tpu.vector_store %arg11[%swap3A_1288, %swap3A_1289], %add3A_1286 {strides = array<i32>} : memref<4x128xi32, #tpu.memory_space<vmem>>, vector<16xi32>,
    %get3A_1291 = arith.constant 0 : i32
    %get3A_1292 = arith.index_cast %get3A_1291 : i32 to index
    %get3A_1293 = arith.constant 224 : index
    %get3A_1294 = tpu.vector_load %arg12[%get3A_1292, %get3A_1293] {strides = array<i32>} : memref<16x512xi32, #tpu.memory_space<vmem>>, vector<16xi32>,
    %get3A_1295 = arith.constant 1 : i32
    %get3A_1296 = arith.index_cast %get3A_1295 : i32 to index
    %get3A_1297 = arith.constant 224 : index
    %get3A_1298 = tpu.vector_load %arg12[%get3A_1296, %get3A_1297] {strides = array<i32>} : memref<16x512xi32, #tpu.memory_space<vmem>>, vector<16xi32>,
    %add3A_1299 = arith.addi %get3A_1294, %get3A_1298 : vector<16xi32>
    %get3A_1300 = arith.constant 2 : i32
    %get3A_1301 = arith.index_cast %get3A_1300 : i32 to index
    %get3A_1302 = arith.constant 224 : index
    %get3A_1303 = tpu.vector_load %arg12[%get3A_1301, %get3A_1302] {strides = array<i32>} : memref<16x512xi32, #tpu.memory_space<vmem>>, vector<16xi32>,
    %add3A_1304 = arith.addi %add3A_1299, %get3A_1303 : vector<16xi32>
    %get3A_1305 = arith.constant 3 : i32
    %get3A_1306 = arith.index_cast %get3A_1305 : i32 to index
    %get3A_1307 = arith.constant 224 : index
    %get3A_1308 = tpu.vector_load %arg12[%get3A_1306, %get3A_1307] {strides = array<i32>} : memref<16x512xi32, #tpu.memory_space<vmem>>, vector<16xi32>,
    %add3A_1309 = arith.addi %add3A_1304, %get3A_1308 : vector<16xi32>
    %get3A_1310 = arith.constant 4 : i32
    %get3A_1311 = arith.index_cast %get3A_1310 : i32 to index
    %get3A_1312 = arith.constant 224 : index
    %get3A_1313 = tpu.vector_load %arg12[%get3A_1311, %get3A_1312] {strides = array<i32>} : memref<16x512xi32, #tpu.memory_space<vmem>>, vector<16xi32>,
    %add3A_1314 = arith.addi %add3A_1309, %get3A_1313 : vector<16xi32>
    %get3A_1315 = arith.constant 5 : i32
    %get3A_1316 = arith.index_cast %get3A_1315 : i32 to index
    %get3A_1317 = arith.constant 224 : index
    %get3A_1318 = tpu.vector_load %arg12[%get3A_1316, %get3A_1317] {strides = array<i32>} : memref<16x512xi32, #tpu.memory_space<vmem>>, vector<16xi32>,
    %add3A_1319 = arith.addi %add3A_1314, %get3A_1318 : vector<16xi32>
    %get3A_1320 = arith.constant 6 : i32
    %get3A_1321 = arith.index_cast %get3A_1320 : i32 to index
    %get3A_1322 = arith.constant 224 : index
    %get3A_1323 = tpu.vector_load %arg12[%get3A_1321, %get3A_1322] {strides = array<i32>} : memref<16x512xi32, #tpu.memory_space<vmem>>, vector<16xi32>,
    %add3A_1324 = arith.addi %add3A_1319, %get3A_1323 : vector<16xi32>
    %get3A_1325 = arith.constant 7 : i32
    %get3A_1326 = arith.index_cast %get3A_1325 : i32 to index
    %get3A_1327 = arith.constant 224 : index
    %get3A_1328 = tpu.vector_load %arg12[%get3A_1326, %get3A_1327] {strides = array<i32>} : memref<16x512xi32, #tpu.memory_space<vmem>>, vector<16xi32>,
    %add3A_1329 = arith.addi %add3A_1324, %get3A_1328 : vector<16xi32>
    %get3A_1330 = arith.constant 8 : i32
    %get3A_1331 = arith.index_cast %get3A_1330 : i32 to index
    %get3A_1332 = arith.constant 224 : index
    %get3A_1333 = tpu.vector_load %arg12[%get3A_1331, %get3A_1332] {strides = array<i32>} : memref<16x512xi32, #tpu.memory_space<vmem>>, vector<16xi32>,
    %add3A_1334 = arith.addi %add3A_1329, %get3A_1333 : vector<16xi32>
    %get3A_1335 = arith.constant 9 : i32
    %get3A_1336 = arith.index_cast %get3A_1335 : i32 to index
    %get3A_1337 = arith.constant 224 : index
    %get3A_1338 = tpu.vector_load %arg12[%get3A_1336, %get3A_1337] {strides = array<i32>} : memref<16x512xi32, #tpu.memory_space<vmem>>, vector<16xi32>,
    %add3A_1339 = arith.addi %add3A_1334, %get3A_1338 : vector<16xi32>
    %get3A_1340 = arith.constant 10 : i32
    %get3A_1341 = arith.index_cast %get3A_1340 : i32 to index
    %get3A_1342 = arith.constant 224 : index
    %get3A_1343 = tpu.vector_load %arg12[%get3A_1341, %get3A_1342] {strides = array<i32>} : memref<16x512xi32, #tpu.memory_space<vmem>>, vector<16xi32>,
    %add3A_1344 = arith.addi %add3A_1339, %get3A_1343 : vector<16xi32>
    %get3A_1345 = arith.constant 11 : i32
    %get3A_1346 = arith.index_cast %get3A_1345 : i32 to index
    %get3A_1347 = arith.constant 224 : index
    %get3A_1348 = tpu.vector_load %arg12[%get3A_1346, %get3A_1347] {strides = array<i32>} : memref<16x512xi32, #tpu.memory_space<vmem>>, vector<16xi32>,
    %add3A_1349 = arith.addi %add3A_1344, %get3A_1348 : vector<16xi32>
    %get3A_1350 = arith.constant 12 : i32
    %get3A_1351 = arith.index_cast %get3A_1350 : i32 to index
    %get3A_1352 = arith.constant 224 : index
    %get3A_1353 = tpu.vector_load %arg12[%get3A_1351, %get3A_1352] {strides = array<i32>} : memref<16x512xi32, #tpu.memory_space<vmem>>, vector<16xi32>,
    %add3A_1354 = arith.addi %add3A_1349, %get3A_1353 : vector<16xi32>
    %get3A_1355 = arith.constant 13 : i32
    %get3A_1356 = arith.index_cast %get3A_1355 : i32 to index
    %get3A_1357 = arith.constant 224 : index
    %get3A_1358 = tpu.vector_load %arg12[%get3A_1356, %get3A_1357] {strides = array<i32>} : memref<16x512xi32, #tpu.memory_space<vmem>>, vector<16xi32>,
    %add3A_1359 = arith.addi %add3A_1354, %get3A_1358 : vector<16xi32>
    %get3A_1360 = arith.constant 14 : i32
    %get3A_1361 = arith.index_cast %get3A_1360 : i32 to index
    %get3A_1362 = arith.constant 224 : index
    %get3A_1363 = tpu.vector_load %arg12[%get3A_1361, %get3A_1362] {strides = array<i32>} : memref<16x512xi32, #tpu.memory_space<vmem>>, vector<16xi32>,
    %add3A_1364 = arith.addi %add3A_1359, %get3A_1363 : vector<16xi32>
    %get3A_1365 = arith.constant 15 : i32
    %get3A_1366 = arith.index_cast %get3A_1365 : i32 to index
    %get3A_1367 = arith.constant 224 : index
    %get3A_1368 = tpu.vector_load %arg12[%get3A_1366, %get3A_1367] {strides = array<i32>} : memref<16x512xi32, #tpu.memory_space<vmem>>, vector<16xi32>,
    %add3A_1369 = arith.addi %add3A_1364, %get3A_1368 : vector<16xi32>
    %swap3A_1370 = arith.constant 1 : i32
    %swap3A_1371 = arith.index_cast %swap3A_1370 : i32 to index
    %swap3A_1372 = arith.constant 96 : index
    %swap3A_1373 = tpu.vector_load %arg11[%swap3A_1371, %swap3A_1372] {strides = array<i32>} : memref<4x128xi32, #tpu.memory_space<vmem>>, vector<16xi32>,
    tpu.vector_store %arg11[%swap3A_1371, %swap3A_1372], %add3A_1369 {strides = array<i32>} : memref<4x128xi32, #tpu.memory_space<vmem>>, vector<16xi32>,
    %get3A_1374 = arith.constant 0 : i32
    %get3A_1375 = arith.index_cast %get3A_1374 : i32 to index
    %get3A_1376 = arith.constant 240 : index
    %get3A_1377 = tpu.vector_load %arg12[%get3A_1375, %get3A_1376] {strides = array<i32>} : memref<16x512xi32, #tpu.memory_space<vmem>>, vector<16xi32>,
    %get3A_1378 = arith.constant 1 : i32
    %get3A_1379 = arith.index_cast %get3A_1378 : i32 to index
    %get3A_1380 = arith.constant 240 : index
    %get3A_1381 = tpu.vector_load %arg12[%get3A_1379, %get3A_1380] {strides = array<i32>} : memref<16x512xi32, #tpu.memory_space<vmem>>, vector<16xi32>,
    %add3A_1382 = arith.addi %get3A_1377, %get3A_1381 : vector<16xi32>
    %get3A_1383 = arith.constant 2 : i32
    %get3A_1384 = arith.index_cast %get3A_1383 : i32 to index
    %get3A_1385 = arith.constant 240 : index
    %get3A_1386 = tpu.vector_load %arg12[%get3A_1384, %get3A_1385] {strides = array<i32>} : memref<16x512xi32, #tpu.memory_space<vmem>>, vector<16xi32>,
    %add3A_1387 = arith.addi %add3A_1382, %get3A_1386 : vector<16xi32>
    %get3A_1388 = arith.constant 3 : i32
    %get3A_1389 = arith.index_cast %get3A_1388 : i32 to index
    %get3A_1390 = arith.constant 240 : index
    %get3A_1391 = tpu.vector_load %arg12[%get3A_1389, %get3A_1390] {strides = array<i32>} : memref<16x512xi32, #tpu.memory_space<vmem>>, vector<16xi32>,
    %add3A_1392 = arith.addi %add3A_1387, %get3A_1391 : vector<16xi32>
    %get3A_1393 = arith.constant 4 : i32
    %get3A_1394 = arith.index_cast %get3A_1393 : i32 to index
    %get3A_1395 = arith.constant 240 : index
    %get3A_1396 = tpu.vector_load %arg12[%get3A_1394, %get3A_1395] {strides = array<i32>} : memref<16x512xi32, #tpu.memory_space<vmem>>, vector<16xi32>,
    %add3A_1397 = arith.addi %add3A_1392, %get3A_1396 : vector<16xi32>
    %get3A_1398 = arith.constant 5 : i32
    %get3A_1399 = arith.index_cast %get3A_1398 : i32 to index
    %get3A_1400 = arith.constant 240 : index
    %get3A_1401 = tpu.vector_load %arg12[%get3A_1399, %get3A_1400] {strides = array<i32>} : memref<16x512xi32, #tpu.memory_space<vmem>>, vector<16xi32>,
    %add3A_1402 = arith.addi %add3A_1397, %get3A_1401 : vector<16xi32>
    %get3A_1403 = arith.constant 6 : i32
    %get3A_1404 = arith.index_cast %get3A_1403 : i32 to index
    %get3A_1405 = arith.constant 240 : index
    %get3A_1406 = tpu.vector_load %arg12[%get3A_1404, %get3A_1405] {strides = array<i32>} : memref<16x512xi32, #tpu.memory_space<vmem>>, vector<16xi32>,
    %add3A_1407 = arith.addi %add3A_1402, %get3A_1406 : vector<16xi32>
    %get3A_1408 = arith.constant 7 : i32
    %get3A_1409 = arith.index_cast %get3A_1408 : i32 to index
    %get3A_1410 = arith.constant 240 : index
    %get3A_1411 = tpu.vector_load %arg12[%get3A_1409, %get3A_1410] {strides = array<i32>} : memref<16x512xi32, #tpu.memory_space<vmem>>, vector<16xi32>,
    %add3A_1412 = arith.addi %add3A_1407, %get3A_1411 : vector<16xi32>
    %get3A_1413 = arith.constant 8 : i32
    %get3A_1414 = arith.index_cast %get3A_1413 : i32 to index
    %get3A_1415 = arith.constant 240 : index
    %get3A_1416 = tpu.vector_load %arg12[%get3A_1414, %get3A_1415] {strides = array<i32>} : memref<16x512xi32, #tpu.memory_space<vmem>>, vector<16xi32>,
    %add3A_1417 = arith.addi %add3A_1412, %get3A_1416 : vector<16xi32>
    %get3A_1418 = arith.constant 9 : i32
    %get3A_1419 = arith.index_cast %get3A_1418 : i32 to index
    %get3A_1420 = arith.constant 240 : index
    %get3A_1421 = tpu.vector_load %arg12[%get3A_1419, %get3A_1420] {strides = array<i32>} : memref<16x512xi32, #tpu.memory_space<vmem>>, vector<16xi32>,
    %add3A_1422 = arith.addi %add3A_1417, %get3A_1421 : vector<16xi32>
    %get3A_1423 = arith.constant 10 : i32
    %get3A_1424 = arith.index_cast %get3A_1423 : i32 to index
    %get3A_1425 = arith.constant 240 : index
    %get3A_1426 = tpu.vector_load %arg12[%get3A_1424, %get3A_1425] {strides = array<i32>} : memref<16x512xi32, #tpu.memory_space<vmem>>, vector<16xi32>,
    %add3A_1427 = arith.addi %add3A_1422, %get3A_1426 : vector<16xi32>
    %get3A_1428 = arith.constant 11 : i32
    %get3A_1429 = arith.index_cast %get3A_1428 : i32 to index
    %get3A_1430 = arith.constant 240 : index
    %get3A_1431 = tpu.vector_load %arg12[%get3A_1429, %get3A_1430] {strides = array<i32>} : memref<16x512xi32, #tpu.memory_space<vmem>>, vector<16xi32>,
    %add3A_1432 = arith.addi %add3A_1427, %get3A_1431 : vector<16xi32>
    %get3A_1433 = arith.constant 12 : i32
    %get3A_1434 = arith.index_cast %get3A_1433 : i32 to index
    %get3A_1435 = arith.constant 240 : index
    %get3A_1436 = tpu.vector_load %arg12[%get3A_1434, %get3A_1435] {strides = array<i32>} : memref<16x512xi32, #tpu.memory_space<vmem>>, vector<16xi32>,
    %add3A_1437 = arith.addi %add3A_1432, %get3A_1436 : vector<16xi32>
    %get3A_1438 = arith.constant 13 : i32
    %get3A_1439 = arith.index_cast %get3A_1438 : i32 to index
    %get3A_1440 = arith.constant 240 : index
    %get3A_1441 = tpu.vector_load %arg12[%get3A_1439, %get3A_1440] {strides = array<i32>} : memref<16x512xi32, #tpu.memory_space<vmem>>, vector<16xi32>,
    %add3A_1442 = arith.addi %add3A_1437, %get3A_1441 : vector<16xi32>
    %get3A_1443 = arith.constant 14 : i32
    %get3A_1444 = arith.index_cast %get3A_1443 : i32 to index
    %get3A_1445 = arith.constant 240 : index
    %get3A_1446 = tpu.vector_load %arg12[%get3A_1444, %get3A_1445] {strides = array<i32>} : memref<16x512xi32, #tpu.memory_space<vmem>>, vector<16xi32>,
    %add3A_1447 = arith.addi %add3A_1442, %get3A_1446 : vector<16xi32>
    %get3A_1448 = arith.constant 15 : i32
    %get3A_1449 = arith.index_cast %get3A_1448 : i32 to index
    %get3A_1450 = arith.constant 240 : index
    %get3A_1451 = tpu.vector_load %arg12[%get3A_1449, %get3A_1450] {strides = array<i32>} : memref<16x512xi32, #tpu.memory_space<vmem>>, vector<16xi32>,
    %add3A_1452 = arith.addi %add3A_1447, %get3A_1451 : vector<16xi32>
    %swap3A_1453 = arith.constant 1 : i32
    %swap3A_1454 = arith.index_cast %swap3A_1453 : i32 to index
    %swap3A_1455 = arith.constant 112 : index
    %swap3A_1456 = tpu.vector_load %arg11[%swap3A_1454, %swap3A_1455] {strides = array<i32>} : memref<4x128xi32, #tpu.memory_space<vmem>>, vector<16xi32>,
    tpu.vector_store %arg11[%swap3A_1454, %swap3A_1455], %add3A_1452 {strides = array<i32>} : memref<4x128xi32, #tpu.memory_space<vmem>>, vector<16xi32>,
    %dma_start3A_1457 = arith.constant 1 : i32
    %dma_start3A_1458 = arith.constant 1 : i32
    %dma_start3A_1459 = arith.constant 128 : i32
    %dma_start3A_1460 = arith.constant 0 : i32
    %dma_start3A_1461 = tpu.memref_slice %arg14[%dma_start3A_1459, %dma_start3A_1460] : memref<512x128xf32, #tpu.memory_space<vmem>> -> memref<128x128xf32, #tpu.memory_space<vmem>>
    %dma_start3A_1462 = arith.constant 0 : i32
    %dma_start3A_1463 = tpu.memref_slice %arg11[%dma_start3A_1457, %dma_start3A_1462] : memref<4x128xi32, #tpu.memory_space<vmem>> -> memref<1x128xi32, #tpu.memory_space<vmem>>
    %dma_start3A_1464 = tpu.memref_squeeze %dma_start3A_1463 : memref<1x128xi32, #tpu.memory_space<vmem>> -> memref<128xi32, #tpu.memory_space<vmem>>
    %dma_start3A_1465 = arith.constant 0 : i32
    %dma_start3A_1466 = arith.constant 0 : i32
    %dma_start3A_1467 = tpu.memref_slice %arg2[%dma_start3A_1465, %dma_start3A_1466] : memref<16384x128xf32, #tpu.memory_space<hbm>> -> memref<16384x128xf32, #tpu.memory_space<hbm>>
    %dma_start3A_1468 = tpu.memref_slice %arg18[%dma_start3A_1458] : memref<4x!tpu.dma_semaphore, #tpu.memory_space<semaphore_mem>> -> memref<1x!tpu.dma_semaphore, #tpu.memory_space<semaphore_mem>>
    %dma_start3A_1469 = tpu.memref_squeeze %dma_start3A_1468 : memref<1x!tpu.dma_semaphore, #tpu.memory_space<semaphore_mem>> -> memref<!tpu.dma_semaphore, #tpu.memory_space<semaphore_mem>>
    tpu.enqueue_indirect_dma source(%dma_start3A_1467 : memref<16384x128xf32, #tpu.memory_space<hbm>>) target(%dma_start3A_1461 : memref<128x128xf32, #tpu.memory_space<vmem>>) offsets(%dma_start3A_1464 : memref<128xi32, #tpu.memory_space<vmem>>) semaphore(%dma_start3A_1469 : memref<!tpu.dma_semaphore, #tpu.memory_space<semaphore_mem>>)
    %get3A_1470 = arith.constant 1 : i32
    %get3A_1471 = arith.index_cast %get3A_1470 : i32 to index
    %get3A_1472 = arith.constant 0 : index
    %get3A_1473 = tpu.vector_load %arg11[%get3A_1471, %get3A_1472] {strides = array<i32>} : memref<4x128xi32, #tpu.memory_space<vmem>>, vector<16xi32>,
    %gather3A_1474 = tpu.vector_load_idx %arg13[%get3A_1473] : memref<16384xf32, #tpu.memory_space<vmem>>[vector<16xi32>], vector<16xf32>,
    %swap3A_1475 = arith.constant 1 : i32
    %swap3A_1476 = arith.index_cast %swap3A_1475 : i32 to index
    %swap3A_1477 = arith.constant 0 : index
    %swap3A_1478 = tpu.vector_load %arg15[%swap3A_1476, %swap3A_1477] {strides = array<i32>} : memref<4x128xf32, #tpu.memory_space<vmem>>, vector<16xf32>,
    tpu.vector_store %arg15[%swap3A_1476, %swap3A_1477], %gather3A_1474 {strides = array<i32>} : memref<4x128xf32, #tpu.memory_space<vmem>>, vector<16xf32>,
    %get3A_1479 = arith.constant 1 : i32
    %get3A_1480 = arith.index_cast %get3A_1479 : i32 to index
    %get3A_1481 = arith.constant 16 : index
    %get3A_1482 = tpu.vector_load %arg11[%get3A_1480, %get3A_1481] {strides = array<i32>} : memref<4x128xi32, #tpu.memory_space<vmem>>, vector<16xi32>,
    %gather3A_1483 = tpu.vector_load_idx %arg13[%get3A_1482] : memref<16384xf32, #tpu.memory_space<vmem>>[vector<16xi32>], vector<16xf32>,
    %swap3A_1484 = arith.constant 1 : i32
    %swap3A_1485 = arith.index_cast %swap3A_1484 : i32 to index
    %swap3A_1486 = arith.constant 16 : index
    %swap3A_1487 = tpu.vector_load %arg15[%swap3A_1485, %swap3A_1486] {strides = array<i32>} : memref<4x128xf32, #tpu.memory_space<vmem>>, vector<16xf32>,
    tpu.vector_store %arg15[%swap3A_1485, %swap3A_1486], %gather3A_1483 {strides = array<i32>} : memref<4x128xf32, #tpu.memory_space<vmem>>, vector<16xf32>,
    %get3A_1488 = arith.constant 1 : i32
    %get3A_1489 = arith.index_cast %get3A_1488 : i32 to index
    %get3A_1490 = arith.constant 32 : index
    %get3A_1491 = tpu.vector_load %arg11[%get3A_1489, %get3A_1490] {strides = array<i32>} : memref<4x128xi32, #tpu.memory_space<vmem>>, vector<16xi32>,
    %gather3A_1492 = tpu.vector_load_idx %arg13[%get3A_1491] : memref<16384xf32, #tpu.memory_space<vmem>>[vector<16xi32>], vector<16xf32>,
    %swap3A_1493 = arith.constant 1 : i32
    %swap3A_1494 = arith.index_cast %swap3A_1493 : i32 to index
    %swap3A_1495 = arith.constant 32 : index
    %swap3A_1496 = tpu.vector_load %arg15[%swap3A_1494, %swap3A_1495] {strides = array<i32>} : memref<4x128xf32, #tpu.memory_space<vmem>>, vector<16xf32>,
    tpu.vector_store %arg15[%swap3A_1494, %swap3A_1495], %gather3A_1492 {strides = array<i32>} : memref<4x128xf32, #tpu.memory_space<vmem>>, vector<16xf32>,
    %get3A_1497 = arith.constant 1 : i32
    %get3A_1498 = arith.index_cast %get3A_1497 : i32 to index
    %get3A_1499 = arith.constant 48 : index
    %get3A_1500 = tpu.vector_load %arg11[%get3A_1498, %get3A_1499] {strides = array<i32>} : memref<4x128xi32, #tpu.memory_space<vmem>>, vector<16xi32>,
    %gather3A_1501 = tpu.vector_load_idx %arg13[%get3A_1500] : memref<16384xf32, #tpu.memory_space<vmem>>[vector<16xi32>], vector<16xf32>,
    %swap3A_1502 = arith.constant 1 : i32
    %swap3A_1503 = arith.index_cast %swap3A_1502 : i32 to index
    %swap3A_1504 = arith.constant 48 : index
    %swap3A_1505 = tpu.vector_load %arg15[%swap3A_1503, %swap3A_1504] {strides = array<i32>} : memref<4x128xf32, #tpu.memory_space<vmem>>, vector<16xf32>,
    tpu.vector_store %arg15[%swap3A_1503, %swap3A_1504], %gather3A_1501 {strides = array<i32>} : memref<4x128xf32, #tpu.memory_space<vmem>>, vector<16xf32>,
    %get3A_1506 = arith.constant 1 : i32
    %get3A_1507 = arith.index_cast %get3A_1506 : i32 to index
    %get3A_1508 = arith.constant 64 : index
    %get3A_1509 = tpu.vector_load %arg11[%get3A_1507, %get3A_1508] {strides = array<i32>} : memref<4x128xi32, #tpu.memory_space<vmem>>, vector<16xi32>,
    %gather3A_1510 = tpu.vector_load_idx %arg13[%get3A_1509] : memref<16384xf32, #tpu.memory_space<vmem>>[vector<16xi32>], vector<16xf32>,
    %swap3A_1511 = arith.constant 1 : i32
    %swap3A_1512 = arith.index_cast %swap3A_1511 : i32 to index
    %swap3A_1513 = arith.constant 64 : index
    %swap3A_1514 = tpu.vector_load %arg15[%swap3A_1512, %swap3A_1513] {strides = array<i32>} : memref<4x128xf32, #tpu.memory_space<vmem>>, vector<16xf32>,
    tpu.vector_store %arg15[%swap3A_1512, %swap3A_1513], %gather3A_1510 {strides = array<i32>} : memref<4x128xf32, #tpu.memory_space<vmem>>, vector<16xf32>,
    %get3A_1515 = arith.constant 1 : i32
    %get3A_1516 = arith.index_cast %get3A_1515 : i32 to index
    %get3A_1517 = arith.constant 80 : index
    %get3A_1518 = tpu.vector_load %arg11[%get3A_1516, %get3A_1517] {strides = array<i32>} : memref<4x128xi32, #tpu.memory_space<vmem>>, vector<16xi32>,
    %gather3A_1519 = tpu.vector_load_idx %arg13[%get3A_1518] : memref<16384xf32, #tpu.memory_space<vmem>>[vector<16xi32>], vector<16xf32>,
    %swap3A_1520 = arith.constant 1 : i32
    %swap3A_1521 = arith.index_cast %swap3A_1520 : i32 to index
    %swap3A_1522 = arith.constant 80 : index
    %swap3A_1523 = tpu.vector_load %arg15[%swap3A_1521, %swap3A_1522] {strides = array<i32>} : memref<4x128xf32, #tpu.memory_space<vmem>>, vector<16xf32>,
    tpu.vector_store %arg15[%swap3A_1521, %swap3A_1522], %gather3A_1519 {strides = array<i32>} : memref<4x128xf32, #tpu.memory_space<vmem>>, vector<16xf32>,
    %get3A_1524 = arith.constant 1 : i32
    %get3A_1525 = arith.index_cast %get3A_1524 : i32 to index
    %get3A_1526 = arith.constant 96 : index
    %get3A_1527 = tpu.vector_load %arg11[%get3A_1525, %get3A_1526] {strides = array<i32>} : memref<4x128xi32, #tpu.memory_space<vmem>>, vector<16xi32>,
    %gather3A_1528 = tpu.vector_load_idx %arg13[%get3A_1527] : memref<16384xf32, #tpu.memory_space<vmem>>[vector<16xi32>], vector<16xf32>,
    %swap3A_1529 = arith.constant 1 : i32
    %swap3A_1530 = arith.index_cast %swap3A_1529 : i32 to index
    %swap3A_1531 = arith.constant 96 : index
    %swap3A_1532 = tpu.vector_load %arg15[%swap3A_1530, %swap3A_1531] {strides = array<i32>} : memref<4x128xf32, #tpu.memory_space<vmem>>, vector<16xf32>,
    tpu.vector_store %arg15[%swap3A_1530, %swap3A_1531], %gather3A_1528 {strides = array<i32>} : memref<4x128xf32, #tpu.memory_space<vmem>>, vector<16xf32>,
    %get3A_1533 = arith.constant 1 : i32
    %get3A_1534 = arith.index_cast %get3A_1533 : i32 to index
    %get3A_1535 = arith.constant 112 : index
    %get3A_1536 = tpu.vector_load %arg11[%get3A_1534, %get3A_1535] {strides = array<i32>} : memref<4x128xi32, #tpu.memory_space<vmem>>, vector<16xi32>,
    %gather3A_1537 = tpu.vector_load_idx %arg13[%get3A_1536] : memref<16384xf32, #tpu.memory_space<vmem>>[vector<16xi32>], vector<16xf32>,
    %swap3A_1538 = arith.constant 1 : i32
    %swap3A_1539 = arith.index_cast %swap3A_1538 : i32 to index
    %swap3A_1540 = arith.constant 112 : index
    %swap3A_1541 = tpu.vector_load %arg15[%swap3A_1539, %swap3A_1540] {strides = array<i32>} : memref<4x128xf32, #tpu.memory_space<vmem>>, vector<16xf32>,
    tpu.vector_store %arg15[%swap3A_1539, %swap3A_1540], %gather3A_1537 {strides = array<i32>} : memref<4x128xf32, #tpu.memory_space<vmem>>, vector<16xf32>,
    %get3A_1542 = arith.constant 0 : i32
    %get3A_1543 = arith.index_cast %get3A_1542 : i32 to index
    %get3A_1544 = arith.constant 256 : index
    %get3A_1545 = tpu.vector_load %arg12[%get3A_1543, %get3A_1544] {strides = array<i32>} : memref<16x512xi32, #tpu.memory_space<vmem>>, vector<16xi32>,
    %get3A_1546 = arith.constant 1 : i32
    %get3A_1547 = arith.index_cast %get3A_1546 : i32 to index
    %get3A_1548 = arith.constant 256 : index
    %get3A_1549 = tpu.vector_load %arg12[%get3A_1547, %get3A_1548] {strides = array<i32>} : memref<16x512xi32, #tpu.memory_space<vmem>>, vector<16xi32>,
    %add3A_1550 = arith.addi %get3A_1545, %get3A_1549 : vector<16xi32>
    %get3A_1551 = arith.constant 2 : i32
    %get3A_1552 = arith.index_cast %get3A_1551 : i32 to index
    %get3A_1553 = arith.constant 256 : index
    %get3A_1554 = tpu.vector_load %arg12[%get3A_1552, %get3A_1553] {strides = array<i32>} : memref<16x512xi32, #tpu.memory_space<vmem>>, vector<16xi32>,
    %add3A_1555 = arith.addi %add3A_1550, %get3A_1554 : vector<16xi32>
    %get3A_1556 = arith.constant 3 : i32
    %get3A_1557 = arith.index_cast %get3A_1556 : i32 to index
    %get3A_1558 = arith.constant 256 : index
    %get3A_1559 = tpu.vector_load %arg12[%get3A_1557, %get3A_1558] {strides = array<i32>} : memref<16x512xi32, #tpu.memory_space<vmem>>, vector<16xi32>,
    %add3A_1560 = arith.addi %add3A_1555, %get3A_1559 : vector<16xi32>
    %get3A_1561 = arith.constant 4 : i32
    %get3A_1562 = arith.index_cast %get3A_1561 : i32 to index
    %get3A_1563 = arith.constant 256 : index
    %get3A_1564 = tpu.vector_load %arg12[%get3A_1562, %get3A_1563] {strides = array<i32>} : memref<16x512xi32, #tpu.memory_space<vmem>>, vector<16xi32>,
    %add3A_1565 = arith.addi %add3A_1560, %get3A_1564 : vector<16xi32>
    %get3A_1566 = arith.constant 5 : i32
    %get3A_1567 = arith.index_cast %get3A_1566 : i32 to index
    %get3A_1568 = arith.constant 256 : index
    %get3A_1569 = tpu.vector_load %arg12[%get3A_1567, %get3A_1568] {strides = array<i32>} : memref<16x512xi32, #tpu.memory_space<vmem>>, vector<16xi32>,
    %add3A_1570 = arith.addi %add3A_1565, %get3A_1569 : vector<16xi32>
    %get3A_1571 = arith.constant 6 : i32
    %get3A_1572 = arith.index_cast %get3A_1571 : i32 to index
    %get3A_1573 = arith.constant 256 : index
    %get3A_1574 = tpu.vector_load %arg12[%get3A_1572, %get3A_1573] {strides = array<i32>} : memref<16x512xi32, #tpu.memory_space<vmem>>, vector<16xi32>,
    %add3A_1575 = arith.addi %add3A_1570, %get3A_1574 : vector<16xi32>
    %get3A_1576 = arith.constant 7 : i32
    %get3A_1577 = arith.index_cast %get3A_1576 : i32 to index
    %get3A_1578 = arith.constant 256 : index
    %get3A_1579 = tpu.vector_load %arg12[%get3A_1577, %get3A_1578] {strides = array<i32>} : memref<16x512xi32, #tpu.memory_space<vmem>>, vector<16xi32>,
    %add3A_1580 = arith.addi %add3A_1575, %get3A_1579 : vector<16xi32>
    %get3A_1581 = arith.constant 8 : i32
    %get3A_1582 = arith.index_cast %get3A_1581 : i32 to index
    %get3A_1583 = arith.constant 256 : index
    %get3A_1584 = tpu.vector_load %arg12[%get3A_1582, %get3A_1583] {strides = array<i32>} : memref<16x512xi32, #tpu.memory_space<vmem>>, vector<16xi32>,
    %add3A_1585 = arith.addi %add3A_1580, %get3A_1584 : vector<16xi32>
    %get3A_1586 = arith.constant 9 : i32
    %get3A_1587 = arith.index_cast %get3A_1586 : i32 to index
    %get3A_1588 = arith.constant 256 : index
    %get3A_1589 = tpu.vector_load %arg12[%get3A_1587, %get3A_1588] {strides = array<i32>} : memref<16x512xi32, #tpu.memory_space<vmem>>, vector<16xi32>,
    %add3A_1590 = arith.addi %add3A_1585, %get3A_1589 : vector<16xi32>
    %get3A_1591 = arith.constant 10 : i32
    %get3A_1592 = arith.index_cast %get3A_1591 : i32 to index
    %get3A_1593 = arith.constant 256 : index
    %get3A_1594 = tpu.vector_load %arg12[%get3A_1592, %get3A_1593] {strides = array<i32>} : memref<16x512xi32, #tpu.memory_space<vmem>>, vector<16xi32>,
    %add3A_1595 = arith.addi %add3A_1590, %get3A_1594 : vector<16xi32>
    %get3A_1596 = arith.constant 11 : i32
    %get3A_1597 = arith.index_cast %get3A_1596 : i32 to index
    %get3A_1598 = arith.constant 256 : index
    %get3A_1599 = tpu.vector_load %arg12[%get3A_1597, %get3A_1598] {strides = array<i32>} : memref<16x512xi32, #tpu.memory_space<vmem>>, vector<16xi32>,
    %add3A_1600 = arith.addi %add3A_1595, %get3A_1599 : vector<16xi32>
    %get3A_1601 = arith.constant 12 : i32
    %get3A_1602 = arith.index_cast %get3A_1601 : i32 to index
    %get3A_1603 = arith.constant 256 : index
    %get3A_1604 = tpu.vector_load %arg12[%get3A_1602, %get3A_1603] {strides = array<i32>} : memref<16x512xi32, #tpu.memory_space<vmem>>, vector<16xi32>,
    %add3A_1605 = arith.addi %add3A_1600, %get3A_1604 : vector<16xi32>
    %get3A_1606 = arith.constant 13 : i32
    %get3A_1607 = arith.index_cast %get3A_1606 : i32 to index
    %get3A_1608 = arith.constant 256 : index
    %get3A_1609 = tpu.vector_load %arg12[%get3A_1607, %get3A_1608] {strides = array<i32>} : memref<16x512xi32, #tpu.memory_space<vmem>>, vector<16xi32>,
    %add3A_1610 = arith.addi %add3A_1605, %get3A_1609 : vector<16xi32>
    %get3A_1611 = arith.constant 14 : i32
    %get3A_1612 = arith.index_cast %get3A_1611 : i32 to index
    %get3A_1613 = arith.constant 256 : index
    %get3A_1614 = tpu.vector_load %arg12[%get3A_1612, %get3A_1613] {strides = array<i32>} : memref<16x512xi32, #tpu.memory_space<vmem>>, vector<16xi32>,
    %add3A_1615 = arith.addi %add3A_1610, %get3A_1614 : vector<16xi32>
    %get3A_1616 = arith.constant 15 : i32
    %get3A_1617 = arith.index_cast %get3A_1616 : i32 to index
    %get3A_1618 = arith.constant 256 : index
    %get3A_1619 = tpu.vector_load %arg12[%get3A_1617, %get3A_1618] {strides = array<i32>} : memref<16x512xi32, #tpu.memory_space<vmem>>, vector<16xi32>,
    %add3A_1620 = arith.addi %add3A_1615, %get3A_1619 : vector<16xi32>
    %swap3A_1621 = arith.constant 2 : i32
    %swap3A_1622 = arith.index_cast %swap3A_1621 : i32 to index
    %swap3A_1623 = arith.constant 0 : index
    %swap3A_1624 = tpu.vector_load %arg11[%swap3A_1622, %swap3A_1623] {strides = array<i32>} : memref<4x128xi32, #tpu.memory_space<vmem>>, vector<16xi32>,
    tpu.vector_store %arg11[%swap3A_1622, %swap3A_1623], %add3A_1620 {strides = array<i32>} : memref<4x128xi32, #tpu.memory_space<vmem>>, vector<16xi32>,
    %get3A_1625 = arith.constant 0 : i32
    %get3A_1626 = arith.index_cast %get3A_1625 : i32 to index
    %get3A_1627 = arith.constant 272 : index
    %get3A_1628 = tpu.vector_load %arg12[%get3A_1626, %get3A_1627] {strides = array<i32>} : memref<16x512xi32, #tpu.memory_space<vmem>>, vector<16xi32>,
    %get3A_1629 = arith.constant 1 : i32
    %get3A_1630 = arith.index_cast %get3A_1629 : i32 to index
    %get3A_1631 = arith.constant 272 : index
    %get3A_1632 = tpu.vector_load %arg12[%get3A_1630, %get3A_1631] {strides = array<i32>} : memref<16x512xi32, #tpu.memory_space<vmem>>, vector<16xi32>,
    %add3A_1633 = arith.addi %get3A_1628, %get3A_1632 : vector<16xi32>
    %get3A_1634 = arith.constant 2 : i32
    %get3A_1635 = arith.index_cast %get3A_1634 : i32 to index
    %get3A_1636 = arith.constant 272 : index
    %get3A_1637 = tpu.vector_load %arg12[%get3A_1635, %get3A_1636] {strides = array<i32>} : memref<16x512xi32, #tpu.memory_space<vmem>>, vector<16xi32>,
    %add3A_1638 = arith.addi %add3A_1633, %get3A_1637 : vector<16xi32>
    %get3A_1639 = arith.constant 3 : i32
    %get3A_1640 = arith.index_cast %get3A_1639 : i32 to index
    %get3A_1641 = arith.constant 272 : index
    %get3A_1642 = tpu.vector_load %arg12[%get3A_1640, %get3A_1641] {strides = array<i32>} : memref<16x512xi32, #tpu.memory_space<vmem>>, vector<16xi32>,
    %add3A_1643 = arith.addi %add3A_1638, %get3A_1642 : vector<16xi32>
    %get3A_1644 = arith.constant 4 : i32
    %get3A_1645 = arith.index_cast %get3A_1644 : i32 to index
    %get3A_1646 = arith.constant 272 : index
    %get3A_1647 = tpu.vector_load %arg12[%get3A_1645, %get3A_1646] {strides = array<i32>} : memref<16x512xi32, #tpu.memory_space<vmem>>, vector<16xi32>,
    %add3A_1648 = arith.addi %add3A_1643, %get3A_1647 : vector<16xi32>
    %get3A_1649 = arith.constant 5 : i32
    %get3A_1650 = arith.index_cast %get3A_1649 : i32 to index
    %get3A_1651 = arith.constant 272 : index
    %get3A_1652 = tpu.vector_load %arg12[%get3A_1650, %get3A_1651] {strides = array<i32>} : memref<16x512xi32, #tpu.memory_space<vmem>>, vector<16xi32>,
    %add3A_1653 = arith.addi %add3A_1648, %get3A_1652 : vector<16xi32>
    %get3A_1654 = arith.constant 6 : i32
    %get3A_1655 = arith.index_cast %get3A_1654 : i32 to index
    %get3A_1656 = arith.constant 272 : index
    %get3A_1657 = tpu.vector_load %arg12[%get3A_1655, %get3A_1656] {strides = array<i32>} : memref<16x512xi32, #tpu.memory_space<vmem>>, vector<16xi32>,
    %add3A_1658 = arith.addi %add3A_1653, %get3A_1657 : vector<16xi32>
    %get3A_1659 = arith.constant 7 : i32
    %get3A_1660 = arith.index_cast %get3A_1659 : i32 to index
    %get3A_1661 = arith.constant 272 : index
    %get3A_1662 = tpu.vector_load %arg12[%get3A_1660, %get3A_1661] {strides = array<i32>} : memref<16x512xi32, #tpu.memory_space<vmem>>, vector<16xi32>,
    %add3A_1663 = arith.addi %add3A_1658, %get3A_1662 : vector<16xi32>
    %get3A_1664 = arith.constant 8 : i32
    %get3A_1665 = arith.index_cast %get3A_1664 : i32 to index
    %get3A_1666 = arith.constant 272 : index
    %get3A_1667 = tpu.vector_load %arg12[%get3A_1665, %get3A_1666] {strides = array<i32>} : memref<16x512xi32, #tpu.memory_space<vmem>>, vector<16xi32>,
    %add3A_1668 = arith.addi %add3A_1663, %get3A_1667 : vector<16xi32>
    %get3A_1669 = arith.constant 9 : i32
    %get3A_1670 = arith.index_cast %get3A_1669 : i32 to index
    %get3A_1671 = arith.constant 272 : index
    %get3A_1672 = tpu.vector_load %arg12[%get3A_1670, %get3A_1671] {strides = array<i32>} : memref<16x512xi32, #tpu.memory_space<vmem>>, vector<16xi32>,
    %add3A_1673 = arith.addi %add3A_1668, %get3A_1672 : vector<16xi32>
    %get3A_1674 = arith.constant 10 : i32
    %get3A_1675 = arith.index_cast %get3A_1674 : i32 to index
    %get3A_1676 = arith.constant 272 : index
    %get3A_1677 = tpu.vector_load %arg12[%get3A_1675, %get3A_1676] {strides = array<i32>} : memref<16x512xi32, #tpu.memory_space<vmem>>, vector<16xi32>,
    %add3A_1678 = arith.addi %add3A_1673, %get3A_1677 : vector<16xi32>
    %get3A_1679 = arith.constant 11 : i32
    %get3A_1680 = arith.index_cast %get3A_1679 : i32 to index
    %get3A_1681 = arith.constant 272 : index
    %get3A_1682 = tpu.vector_load %arg12[%get3A_1680, %get3A_1681] {strides = array<i32>} : memref<16x512xi32, #tpu.memory_space<vmem>>, vector<16xi32>,
    %add3A_1683 = arith.addi %add3A_1678, %get3A_1682 : vector<16xi32>
    %get3A_1684 = arith.constant 12 : i32
    %get3A_1685 = arith.index_cast %get3A_1684 : i32 to index
    %get3A_1686 = arith.constant 272 : index
    %get3A_1687 = tpu.vector_load %arg12[%get3A_1685, %get3A_1686] {strides = array<i32>} : memref<16x512xi32, #tpu.memory_space<vmem>>, vector<16xi32>,
    %add3A_1688 = arith.addi %add3A_1683, %get3A_1687 : vector<16xi32>
    %get3A_1689 = arith.constant 13 : i32
    %get3A_1690 = arith.index_cast %get3A_1689 : i32 to index
    %get3A_1691 = arith.constant 272 : index
    %get3A_1692 = tpu.vector_load %arg12[%get3A_1690, %get3A_1691] {strides = array<i32>} : memref<16x512xi32, #tpu.memory_space<vmem>>, vector<16xi32>,
    %add3A_1693 = arith.addi %add3A_1688, %get3A_1692 : vector<16xi32>
    %get3A_1694 = arith.constant 14 : i32
    %get3A_1695 = arith.index_cast %get3A_1694 : i32 to index
    %get3A_1696 = arith.constant 272 : index
    %get3A_1697 = tpu.vector_load %arg12[%get3A_1695, %get3A_1696] {strides = array<i32>} : memref<16x512xi32, #tpu.memory_space<vmem>>, vector<16xi32>,
    %add3A_1698 = arith.addi %add3A_1693, %get3A_1697 : vector<16xi32>
    %get3A_1699 = arith.constant 15 : i32
    %get3A_1700 = arith.index_cast %get3A_1699 : i32 to index
    %get3A_1701 = arith.constant 272 : index
    %get3A_1702 = tpu.vector_load %arg12[%get3A_1700, %get3A_1701] {strides = array<i32>} : memref<16x512xi32, #tpu.memory_space<vmem>>, vector<16xi32>,
    %add3A_1703 = arith.addi %add3A_1698, %get3A_1702 : vector<16xi32>
    %swap3A_1704 = arith.constant 2 : i32
    %swap3A_1705 = arith.index_cast %swap3A_1704 : i32 to index
    %swap3A_1706 = arith.constant 16 : index
    %swap3A_1707 = tpu.vector_load %arg11[%swap3A_1705, %swap3A_1706] {strides = array<i32>} : memref<4x128xi32, #tpu.memory_space<vmem>>, vector<16xi32>,
    tpu.vector_store %arg11[%swap3A_1705, %swap3A_1706], %add3A_1703 {strides = array<i32>} : memref<4x128xi32, #tpu.memory_space<vmem>>, vector<16xi32>,
    %get3A_1708 = arith.constant 0 : i32
    %get3A_1709 = arith.index_cast %get3A_1708 : i32 to index
    %get3A_1710 = arith.constant 288 : index
    %get3A_1711 = tpu.vector_load %arg12[%get3A_1709, %get3A_1710] {strides = array<i32>} : memref<16x512xi32, #tpu.memory_space<vmem>>, vector<16xi32>,
    %get3A_1712 = arith.constant 1 : i32
    %get3A_1713 = arith.index_cast %get3A_1712 : i32 to index
    %get3A_1714 = arith.constant 288 : index
    %get3A_1715 = tpu.vector_load %arg12[%get3A_1713, %get3A_1714] {strides = array<i32>} : memref<16x512xi32, #tpu.memory_space<vmem>>, vector<16xi32>,
    %add3A_1716 = arith.addi %get3A_1711, %get3A_1715 : vector<16xi32>
    %get3A_1717 = arith.constant 2 : i32
    %get3A_1718 = arith.index_cast %get3A_1717 : i32 to index
    %get3A_1719 = arith.constant 288 : index
    %get3A_1720 = tpu.vector_load %arg12[%get3A_1718, %get3A_1719] {strides = array<i32>} : memref<16x512xi32, #tpu.memory_space<vmem>>, vector<16xi32>,
    %add3A_1721 = arith.addi %add3A_1716, %get3A_1720 : vector<16xi32>
    %get3A_1722 = arith.constant 3 : i32
    %get3A_1723 = arith.index_cast %get3A_1722 : i32 to index
    %get3A_1724 = arith.constant 288 : index
    %get3A_1725 = tpu.vector_load %arg12[%get3A_1723, %get3A_1724] {strides = array<i32>} : memref<16x512xi32, #tpu.memory_space<vmem>>, vector<16xi32>,
    %add3A_1726 = arith.addi %add3A_1721, %get3A_1725 : vector<16xi32>
    %get3A_1727 = arith.constant 4 : i32
    %get3A_1728 = arith.index_cast %get3A_1727 : i32 to index
    %get3A_1729 = arith.constant 288 : index
    %get3A_1730 = tpu.vector_load %arg12[%get3A_1728, %get3A_1729] {strides = array<i32>} : memref<16x512xi32, #tpu.memory_space<vmem>>, vector<16xi32>,
    %add3A_1731 = arith.addi %add3A_1726, %get3A_1730 : vector<16xi32>
    %get3A_1732 = arith.constant 5 : i32
    %get3A_1733 = arith.index_cast %get3A_1732 : i32 to index
    %get3A_1734 = arith.constant 288 : index
    %get3A_1735 = tpu.vector_load %arg12[%get3A_1733, %get3A_1734] {strides = array<i32>} : memref<16x512xi32, #tpu.memory_space<vmem>>, vector<16xi32>,
    %add3A_1736 = arith.addi %add3A_1731, %get3A_1735 : vector<16xi32>
    %get3A_1737 = arith.constant 6 : i32
    %get3A_1738 = arith.index_cast %get3A_1737 : i32 to index
    %get3A_1739 = arith.constant 288 : index
    %get3A_1740 = tpu.vector_load %arg12[%get3A_1738, %get3A_1739] {strides = array<i32>} : memref<16x512xi32, #tpu.memory_space<vmem>>, vector<16xi32>,
    %add3A_1741 = arith.addi %add3A_1736, %get3A_1740 : vector<16xi32>
    %get3A_1742 = arith.constant 7 : i32
    %get3A_1743 = arith.index_cast %get3A_1742 : i32 to index
    %get3A_1744 = arith.constant 288 : index
    %get3A_1745 = tpu.vector_load %arg12[%get3A_1743, %get3A_1744] {strides = array<i32>} : memref<16x512xi32, #tpu.memory_space<vmem>>, vector<16xi32>,
    %add3A_1746 = arith.addi %add3A_1741, %get3A_1745 : vector<16xi32>
    %get3A_1747 = arith.constant 8 : i32
    %get3A_1748 = arith.index_cast %get3A_1747 : i32 to index
    %get3A_1749 = arith.constant 288 : index
    %get3A_1750 = tpu.vector_load %arg12[%get3A_1748, %get3A_1749] {strides = array<i32>} : memref<16x512xi32, #tpu.memory_space<vmem>>, vector<16xi32>,
    %add3A_1751 = arith.addi %add3A_1746, %get3A_1750 : vector<16xi32>
    %get3A_1752 = arith.constant 9 : i32
    %get3A_1753 = arith.index_cast %get3A_1752 : i32 to index
    %get3A_1754 = arith.constant 288 : index
    %get3A_1755 = tpu.vector_load %arg12[%get3A_1753, %get3A_1754] {strides = array<i32>} : memref<16x512xi32, #tpu.memory_space<vmem>>, vector<16xi32>,
    %add3A_1756 = arith.addi %add3A_1751, %get3A_1755 : vector<16xi32>
    %get3A_1757 = arith.constant 10 : i32
    %get3A_1758 = arith.index_cast %get3A_1757 : i32 to index
    %get3A_1759 = arith.constant 288 : index
    %get3A_1760 = tpu.vector_load %arg12[%get3A_1758, %get3A_1759] {strides = array<i32>} : memref<16x512xi32, #tpu.memory_space<vmem>>, vector<16xi32>,
    %add3A_1761 = arith.addi %add3A_1756, %get3A_1760 : vector<16xi32>
    %get3A_1762 = arith.constant 11 : i32
    %get3A_1763 = arith.index_cast %get3A_1762 : i32 to index
    %get3A_1764 = arith.constant 288 : index
    %get3A_1765 = tpu.vector_load %arg12[%get3A_1763, %get3A_1764] {strides = array<i32>} : memref<16x512xi32, #tpu.memory_space<vmem>>, vector<16xi32>,
    %add3A_1766 = arith.addi %add3A_1761, %get3A_1765 : vector<16xi32>
    %get3A_1767 = arith.constant 12 : i32
    %get3A_1768 = arith.index_cast %get3A_1767 : i32 to index
    %get3A_1769 = arith.constant 288 : index
    %get3A_1770 = tpu.vector_load %arg12[%get3A_1768, %get3A_1769] {strides = array<i32>} : memref<16x512xi32, #tpu.memory_space<vmem>>, vector<16xi32>,
    %add3A_1771 = arith.addi %add3A_1766, %get3A_1770 : vector<16xi32>
    %get3A_1772 = arith.constant 13 : i32
    %get3A_1773 = arith.index_cast %get3A_1772 : i32 to index
    %get3A_1774 = arith.constant 288 : index
    %get3A_1775 = tpu.vector_load %arg12[%get3A_1773, %get3A_1774] {strides = array<i32>} : memref<16x512xi32, #tpu.memory_space<vmem>>, vector<16xi32>,
    %add3A_1776 = arith.addi %add3A_1771, %get3A_1775 : vector<16xi32>
    %get3A_1777 = arith.constant 14 : i32
    %get3A_1778 = arith.index_cast %get3A_1777 : i32 to index
    %get3A_1779 = arith.constant 288 : index
    %get3A_1780 = tpu.vector_load %arg12[%get3A_1778, %get3A_1779] {strides = array<i32>} : memref<16x512xi32, #tpu.memory_space<vmem>>, vector<16xi32>,
    %add3A_1781 = arith.addi %add3A_1776, %get3A_1780 : vector<16xi32>
    %get3A_1782 = arith.constant 15 : i32
    %get3A_1783 = arith.index_cast %get3A_1782 : i32 to index
    %get3A_1784 = arith.constant 288 : index
    %get3A_1785 = tpu.vector_load %arg12[%get3A_1783, %get3A_1784] {strides = array<i32>} : memref<16x512xi32, #tpu.memory_space<vmem>>, vector<16xi32>,
    %add3A_1786 = arith.addi %add3A_1781, %get3A_1785 : vector<16xi32>
    %swap3A_1787 = arith.constant 2 : i32
    %swap3A_1788 = arith.index_cast %swap3A_1787 : i32 to index
    %swap3A_1789 = arith.constant 32 : index
    %swap3A_1790 = tpu.vector_load %arg11[%swap3A_1788, %swap3A_1789] {strides = array<i32>} : memref<4x128xi32, #tpu.memory_space<vmem>>, vector<16xi32>,
    tpu.vector_store %arg11[%swap3A_1788, %swap3A_1789], %add3A_1786 {strides = array<i32>} : memref<4x128xi32, #tpu.memory_space<vmem>>, vector<16xi32>,
    %get3A_1791 = arith.constant 0 : i32
    %get3A_1792 = arith.index_cast %get3A_1791 : i32 to index
    %get3A_1793 = arith.constant 304 : index
    %get3A_1794 = tpu.vector_load %arg12[%get3A_1792, %get3A_1793] {strides = array<i32>} : memref<16x512xi32, #tpu.memory_space<vmem>>, vector<16xi32>,
    %get3A_1795 = arith.constant 1 : i32
    %get3A_1796 = arith.index_cast %get3A_1795 : i32 to index
    %get3A_1797 = arith.constant 304 : index
    %get3A_1798 = tpu.vector_load %arg12[%get3A_1796, %get3A_1797] {strides = array<i32>} : memref<16x512xi32, #tpu.memory_space<vmem>>, vector<16xi32>,
    %add3A_1799 = arith.addi %get3A_1794, %get3A_1798 : vector<16xi32>
    %get3A_1800 = arith.constant 2 : i32
    %get3A_1801 = arith.index_cast %get3A_1800 : i32 to index
    %get3A_1802 = arith.constant 304 : index
    %get3A_1803 = tpu.vector_load %arg12[%get3A_1801, %get3A_1802] {strides = array<i32>} : memref<16x512xi32, #tpu.memory_space<vmem>>, vector<16xi32>,
    %add3A_1804 = arith.addi %add3A_1799, %get3A_1803 : vector<16xi32>
    %get3A_1805 = arith.constant 3 : i32
    %get3A_1806 = arith.index_cast %get3A_1805 : i32 to index
    %get3A_1807 = arith.constant 304 : index
    %get3A_1808 = tpu.vector_load %arg12[%get3A_1806, %get3A_1807] {strides = array<i32>} : memref<16x512xi32, #tpu.memory_space<vmem>>, vector<16xi32>,
    %add3A_1809 = arith.addi %add3A_1804, %get3A_1808 : vector<16xi32>
    %get3A_1810 = arith.constant 4 : i32
    %get3A_1811 = arith.index_cast %get3A_1810 : i32 to index
    %get3A_1812 = arith.constant 304 : index
    %get3A_1813 = tpu.vector_load %arg12[%get3A_1811, %get3A_1812] {strides = array<i32>} : memref<16x512xi32, #tpu.memory_space<vmem>>, vector<16xi32>,
    %add3A_1814 = arith.addi %add3A_1809, %get3A_1813 : vector<16xi32>
    %get3A_1815 = arith.constant 5 : i32
    %get3A_1816 = arith.index_cast %get3A_1815 : i32 to index
    %get3A_1817 = arith.constant 304 : index
    %get3A_1818 = tpu.vector_load %arg12[%get3A_1816, %get3A_1817] {strides = array<i32>} : memref<16x512xi32, #tpu.memory_space<vmem>>, vector<16xi32>,
    %add3A_1819 = arith.addi %add3A_1814, %get3A_1818 : vector<16xi32>
    %get3A_1820 = arith.constant 6 : i32
    %get3A_1821 = arith.index_cast %get3A_1820 : i32 to index
    %get3A_1822 = arith.constant 304 : index
    %get3A_1823 = tpu.vector_load %arg12[%get3A_1821, %get3A_1822] {strides = array<i32>} : memref<16x512xi32, #tpu.memory_space<vmem>>, vector<16xi32>,
    %add3A_1824 = arith.addi %add3A_1819, %get3A_1823 : vector<16xi32>
    %get3A_1825 = arith.constant 7 : i32
    %get3A_1826 = arith.index_cast %get3A_1825 : i32 to index
    %get3A_1827 = arith.constant 304 : index
    %get3A_1828 = tpu.vector_load %arg12[%get3A_1826, %get3A_1827] {strides = array<i32>} : memref<16x512xi32, #tpu.memory_space<vmem>>, vector<16xi32>,
    %add3A_1829 = arith.addi %add3A_1824, %get3A_1828 : vector<16xi32>
    %get3A_1830 = arith.constant 8 : i32
    %get3A_1831 = arith.index_cast %get3A_1830 : i32 to index
    %get3A_1832 = arith.constant 304 : index
    %get3A_1833 = tpu.vector_load %arg12[%get3A_1831, %get3A_1832] {strides = array<i32>} : memref<16x512xi32, #tpu.memory_space<vmem>>, vector<16xi32>,
    %add3A_1834 = arith.addi %add3A_1829, %get3A_1833 : vector<16xi32>
    %get3A_1835 = arith.constant 9 : i32
    %get3A_1836 = arith.index_cast %get3A_1835 : i32 to index
    %get3A_1837 = arith.constant 304 : index
    %get3A_1838 = tpu.vector_load %arg12[%get3A_1836, %get3A_1837] {strides = array<i32>} : memref<16x512xi32, #tpu.memory_space<vmem>>, vector<16xi32>,
    %add3A_1839 = arith.addi %add3A_1834, %get3A_1838 : vector<16xi32>
    %get3A_1840 = arith.constant 10 : i32
    %get3A_1841 = arith.index_cast %get3A_1840 : i32 to index
    %get3A_1842 = arith.constant 304 : index
    %get3A_1843 = tpu.vector_load %arg12[%get3A_1841, %get3A_1842] {strides = array<i32>} : memref<16x512xi32, #tpu.memory_space<vmem>>, vector<16xi32>,
    %add3A_1844 = arith.addi %add3A_1839, %get3A_1843 : vector<16xi32>
    %get3A_1845 = arith.constant 11 : i32
    %get3A_1846 = arith.index_cast %get3A_1845 : i32 to index
    %get3A_1847 = arith.constant 304 : index
    %get3A_1848 = tpu.vector_load %arg12[%get3A_1846, %get3A_1847] {strides = array<i32>} : memref<16x512xi32, #tpu.memory_space<vmem>>, vector<16xi32>,
    %add3A_1849 = arith.addi %add3A_1844, %get3A_1848 : vector<16xi32>
    %get3A_1850 = arith.constant 12 : i32
    %get3A_1851 = arith.index_cast %get3A_1850 : i32 to index
    %get3A_1852 = arith.constant 304 : index
    %get3A_1853 = tpu.vector_load %arg12[%get3A_1851, %get3A_1852] {strides = array<i32>} : memref<16x512xi32, #tpu.memory_space<vmem>>, vector<16xi32>,
    %add3A_1854 = arith.addi %add3A_1849, %get3A_1853 : vector<16xi32>
    %get3A_1855 = arith.constant 13 : i32
    %get3A_1856 = arith.index_cast %get3A_1855 : i32 to index
    %get3A_1857 = arith.constant 304 : index
    %get3A_1858 = tpu.vector_load %arg12[%get3A_1856, %get3A_1857] {strides = array<i32>} : memref<16x512xi32, #tpu.memory_space<vmem>>, vector<16xi32>,
    %add3A_1859 = arith.addi %add3A_1854, %get3A_1858 : vector<16xi32>
    %get3A_1860 = arith.constant 14 : i32
    %get3A_1861 = arith.index_cast %get3A_1860 : i32 to index
    %get3A_1862 = arith.constant 304 : index
    %get3A_1863 = tpu.vector_load %arg12[%get3A_1861, %get3A_1862] {strides = array<i32>} : memref<16x512xi32, #tpu.memory_space<vmem>>, vector<16xi32>,
    %add3A_1864 = arith.addi %add3A_1859, %get3A_1863 : vector<16xi32>
    %get3A_1865 = arith.constant 15 : i32
    %get3A_1866 = arith.index_cast %get3A_1865 : i32 to index
    %get3A_1867 = arith.constant 304 : index
    %get3A_1868 = tpu.vector_load %arg12[%get3A_1866, %get3A_1867] {strides = array<i32>} : memref<16x512xi32, #tpu.memory_space<vmem>>, vector<16xi32>,
    %add3A_1869 = arith.addi %add3A_1864, %get3A_1868 : vector<16xi32>
    %swap3A_1870 = arith.constant 2 : i32
    %swap3A_1871 = arith.index_cast %swap3A_1870 : i32 to index
    %swap3A_1872 = arith.constant 48 : index
    %swap3A_1873 = tpu.vector_load %arg11[%swap3A_1871, %swap3A_1872] {strides = array<i32>} : memref<4x128xi32, #tpu.memory_space<vmem>>, vector<16xi32>,
    tpu.vector_store %arg11[%swap3A_1871, %swap3A_1872], %add3A_1869 {strides = array<i32>} : memref<4x128xi32, #tpu.memory_space<vmem>>, vector<16xi32>,
    %get3A_1874 = arith.constant 0 : i32
    %get3A_1875 = arith.index_cast %get3A_1874 : i32 to index
    %get3A_1876 = arith.constant 320 : index
    %get3A_1877 = tpu.vector_load %arg12[%get3A_1875, %get3A_1876] {strides = array<i32>} : memref<16x512xi32, #tpu.memory_space<vmem>>, vector<16xi32>,
    %get3A_1878 = arith.constant 1 : i32
    %get3A_1879 = arith.index_cast %get3A_1878 : i32 to index
    %get3A_1880 = arith.constant 320 : index
    %get3A_1881 = tpu.vector_load %arg12[%get3A_1879, %get3A_1880] {strides = array<i32>} : memref<16x512xi32, #tpu.memory_space<vmem>>, vector<16xi32>,
    %add3A_1882 = arith.addi %get3A_1877, %get3A_1881 : vector<16xi32>
    %get3A_1883 = arith.constant 2 : i32
    %get3A_1884 = arith.index_cast %get3A_1883 : i32 to index
    %get3A_1885 = arith.constant 320 : index
    %get3A_1886 = tpu.vector_load %arg12[%get3A_1884, %get3A_1885] {strides = array<i32>} : memref<16x512xi32, #tpu.memory_space<vmem>>, vector<16xi32>,
    %add3A_1887 = arith.addi %add3A_1882, %get3A_1886 : vector<16xi32>
    %get3A_1888 = arith.constant 3 : i32
    %get3A_1889 = arith.index_cast %get3A_1888 : i32 to index
    %get3A_1890 = arith.constant 320 : index
    %get3A_1891 = tpu.vector_load %arg12[%get3A_1889, %get3A_1890] {strides = array<i32>} : memref<16x512xi32, #tpu.memory_space<vmem>>, vector<16xi32>,
    %add3A_1892 = arith.addi %add3A_1887, %get3A_1891 : vector<16xi32>
    %get3A_1893 = arith.constant 4 : i32
    %get3A_1894 = arith.index_cast %get3A_1893 : i32 to index
    %get3A_1895 = arith.constant 320 : index
    %get3A_1896 = tpu.vector_load %arg12[%get3A_1894, %get3A_1895] {strides = array<i32>} : memref<16x512xi32, #tpu.memory_space<vmem>>, vector<16xi32>,
    %add3A_1897 = arith.addi %add3A_1892, %get3A_1896 : vector<16xi32>
    %get3A_1898 = arith.constant 5 : i32
    %get3A_1899 = arith.index_cast %get3A_1898 : i32 to index
    %get3A_1900 = arith.constant 320 : index
    %get3A_1901 = tpu.vector_load %arg12[%get3A_1899, %get3A_1900] {strides = array<i32>} : memref<16x512xi32, #tpu.memory_space<vmem>>, vector<16xi32>,
    %add3A_1902 = arith.addi %add3A_1897, %get3A_1901 : vector<16xi32>
    %get3A_1903 = arith.constant 6 : i32
    %get3A_1904 = arith.index_cast %get3A_1903 : i32 to index
    %get3A_1905 = arith.constant 320 : index
    %get3A_1906 = tpu.vector_load %arg12[%get3A_1904, %get3A_1905] {strides = array<i32>} : memref<16x512xi32, #tpu.memory_space<vmem>>, vector<16xi32>,
    %add3A_1907 = arith.addi %add3A_1902, %get3A_1906 : vector<16xi32>
    %get3A_1908 = arith.constant 7 : i32
    %get3A_1909 = arith.index_cast %get3A_1908 : i32 to index
    %get3A_1910 = arith.constant 320 : index
    %get3A_1911 = tpu.vector_load %arg12[%get3A_1909, %get3A_1910] {strides = array<i32>} : memref<16x512xi32, #tpu.memory_space<vmem>>, vector<16xi32>,
    %add3A_1912 = arith.addi %add3A_1907, %get3A_1911 : vector<16xi32>
    %get3A_1913 = arith.constant 8 : i32
    %get3A_1914 = arith.index_cast %get3A_1913 : i32 to index
    %get3A_1915 = arith.constant 320 : index
    %get3A_1916 = tpu.vector_load %arg12[%get3A_1914, %get3A_1915] {strides = array<i32>} : memref<16x512xi32, #tpu.memory_space<vmem>>, vector<16xi32>,
    %add3A_1917 = arith.addi %add3A_1912, %get3A_1916 : vector<16xi32>
    %get3A_1918 = arith.constant 9 : i32
    %get3A_1919 = arith.index_cast %get3A_1918 : i32 to index
    %get3A_1920 = arith.constant 320 : index
    %get3A_1921 = tpu.vector_load %arg12[%get3A_1919, %get3A_1920] {strides = array<i32>} : memref<16x512xi32, #tpu.memory_space<vmem>>, vector<16xi32>,
    %add3A_1922 = arith.addi %add3A_1917, %get3A_1921 : vector<16xi32>
    %get3A_1923 = arith.constant 10 : i32
    %get3A_1924 = arith.index_cast %get3A_1923 : i32 to index
    %get3A_1925 = arith.constant 320 : index
    %get3A_1926 = tpu.vector_load %arg12[%get3A_1924, %get3A_1925] {strides = array<i32>} : memref<16x512xi32, #tpu.memory_space<vmem>>, vector<16xi32>,
    %add3A_1927 = arith.addi %add3A_1922, %get3A_1926 : vector<16xi32>
    %get3A_1928 = arith.constant 11 : i32
    %get3A_1929 = arith.index_cast %get3A_1928 : i32 to index
    %get3A_1930 = arith.constant 320 : index
    %get3A_1931 = tpu.vector_load %arg12[%get3A_1929, %get3A_1930] {strides = array<i32>} : memref<16x512xi32, #tpu.memory_space<vmem>>, vector<16xi32>,
    %add3A_1932 = arith.addi %add3A_1927, %get3A_1931 : vector<16xi32>
    %get3A_1933 = arith.constant 12 : i32
    %get3A_1934 = arith.index_cast %get3A_1933 : i32 to index
    %get3A_1935 = arith.constant 320 : index
    %get3A_1936 = tpu.vector_load %arg12[%get3A_1934, %get3A_1935] {strides = array<i32>} : memref<16x512xi32, #tpu.memory_space<vmem>>, vector<16xi32>,
    %add3A_1937 = arith.addi %add3A_1932, %get3A_1936 : vector<16xi32>
    %get3A_1938 = arith.constant 13 : i32
    %get3A_1939 = arith.index_cast %get3A_1938 : i32 to index
    %get3A_1940 = arith.constant 320 : index
    %get3A_1941 = tpu.vector_load %arg12[%get3A_1939, %get3A_1940] {strides = array<i32>} : memref<16x512xi32, #tpu.memory_space<vmem>>, vector<16xi32>,
    %add3A_1942 = arith.addi %add3A_1937, %get3A_1941 : vector<16xi32>
    %get3A_1943 = arith.constant 14 : i32
    %get3A_1944 = arith.index_cast %get3A_1943 : i32 to index
    %get3A_1945 = arith.constant 320 : index
    %get3A_1946 = tpu.vector_load %arg12[%get3A_1944, %get3A_1945] {strides = array<i32>} : memref<16x512xi32, #tpu.memory_space<vmem>>, vector<16xi32>,
    %add3A_1947 = arith.addi %add3A_1942, %get3A_1946 : vector<16xi32>
    %get3A_1948 = arith.constant 15 : i32
    %get3A_1949 = arith.index_cast %get3A_1948 : i32 to index
    %get3A_1950 = arith.constant 320 : index
    %get3A_1951 = tpu.vector_load %arg12[%get3A_1949, %get3A_1950] {strides = array<i32>} : memref<16x512xi32, #tpu.memory_space<vmem>>, vector<16xi32>,
    %add3A_1952 = arith.addi %add3A_1947, %get3A_1951 : vector<16xi32>
    %swap3A_1953 = arith.constant 2 : i32
    %swap3A_1954 = arith.index_cast %swap3A_1953 : i32 to index
    %swap3A_1955 = arith.constant 64 : index
    %swap3A_1956 = tpu.vector_load %arg11[%swap3A_1954, %swap3A_1955] {strides = array<i32>} : memref<4x128xi32, #tpu.memory_space<vmem>>, vector<16xi32>,
    tpu.vector_store %arg11[%swap3A_1954, %swap3A_1955], %add3A_1952 {strides = array<i32>} : memref<4x128xi32, #tpu.memory_space<vmem>>, vector<16xi32>,
    %get3A_1957 = arith.constant 0 : i32
    %get3A_1958 = arith.index_cast %get3A_1957 : i32 to index
    %get3A_1959 = arith.constant 336 : index
    %get3A_1960 = tpu.vector_load %arg12[%get3A_1958, %get3A_1959] {strides = array<i32>} : memref<16x512xi32, #tpu.memory_space<vmem>>, vector<16xi32>,
    %get3A_1961 = arith.constant 1 : i32
    %get3A_1962 = arith.index_cast %get3A_1961 : i32 to index
    %get3A_1963 = arith.constant 336 : index
    %get3A_1964 = tpu.vector_load %arg12[%get3A_1962, %get3A_1963] {strides = array<i32>} : memref<16x512xi32, #tpu.memory_space<vmem>>, vector<16xi32>,
    %add3A_1965 = arith.addi %get3A_1960, %get3A_1964 : vector<16xi32>
    %get3A_1966 = arith.constant 2 : i32
    %get3A_1967 = arith.index_cast %get3A_1966 : i32 to index
    %get3A_1968 = arith.constant 336 : index
    %get3A_1969 = tpu.vector_load %arg12[%get3A_1967, %get3A_1968] {strides = array<i32>} : memref<16x512xi32, #tpu.memory_space<vmem>>, vector<16xi32>,
    %add3A_1970 = arith.addi %add3A_1965, %get3A_1969 : vector<16xi32>
    %get3A_1971 = arith.constant 3 : i32
    %get3A_1972 = arith.index_cast %get3A_1971 : i32 to index
    %get3A_1973 = arith.constant 336 : index
    %get3A_1974 = tpu.vector_load %arg12[%get3A_1972, %get3A_1973] {strides = array<i32>} : memref<16x512xi32, #tpu.memory_space<vmem>>, vector<16xi32>,
    %add3A_1975 = arith.addi %add3A_1970, %get3A_1974 : vector<16xi32>
    %get3A_1976 = arith.constant 4 : i32
    %get3A_1977 = arith.index_cast %get3A_1976 : i32 to index
    %get3A_1978 = arith.constant 336 : index
    %get3A_1979 = tpu.vector_load %arg12[%get3A_1977, %get3A_1978] {strides = array<i32>} : memref<16x512xi32, #tpu.memory_space<vmem>>, vector<16xi32>,
    %add3A_1980 = arith.addi %add3A_1975, %get3A_1979 : vector<16xi32>
    %get3A_1981 = arith.constant 5 : i32
    %get3A_1982 = arith.index_cast %get3A_1981 : i32 to index
    %get3A_1983 = arith.constant 336 : index
    %get3A_1984 = tpu.vector_load %arg12[%get3A_1982, %get3A_1983] {strides = array<i32>} : memref<16x512xi32, #tpu.memory_space<vmem>>, vector<16xi32>,
    %add3A_1985 = arith.addi %add3A_1980, %get3A_1984 : vector<16xi32>
    %get3A_1986 = arith.constant 6 : i32
    %get3A_1987 = arith.index_cast %get3A_1986 : i32 to index
    %get3A_1988 = arith.constant 336 : index
    %get3A_1989 = tpu.vector_load %arg12[%get3A_1987, %get3A_1988] {strides = array<i32>} : memref<16x512xi32, #tpu.memory_space<vmem>>, vector<16xi32>,
    %add3A_1990 = arith.addi %add3A_1985, %get3A_1989 : vector<16xi32>
    %get3A_1991 = arith.constant 7 : i32
    %get3A_1992 = arith.index_cast %get3A_1991 : i32 to index
    %get3A_1993 = arith.constant 336 : index
    %get3A_1994 = tpu.vector_load %arg12[%get3A_1992, %get3A_1993] {strides = array<i32>} : memref<16x512xi32, #tpu.memory_space<vmem>>, vector<16xi32>,
    %add3A_1995 = arith.addi %add3A_1990, %get3A_1994 : vector<16xi32>
    %get3A_1996 = arith.constant 8 : i32
    %get3A_1997 = arith.index_cast %get3A_1996 : i32 to index
    %get3A_1998 = arith.constant 336 : index
    %get3A_1999 = tpu.vector_load %arg12[%get3A_1997, %get3A_1998] {strides = array<i32>} : memref<16x512xi32, #tpu.memory_space<vmem>>, vector<16xi32>,
    %add3A_2000 = arith.addi %add3A_1995, %get3A_1999 : vector<16xi32>
    %get3A_2001 = arith.constant 9 : i32
    %get3A_2002 = arith.index_cast %get3A_2001 : i32 to index
    %get3A_2003 = arith.constant 336 : index
    %get3A_2004 = tpu.vector_load %arg12[%get3A_2002, %get3A_2003] {strides = array<i32>} : memref<16x512xi32, #tpu.memory_space<vmem>>, vector<16xi32>,
    %add3A_2005 = arith.addi %add3A_2000, %get3A_2004 : vector<16xi32>
    %get3A_2006 = arith.constant 10 : i32
    %get3A_2007 = arith.index_cast %get3A_2006 : i32 to index
    %get3A_2008 = arith.constant 336 : index
    %get3A_2009 = tpu.vector_load %arg12[%get3A_2007, %get3A_2008] {strides = array<i32>} : memref<16x512xi32, #tpu.memory_space<vmem>>, vector<16xi32>,
    %add3A_2010 = arith.addi %add3A_2005, %get3A_2009 : vector<16xi32>
    %get3A_2011 = arith.constant 11 : i32
    %get3A_2012 = arith.index_cast %get3A_2011 : i32 to index
    %get3A_2013 = arith.constant 336 : index
    %get3A_2014 = tpu.vector_load %arg12[%get3A_2012, %get3A_2013] {strides = array<i32>} : memref<16x512xi32, #tpu.memory_space<vmem>>, vector<16xi32>,
    %add3A_2015 = arith.addi %add3A_2010, %get3A_2014 : vector<16xi32>
    %get3A_2016 = arith.constant 12 : i32
    %get3A_2017 = arith.index_cast %get3A_2016 : i32 to index
    %get3A_2018 = arith.constant 336 : index
    %get3A_2019 = tpu.vector_load %arg12[%get3A_2017, %get3A_2018] {strides = array<i32>} : memref<16x512xi32, #tpu.memory_space<vmem>>, vector<16xi32>,
    %add3A_2020 = arith.addi %add3A_2015, %get3A_2019 : vector<16xi32>
    %get3A_2021 = arith.constant 13 : i32
    %get3A_2022 = arith.index_cast %get3A_2021 : i32 to index
    %get3A_2023 = arith.constant 336 : index
    %get3A_2024 = tpu.vector_load %arg12[%get3A_2022, %get3A_2023] {strides = array<i32>} : memref<16x512xi32, #tpu.memory_space<vmem>>, vector<16xi32>,
    %add3A_2025 = arith.addi %add3A_2020, %get3A_2024 : vector<16xi32>
    %get3A_2026 = arith.constant 14 : i32
    %get3A_2027 = arith.index_cast %get3A_2026 : i32 to index
    %get3A_2028 = arith.constant 336 : index
    %get3A_2029 = tpu.vector_load %arg12[%get3A_2027, %get3A_2028] {strides = array<i32>} : memref<16x512xi32, #tpu.memory_space<vmem>>, vector<16xi32>,
    %add3A_2030 = arith.addi %add3A_2025, %get3A_2029 : vector<16xi32>
    %get3A_2031 = arith.constant 15 : i32
    %get3A_2032 = arith.index_cast %get3A_2031 : i32 to index
    %get3A_2033 = arith.constant 336 : index
    %get3A_2034 = tpu.vector_load %arg12[%get3A_2032, %get3A_2033] {strides = array<i32>} : memref<16x512xi32, #tpu.memory_space<vmem>>, vector<16xi32>,
    %add3A_2035 = arith.addi %add3A_2030, %get3A_2034 : vector<16xi32>
    %swap3A_2036 = arith.constant 2 : i32
    %swap3A_2037 = arith.index_cast %swap3A_2036 : i32 to index
    %swap3A_2038 = arith.constant 80 : index
    %swap3A_2039 = tpu.vector_load %arg11[%swap3A_2037, %swap3A_2038] {strides = array<i32>} : memref<4x128xi32, #tpu.memory_space<vmem>>, vector<16xi32>,
    tpu.vector_store %arg11[%swap3A_2037, %swap3A_2038], %add3A_2035 {strides = array<i32>} : memref<4x128xi32, #tpu.memory_space<vmem>>, vector<16xi32>,
    %get3A_2040 = arith.constant 0 : i32
    %get3A_2041 = arith.index_cast %get3A_2040 : i32 to index
    %get3A_2042 = arith.constant 352 : index
    %get3A_2043 = tpu.vector_load %arg12[%get3A_2041, %get3A_2042] {strides = array<i32>} : memref<16x512xi32, #tpu.memory_space<vmem>>, vector<16xi32>,
    %get3A_2044 = arith.constant 1 : i32
    %get3A_2045 = arith.index_cast %get3A_2044 : i32 to index
    %get3A_2046 = arith.constant 352 : index
    %get3A_2047 = tpu.vector_load %arg12[%get3A_2045, %get3A_2046] {strides = array<i32>} : memref<16x512xi32, #tpu.memory_space<vmem>>, vector<16xi32>,
    %add3A_2048 = arith.addi %get3A_2043, %get3A_2047 : vector<16xi32>
    %get3A_2049 = arith.constant 2 : i32
    %get3A_2050 = arith.index_cast %get3A_2049 : i32 to index
    %get3A_2051 = arith.constant 352 : index
    %get3A_2052 = tpu.vector_load %arg12[%get3A_2050, %get3A_2051] {strides = array<i32>} : memref<16x512xi32, #tpu.memory_space<vmem>>, vector<16xi32>,
    %add3A_2053 = arith.addi %add3A_2048, %get3A_2052 : vector<16xi32>
    %get3A_2054 = arith.constant 3 : i32
    %get3A_2055 = arith.index_cast %get3A_2054 : i32 to index
    %get3A_2056 = arith.constant 352 : index
    %get3A_2057 = tpu.vector_load %arg12[%get3A_2055, %get3A_2056] {strides = array<i32>} : memref<16x512xi32, #tpu.memory_space<vmem>>, vector<16xi32>,
    %add3A_2058 = arith.addi %add3A_2053, %get3A_2057 : vector<16xi32>
    %get3A_2059 = arith.constant 4 : i32
    %get3A_2060 = arith.index_cast %get3A_2059 : i32 to index
    %get3A_2061 = arith.constant 352 : index
    %get3A_2062 = tpu.vector_load %arg12[%get3A_2060, %get3A_2061] {strides = array<i32>} : memref<16x512xi32, #tpu.memory_space<vmem>>, vector<16xi32>,
    %add3A_2063 = arith.addi %add3A_2058, %get3A_2062 : vector<16xi32>
    %get3A_2064 = arith.constant 5 : i32
    %get3A_2065 = arith.index_cast %get3A_2064 : i32 to index
    %get3A_2066 = arith.constant 352 : index
    %get3A_2067 = tpu.vector_load %arg12[%get3A_2065, %get3A_2066] {strides = array<i32>} : memref<16x512xi32, #tpu.memory_space<vmem>>, vector<16xi32>,
    %add3A_2068 = arith.addi %add3A_2063, %get3A_2067 : vector<16xi32>
    %get3A_2069 = arith.constant 6 : i32
    %get3A_2070 = arith.index_cast %get3A_2069 : i32 to index
    %get3A_2071 = arith.constant 352 : index
    %get3A_2072 = tpu.vector_load %arg12[%get3A_2070, %get3A_2071] {strides = array<i32>} : memref<16x512xi32, #tpu.memory_space<vmem>>, vector<16xi32>,
    %add3A_2073 = arith.addi %add3A_2068, %get3A_2072 : vector<16xi32>
    %get3A_2074 = arith.constant 7 : i32
    %get3A_2075 = arith.index_cast %get3A_2074 : i32 to index
    %get3A_2076 = arith.constant 352 : index
    %get3A_2077 = tpu.vector_load %arg12[%get3A_2075, %get3A_2076] {strides = array<i32>} : memref<16x512xi32, #tpu.memory_space<vmem>>, vector<16xi32>,
    %add3A_2078 = arith.addi %add3A_2073, %get3A_2077 : vector<16xi32>
    %get3A_2079 = arith.constant 8 : i32
    %get3A_2080 = arith.index_cast %get3A_2079 : i32 to index
    %get3A_2081 = arith.constant 352 : index
    %get3A_2082 = tpu.vector_load %arg12[%get3A_2080, %get3A_2081] {strides = array<i32>} : memref<16x512xi32, #tpu.memory_space<vmem>>, vector<16xi32>,
    %add3A_2083 = arith.addi %add3A_2078, %get3A_2082 : vector<16xi32>
    %get3A_2084 = arith.constant 9 : i32
    %get3A_2085 = arith.index_cast %get3A_2084 : i32 to index
    %get3A_2086 = arith.constant 352 : index
    %get3A_2087 = tpu.vector_load %arg12[%get3A_2085, %get3A_2086] {strides = array<i32>} : memref<16x512xi32, #tpu.memory_space<vmem>>, vector<16xi32>,
    %add3A_2088 = arith.addi %add3A_2083, %get3A_2087 : vector<16xi32>
    %get3A_2089 = arith.constant 10 : i32
    %get3A_2090 = arith.index_cast %get3A_2089 : i32 to index
    %get3A_2091 = arith.constant 352 : index
    %get3A_2092 = tpu.vector_load %arg12[%get3A_2090, %get3A_2091] {strides = array<i32>} : memref<16x512xi32, #tpu.memory_space<vmem>>, vector<16xi32>,
    %add3A_2093 = arith.addi %add3A_2088, %get3A_2092 : vector<16xi32>
    %get3A_2094 = arith.constant 11 : i32
    %get3A_2095 = arith.index_cast %get3A_2094 : i32 to index
    %get3A_2096 = arith.constant 352 : index
    %get3A_2097 = tpu.vector_load %arg12[%get3A_2095, %get3A_2096] {strides = array<i32>} : memref<16x512xi32, #tpu.memory_space<vmem>>, vector<16xi32>,
    %add3A_2098 = arith.addi %add3A_2093, %get3A_2097 : vector<16xi32>
    %get3A_2099 = arith.constant 12 : i32
    %get3A_2100 = arith.index_cast %get3A_2099 : i32 to index
    %get3A_2101 = arith.constant 352 : index
    %get3A_2102 = tpu.vector_load %arg12[%get3A_2100, %get3A_2101] {strides = array<i32>} : memref<16x512xi32, #tpu.memory_space<vmem>>, vector<16xi32>,
    %add3A_2103 = arith.addi %add3A_2098, %get3A_2102 : vector<16xi32>
    %get3A_2104 = arith.constant 13 : i32
    %get3A_2105 = arith.index_cast %get3A_2104 : i32 to index
    %get3A_2106 = arith.constant 352 : index
    %get3A_2107 = tpu.vector_load %arg12[%get3A_2105, %get3A_2106] {strides = array<i32>} : memref<16x512xi32, #tpu.memory_space<vmem>>, vector<16xi32>,
    %add3A_2108 = arith.addi %add3A_2103, %get3A_2107 : vector<16xi32>
    %get3A_2109 = arith.constant 14 : i32
    %get3A_2110 = arith.index_cast %get3A_2109 : i32 to index
    %get3A_2111 = arith.constant 352 : index
    %get3A_2112 = tpu.vector_load %arg12[%get3A_2110, %get3A_2111] {strides = array<i32>} : memref<16x512xi32, #tpu.memory_space<vmem>>, vector<16xi32>,
    %add3A_2113 = arith.addi %add3A_2108, %get3A_2112 : vector<16xi32>
    %get3A_2114 = arith.constant 15 : i32
    %get3A_2115 = arith.index_cast %get3A_2114 : i32 to index
    %get3A_2116 = arith.constant 352 : index
    %get3A_2117 = tpu.vector_load %arg12[%get3A_2115, %get3A_2116] {strides = array<i32>} : memref<16x512xi32, #tpu.memory_space<vmem>>, vector<16xi32>,
    %add3A_2118 = arith.addi %add3A_2113, %get3A_2117 : vector<16xi32>
    %swap3A_2119 = arith.constant 2 : i32
    %swap3A_2120 = arith.index_cast %swap3A_2119 : i32 to index
    %swap3A_2121 = arith.constant 96 : index
    %swap3A_2122 = tpu.vector_load %arg11[%swap3A_2120, %swap3A_2121] {strides = array<i32>} : memref<4x128xi32, #tpu.memory_space<vmem>>, vector<16xi32>,
    tpu.vector_store %arg11[%swap3A_2120, %swap3A_2121], %add3A_2118 {strides = array<i32>} : memref<4x128xi32, #tpu.memory_space<vmem>>, vector<16xi32>,
    %get3A_2123 = arith.constant 0 : i32
    %get3A_2124 = arith.index_cast %get3A_2123 : i32 to index
    %get3A_2125 = arith.constant 368 : index
    %get3A_2126 = tpu.vector_load %arg12[%get3A_2124, %get3A_2125] {strides = array<i32>} : memref<16x512xi32, #tpu.memory_space<vmem>>, vector<16xi32>,
    %get3A_2127 = arith.constant 1 : i32
    %get3A_2128 = arith.index_cast %get3A_2127 : i32 to index
    %get3A_2129 = arith.constant 368 : index
    %get3A_2130 = tpu.vector_load %arg12[%get3A_2128, %get3A_2129] {strides = array<i32>} : memref<16x512xi32, #tpu.memory_space<vmem>>, vector<16xi32>,
    %add3A_2131 = arith.addi %get3A_2126, %get3A_2130 : vector<16xi32>
    %get3A_2132 = arith.constant 2 : i32
    %get3A_2133 = arith.index_cast %get3A_2132 : i32 to index
    %get3A_2134 = arith.constant 368 : index
    %get3A_2135 = tpu.vector_load %arg12[%get3A_2133, %get3A_2134] {strides = array<i32>} : memref<16x512xi32, #tpu.memory_space<vmem>>, vector<16xi32>,
    %add3A_2136 = arith.addi %add3A_2131, %get3A_2135 : vector<16xi32>
    %get3A_2137 = arith.constant 3 : i32
    %get3A_2138 = arith.index_cast %get3A_2137 : i32 to index
    %get3A_2139 = arith.constant 368 : index
    %get3A_2140 = tpu.vector_load %arg12[%get3A_2138, %get3A_2139] {strides = array<i32>} : memref<16x512xi32, #tpu.memory_space<vmem>>, vector<16xi32>,
    %add3A_2141 = arith.addi %add3A_2136, %get3A_2140 : vector<16xi32>
    %get3A_2142 = arith.constant 4 : i32
    %get3A_2143 = arith.index_cast %get3A_2142 : i32 to index
    %get3A_2144 = arith.constant 368 : index
    %get3A_2145 = tpu.vector_load %arg12[%get3A_2143, %get3A_2144] {strides = array<i32>} : memref<16x512xi32, #tpu.memory_space<vmem>>, vector<16xi32>,
    %add3A_2146 = arith.addi %add3A_2141, %get3A_2145 : vector<16xi32>
    %get3A_2147 = arith.constant 5 : i32
    %get3A_2148 = arith.index_cast %get3A_2147 : i32 to index
    %get3A_2149 = arith.constant 368 : index
    %get3A_2150 = tpu.vector_load %arg12[%get3A_2148, %get3A_2149] {strides = array<i32>} : memref<16x512xi32, #tpu.memory_space<vmem>>, vector<16xi32>,
    %add3A_2151 = arith.addi %add3A_2146, %get3A_2150 : vector<16xi32>
    %get3A_2152 = arith.constant 6 : i32
    %get3A_2153 = arith.index_cast %get3A_2152 : i32 to index
    %get3A_2154 = arith.constant 368 : index
    %get3A_2155 = tpu.vector_load %arg12[%get3A_2153, %get3A_2154] {strides = array<i32>} : memref<16x512xi32, #tpu.memory_space<vmem>>, vector<16xi32>,
    %add3A_2156 = arith.addi %add3A_2151, %get3A_2155 : vector<16xi32>
    %get3A_2157 = arith.constant 7 : i32
    %get3A_2158 = arith.index_cast %get3A_2157 : i32 to index
    %get3A_2159 = arith.constant 368 : index
    %get3A_2160 = tpu.vector_load %arg12[%get3A_2158, %get3A_2159] {strides = array<i32>} : memref<16x512xi32, #tpu.memory_space<vmem>>, vector<16xi32>,
    %add3A_2161 = arith.addi %add3A_2156, %get3A_2160 : vector<16xi32>
    %get3A_2162 = arith.constant 8 : i32
    %get3A_2163 = arith.index_cast %get3A_2162 : i32 to index
    %get3A_2164 = arith.constant 368 : index
    %get3A_2165 = tpu.vector_load %arg12[%get3A_2163, %get3A_2164] {strides = array<i32>} : memref<16x512xi32, #tpu.memory_space<vmem>>, vector<16xi32>,
    %add3A_2166 = arith.addi %add3A_2161, %get3A_2165 : vector<16xi32>
    %get3A_2167 = arith.constant 9 : i32
    %get3A_2168 = arith.index_cast %get3A_2167 : i32 to index
    %get3A_2169 = arith.constant 368 : index
    %get3A_2170 = tpu.vector_load %arg12[%get3A_2168, %get3A_2169] {strides = array<i32>} : memref<16x512xi32, #tpu.memory_space<vmem>>, vector<16xi32>,
    %add3A_2171 = arith.addi %add3A_2166, %get3A_2170 : vector<16xi32>
    %get3A_2172 = arith.constant 10 : i32
    %get3A_2173 = arith.index_cast %get3A_2172 : i32 to index
    %get3A_2174 = arith.constant 368 : index
    %get3A_2175 = tpu.vector_load %arg12[%get3A_2173, %get3A_2174] {strides = array<i32>} : memref<16x512xi32, #tpu.memory_space<vmem>>, vector<16xi32>,
    %add3A_2176 = arith.addi %add3A_2171, %get3A_2175 : vector<16xi32>
    %get3A_2177 = arith.constant 11 : i32
    %get3A_2178 = arith.index_cast %get3A_2177 : i32 to index
    %get3A_2179 = arith.constant 368 : index
    %get3A_2180 = tpu.vector_load %arg12[%get3A_2178, %get3A_2179] {strides = array<i32>} : memref<16x512xi32, #tpu.memory_space<vmem>>, vector<16xi32>,
    %add3A_2181 = arith.addi %add3A_2176, %get3A_2180 : vector<16xi32>
    %get3A_2182 = arith.constant 12 : i32
    %get3A_2183 = arith.index_cast %get3A_2182 : i32 to index
    %get3A_2184 = arith.constant 368 : index
    %get3A_2185 = tpu.vector_load %arg12[%get3A_2183, %get3A_2184] {strides = array<i32>} : memref<16x512xi32, #tpu.memory_space<vmem>>, vector<16xi32>,
    %add3A_2186 = arith.addi %add3A_2181, %get3A_2185 : vector<16xi32>
    %get3A_2187 = arith.constant 13 : i32
    %get3A_2188 = arith.index_cast %get3A_2187 : i32 to index
    %get3A_2189 = arith.constant 368 : index
    %get3A_2190 = tpu.vector_load %arg12[%get3A_2188, %get3A_2189] {strides = array<i32>} : memref<16x512xi32, #tpu.memory_space<vmem>>, vector<16xi32>,
    %add3A_2191 = arith.addi %add3A_2186, %get3A_2190 : vector<16xi32>
    %get3A_2192 = arith.constant 14 : i32
    %get3A_2193 = arith.index_cast %get3A_2192 : i32 to index
    %get3A_2194 = arith.constant 368 : index
    %get3A_2195 = tpu.vector_load %arg12[%get3A_2193, %get3A_2194] {strides = array<i32>} : memref<16x512xi32, #tpu.memory_space<vmem>>, vector<16xi32>,
    %add3A_2196 = arith.addi %add3A_2191, %get3A_2195 : vector<16xi32>
    %get3A_2197 = arith.constant 15 : i32
    %get3A_2198 = arith.index_cast %get3A_2197 : i32 to index
    %get3A_2199 = arith.constant 368 : index
    %get3A_2200 = tpu.vector_load %arg12[%get3A_2198, %get3A_2199] {strides = array<i32>} : memref<16x512xi32, #tpu.memory_space<vmem>>, vector<16xi32>,
    %add3A_2201 = arith.addi %add3A_2196, %get3A_2200 : vector<16xi32>
    %swap3A_2202 = arith.constant 2 : i32
    %swap3A_2203 = arith.index_cast %swap3A_2202 : i32 to index
    %swap3A_2204 = arith.constant 112 : index
    %swap3A_2205 = tpu.vector_load %arg11[%swap3A_2203, %swap3A_2204] {strides = array<i32>} : memref<4x128xi32, #tpu.memory_space<vmem>>, vector<16xi32>,
    tpu.vector_store %arg11[%swap3A_2203, %swap3A_2204], %add3A_2201 {strides = array<i32>} : memref<4x128xi32, #tpu.memory_space<vmem>>, vector<16xi32>,
    %dma_start3A_2206 = arith.constant 2 : i32
    %dma_start3A_2207 = arith.constant 2 : i32
    %dma_start3A_2208 = arith.constant 256 : i32
    %dma_start3A_2209 = arith.constant 0 : i32
    %dma_start3A_2210 = tpu.memref_slice %arg14[%dma_start3A_2208, %dma_start3A_2209] : memref<512x128xf32, #tpu.memory_space<vmem>> -> memref<128x128xf32, #tpu.memory_space<vmem>>
    %dma_start3A_2211 = arith.constant 0 : i32
    %dma_start3A_2212 = tpu.memref_slice %arg11[%dma_start3A_2206, %dma_start3A_2211] : memref<4x128xi32, #tpu.memory_space<vmem>> -> memref<1x128xi32, #tpu.memory_space<vmem>>
    %dma_start3A_2213 = tpu.memref_squeeze %dma_start3A_2212 : memref<1x128xi32, #tpu.memory_space<vmem>> -> memref<128xi32, #tpu.memory_space<vmem>>
    %dma_start3A_2214 = arith.constant 0 : i32
    %dma_start3A_2215 = arith.constant 0 : i32
    %dma_start3A_2216 = tpu.memref_slice %arg2[%dma_start3A_2214, %dma_start3A_2215] : memref<16384x128xf32, #tpu.memory_space<hbm>> -> memref<16384x128xf32, #tpu.memory_space<hbm>>
    %dma_start3A_2217 = tpu.memref_slice %arg18[%dma_start3A_2207] : memref<4x!tpu.dma_semaphore, #tpu.memory_space<semaphore_mem>> -> memref<1x!tpu.dma_semaphore, #tpu.memory_space<semaphore_mem>>
    %dma_start3A_2218 = tpu.memref_squeeze %dma_start3A_2217 : memref<1x!tpu.dma_semaphore, #tpu.memory_space<semaphore_mem>> -> memref<!tpu.dma_semaphore, #tpu.memory_space<semaphore_mem>>
    tpu.enqueue_indirect_dma source(%dma_start3A_2216 : memref<16384x128xf32, #tpu.memory_space<hbm>>) target(%dma_start3A_2210 : memref<128x128xf32, #tpu.memory_space<vmem>>) offsets(%dma_start3A_2213 : memref<128xi32, #tpu.memory_space<vmem>>) semaphore(%dma_start3A_2218 : memref<!tpu.dma_semaphore, #tpu.memory_space<semaphore_mem>>)
    %get3A_2219 = arith.constant 2 : i32
    %get3A_2220 = arith.index_cast %get3A_2219 : i32 to index
    %get3A_2221 = arith.constant 0 : index
    %get3A_2222 = tpu.vector_load %arg11[%get3A_2220, %get3A_2221] {strides = array<i32>} : memref<4x128xi32, #tpu.memory_space<vmem>>, vector<16xi32>,
    %gather3A_2223 = tpu.vector_load_idx %arg13[%get3A_2222] : memref<16384xf32, #tpu.memory_space<vmem>>[vector<16xi32>], vector<16xf32>,
    %swap3A_2224 = arith.constant 2 : i32
    %swap3A_2225 = arith.index_cast %swap3A_2224 : i32 to index
    %swap3A_2226 = arith.constant 0 : index
    %swap3A_2227 = tpu.vector_load %arg15[%swap3A_2225, %swap3A_2226] {strides = array<i32>} : memref<4x128xf32, #tpu.memory_space<vmem>>, vector<16xf32>,
    tpu.vector_store %arg15[%swap3A_2225, %swap3A_2226], %gather3A_2223 {strides = array<i32>} : memref<4x128xf32, #tpu.memory_space<vmem>>, vector<16xf32>,
    %get3A_2228 = arith.constant 2 : i32
    %get3A_2229 = arith.index_cast %get3A_2228 : i32 to index
    %get3A_2230 = arith.constant 16 : index
    %get3A_2231 = tpu.vector_load %arg11[%get3A_2229, %get3A_2230] {strides = array<i32>} : memref<4x128xi32, #tpu.memory_space<vmem>>, vector<16xi32>,
    %gather3A_2232 = tpu.vector_load_idx %arg13[%get3A_2231] : memref<16384xf32, #tpu.memory_space<vmem>>[vector<16xi32>], vector<16xf32>,
    %swap3A_2233 = arith.constant 2 : i32
    %swap3A_2234 = arith.index_cast %swap3A_2233 : i32 to index
    %swap3A_2235 = arith.constant 16 : index
    %swap3A_2236 = tpu.vector_load %arg15[%swap3A_2234, %swap3A_2235] {strides = array<i32>} : memref<4x128xf32, #tpu.memory_space<vmem>>, vector<16xf32>,
    tpu.vector_store %arg15[%swap3A_2234, %swap3A_2235], %gather3A_2232 {strides = array<i32>} : memref<4x128xf32, #tpu.memory_space<vmem>>, vector<16xf32>,
    %get3A_2237 = arith.constant 2 : i32
    %get3A_2238 = arith.index_cast %get3A_2237 : i32 to index
    %get3A_2239 = arith.constant 32 : index
    %get3A_2240 = tpu.vector_load %arg11[%get3A_2238, %get3A_2239] {strides = array<i32>} : memref<4x128xi32, #tpu.memory_space<vmem>>, vector<16xi32>,
    %gather3A_2241 = tpu.vector_load_idx %arg13[%get3A_2240] : memref<16384xf32, #tpu.memory_space<vmem>>[vector<16xi32>], vector<16xf32>,
    %swap3A_2242 = arith.constant 2 : i32
    %swap3A_2243 = arith.index_cast %swap3A_2242 : i32 to index
    %swap3A_2244 = arith.constant 32 : index
    %swap3A_2245 = tpu.vector_load %arg15[%swap3A_2243, %swap3A_2244] {strides = array<i32>} : memref<4x128xf32, #tpu.memory_space<vmem>>, vector<16xf32>,
    tpu.vector_store %arg15[%swap3A_2243, %swap3A_2244], %gather3A_2241 {strides = array<i32>} : memref<4x128xf32, #tpu.memory_space<vmem>>, vector<16xf32>,
    %get3A_2246 = arith.constant 2 : i32
    %get3A_2247 = arith.index_cast %get3A_2246 : i32 to index
    %get3A_2248 = arith.constant 48 : index
    %get3A_2249 = tpu.vector_load %arg11[%get3A_2247, %get3A_2248] {strides = array<i32>} : memref<4x128xi32, #tpu.memory_space<vmem>>, vector<16xi32>,
    %gather3A_2250 = tpu.vector_load_idx %arg13[%get3A_2249] : memref<16384xf32, #tpu.memory_space<vmem>>[vector<16xi32>], vector<16xf32>,
    %swap3A_2251 = arith.constant 2 : i32
    %swap3A_2252 = arith.index_cast %swap3A_2251 : i32 to index
    %swap3A_2253 = arith.constant 48 : index
    %swap3A_2254 = tpu.vector_load %arg15[%swap3A_2252, %swap3A_2253] {strides = array<i32>} : memref<4x128xf32, #tpu.memory_space<vmem>>, vector<16xf32>,
    tpu.vector_store %arg15[%swap3A_2252, %swap3A_2253], %gather3A_2250 {strides = array<i32>} : memref<4x128xf32, #tpu.memory_space<vmem>>, vector<16xf32>,
    %get3A_2255 = arith.constant 2 : i32
    %get3A_2256 = arith.index_cast %get3A_2255 : i32 to index
    %get3A_2257 = arith.constant 64 : index
    %get3A_2258 = tpu.vector_load %arg11[%get3A_2256, %get3A_2257] {strides = array<i32>} : memref<4x128xi32, #tpu.memory_space<vmem>>, vector<16xi32>,
    %gather3A_2259 = tpu.vector_load_idx %arg13[%get3A_2258] : memref<16384xf32, #tpu.memory_space<vmem>>[vector<16xi32>], vector<16xf32>,
    %swap3A_2260 = arith.constant 2 : i32
    %swap3A_2261 = arith.index_cast %swap3A_2260 : i32 to index
    %swap3A_2262 = arith.constant 64 : index
    %swap3A_2263 = tpu.vector_load %arg15[%swap3A_2261, %swap3A_2262] {strides = array<i32>} : memref<4x128xf32, #tpu.memory_space<vmem>>, vector<16xf32>,
    tpu.vector_store %arg15[%swap3A_2261, %swap3A_2262], %gather3A_2259 {strides = array<i32>} : memref<4x128xf32, #tpu.memory_space<vmem>>, vector<16xf32>,
    %get3A_2264 = arith.constant 2 : i32
    %get3A_2265 = arith.index_cast %get3A_2264 : i32 to index
    %get3A_2266 = arith.constant 80 : index
    %get3A_2267 = tpu.vector_load %arg11[%get3A_2265, %get3A_2266] {strides = array<i32>} : memref<4x128xi32, #tpu.memory_space<vmem>>, vector<16xi32>,
    %gather3A_2268 = tpu.vector_load_idx %arg13[%get3A_2267] : memref<16384xf32, #tpu.memory_space<vmem>>[vector<16xi32>], vector<16xf32>,
    %swap3A_2269 = arith.constant 2 : i32
    %swap3A_2270 = arith.index_cast %swap3A_2269 : i32 to index
    %swap3A_2271 = arith.constant 80 : index
    %swap3A_2272 = tpu.vector_load %arg15[%swap3A_2270, %swap3A_2271] {strides = array<i32>} : memref<4x128xf32, #tpu.memory_space<vmem>>, vector<16xf32>,
    tpu.vector_store %arg15[%swap3A_2270, %swap3A_2271], %gather3A_2268 {strides = array<i32>} : memref<4x128xf32, #tpu.memory_space<vmem>>, vector<16xf32>,
    %get3A_2273 = arith.constant 2 : i32
    %get3A_2274 = arith.index_cast %get3A_2273 : i32 to index
    %get3A_2275 = arith.constant 96 : index
    %get3A_2276 = tpu.vector_load %arg11[%get3A_2274, %get3A_2275] {strides = array<i32>} : memref<4x128xi32, #tpu.memory_space<vmem>>, vector<16xi32>,
    %gather3A_2277 = tpu.vector_load_idx %arg13[%get3A_2276] : memref<16384xf32, #tpu.memory_space<vmem>>[vector<16xi32>], vector<16xf32>,
    %swap3A_2278 = arith.constant 2 : i32
    %swap3A_2279 = arith.index_cast %swap3A_2278 : i32 to index
    %swap3A_2280 = arith.constant 96 : index
    %swap3A_2281 = tpu.vector_load %arg15[%swap3A_2279, %swap3A_2280] {strides = array<i32>} : memref<4x128xf32, #tpu.memory_space<vmem>>, vector<16xf32>,
    tpu.vector_store %arg15[%swap3A_2279, %swap3A_2280], %gather3A_2277 {strides = array<i32>} : memref<4x128xf32, #tpu.memory_space<vmem>>, vector<16xf32>,
    %get3A_2282 = arith.constant 2 : i32
    %get3A_2283 = arith.index_cast %get3A_2282 : i32 to index
    %get3A_2284 = arith.constant 112 : index
    %get3A_2285 = tpu.vector_load %arg11[%get3A_2283, %get3A_2284] {strides = array<i32>} : memref<4x128xi32, #tpu.memory_space<vmem>>, vector<16xi32>,
    %gather3A_2286 = tpu.vector_load_idx %arg13[%get3A_2285] : memref<16384xf32, #tpu.memory_space<vmem>>[vector<16xi32>], vector<16xf32>,
    %swap3A_2287 = arith.constant 2 : i32
    %swap3A_2288 = arith.index_cast %swap3A_2287 : i32 to index
    %swap3A_2289 = arith.constant 112 : index
    %swap3A_2290 = tpu.vector_load %arg15[%swap3A_2288, %swap3A_2289] {strides = array<i32>} : memref<4x128xf32, #tpu.memory_space<vmem>>, vector<16xf32>,
    tpu.vector_store %arg15[%swap3A_2288, %swap3A_2289], %gather3A_2286 {strides = array<i32>} : memref<4x128xf32, #tpu.memory_space<vmem>>, vector<16xf32>,
    %get3A_2291 = arith.constant 0 : i32
    %get3A_2292 = arith.index_cast %get3A_2291 : i32 to index
    %get3A_2293 = arith.constant 384 : index
    %get3A_2294 = tpu.vector_load %arg12[%get3A_2292, %get3A_2293] {strides = array<i32>} : memref<16x512xi32, #tpu.memory_space<vmem>>, vector<16xi32>,
    %get3A_2295 = arith.constant 1 : i32
    %get3A_2296 = arith.index_cast %get3A_2295 : i32 to index
    %get3A_2297 = arith.constant 384 : index
    %get3A_2298 = tpu.vector_load %arg12[%get3A_2296, %get3A_2297] {strides = array<i32>} : memref<16x512xi32, #tpu.memory_space<vmem>>, vector<16xi32>,
    %add3A_2299 = arith.addi %get3A_2294, %get3A_2298 : vector<16xi32>
    %get3A_2300 = arith.constant 2 : i32
    %get3A_2301 = arith.index_cast %get3A_2300 : i32 to index
    %get3A_2302 = arith.constant 384 : index
    %get3A_2303 = tpu.vector_load %arg12[%get3A_2301, %get3A_2302] {strides = array<i32>} : memref<16x512xi32, #tpu.memory_space<vmem>>, vector<16xi32>,
    %add3A_2304 = arith.addi %add3A_2299, %get3A_2303 : vector<16xi32>
    %get3A_2305 = arith.constant 3 : i32
    %get3A_2306 = arith.index_cast %get3A_2305 : i32 to index
    %get3A_2307 = arith.constant 384 : index
    %get3A_2308 = tpu.vector_load %arg12[%get3A_2306, %get3A_2307] {strides = array<i32>} : memref<16x512xi32, #tpu.memory_space<vmem>>, vector<16xi32>,
    %add3A_2309 = arith.addi %add3A_2304, %get3A_2308 : vector<16xi32>
    %get3A_2310 = arith.constant 4 : i32
    %get3A_2311 = arith.index_cast %get3A_2310 : i32 to index
    %get3A_2312 = arith.constant 384 : index
    %get3A_2313 = tpu.vector_load %arg12[%get3A_2311, %get3A_2312] {strides = array<i32>} : memref<16x512xi32, #tpu.memory_space<vmem>>, vector<16xi32>,
    %add3A_2314 = arith.addi %add3A_2309, %get3A_2313 : vector<16xi32>
    %get3A_2315 = arith.constant 5 : i32
    %get3A_2316 = arith.index_cast %get3A_2315 : i32 to index
    %get3A_2317 = arith.constant 384 : index
    %get3A_2318 = tpu.vector_load %arg12[%get3A_2316, %get3A_2317] {strides = array<i32>} : memref<16x512xi32, #tpu.memory_space<vmem>>, vector<16xi32>,
    %add3A_2319 = arith.addi %add3A_2314, %get3A_2318 : vector<16xi32>
    %get3A_2320 = arith.constant 6 : i32
    %get3A_2321 = arith.index_cast %get3A_2320 : i32 to index
    %get3A_2322 = arith.constant 384 : index
    %get3A_2323 = tpu.vector_load %arg12[%get3A_2321, %get3A_2322] {strides = array<i32>} : memref<16x512xi32, #tpu.memory_space<vmem>>, vector<16xi32>,
    %add3A_2324 = arith.addi %add3A_2319, %get3A_2323 : vector<16xi32>
    %get3A_2325 = arith.constant 7 : i32
    %get3A_2326 = arith.index_cast %get3A_2325 : i32 to index
    %get3A_2327 = arith.constant 384 : index
    %get3A_2328 = tpu.vector_load %arg12[%get3A_2326, %get3A_2327] {strides = array<i32>} : memref<16x512xi32, #tpu.memory_space<vmem>>, vector<16xi32>,
    %add3A_2329 = arith.addi %add3A_2324, %get3A_2328 : vector<16xi32>
    %get3A_2330 = arith.constant 8 : i32
    %get3A_2331 = arith.index_cast %get3A_2330 : i32 to index
    %get3A_2332 = arith.constant 384 : index
    %get3A_2333 = tpu.vector_load %arg12[%get3A_2331, %get3A_2332] {strides = array<i32>} : memref<16x512xi32, #tpu.memory_space<vmem>>, vector<16xi32>,
    %add3A_2334 = arith.addi %add3A_2329, %get3A_2333 : vector<16xi32>
    %get3A_2335 = arith.constant 9 : i32
    %get3A_2336 = arith.index_cast %get3A_2335 : i32 to index
    %get3A_2337 = arith.constant 384 : index
    %get3A_2338 = tpu.vector_load %arg12[%get3A_2336, %get3A_2337] {strides = array<i32>} : memref<16x512xi32, #tpu.memory_space<vmem>>, vector<16xi32>,
    %add3A_2339 = arith.addi %add3A_2334, %get3A_2338 : vector<16xi32>
    %get3A_2340 = arith.constant 10 : i32
    %get3A_2341 = arith.index_cast %get3A_2340 : i32 to index
    %get3A_2342 = arith.constant 384 : index
    %get3A_2343 = tpu.vector_load %arg12[%get3A_2341, %get3A_2342] {strides = array<i32>} : memref<16x512xi32, #tpu.memory_space<vmem>>, vector<16xi32>,
    %add3A_2344 = arith.addi %add3A_2339, %get3A_2343 : vector<16xi32>
    %get3A_2345 = arith.constant 11 : i32
    %get3A_2346 = arith.index_cast %get3A_2345 : i32 to index
    %get3A_2347 = arith.constant 384 : index
    %get3A_2348 = tpu.vector_load %arg12[%get3A_2346, %get3A_2347] {strides = array<i32>} : memref<16x512xi32, #tpu.memory_space<vmem>>, vector<16xi32>,
    %add3A_2349 = arith.addi %add3A_2344, %get3A_2348 : vector<16xi32>
    %get3A_2350 = arith.constant 12 : i32
    %get3A_2351 = arith.index_cast %get3A_2350 : i32 to index
    %get3A_2352 = arith.constant 384 : index
    %get3A_2353 = tpu.vector_load %arg12[%get3A_2351, %get3A_2352] {strides = array<i32>} : memref<16x512xi32, #tpu.memory_space<vmem>>, vector<16xi32>,
    %add3A_2354 = arith.addi %add3A_2349, %get3A_2353 : vector<16xi32>
    %get3A_2355 = arith.constant 13 : i32
    %get3A_2356 = arith.index_cast %get3A_2355 : i32 to index
    %get3A_2357 = arith.constant 384 : index
    %get3A_2358 = tpu.vector_load %arg12[%get3A_2356, %get3A_2357] {strides = array<i32>} : memref<16x512xi32, #tpu.memory_space<vmem>>, vector<16xi32>,
    %add3A_2359 = arith.addi %add3A_2354, %get3A_2358 : vector<16xi32>
    %get3A_2360 = arith.constant 14 : i32
    %get3A_2361 = arith.index_cast %get3A_2360 : i32 to index
    %get3A_2362 = arith.constant 384 : index
    %get3A_2363 = tpu.vector_load %arg12[%get3A_2361, %get3A_2362] {strides = array<i32>} : memref<16x512xi32, #tpu.memory_space<vmem>>, vector<16xi32>,
    %add3A_2364 = arith.addi %add3A_2359, %get3A_2363 : vector<16xi32>
    %get3A_2365 = arith.constant 15 : i32
    %get3A_2366 = arith.index_cast %get3A_2365 : i32 to index
    %get3A_2367 = arith.constant 384 : index
    %get3A_2368 = tpu.vector_load %arg12[%get3A_2366, %get3A_2367] {strides = array<i32>} : memref<16x512xi32, #tpu.memory_space<vmem>>, vector<16xi32>,
    %add3A_2369 = arith.addi %add3A_2364, %get3A_2368 : vector<16xi32>
    %swap3A_2370 = arith.constant 3 : i32
    %swap3A_2371 = arith.index_cast %swap3A_2370 : i32 to index
    %swap3A_2372 = arith.constant 0 : index
    %swap3A_2373 = tpu.vector_load %arg11[%swap3A_2371, %swap3A_2372] {strides = array<i32>} : memref<4x128xi32, #tpu.memory_space<vmem>>, vector<16xi32>,
    tpu.vector_store %arg11[%swap3A_2371, %swap3A_2372], %add3A_2369 {strides = array<i32>} : memref<4x128xi32, #tpu.memory_space<vmem>>, vector<16xi32>,
    %get3A_2374 = arith.constant 0 : i32
    %get3A_2375 = arith.index_cast %get3A_2374 : i32 to index
    %get3A_2376 = arith.constant 400 : index
    %get3A_2377 = tpu.vector_load %arg12[%get3A_2375, %get3A_2376] {strides = array<i32>} : memref<16x512xi32, #tpu.memory_space<vmem>>, vector<16xi32>,
    %get3A_2378 = arith.constant 1 : i32
    %get3A_2379 = arith.index_cast %get3A_2378 : i32 to index
    %get3A_2380 = arith.constant 400 : index
    %get3A_2381 = tpu.vector_load %arg12[%get3A_2379, %get3A_2380] {strides = array<i32>} : memref<16x512xi32, #tpu.memory_space<vmem>>, vector<16xi32>,
    %add3A_2382 = arith.addi %get3A_2377, %get3A_2381 : vector<16xi32>
    %get3A_2383 = arith.constant 2 : i32
    %get3A_2384 = arith.index_cast %get3A_2383 : i32 to index
    %get3A_2385 = arith.constant 400 : index
    %get3A_2386 = tpu.vector_load %arg12[%get3A_2384, %get3A_2385] {strides = array<i32>} : memref<16x512xi32, #tpu.memory_space<vmem>>, vector<16xi32>,
    %add3A_2387 = arith.addi %add3A_2382, %get3A_2386 : vector<16xi32>
    %get3A_2388 = arith.constant 3 : i32
    %get3A_2389 = arith.index_cast %get3A_2388 : i32 to index
    %get3A_2390 = arith.constant 400 : index
    %get3A_2391 = tpu.vector_load %arg12[%get3A_2389, %get3A_2390] {strides = array<i32>} : memref<16x512xi32, #tpu.memory_space<vmem>>, vector<16xi32>,
    %add3A_2392 = arith.addi %add3A_2387, %get3A_2391 : vector<16xi32>
    %get3A_2393 = arith.constant 4 : i32
    %get3A_2394 = arith.index_cast %get3A_2393 : i32 to index
    %get3A_2395 = arith.constant 400 : index
    %get3A_2396 = tpu.vector_load %arg12[%get3A_2394, %get3A_2395] {strides = array<i32>} : memref<16x512xi32, #tpu.memory_space<vmem>>, vector<16xi32>,
    %add3A_2397 = arith.addi %add3A_2392, %get3A_2396 : vector<16xi32>
    %get3A_2398 = arith.constant 5 : i32
    %get3A_2399 = arith.index_cast %get3A_2398 : i32 to index
    %get3A_2400 = arith.constant 400 : index
    %get3A_2401 = tpu.vector_load %arg12[%get3A_2399, %get3A_2400] {strides = array<i32>} : memref<16x512xi32, #tpu.memory_space<vmem>>, vector<16xi32>,
    %add3A_2402 = arith.addi %add3A_2397, %get3A_2401 : vector<16xi32>
    %get3A_2403 = arith.constant 6 : i32
    %get3A_2404 = arith.index_cast %get3A_2403 : i32 to index
    %get3A_2405 = arith.constant 400 : index
    %get3A_2406 = tpu.vector_load %arg12[%get3A_2404, %get3A_2405] {strides = array<i32>} : memref<16x512xi32, #tpu.memory_space<vmem>>, vector<16xi32>,
    %add3A_2407 = arith.addi %add3A_2402, %get3A_2406 : vector<16xi32>
    %get3A_2408 = arith.constant 7 : i32
    %get3A_2409 = arith.index_cast %get3A_2408 : i32 to index
    %get3A_2410 = arith.constant 400 : index
    %get3A_2411 = tpu.vector_load %arg12[%get3A_2409, %get3A_2410] {strides = array<i32>} : memref<16x512xi32, #tpu.memory_space<vmem>>, vector<16xi32>,
    %add3A_2412 = arith.addi %add3A_2407, %get3A_2411 : vector<16xi32>
    %get3A_2413 = arith.constant 8 : i32
    %get3A_2414 = arith.index_cast %get3A_2413 : i32 to index
    %get3A_2415 = arith.constant 400 : index
    %get3A_2416 = tpu.vector_load %arg12[%get3A_2414, %get3A_2415] {strides = array<i32>} : memref<16x512xi32, #tpu.memory_space<vmem>>, vector<16xi32>,
    %add3A_2417 = arith.addi %add3A_2412, %get3A_2416 : vector<16xi32>
    %get3A_2418 = arith.constant 9 : i32
    %get3A_2419 = arith.index_cast %get3A_2418 : i32 to index
    %get3A_2420 = arith.constant 400 : index
    %get3A_2421 = tpu.vector_load %arg12[%get3A_2419, %get3A_2420] {strides = array<i32>} : memref<16x512xi32, #tpu.memory_space<vmem>>, vector<16xi32>,
    %add3A_2422 = arith.addi %add3A_2417, %get3A_2421 : vector<16xi32>
    %get3A_2423 = arith.constant 10 : i32
    %get3A_2424 = arith.index_cast %get3A_2423 : i32 to index
    %get3A_2425 = arith.constant 400 : index
    %get3A_2426 = tpu.vector_load %arg12[%get3A_2424, %get3A_2425] {strides = array<i32>} : memref<16x512xi32, #tpu.memory_space<vmem>>, vector<16xi32>,
    %add3A_2427 = arith.addi %add3A_2422, %get3A_2426 : vector<16xi32>
    %get3A_2428 = arith.constant 11 : i32
    %get3A_2429 = arith.index_cast %get3A_2428 : i32 to index
    %get3A_2430 = arith.constant 400 : index
    %get3A_2431 = tpu.vector_load %arg12[%get3A_2429, %get3A_2430] {strides = array<i32>} : memref<16x512xi32, #tpu.memory_space<vmem>>, vector<16xi32>,
    %add3A_2432 = arith.addi %add3A_2427, %get3A_2431 : vector<16xi32>
    %get3A_2433 = arith.constant 12 : i32
    %get3A_2434 = arith.index_cast %get3A_2433 : i32 to index
    %get3A_2435 = arith.constant 400 : index
    %get3A_2436 = tpu.vector_load %arg12[%get3A_2434, %get3A_2435] {strides = array<i32>} : memref<16x512xi32, #tpu.memory_space<vmem>>, vector<16xi32>,
    %add3A_2437 = arith.addi %add3A_2432, %get3A_2436 : vector<16xi32>
    %get3A_2438 = arith.constant 13 : i32
    %get3A_2439 = arith.index_cast %get3A_2438 : i32 to index
    %get3A_2440 = arith.constant 400 : index
    %get3A_2441 = tpu.vector_load %arg12[%get3A_2439, %get3A_2440] {strides = array<i32>} : memref<16x512xi32, #tpu.memory_space<vmem>>, vector<16xi32>,
    %add3A_2442 = arith.addi %add3A_2437, %get3A_2441 : vector<16xi32>
    %get3A_2443 = arith.constant 14 : i32
    %get3A_2444 = arith.index_cast %get3A_2443 : i32 to index
    %get3A_2445 = arith.constant 400 : index
    %get3A_2446 = tpu.vector_load %arg12[%get3A_2444, %get3A_2445] {strides = array<i32>} : memref<16x512xi32, #tpu.memory_space<vmem>>, vector<16xi32>,
    %add3A_2447 = arith.addi %add3A_2442, %get3A_2446 : vector<16xi32>
    %get3A_2448 = arith.constant 15 : i32
    %get3A_2449 = arith.index_cast %get3A_2448 : i32 to index
    %get3A_2450 = arith.constant 400 : index
    %get3A_2451 = tpu.vector_load %arg12[%get3A_2449, %get3A_2450] {strides = array<i32>} : memref<16x512xi32, #tpu.memory_space<vmem>>, vector<16xi32>,
    %add3A_2452 = arith.addi %add3A_2447, %get3A_2451 : vector<16xi32>
    %swap3A_2453 = arith.constant 3 : i32
    %swap3A_2454 = arith.index_cast %swap3A_2453 : i32 to index
    %swap3A_2455 = arith.constant 16 : index
    %swap3A_2456 = tpu.vector_load %arg11[%swap3A_2454, %swap3A_2455] {strides = array<i32>} : memref<4x128xi32, #tpu.memory_space<vmem>>, vector<16xi32>,
    tpu.vector_store %arg11[%swap3A_2454, %swap3A_2455], %add3A_2452 {strides = array<i32>} : memref<4x128xi32, #tpu.memory_space<vmem>>, vector<16xi32>,
    %get3A_2457 = arith.constant 0 : i32
    %get3A_2458 = arith.index_cast %get3A_2457 : i32 to index
    %get3A_2459 = arith.constant 416 : index
    %get3A_2460 = tpu.vector_load %arg12[%get3A_2458, %get3A_2459] {strides = array<i32>} : memref<16x512xi32, #tpu.memory_space<vmem>>, vector<16xi32>,
    %get3A_2461 = arith.constant 1 : i32
    %get3A_2462 = arith.index_cast %get3A_2461 : i32 to index
    %get3A_2463 = arith.constant 416 : index
    %get3A_2464 = tpu.vector_load %arg12[%get3A_2462, %get3A_2463] {strides = array<i32>} : memref<16x512xi32, #tpu.memory_space<vmem>>, vector<16xi32>,
    %add3A_2465 = arith.addi %get3A_2460, %get3A_2464 : vector<16xi32>
    %get3A_2466 = arith.constant 2 : i32
    %get3A_2467 = arith.index_cast %get3A_2466 : i32 to index
    %get3A_2468 = arith.constant 416 : index
    %get3A_2469 = tpu.vector_load %arg12[%get3A_2467, %get3A_2468] {strides = array<i32>} : memref<16x512xi32, #tpu.memory_space<vmem>>, vector<16xi32>,
    %add3A_2470 = arith.addi %add3A_2465, %get3A_2469 : vector<16xi32>
    %get3A_2471 = arith.constant 3 : i32
    %get3A_2472 = arith.index_cast %get3A_2471 : i32 to index
    %get3A_2473 = arith.constant 416 : index
    %get3A_2474 = tpu.vector_load %arg12[%get3A_2472, %get3A_2473] {strides = array<i32>} : memref<16x512xi32, #tpu.memory_space<vmem>>, vector<16xi32>,
    %add3A_2475 = arith.addi %add3A_2470, %get3A_2474 : vector<16xi32>
    %get3A_2476 = arith.constant 4 : i32
    %get3A_2477 = arith.index_cast %get3A_2476 : i32 to index
    %get3A_2478 = arith.constant 416 : index
    %get3A_2479 = tpu.vector_load %arg12[%get3A_2477, %get3A_2478] {strides = array<i32>} : memref<16x512xi32, #tpu.memory_space<vmem>>, vector<16xi32>,
    %add3A_2480 = arith.addi %add3A_2475, %get3A_2479 : vector<16xi32>
    %get3A_2481 = arith.constant 5 : i32
    %get3A_2482 = arith.index_cast %get3A_2481 : i32 to index
    %get3A_2483 = arith.constant 416 : index
    %get3A_2484 = tpu.vector_load %arg12[%get3A_2482, %get3A_2483] {strides = array<i32>} : memref<16x512xi32, #tpu.memory_space<vmem>>, vector<16xi32>,
    %add3A_2485 = arith.addi %add3A_2480, %get3A_2484 : vector<16xi32>
    %get3A_2486 = arith.constant 6 : i32
    %get3A_2487 = arith.index_cast %get3A_2486 : i32 to index
    %get3A_2488 = arith.constant 416 : index
    %get3A_2489 = tpu.vector_load %arg12[%get3A_2487, %get3A_2488] {strides = array<i32>} : memref<16x512xi32, #tpu.memory_space<vmem>>, vector<16xi32>,
    %add3A_2490 = arith.addi %add3A_2485, %get3A_2489 : vector<16xi32>
    %get3A_2491 = arith.constant 7 : i32
    %get3A_2492 = arith.index_cast %get3A_2491 : i32 to index
    %get3A_2493 = arith.constant 416 : index
    %get3A_2494 = tpu.vector_load %arg12[%get3A_2492, %get3A_2493] {strides = array<i32>} : memref<16x512xi32, #tpu.memory_space<vmem>>, vector<16xi32>,
    %add3A_2495 = arith.addi %add3A_2490, %get3A_2494 : vector<16xi32>
    %get3A_2496 = arith.constant 8 : i32
    %get3A_2497 = arith.index_cast %get3A_2496 : i32 to index
    %get3A_2498 = arith.constant 416 : index
    %get3A_2499 = tpu.vector_load %arg12[%get3A_2497, %get3A_2498] {strides = array<i32>} : memref<16x512xi32, #tpu.memory_space<vmem>>, vector<16xi32>,
    %add3A_2500 = arith.addi %add3A_2495, %get3A_2499 : vector<16xi32>
    %get3A_2501 = arith.constant 9 : i32
    %get3A_2502 = arith.index_cast %get3A_2501 : i32 to index
    %get3A_2503 = arith.constant 416 : index
    %get3A_2504 = tpu.vector_load %arg12[%get3A_2502, %get3A_2503] {strides = array<i32>} : memref<16x512xi32, #tpu.memory_space<vmem>>, vector<16xi32>,
    %add3A_2505 = arith.addi %add3A_2500, %get3A_2504 : vector<16xi32>
    %get3A_2506 = arith.constant 10 : i32
    %get3A_2507 = arith.index_cast %get3A_2506 : i32 to index
    %get3A_2508 = arith.constant 416 : index
    %get3A_2509 = tpu.vector_load %arg12[%get3A_2507, %get3A_2508] {strides = array<i32>} : memref<16x512xi32, #tpu.memory_space<vmem>>, vector<16xi32>,
    %add3A_2510 = arith.addi %add3A_2505, %get3A_2509 : vector<16xi32>
    %get3A_2511 = arith.constant 11 : i32
    %get3A_2512 = arith.index_cast %get3A_2511 : i32 to index
    %get3A_2513 = arith.constant 416 : index
    %get3A_2514 = tpu.vector_load %arg12[%get3A_2512, %get3A_2513] {strides = array<i32>} : memref<16x512xi32, #tpu.memory_space<vmem>>, vector<16xi32>,
    %add3A_2515 = arith.addi %add3A_2510, %get3A_2514 : vector<16xi32>
    %get3A_2516 = arith.constant 12 : i32
    %get3A_2517 = arith.index_cast %get3A_2516 : i32 to index
    %get3A_2518 = arith.constant 416 : index
    %get3A_2519 = tpu.vector_load %arg12[%get3A_2517, %get3A_2518] {strides = array<i32>} : memref<16x512xi32, #tpu.memory_space<vmem>>, vector<16xi32>,
    %add3A_2520 = arith.addi %add3A_2515, %get3A_2519 : vector<16xi32>
    %get3A_2521 = arith.constant 13 : i32
    %get3A_2522 = arith.index_cast %get3A_2521 : i32 to index
    %get3A_2523 = arith.constant 416 : index
    %get3A_2524 = tpu.vector_load %arg12[%get3A_2522, %get3A_2523] {strides = array<i32>} : memref<16x512xi32, #tpu.memory_space<vmem>>, vector<16xi32>,
    %add3A_2525 = arith.addi %add3A_2520, %get3A_2524 : vector<16xi32>
    %get3A_2526 = arith.constant 14 : i32
    %get3A_2527 = arith.index_cast %get3A_2526 : i32 to index
    %get3A_2528 = arith.constant 416 : index
    %get3A_2529 = tpu.vector_load %arg12[%get3A_2527, %get3A_2528] {strides = array<i32>} : memref<16x512xi32, #tpu.memory_space<vmem>>, vector<16xi32>,
    %add3A_2530 = arith.addi %add3A_2525, %get3A_2529 : vector<16xi32>
    %get3A_2531 = arith.constant 15 : i32
    %get3A_2532 = arith.index_cast %get3A_2531 : i32 to index
    %get3A_2533 = arith.constant 416 : index
    %get3A_2534 = tpu.vector_load %arg12[%get3A_2532, %get3A_2533] {strides = array<i32>} : memref<16x512xi32, #tpu.memory_space<vmem>>, vector<16xi32>,
    %add3A_2535 = arith.addi %add3A_2530, %get3A_2534 : vector<16xi32>
    %swap3A_2536 = arith.constant 3 : i32
    %swap3A_2537 = arith.index_cast %swap3A_2536 : i32 to index
    %swap3A_2538 = arith.constant 32 : index
    %swap3A_2539 = tpu.vector_load %arg11[%swap3A_2537, %swap3A_2538] {strides = array<i32>} : memref<4x128xi32, #tpu.memory_space<vmem>>, vector<16xi32>,
    tpu.vector_store %arg11[%swap3A_2537, %swap3A_2538], %add3A_2535 {strides = array<i32>} : memref<4x128xi32, #tpu.memory_space<vmem>>, vector<16xi32>,
    %get3A_2540 = arith.constant 0 : i32
    %get3A_2541 = arith.index_cast %get3A_2540 : i32 to index
    %get3A_2542 = arith.constant 432 : index
    %get3A_2543 = tpu.vector_load %arg12[%get3A_2541, %get3A_2542] {strides = array<i32>} : memref<16x512xi32, #tpu.memory_space<vmem>>, vector<16xi32>,
    %get3A_2544 = arith.constant 1 : i32
    %get3A_2545 = arith.index_cast %get3A_2544 : i32 to index
    %get3A_2546 = arith.constant 432 : index
    %get3A_2547 = tpu.vector_load %arg12[%get3A_2545, %get3A_2546] {strides = array<i32>} : memref<16x512xi32, #tpu.memory_space<vmem>>, vector<16xi32>,
    %add3A_2548 = arith.addi %get3A_2543, %get3A_2547 : vector<16xi32>
    %get3A_2549 = arith.constant 2 : i32
    %get3A_2550 = arith.index_cast %get3A_2549 : i32 to index
    %get3A_2551 = arith.constant 432 : index
    %get3A_2552 = tpu.vector_load %arg12[%get3A_2550, %get3A_2551] {strides = array<i32>} : memref<16x512xi32, #tpu.memory_space<vmem>>, vector<16xi32>,
    %add3A_2553 = arith.addi %add3A_2548, %get3A_2552 : vector<16xi32>
    %get3A_2554 = arith.constant 3 : i32
    %get3A_2555 = arith.index_cast %get3A_2554 : i32 to index
    %get3A_2556 = arith.constant 432 : index
    %get3A_2557 = tpu.vector_load %arg12[%get3A_2555, %get3A_2556] {strides = array<i32>} : memref<16x512xi32, #tpu.memory_space<vmem>>, vector<16xi32>,
    %add3A_2558 = arith.addi %add3A_2553, %get3A_2557 : vector<16xi32>
    %get3A_2559 = arith.constant 4 : i32
    %get3A_2560 = arith.index_cast %get3A_2559 : i32 to index
    %get3A_2561 = arith.constant 432 : index
    %get3A_2562 = tpu.vector_load %arg12[%get3A_2560, %get3A_2561] {strides = array<i32>} : memref<16x512xi32, #tpu.memory_space<vmem>>, vector<16xi32>,
    %add3A_2563 = arith.addi %add3A_2558, %get3A_2562 : vector<16xi32>
    %get3A_2564 = arith.constant 5 : i32
    %get3A_2565 = arith.index_cast %get3A_2564 : i32 to index
    %get3A_2566 = arith.constant 432 : index
    %get3A_2567 = tpu.vector_load %arg12[%get3A_2565, %get3A_2566] {strides = array<i32>} : memref<16x512xi32, #tpu.memory_space<vmem>>, vector<16xi32>,
    %add3A_2568 = arith.addi %add3A_2563, %get3A_2567 : vector<16xi32>
    %get3A_2569 = arith.constant 6 : i32
    %get3A_2570 = arith.index_cast %get3A_2569 : i32 to index
    %get3A_2571 = arith.constant 432 : index
    %get3A_2572 = tpu.vector_load %arg12[%get3A_2570, %get3A_2571] {strides = array<i32>} : memref<16x512xi32, #tpu.memory_space<vmem>>, vector<16xi32>,
    %add3A_2573 = arith.addi %add3A_2568, %get3A_2572 : vector<16xi32>
    %get3A_2574 = arith.constant 7 : i32
    %get3A_2575 = arith.index_cast %get3A_2574 : i32 to index
    %get3A_2576 = arith.constant 432 : index
    %get3A_2577 = tpu.vector_load %arg12[%get3A_2575, %get3A_2576] {strides = array<i32>} : memref<16x512xi32, #tpu.memory_space<vmem>>, vector<16xi32>,
    %add3A_2578 = arith.addi %add3A_2573, %get3A_2577 : vector<16xi32>
    %get3A_2579 = arith.constant 8 : i32
    %get3A_2580 = arith.index_cast %get3A_2579 : i32 to index
    %get3A_2581 = arith.constant 432 : index
    %get3A_2582 = tpu.vector_load %arg12[%get3A_2580, %get3A_2581] {strides = array<i32>} : memref<16x512xi32, #tpu.memory_space<vmem>>, vector<16xi32>,
    %add3A_2583 = arith.addi %add3A_2578, %get3A_2582 : vector<16xi32>
    %get3A_2584 = arith.constant 9 : i32
    %get3A_2585 = arith.index_cast %get3A_2584 : i32 to index
    %get3A_2586 = arith.constant 432 : index
    %get3A_2587 = tpu.vector_load %arg12[%get3A_2585, %get3A_2586] {strides = array<i32>} : memref<16x512xi32, #tpu.memory_space<vmem>>, vector<16xi32>,
    %add3A_2588 = arith.addi %add3A_2583, %get3A_2587 : vector<16xi32>
    %get3A_2589 = arith.constant 10 : i32
    %get3A_2590 = arith.index_cast %get3A_2589 : i32 to index
    %get3A_2591 = arith.constant 432 : index
    %get3A_2592 = tpu.vector_load %arg12[%get3A_2590, %get3A_2591] {strides = array<i32>} : memref<16x512xi32, #tpu.memory_space<vmem>>, vector<16xi32>,
    %add3A_2593 = arith.addi %add3A_2588, %get3A_2592 : vector<16xi32>
    %get3A_2594 = arith.constant 11 : i32
    %get3A_2595 = arith.index_cast %get3A_2594 : i32 to index
    %get3A_2596 = arith.constant 432 : index
    %get3A_2597 = tpu.vector_load %arg12[%get3A_2595, %get3A_2596] {strides = array<i32>} : memref<16x512xi32, #tpu.memory_space<vmem>>, vector<16xi32>,
    %add3A_2598 = arith.addi %add3A_2593, %get3A_2597 : vector<16xi32>
    %get3A_2599 = arith.constant 12 : i32
    %get3A_2600 = arith.index_cast %get3A_2599 : i32 to index
    %get3A_2601 = arith.constant 432 : index
    %get3A_2602 = tpu.vector_load %arg12[%get3A_2600, %get3A_2601] {strides = array<i32>} : memref<16x512xi32, #tpu.memory_space<vmem>>, vector<16xi32>,
    %add3A_2603 = arith.addi %add3A_2598, %get3A_2602 : vector<16xi32>
    %get3A_2604 = arith.constant 13 : i32
    %get3A_2605 = arith.index_cast %get3A_2604 : i32 to index
    %get3A_2606 = arith.constant 432 : index
    %get3A_2607 = tpu.vector_load %arg12[%get3A_2605, %get3A_2606] {strides = array<i32>} : memref<16x512xi32, #tpu.memory_space<vmem>>, vector<16xi32>,
    %add3A_2608 = arith.addi %add3A_2603, %get3A_2607 : vector<16xi32>
    %get3A_2609 = arith.constant 14 : i32
    %get3A_2610 = arith.index_cast %get3A_2609 : i32 to index
    %get3A_2611 = arith.constant 432 : index
    %get3A_2612 = tpu.vector_load %arg12[%get3A_2610, %get3A_2611] {strides = array<i32>} : memref<16x512xi32, #tpu.memory_space<vmem>>, vector<16xi32>,
    %add3A_2613 = arith.addi %add3A_2608, %get3A_2612 : vector<16xi32>
    %get3A_2614 = arith.constant 15 : i32
    %get3A_2615 = arith.index_cast %get3A_2614 : i32 to index
    %get3A_2616 = arith.constant 432 : index
    %get3A_2617 = tpu.vector_load %arg12[%get3A_2615, %get3A_2616] {strides = array<i32>} : memref<16x512xi32, #tpu.memory_space<vmem>>, vector<16xi32>,
    %add3A_2618 = arith.addi %add3A_2613, %get3A_2617 : vector<16xi32>
    %swap3A_2619 = arith.constant 3 : i32
    %swap3A_2620 = arith.index_cast %swap3A_2619 : i32 to index
    %swap3A_2621 = arith.constant 48 : index
    %swap3A_2622 = tpu.vector_load %arg11[%swap3A_2620, %swap3A_2621] {strides = array<i32>} : memref<4x128xi32, #tpu.memory_space<vmem>>, vector<16xi32>,
    tpu.vector_store %arg11[%swap3A_2620, %swap3A_2621], %add3A_2618 {strides = array<i32>} : memref<4x128xi32, #tpu.memory_space<vmem>>, vector<16xi32>,
    %get3A_2623 = arith.constant 0 : i32
    %get3A_2624 = arith.index_cast %get3A_2623 : i32 to index
    %get3A_2625 = arith.constant 448 : index
    %get3A_2626 = tpu.vector_load %arg12[%get3A_2624, %get3A_2625] {strides = array<i32>} : memref<16x512xi32, #tpu.memory_space<vmem>>, vector<16xi32>,
    %get3A_2627 = arith.constant 1 : i32
    %get3A_2628 = arith.index_cast %get3A_2627 : i32 to index
    %get3A_2629 = arith.constant 448 : index
    %get3A_2630 = tpu.vector_load %arg12[%get3A_2628, %get3A_2629] {strides = array<i32>} : memref<16x512xi32, #tpu.memory_space<vmem>>, vector<16xi32>,
    %add3A_2631 = arith.addi %get3A_2626, %get3A_2630 : vector<16xi32>
    %get3A_2632 = arith.constant 2 : i32
    %get3A_2633 = arith.index_cast %get3A_2632 : i32 to index
    %get3A_2634 = arith.constant 448 : index
    %get3A_2635 = tpu.vector_load %arg12[%get3A_2633, %get3A_2634] {strides = array<i32>} : memref<16x512xi32, #tpu.memory_space<vmem>>, vector<16xi32>,
    %add3A_2636 = arith.addi %add3A_2631, %get3A_2635 : vector<16xi32>
    %get3A_2637 = arith.constant 3 : i32
    %get3A_2638 = arith.index_cast %get3A_2637 : i32 to index
    %get3A_2639 = arith.constant 448 : index
    %get3A_2640 = tpu.vector_load %arg12[%get3A_2638, %get3A_2639] {strides = array<i32>} : memref<16x512xi32, #tpu.memory_space<vmem>>, vector<16xi32>,
    %add3A_2641 = arith.addi %add3A_2636, %get3A_2640 : vector<16xi32>
    %get3A_2642 = arith.constant 4 : i32
    %get3A_2643 = arith.index_cast %get3A_2642 : i32 to index
    %get3A_2644 = arith.constant 448 : index
    %get3A_2645 = tpu.vector_load %arg12[%get3A_2643, %get3A_2644] {strides = array<i32>} : memref<16x512xi32, #tpu.memory_space<vmem>>, vector<16xi32>,
    %add3A_2646 = arith.addi %add3A_2641, %get3A_2645 : vector<16xi32>
    %get3A_2647 = arith.constant 5 : i32
    %get3A_2648 = arith.index_cast %get3A_2647 : i32 to index
    %get3A_2649 = arith.constant 448 : index
    %get3A_2650 = tpu.vector_load %arg12[%get3A_2648, %get3A_2649] {strides = array<i32>} : memref<16x512xi32, #tpu.memory_space<vmem>>, vector<16xi32>,
    %add3A_2651 = arith.addi %add3A_2646, %get3A_2650 : vector<16xi32>
    %get3A_2652 = arith.constant 6 : i32
    %get3A_2653 = arith.index_cast %get3A_2652 : i32 to index
    %get3A_2654 = arith.constant 448 : index
    %get3A_2655 = tpu.vector_load %arg12[%get3A_2653, %get3A_2654] {strides = array<i32>} : memref<16x512xi32, #tpu.memory_space<vmem>>, vector<16xi32>,
    %add3A_2656 = arith.addi %add3A_2651, %get3A_2655 : vector<16xi32>
    %get3A_2657 = arith.constant 7 : i32
    %get3A_2658 = arith.index_cast %get3A_2657 : i32 to index
    %get3A_2659 = arith.constant 448 : index
    %get3A_2660 = tpu.vector_load %arg12[%get3A_2658, %get3A_2659] {strides = array<i32>} : memref<16x512xi32, #tpu.memory_space<vmem>>, vector<16xi32>,
    %add3A_2661 = arith.addi %add3A_2656, %get3A_2660 : vector<16xi32>
    %get3A_2662 = arith.constant 8 : i32
    %get3A_2663 = arith.index_cast %get3A_2662 : i32 to index
    %get3A_2664 = arith.constant 448 : index
    %get3A_2665 = tpu.vector_load %arg12[%get3A_2663, %get3A_2664] {strides = array<i32>} : memref<16x512xi32, #tpu.memory_space<vmem>>, vector<16xi32>,
    %add3A_2666 = arith.addi %add3A_2661, %get3A_2665 : vector<16xi32>
    %get3A_2667 = arith.constant 9 : i32
    %get3A_2668 = arith.index_cast %get3A_2667 : i32 to index
    %get3A_2669 = arith.constant 448 : index
    %get3A_2670 = tpu.vector_load %arg12[%get3A_2668, %get3A_2669] {strides = array<i32>} : memref<16x512xi32, #tpu.memory_space<vmem>>, vector<16xi32>,
    %add3A_2671 = arith.addi %add3A_2666, %get3A_2670 : vector<16xi32>
    %get3A_2672 = arith.constant 10 : i32
    %get3A_2673 = arith.index_cast %get3A_2672 : i32 to index
    %get3A_2674 = arith.constant 448 : index
    %get3A_2675 = tpu.vector_load %arg12[%get3A_2673, %get3A_2674] {strides = array<i32>} : memref<16x512xi32, #tpu.memory_space<vmem>>, vector<16xi32>,
    %add3A_2676 = arith.addi %add3A_2671, %get3A_2675 : vector<16xi32>
    %get3A_2677 = arith.constant 11 : i32
    %get3A_2678 = arith.index_cast %get3A_2677 : i32 to index
    %get3A_2679 = arith.constant 448 : index
    %get3A_2680 = tpu.vector_load %arg12[%get3A_2678, %get3A_2679] {strides = array<i32>} : memref<16x512xi32, #tpu.memory_space<vmem>>, vector<16xi32>,
    %add3A_2681 = arith.addi %add3A_2676, %get3A_2680 : vector<16xi32>
    %get3A_2682 = arith.constant 12 : i32
    %get3A_2683 = arith.index_cast %get3A_2682 : i32 to index
    %get3A_2684 = arith.constant 448 : index
    %get3A_2685 = tpu.vector_load %arg12[%get3A_2683, %get3A_2684] {strides = array<i32>} : memref<16x512xi32, #tpu.memory_space<vmem>>, vector<16xi32>,
    %add3A_2686 = arith.addi %add3A_2681, %get3A_2685 : vector<16xi32>
    %get3A_2687 = arith.constant 13 : i32
    %get3A_2688 = arith.index_cast %get3A_2687 : i32 to index
    %get3A_2689 = arith.constant 448 : index
    %get3A_2690 = tpu.vector_load %arg12[%get3A_2688, %get3A_2689] {strides = array<i32>} : memref<16x512xi32, #tpu.memory_space<vmem>>, vector<16xi32>,
    %add3A_2691 = arith.addi %add3A_2686, %get3A_2690 : vector<16xi32>
    %get3A_2692 = arith.constant 14 : i32
    %get3A_2693 = arith.index_cast %get3A_2692 : i32 to index
    %get3A_2694 = arith.constant 448 : index
    %get3A_2695 = tpu.vector_load %arg12[%get3A_2693, %get3A_2694] {strides = array<i32>} : memref<16x512xi32, #tpu.memory_space<vmem>>, vector<16xi32>,
    %add3A_2696 = arith.addi %add3A_2691, %get3A_2695 : vector<16xi32>
    %get3A_2697 = arith.constant 15 : i32
    %get3A_2698 = arith.index_cast %get3A_2697 : i32 to index
    %get3A_2699 = arith.constant 448 : index
    %get3A_2700 = tpu.vector_load %arg12[%get3A_2698, %get3A_2699] {strides = array<i32>} : memref<16x512xi32, #tpu.memory_space<vmem>>, vector<16xi32>,
    %add3A_2701 = arith.addi %add3A_2696, %get3A_2700 : vector<16xi32>
    %swap3A_2702 = arith.constant 3 : i32
    %swap3A_2703 = arith.index_cast %swap3A_2702 : i32 to index
    %swap3A_2704 = arith.constant 64 : index
    %swap3A_2705 = tpu.vector_load %arg11[%swap3A_2703, %swap3A_2704] {strides = array<i32>} : memref<4x128xi32, #tpu.memory_space<vmem>>, vector<16xi32>,
    tpu.vector_store %arg11[%swap3A_2703, %swap3A_2704], %add3A_2701 {strides = array<i32>} : memref<4x128xi32, #tpu.memory_space<vmem>>, vector<16xi32>,
    %get3A_2706 = arith.constant 0 : i32
    %get3A_2707 = arith.index_cast %get3A_2706 : i32 to index
    %get3A_2708 = arith.constant 464 : index
    %get3A_2709 = tpu.vector_load %arg12[%get3A_2707, %get3A_2708] {strides = array<i32>} : memref<16x512xi32, #tpu.memory_space<vmem>>, vector<16xi32>,
    %get3A_2710 = arith.constant 1 : i32
    %get3A_2711 = arith.index_cast %get3A_2710 : i32 to index
    %get3A_2712 = arith.constant 464 : index
    %get3A_2713 = tpu.vector_load %arg12[%get3A_2711, %get3A_2712] {strides = array<i32>} : memref<16x512xi32, #tpu.memory_space<vmem>>, vector<16xi32>,
    %add3A_2714 = arith.addi %get3A_2709, %get3A_2713 : vector<16xi32>
    %get3A_2715 = arith.constant 2 : i32
    %get3A_2716 = arith.index_cast %get3A_2715 : i32 to index
    %get3A_2717 = arith.constant 464 : index
    %get3A_2718 = tpu.vector_load %arg12[%get3A_2716, %get3A_2717] {strides = array<i32>} : memref<16x512xi32, #tpu.memory_space<vmem>>, vector<16xi32>,
    %add3A_2719 = arith.addi %add3A_2714, %get3A_2718 : vector<16xi32>
    %get3A_2720 = arith.constant 3 : i32
    %get3A_2721 = arith.index_cast %get3A_2720 : i32 to index
    %get3A_2722 = arith.constant 464 : index
    %get3A_2723 = tpu.vector_load %arg12[%get3A_2721, %get3A_2722] {strides = array<i32>} : memref<16x512xi32, #tpu.memory_space<vmem>>, vector<16xi32>,
    %add3A_2724 = arith.addi %add3A_2719, %get3A_2723 : vector<16xi32>
    %get3A_2725 = arith.constant 4 : i32
    %get3A_2726 = arith.index_cast %get3A_2725 : i32 to index
    %get3A_2727 = arith.constant 464 : index
    %get3A_2728 = tpu.vector_load %arg12[%get3A_2726, %get3A_2727] {strides = array<i32>} : memref<16x512xi32, #tpu.memory_space<vmem>>, vector<16xi32>,
    %add3A_2729 = arith.addi %add3A_2724, %get3A_2728 : vector<16xi32>
    %get3A_2730 = arith.constant 5 : i32
    %get3A_2731 = arith.index_cast %get3A_2730 : i32 to index
    %get3A_2732 = arith.constant 464 : index
    %get3A_2733 = tpu.vector_load %arg12[%get3A_2731, %get3A_2732] {strides = array<i32>} : memref<16x512xi32, #tpu.memory_space<vmem>>, vector<16xi32>,
    %add3A_2734 = arith.addi %add3A_2729, %get3A_2733 : vector<16xi32>
    %get3A_2735 = arith.constant 6 : i32
    %get3A_2736 = arith.index_cast %get3A_2735 : i32 to index
    %get3A_2737 = arith.constant 464 : index
    %get3A_2738 = tpu.vector_load %arg12[%get3A_2736, %get3A_2737] {strides = array<i32>} : memref<16x512xi32, #tpu.memory_space<vmem>>, vector<16xi32>,
    %add3A_2739 = arith.addi %add3A_2734, %get3A_2738 : vector<16xi32>
    %get3A_2740 = arith.constant 7 : i32
    %get3A_2741 = arith.index_cast %get3A_2740 : i32 to index
    %get3A_2742 = arith.constant 464 : index
    %get3A_2743 = tpu.vector_load %arg12[%get3A_2741, %get3A_2742] {strides = array<i32>} : memref<16x512xi32, #tpu.memory_space<vmem>>, vector<16xi32>,
    %add3A_2744 = arith.addi %add3A_2739, %get3A_2743 : vector<16xi32>
    %get3A_2745 = arith.constant 8 : i32
    %get3A_2746 = arith.index_cast %get3A_2745 : i32 to index
    %get3A_2747 = arith.constant 464 : index
    %get3A_2748 = tpu.vector_load %arg12[%get3A_2746, %get3A_2747] {strides = array<i32>} : memref<16x512xi32, #tpu.memory_space<vmem>>, vector<16xi32>,
    %add3A_2749 = arith.addi %add3A_2744, %get3A_2748 : vector<16xi32>
    %get3A_2750 = arith.constant 9 : i32
    %get3A_2751 = arith.index_cast %get3A_2750 : i32 to index
    %get3A_2752 = arith.constant 464 : index
    %get3A_2753 = tpu.vector_load %arg12[%get3A_2751, %get3A_2752] {strides = array<i32>} : memref<16x512xi32, #tpu.memory_space<vmem>>, vector<16xi32>,
    %add3A_2754 = arith.addi %add3A_2749, %get3A_2753 : vector<16xi32>
    %get3A_2755 = arith.constant 10 : i32
    %get3A_2756 = arith.index_cast %get3A_2755 : i32 to index
    %get3A_2757 = arith.constant 464 : index
    %get3A_2758 = tpu.vector_load %arg12[%get3A_2756, %get3A_2757] {strides = array<i32>} : memref<16x512xi32, #tpu.memory_space<vmem>>, vector<16xi32>,
    %add3A_2759 = arith.addi %add3A_2754, %get3A_2758 : vector<16xi32>
    %get3A_2760 = arith.constant 11 : i32
    %get3A_2761 = arith.index_cast %get3A_2760 : i32 to index
    %get3A_2762 = arith.constant 464 : index
    %get3A_2763 = tpu.vector_load %arg12[%get3A_2761, %get3A_2762] {strides = array<i32>} : memref<16x512xi32, #tpu.memory_space<vmem>>, vector<16xi32>,
    %add3A_2764 = arith.addi %add3A_2759, %get3A_2763 : vector<16xi32>
    %get3A_2765 = arith.constant 12 : i32
    %get3A_2766 = arith.index_cast %get3A_2765 : i32 to index
    %get3A_2767 = arith.constant 464 : index
    %get3A_2768 = tpu.vector_load %arg12[%get3A_2766, %get3A_2767] {strides = array<i32>} : memref<16x512xi32, #tpu.memory_space<vmem>>, vector<16xi32>,
    %add3A_2769 = arith.addi %add3A_2764, %get3A_2768 : vector<16xi32>
    %get3A_2770 = arith.constant 13 : i32
    %get3A_2771 = arith.index_cast %get3A_2770 : i32 to index
    %get3A_2772 = arith.constant 464 : index
    %get3A_2773 = tpu.vector_load %arg12[%get3A_2771, %get3A_2772] {strides = array<i32>} : memref<16x512xi32, #tpu.memory_space<vmem>>, vector<16xi32>,
    %add3A_2774 = arith.addi %add3A_2769, %get3A_2773 : vector<16xi32>
    %get3A_2775 = arith.constant 14 : i32
    %get3A_2776 = arith.index_cast %get3A_2775 : i32 to index
    %get3A_2777 = arith.constant 464 : index
    %get3A_2778 = tpu.vector_load %arg12[%get3A_2776, %get3A_2777] {strides = array<i32>} : memref<16x512xi32, #tpu.memory_space<vmem>>, vector<16xi32>,
    %add3A_2779 = arith.addi %add3A_2774, %get3A_2778 : vector<16xi32>
    %get3A_2780 = arith.constant 15 : i32
    %get3A_2781 = arith.index_cast %get3A_2780 : i32 to index
    %get3A_2782 = arith.constant 464 : index
    %get3A_2783 = tpu.vector_load %arg12[%get3A_2781, %get3A_2782] {strides = array<i32>} : memref<16x512xi32, #tpu.memory_space<vmem>>, vector<16xi32>,
    %add3A_2784 = arith.addi %add3A_2779, %get3A_2783 : vector<16xi32>
    %swap3A_2785 = arith.constant 3 : i32
    %swap3A_2786 = arith.index_cast %swap3A_2785 : i32 to index
    %swap3A_2787 = arith.constant 80 : index
    %swap3A_2788 = tpu.vector_load %arg11[%swap3A_2786, %swap3A_2787] {strides = array<i32>} : memref<4x128xi32, #tpu.memory_space<vmem>>, vector<16xi32>,
    tpu.vector_store %arg11[%swap3A_2786, %swap3A_2787], %add3A_2784 {strides = array<i32>} : memref<4x128xi32, #tpu.memory_space<vmem>>, vector<16xi32>,
    %get3A_2789 = arith.constant 0 : i32
    %get3A_2790 = arith.index_cast %get3A_2789 : i32 to index
    %get3A_2791 = arith.constant 480 : index
    %get3A_2792 = tpu.vector_load %arg12[%get3A_2790, %get3A_2791] {strides = array<i32>} : memref<16x512xi32, #tpu.memory_space<vmem>>, vector<16xi32>,
    %get3A_2793 = arith.constant 1 : i32
    %get3A_2794 = arith.index_cast %get3A_2793 : i32 to index
    %get3A_2795 = arith.constant 480 : index
    %get3A_2796 = tpu.vector_load %arg12[%get3A_2794, %get3A_2795] {strides = array<i32>} : memref<16x512xi32, #tpu.memory_space<vmem>>, vector<16xi32>,
    %add3A_2797 = arith.addi %get3A_2792, %get3A_2796 : vector<16xi32>
    %get3A_2798 = arith.constant 2 : i32
    %get3A_2799 = arith.index_cast %get3A_2798 : i32 to index
    %get3A_2800 = arith.constant 480 : index
    %get3A_2801 = tpu.vector_load %arg12[%get3A_2799, %get3A_2800] {strides = array<i32>} : memref<16x512xi32, #tpu.memory_space<vmem>>, vector<16xi32>,
    %add3A_2802 = arith.addi %add3A_2797, %get3A_2801 : vector<16xi32>
    %get3A_2803 = arith.constant 3 : i32
    %get3A_2804 = arith.index_cast %get3A_2803 : i32 to index
    %get3A_2805 = arith.constant 480 : index
    %get3A_2806 = tpu.vector_load %arg12[%get3A_2804, %get3A_2805] {strides = array<i32>} : memref<16x512xi32, #tpu.memory_space<vmem>>, vector<16xi32>,
    %add3A_2807 = arith.addi %add3A_2802, %get3A_2806 : vector<16xi32>
    %get3A_2808 = arith.constant 4 : i32
    %get3A_2809 = arith.index_cast %get3A_2808 : i32 to index
    %get3A_2810 = arith.constant 480 : index
    %get3A_2811 = tpu.vector_load %arg12[%get3A_2809, %get3A_2810] {strides = array<i32>} : memref<16x512xi32, #tpu.memory_space<vmem>>, vector<16xi32>,
    %add3A_2812 = arith.addi %add3A_2807, %get3A_2811 : vector<16xi32>
    %get3A_2813 = arith.constant 5 : i32
    %get3A_2814 = arith.index_cast %get3A_2813 : i32 to index
    %get3A_2815 = arith.constant 480 : index
    %get3A_2816 = tpu.vector_load %arg12[%get3A_2814, %get3A_2815] {strides = array<i32>} : memref<16x512xi32, #tpu.memory_space<vmem>>, vector<16xi32>,
    %add3A_2817 = arith.addi %add3A_2812, %get3A_2816 : vector<16xi32>
    %get3A_2818 = arith.constant 6 : i32
    %get3A_2819 = arith.index_cast %get3A_2818 : i32 to index
    %get3A_2820 = arith.constant 480 : index
    %get3A_2821 = tpu.vector_load %arg12[%get3A_2819, %get3A_2820] {strides = array<i32>} : memref<16x512xi32, #tpu.memory_space<vmem>>, vector<16xi32>,
    %add3A_2822 = arith.addi %add3A_2817, %get3A_2821 : vector<16xi32>
    %get3A_2823 = arith.constant 7 : i32
    %get3A_2824 = arith.index_cast %get3A_2823 : i32 to index
    %get3A_2825 = arith.constant 480 : index
    %get3A_2826 = tpu.vector_load %arg12[%get3A_2824, %get3A_2825] {strides = array<i32>} : memref<16x512xi32, #tpu.memory_space<vmem>>, vector<16xi32>,
    %add3A_2827 = arith.addi %add3A_2822, %get3A_2826 : vector<16xi32>
    %get3A_2828 = arith.constant 8 : i32
    %get3A_2829 = arith.index_cast %get3A_2828 : i32 to index
    %get3A_2830 = arith.constant 480 : index
    %get3A_2831 = tpu.vector_load %arg12[%get3A_2829, %get3A_2830] {strides = array<i32>} : memref<16x512xi32, #tpu.memory_space<vmem>>, vector<16xi32>,
    %add3A_2832 = arith.addi %add3A_2827, %get3A_2831 : vector<16xi32>
    %get3A_2833 = arith.constant 9 : i32
    %get3A_2834 = arith.index_cast %get3A_2833 : i32 to index
    %get3A_2835 = arith.constant 480 : index
    %get3A_2836 = tpu.vector_load %arg12[%get3A_2834, %get3A_2835] {strides = array<i32>} : memref<16x512xi32, #tpu.memory_space<vmem>>, vector<16xi32>,
    %add3A_2837 = arith.addi %add3A_2832, %get3A_2836 : vector<16xi32>
    %get3A_2838 = arith.constant 10 : i32
    %get3A_2839 = arith.index_cast %get3A_2838 : i32 to index
    %get3A_2840 = arith.constant 480 : index
    %get3A_2841 = tpu.vector_load %arg12[%get3A_2839, %get3A_2840] {strides = array<i32>} : memref<16x512xi32, #tpu.memory_space<vmem>>, vector<16xi32>,
    %add3A_2842 = arith.addi %add3A_2837, %get3A_2841 : vector<16xi32>
    %get3A_2843 = arith.constant 11 : i32
    %get3A_2844 = arith.index_cast %get3A_2843 : i32 to index
    %get3A_2845 = arith.constant 480 : index
    %get3A_2846 = tpu.vector_load %arg12[%get3A_2844, %get3A_2845] {strides = array<i32>} : memref<16x512xi32, #tpu.memory_space<vmem>>, vector<16xi32>,
    %add3A_2847 = arith.addi %add3A_2842, %get3A_2846 : vector<16xi32>
    %get3A_2848 = arith.constant 12 : i32
    %get3A_2849 = arith.index_cast %get3A_2848 : i32 to index
    %get3A_2850 = arith.constant 480 : index
    %get3A_2851 = tpu.vector_load %arg12[%get3A_2849, %get3A_2850] {strides = array<i32>} : memref<16x512xi32, #tpu.memory_space<vmem>>, vector<16xi32>,
    %add3A_2852 = arith.addi %add3A_2847, %get3A_2851 : vector<16xi32>
    %get3A_2853 = arith.constant 13 : i32
    %get3A_2854 = arith.index_cast %get3A_2853 : i32 to index
    %get3A_2855 = arith.constant 480 : index
    %get3A_2856 = tpu.vector_load %arg12[%get3A_2854, %get3A_2855] {strides = array<i32>} : memref<16x512xi32, #tpu.memory_space<vmem>>, vector<16xi32>,
    %add3A_2857 = arith.addi %add3A_2852, %get3A_2856 : vector<16xi32>
    %get3A_2858 = arith.constant 14 : i32
    %get3A_2859 = arith.index_cast %get3A_2858 : i32 to index
    %get3A_2860 = arith.constant 480 : index
    %get3A_2861 = tpu.vector_load %arg12[%get3A_2859, %get3A_2860] {strides = array<i32>} : memref<16x512xi32, #tpu.memory_space<vmem>>, vector<16xi32>,
    %add3A_2862 = arith.addi %add3A_2857, %get3A_2861 : vector<16xi32>
    %get3A_2863 = arith.constant 15 : i32
    %get3A_2864 = arith.index_cast %get3A_2863 : i32 to index
    %get3A_2865 = arith.constant 480 : index
    %get3A_2866 = tpu.vector_load %arg12[%get3A_2864, %get3A_2865] {strides = array<i32>} : memref<16x512xi32, #tpu.memory_space<vmem>>, vector<16xi32>,
    %add3A_2867 = arith.addi %add3A_2862, %get3A_2866 : vector<16xi32>
    %swap3A_2868 = arith.constant 3 : i32
    %swap3A_2869 = arith.index_cast %swap3A_2868 : i32 to index
    %swap3A_2870 = arith.constant 96 : index
    %swap3A_2871 = tpu.vector_load %arg11[%swap3A_2869, %swap3A_2870] {strides = array<i32>} : memref<4x128xi32, #tpu.memory_space<vmem>>, vector<16xi32>,
    tpu.vector_store %arg11[%swap3A_2869, %swap3A_2870], %add3A_2867 {strides = array<i32>} : memref<4x128xi32, #tpu.memory_space<vmem>>, vector<16xi32>,
    %get3A_2872 = arith.constant 0 : i32
    %get3A_2873 = arith.index_cast %get3A_2872 : i32 to index
    %get3A_2874 = arith.constant 496 : index
    %get3A_2875 = tpu.vector_load %arg12[%get3A_2873, %get3A_2874] {strides = array<i32>} : memref<16x512xi32, #tpu.memory_space<vmem>>, vector<16xi32>,
    %get3A_2876 = arith.constant 1 : i32
    %get3A_2877 = arith.index_cast %get3A_2876 : i32 to index
    %get3A_2878 = arith.constant 496 : index
    %get3A_2879 = tpu.vector_load %arg12[%get3A_2877, %get3A_2878] {strides = array<i32>} : memref<16x512xi32, #tpu.memory_space<vmem>>, vector<16xi32>,
    %add3A_2880 = arith.addi %get3A_2875, %get3A_2879 : vector<16xi32>
    %get3A_2881 = arith.constant 2 : i32
    %get3A_2882 = arith.index_cast %get3A_2881 : i32 to index
    %get3A_2883 = arith.constant 496 : index
    %get3A_2884 = tpu.vector_load %arg12[%get3A_2882, %get3A_2883] {strides = array<i32>} : memref<16x512xi32, #tpu.memory_space<vmem>>, vector<16xi32>,
    %add3A_2885 = arith.addi %add3A_2880, %get3A_2884 : vector<16xi32>
    %get3A_2886 = arith.constant 3 : i32
    %get3A_2887 = arith.index_cast %get3A_2886 : i32 to index
    %get3A_2888 = arith.constant 496 : index
    %get3A_2889 = tpu.vector_load %arg12[%get3A_2887, %get3A_2888] {strides = array<i32>} : memref<16x512xi32, #tpu.memory_space<vmem>>, vector<16xi32>,
    %add3A_2890 = arith.addi %add3A_2885, %get3A_2889 : vector<16xi32>
    %get3A_2891 = arith.constant 4 : i32
    %get3A_2892 = arith.index_cast %get3A_2891 : i32 to index
    %get3A_2893 = arith.constant 496 : index
    %get3A_2894 = tpu.vector_load %arg12[%get3A_2892, %get3A_2893] {strides = array<i32>} : memref<16x512xi32, #tpu.memory_space<vmem>>, vector<16xi32>,
    %add3A_2895 = arith.addi %add3A_2890, %get3A_2894 : vector<16xi32>
    %get3A_2896 = arith.constant 5 : i32
    %get3A_2897 = arith.index_cast %get3A_2896 : i32 to index
    %get3A_2898 = arith.constant 496 : index
    %get3A_2899 = tpu.vector_load %arg12[%get3A_2897, %get3A_2898] {strides = array<i32>} : memref<16x512xi32, #tpu.memory_space<vmem>>, vector<16xi32>,
    %add3A_2900 = arith.addi %add3A_2895, %get3A_2899 : vector<16xi32>
    %get3A_2901 = arith.constant 6 : i32
    %get3A_2902 = arith.index_cast %get3A_2901 : i32 to index
    %get3A_2903 = arith.constant 496 : index
    %get3A_2904 = tpu.vector_load %arg12[%get3A_2902, %get3A_2903] {strides = array<i32>} : memref<16x512xi32, #tpu.memory_space<vmem>>, vector<16xi32>,
    %add3A_2905 = arith.addi %add3A_2900, %get3A_2904 : vector<16xi32>
    %get3A_2906 = arith.constant 7 : i32
    %get3A_2907 = arith.index_cast %get3A_2906 : i32 to index
    %get3A_2908 = arith.constant 496 : index
    %get3A_2909 = tpu.vector_load %arg12[%get3A_2907, %get3A_2908] {strides = array<i32>} : memref<16x512xi32, #tpu.memory_space<vmem>>, vector<16xi32>,
    %add3A_2910 = arith.addi %add3A_2905, %get3A_2909 : vector<16xi32>
    %get3A_2911 = arith.constant 8 : i32
    %get3A_2912 = arith.index_cast %get3A_2911 : i32 to index
    %get3A_2913 = arith.constant 496 : index
    %get3A_2914 = tpu.vector_load %arg12[%get3A_2912, %get3A_2913] {strides = array<i32>} : memref<16x512xi32, #tpu.memory_space<vmem>>, vector<16xi32>,
    %add3A_2915 = arith.addi %add3A_2910, %get3A_2914 : vector<16xi32>
    %get3A_2916 = arith.constant 9 : i32
    %get3A_2917 = arith.index_cast %get3A_2916 : i32 to index
    %get3A_2918 = arith.constant 496 : index
    %get3A_2919 = tpu.vector_load %arg12[%get3A_2917, %get3A_2918] {strides = array<i32>} : memref<16x512xi32, #tpu.memory_space<vmem>>, vector<16xi32>,
    %add3A_2920 = arith.addi %add3A_2915, %get3A_2919 : vector<16xi32>
    %get3A_2921 = arith.constant 10 : i32
    %get3A_2922 = arith.index_cast %get3A_2921 : i32 to index
    %get3A_2923 = arith.constant 496 : index
    %get3A_2924 = tpu.vector_load %arg12[%get3A_2922, %get3A_2923] {strides = array<i32>} : memref<16x512xi32, #tpu.memory_space<vmem>>, vector<16xi32>,
    %add3A_2925 = arith.addi %add3A_2920, %get3A_2924 : vector<16xi32>
    %get3A_2926 = arith.constant 11 : i32
    %get3A_2927 = arith.index_cast %get3A_2926 : i32 to index
    %get3A_2928 = arith.constant 496 : index
    %get3A_2929 = tpu.vector_load %arg12[%get3A_2927, %get3A_2928] {strides = array<i32>} : memref<16x512xi32, #tpu.memory_space<vmem>>, vector<16xi32>,
    %add3A_2930 = arith.addi %add3A_2925, %get3A_2929 : vector<16xi32>
    %get3A_2931 = arith.constant 12 : i32
    %get3A_2932 = arith.index_cast %get3A_2931 : i32 to index
    %get3A_2933 = arith.constant 496 : index
    %get3A_2934 = tpu.vector_load %arg12[%get3A_2932, %get3A_2933] {strides = array<i32>} : memref<16x512xi32, #tpu.memory_space<vmem>>, vector<16xi32>,
    %add3A_2935 = arith.addi %add3A_2930, %get3A_2934 : vector<16xi32>
    %get3A_2936 = arith.constant 13 : i32
    %get3A_2937 = arith.index_cast %get3A_2936 : i32 to index
    %get3A_2938 = arith.constant 496 : index
    %get3A_2939 = tpu.vector_load %arg12[%get3A_2937, %get3A_2938] {strides = array<i32>} : memref<16x512xi32, #tpu.memory_space<vmem>>, vector<16xi32>,
    %add3A_2940 = arith.addi %add3A_2935, %get3A_2939 : vector<16xi32>
    %get3A_2941 = arith.constant 14 : i32
    %get3A_2942 = arith.index_cast %get3A_2941 : i32 to index
    %get3A_2943 = arith.constant 496 : index
    %get3A_2944 = tpu.vector_load %arg12[%get3A_2942, %get3A_2943] {strides = array<i32>} : memref<16x512xi32, #tpu.memory_space<vmem>>, vector<16xi32>,
    %add3A_2945 = arith.addi %add3A_2940, %get3A_2944 : vector<16xi32>
    %get3A_2946 = arith.constant 15 : i32
    %get3A_2947 = arith.index_cast %get3A_2946 : i32 to index
    %get3A_2948 = arith.constant 496 : index
    %get3A_2949 = tpu.vector_load %arg12[%get3A_2947, %get3A_2948] {strides = array<i32>} : memref<16x512xi32, #tpu.memory_space<vmem>>, vector<16xi32>,
    %add3A_2950 = arith.addi %add3A_2945, %get3A_2949 : vector<16xi32>
    %swap3A_2951 = arith.constant 3 : i32
    %swap3A_2952 = arith.index_cast %swap3A_2951 : i32 to index
    %swap3A_2953 = arith.constant 112 : index
    %swap3A_2954 = tpu.vector_load %arg11[%swap3A_2952, %swap3A_2953] {strides = array<i32>} : memref<4x128xi32, #tpu.memory_space<vmem>>, vector<16xi32>,
    tpu.vector_store %arg11[%swap3A_2952, %swap3A_2953], %add3A_2950 {strides = array<i32>} : memref<4x128xi32, #tpu.memory_space<vmem>>, vector<16xi32>,
    %dma_start3A_2955 = arith.constant 3 : i32
    %dma_start3A_2956 = arith.constant 3 : i32
    %dma_start3A_2957 = arith.constant 384 : i32
    %dma_start3A_2958 = arith.constant 0 : i32
    %dma_start3A_2959 = tpu.memref_slice %arg14[%dma_start3A_2957, %dma_start3A_2958] : memref<512x128xf32, #tpu.memory_space<vmem>> -> memref<128x128xf32, #tpu.memory_space<vmem>>
    %dma_start3A_2960 = arith.constant 0 : i32
    %dma_start3A_2961 = tpu.memref_slice %arg11[%dma_start3A_2955, %dma_start3A_2960] : memref<4x128xi32, #tpu.memory_space<vmem>> -> memref<1x128xi32, #tpu.memory_space<vmem>>
    %dma_start3A_2962 = tpu.memref_squeeze %dma_start3A_2961 : memref<1x128xi32, #tpu.memory_space<vmem>> -> memref<128xi32, #tpu.memory_space<vmem>>
    %dma_start3A_2963 = arith.constant 0 : i32
    %dma_start3A_2964 = arith.constant 0 : i32
    %dma_start3A_2965 = tpu.memref_slice %arg2[%dma_start3A_2963, %dma_start3A_2964] : memref<16384x128xf32, #tpu.memory_space<hbm>> -> memref<16384x128xf32, #tpu.memory_space<hbm>>
    %dma_start3A_2966 = tpu.memref_slice %arg18[%dma_start3A_2956] : memref<4x!tpu.dma_semaphore, #tpu.memory_space<semaphore_mem>> -> memref<1x!tpu.dma_semaphore, #tpu.memory_space<semaphore_mem>>
    %dma_start3A_2967 = tpu.memref_squeeze %dma_start3A_2966 : memref<1x!tpu.dma_semaphore, #tpu.memory_space<semaphore_mem>> -> memref<!tpu.dma_semaphore, #tpu.memory_space<semaphore_mem>>
    tpu.enqueue_indirect_dma source(%dma_start3A_2965 : memref<16384x128xf32, #tpu.memory_space<hbm>>) target(%dma_start3A_2959 : memref<128x128xf32, #tpu.memory_space<vmem>>) offsets(%dma_start3A_2962 : memref<128xi32, #tpu.memory_space<vmem>>) semaphore(%dma_start3A_2967 : memref<!tpu.dma_semaphore, #tpu.memory_space<semaphore_mem>>)
    %get3A_2968 = arith.constant 3 : i32
    %get3A_2969 = arith.index_cast %get3A_2968 : i32 to index
    %get3A_2970 = arith.constant 0 : index
    %get3A_2971 = tpu.vector_load %arg11[%get3A_2969, %get3A_2970] {strides = array<i32>} : memref<4x128xi32, #tpu.memory_space<vmem>>, vector<16xi32>,
    %gather3A_2972 = tpu.vector_load_idx %arg13[%get3A_2971] : memref<16384xf32, #tpu.memory_space<vmem>>[vector<16xi32>], vector<16xf32>,
    %swap3A_2973 = arith.constant 3 : i32
    %swap3A_2974 = arith.index_cast %swap3A_2973 : i32 to index
    %swap3A_2975 = arith.constant 0 : index
    %swap3A_2976 = tpu.vector_load %arg15[%swap3A_2974, %swap3A_2975] {strides = array<i32>} : memref<4x128xf32, #tpu.memory_space<vmem>>, vector<16xf32>,
    tpu.vector_store %arg15[%swap3A_2974, %swap3A_2975], %gather3A_2972 {strides = array<i32>} : memref<4x128xf32, #tpu.memory_space<vmem>>, vector<16xf32>,
    %get3A_2977 = arith.constant 3 : i32
    %get3A_2978 = arith.index_cast %get3A_2977 : i32 to index
    %get3A_2979 = arith.constant 16 : index
    %get3A_2980 = tpu.vector_load %arg11[%get3A_2978, %get3A_2979] {strides = array<i32>} : memref<4x128xi32, #tpu.memory_space<vmem>>, vector<16xi32>,
    %gather3A_2981 = tpu.vector_load_idx %arg13[%get3A_2980] : memref<16384xf32, #tpu.memory_space<vmem>>[vector<16xi32>], vector<16xf32>,
    %swap3A_2982 = arith.constant 3 : i32
    %swap3A_2983 = arith.index_cast %swap3A_2982 : i32 to index
    %swap3A_2984 = arith.constant 16 : index
    %swap3A_2985 = tpu.vector_load %arg15[%swap3A_2983, %swap3A_2984] {strides = array<i32>} : memref<4x128xf32, #tpu.memory_space<vmem>>, vector<16xf32>,
    tpu.vector_store %arg15[%swap3A_2983, %swap3A_2984], %gather3A_2981 {strides = array<i32>} : memref<4x128xf32, #tpu.memory_space<vmem>>, vector<16xf32>,
    %get3A_2986 = arith.constant 3 : i32
    %get3A_2987 = arith.index_cast %get3A_2986 : i32 to index
    %get3A_2988 = arith.constant 32 : index
    %get3A_2989 = tpu.vector_load %arg11[%get3A_2987, %get3A_2988] {strides = array<i32>} : memref<4x128xi32, #tpu.memory_space<vmem>>, vector<16xi32>,
    %gather3A_2990 = tpu.vector_load_idx %arg13[%get3A_2989] : memref<16384xf32, #tpu.memory_space<vmem>>[vector<16xi32>], vector<16xf32>,
    %swap3A_2991 = arith.constant 3 : i32
    %swap3A_2992 = arith.index_cast %swap3A_2991 : i32 to index
    %swap3A_2993 = arith.constant 32 : index
    %swap3A_2994 = tpu.vector_load %arg15[%swap3A_2992, %swap3A_2993] {strides = array<i32>} : memref<4x128xf32, #tpu.memory_space<vmem>>, vector<16xf32>,
    tpu.vector_store %arg15[%swap3A_2992, %swap3A_2993], %gather3A_2990 {strides = array<i32>} : memref<4x128xf32, #tpu.memory_space<vmem>>, vector<16xf32>,
    %get3A_2995 = arith.constant 3 : i32
    %get3A_2996 = arith.index_cast %get3A_2995 : i32 to index
    %get3A_2997 = arith.constant 48 : index
    %get3A_2998 = tpu.vector_load %arg11[%get3A_2996, %get3A_2997] {strides = array<i32>} : memref<4x128xi32, #tpu.memory_space<vmem>>, vector<16xi32>,
    %gather3A_2999 = tpu.vector_load_idx %arg13[%get3A_2998] : memref<16384xf32, #tpu.memory_space<vmem>>[vector<16xi32>], vector<16xf32>,
    %swap3A_3000 = arith.constant 3 : i32
    %swap3A_3001 = arith.index_cast %swap3A_3000 : i32 to index
    %swap3A_3002 = arith.constant 48 : index
    %swap3A_3003 = tpu.vector_load %arg15[%swap3A_3001, %swap3A_3002] {strides = array<i32>} : memref<4x128xf32, #tpu.memory_space<vmem>>, vector<16xf32>,
    tpu.vector_store %arg15[%swap3A_3001, %swap3A_3002], %gather3A_2999 {strides = array<i32>} : memref<4x128xf32, #tpu.memory_space<vmem>>, vector<16xf32>,
    %get3A_3004 = arith.constant 3 : i32
    %get3A_3005 = arith.index_cast %get3A_3004 : i32 to index
    %get3A_3006 = arith.constant 64 : index
    %get3A_3007 = tpu.vector_load %arg11[%get3A_3005, %get3A_3006] {strides = array<i32>} : memref<4x128xi32, #tpu.memory_space<vmem>>, vector<16xi32>,
    %gather3A_3008 = tpu.vector_load_idx %arg13[%get3A_3007] : memref<16384xf32, #tpu.memory_space<vmem>>[vector<16xi32>], vector<16xf32>,
    %swap3A_3009 = arith.constant 3 : i32
    %swap3A_3010 = arith.index_cast %swap3A_3009 : i32 to index
    %swap3A_3011 = arith.constant 64 : index
    %swap3A_3012 = tpu.vector_load %arg15[%swap3A_3010, %swap3A_3011] {strides = array<i32>} : memref<4x128xf32, #tpu.memory_space<vmem>>, vector<16xf32>,
    tpu.vector_store %arg15[%swap3A_3010, %swap3A_3011], %gather3A_3008 {strides = array<i32>} : memref<4x128xf32, #tpu.memory_space<vmem>>, vector<16xf32>,
    %get3A_3013 = arith.constant 3 : i32
    %get3A_3014 = arith.index_cast %get3A_3013 : i32 to index
    %get3A_3015 = arith.constant 80 : index
    %get3A_3016 = tpu.vector_load %arg11[%get3A_3014, %get3A_3015] {strides = array<i32>} : memref<4x128xi32, #tpu.memory_space<vmem>>, vector<16xi32>,
    %gather3A_3017 = tpu.vector_load_idx %arg13[%get3A_3016] : memref<16384xf32, #tpu.memory_space<vmem>>[vector<16xi32>], vector<16xf32>,
    %swap3A_3018 = arith.constant 3 : i32
    %swap3A_3019 = arith.index_cast %swap3A_3018 : i32 to index
    %swap3A_3020 = arith.constant 80 : index
    %swap3A_3021 = tpu.vector_load %arg15[%swap3A_3019, %swap3A_3020] {strides = array<i32>} : memref<4x128xf32, #tpu.memory_space<vmem>>, vector<16xf32>,
    tpu.vector_store %arg15[%swap3A_3019, %swap3A_3020], %gather3A_3017 {strides = array<i32>} : memref<4x128xf32, #tpu.memory_space<vmem>>, vector<16xf32>,
    %get3A_3022 = arith.constant 3 : i32
    %get3A_3023 = arith.index_cast %get3A_3022 : i32 to index
    %get3A_3024 = arith.constant 96 : index
    %get3A_3025 = tpu.vector_load %arg11[%get3A_3023, %get3A_3024] {strides = array<i32>} : memref<4x128xi32, #tpu.memory_space<vmem>>, vector<16xi32>,
    %gather3A_3026 = tpu.vector_load_idx %arg13[%get3A_3025] : memref<16384xf32, #tpu.memory_space<vmem>>[vector<16xi32>], vector<16xf32>,
    %swap3A_3027 = arith.constant 3 : i32
    %swap3A_3028 = arith.index_cast %swap3A_3027 : i32 to index
    %swap3A_3029 = arith.constant 96 : index
    %swap3A_3030 = tpu.vector_load %arg15[%swap3A_3028, %swap3A_3029] {strides = array<i32>} : memref<4x128xf32, #tpu.memory_space<vmem>>, vector<16xf32>,
    tpu.vector_store %arg15[%swap3A_3028, %swap3A_3029], %gather3A_3026 {strides = array<i32>} : memref<4x128xf32, #tpu.memory_space<vmem>>, vector<16xf32>,
    %get3A_3031 = arith.constant 3 : i32
    %get3A_3032 = arith.index_cast %get3A_3031 : i32 to index
    %get3A_3033 = arith.constant 112 : index
    %get3A_3034 = tpu.vector_load %arg11[%get3A_3032, %get3A_3033] {strides = array<i32>} : memref<4x128xi32, #tpu.memory_space<vmem>>, vector<16xi32>,
    %gather3A_3035 = tpu.vector_load_idx %arg13[%get3A_3034] : memref<16384xf32, #tpu.memory_space<vmem>>[vector<16xi32>], vector<16xf32>,
    %swap3A_3036 = arith.constant 3 : i32
    %swap3A_3037 = arith.index_cast %swap3A_3036 : i32 to index
    %swap3A_3038 = arith.constant 112 : index
    %swap3A_3039 = tpu.vector_load %arg15[%swap3A_3037, %swap3A_3038] {strides = array<i32>} : memref<4x128xf32, #tpu.memory_space<vmem>>, vector<16xf32>,
    tpu.vector_store %arg15[%swap3A_3037, %swap3A_3038], %gather3A_3035 {strides = array<i32>} : memref<4x128xf32, #tpu.memory_space<vmem>>, vector<16xf32>,
    %dma_wait3A_3040 = arith.constant 0 : i32
    %dma_wait3A_3041 = tpu.memref_slice %arg3[%mul3A_36, %dma_wait3A_3040] : memref<128x128xi32, #tpu.memory_space<hbm>> -> memref<8x128xi32, #tpu.memory_space<hbm>>
    %dma_wait3A_3042 = arith.constant 0 : i32
    %dma_wait3A_3043 = tpu.memref_slice %arg3[%mul3A_36, %dma_wait3A_3042] : memref<128x128xi32, #tpu.memory_space<hbm>> -> memref<8x128xi32, #tpu.memory_space<hbm>>
    tpu.wait_dma2 semaphore(%arg16 : memref<!tpu.dma_semaphore, #tpu.memory_space<semaphore_mem>>) src(%dma_wait3A_3043 : memref<8x128xi32, #tpu.memory_space<hbm>>) dst(%arg10 : memref<8x128xi32, #tpu.memory_space<vmem>>)
    %dma_wait3A_3044 = arith.constant 0 : i32
    %dma_wait3A_3045 = arith.constant 0 : i32
    %dma_wait3A_3046 = arith.constant 0 : i32
    %dma_wait3A_3047 = arith.constant 0 : i32
    %dma_wait3A_3048 = tpu.memref_slice %arg14[%dma_wait3A_3046, %dma_wait3A_3047] : memref<512x128xf32, #tpu.memory_space<vmem>> -> memref<128x128xf32, #tpu.memory_space<vmem>>
    %dma_wait3A_3049 = arith.constant 0 : i32
    %dma_wait3A_3050 = tpu.memref_slice %arg11[%dma_wait3A_3044, %dma_wait3A_3049] : memref<4x128xi32, #tpu.memory_space<vmem>> -> memref<1x128xi32, #tpu.memory_space<vmem>>
    %dma_wait3A_3051 = tpu.memref_squeeze %dma_wait3A_3050 : memref<1x128xi32, #tpu.memory_space<vmem>> -> memref<128xi32, #tpu.memory_space<vmem>>
    %dma_wait3A_3052 = arith.constant 0 : i32
    %dma_wait3A_3053 = arith.constant 0 : i32
    %dma_wait3A_3054 = tpu.memref_slice %arg2[%dma_wait3A_3052, %dma_wait3A_3053] : memref<16384x128xf32, #tpu.memory_space<hbm>> -> memref<16384x128xf32, #tpu.memory_space<hbm>>
    %dma_wait3A_3055 = tpu.memref_slice %arg18[%dma_wait3A_3045] : memref<4x!tpu.dma_semaphore, #tpu.memory_space<semaphore_mem>> -> memref<1x!tpu.dma_semaphore, #tpu.memory_space<semaphore_mem>>
    %dma_wait3A_3056 = tpu.memref_squeeze %dma_wait3A_3055 : memref<1x!tpu.dma_semaphore, #tpu.memory_space<semaphore_mem>> -> memref<!tpu.dma_semaphore, #tpu.memory_space<semaphore_mem>>
    tpu.wait_indirect_dma semaphore(%dma_wait3A_3056 : memref<!tpu.dma_semaphore, #tpu.memory_space<semaphore_mem>>) src(%dma_wait3A_3054 : memref<16384x128xf32, #tpu.memory_space<hbm>>) dst(%dma_wait3A_3048 : memref<128x128xf32, #tpu.memory_space<vmem>>)
    %add3A_3057 = arith.constant 0 : i32
    %add3A_3058 = arith.addi %mul3A_13, %add3A_3057 : i32
    %dma_start3A_3059 = arith.constant 0 : i32
    %dma_start3A_3060 = arith.constant 0 : i32
    %dma_start3A_3061 = arith.constant 0 : i32
    %dma_start3A_3062 = tpu.memref_slice %arg14[%dma_start3A_3060, %dma_start3A_3061] : memref<512x128xf32, #tpu.memory_space<vmem>> -> memref<128x128xf32, #tpu.memory_space<vmem>>
    %dma_start3A_3063 = arith.constant 0 : i32
    %dma_start3A_3064 = tpu.memref_slice %arg10[%add3A_3058, %dma_start3A_3063] : memref<8x128xi32, #tpu.memory_space<vmem>> -> memref<1x128xi32, #tpu.memory_space<vmem>>
    %dma_start3A_3065 = tpu.memref_squeeze %dma_start3A_3064 : memref<1x128xi32, #tpu.memory_space<vmem>> -> memref<128xi32, #tpu.memory_space<vmem>>
    %dma_start3A_3066 = arith.constant 0 : i32
    %dma_start3A_3067 = arith.constant 0 : i32
    %dma_start3A_3068 = tpu.memref_slice %arg6[%dma_start3A_3066, %dma_start3A_3067] : memref<100000x128xf32, #tpu.memory_space<hbm>> -> memref<100000x128xf32, #tpu.memory_space<hbm>>
    %dma_start3A_3069 = tpu.memref_slice %arg18[%dma_start3A_3059] : memref<4x!tpu.dma_semaphore, #tpu.memory_space<semaphore_mem>> -> memref<1x!tpu.dma_semaphore, #tpu.memory_space<semaphore_mem>>
    %dma_start3A_3070 = tpu.memref_squeeze %dma_start3A_3069 : memref<1x!tpu.dma_semaphore, #tpu.memory_space<semaphore_mem>> -> memref<!tpu.dma_semaphore, #tpu.memory_space<semaphore_mem>>
    tpu.enqueue_indirect_dma source(%dma_start3A_3062 : memref<128x128xf32, #tpu.memory_space<vmem>>) target(%dma_start3A_3068 : memref<100000x128xf32, #tpu.memory_space<hbm>>) offsets(%dma_start3A_3065 : memref<128xi32, #tpu.memory_space<vmem>>) semaphore(%dma_start3A_3070 : memref<!tpu.dma_semaphore, #tpu.memory_space<semaphore_mem>>)
    %add3A_3071 = arith.constant 0 : i32
    %add3A_3072 = arith.addi %mul3A_13, %add3A_3071 : i32
    %dma_start3A_3073 = arith.constant 0 : i32
    %dma_start3A_3074 = arith.constant 0 : i32
    %dma_start3A_3075 = arith.constant 0 : i32
    %dma_start3A_3076 = tpu.memref_slice %arg15[%dma_start3A_3073, %dma_start3A_3075] : memref<4x128xf32, #tpu.memory_space<vmem>> -> memref<1x128xf32, #tpu.memory_space<vmem>>
    %dma_start3A_3077 = tpu.memref_squeeze %dma_start3A_3076 : memref<1x128xf32, #tpu.memory_space<vmem>> -> memref<128xf32, #tpu.memory_space<vmem>>
    %dma_start3A_3078 = arith.constant 0 : i32
    %dma_start3A_3079 = tpu.memref_slice %arg10[%add3A_3072, %dma_start3A_3078] : memref<8x128xi32, #tpu.memory_space<vmem>> -> memref<1x128xi32, #tpu.memory_space<vmem>>
    %dma_start3A_3080 = tpu.memref_squeeze %dma_start3A_3079 : memref<1x128xi32, #tpu.memory_space<vmem>> -> memref<128xi32, #tpu.memory_space<vmem>>
    %dma_start3A_3081 = arith.constant 0 : i32
    %dma_start3A_3082 = tpu.memref_slice %arg7[%dma_start3A_3081] : memref<100000xf32, #tpu.memory_space<hbm>> -> memref<100000xf32, #tpu.memory_space<hbm>>
    %dma_start3A_3083 = tpu.memref_slice %arg19[%dma_start3A_3074] : memref<4x!tpu.dma_semaphore, #tpu.memory_space<semaphore_mem>> -> memref<1x!tpu.dma_semaphore, #tpu.memory_space<semaphore_mem>>
    %dma_start3A_3084 = tpu.memref_squeeze %dma_start3A_3083 : memref<1x!tpu.dma_semaphore, #tpu.memory_space<semaphore_mem>> -> memref<!tpu.dma_semaphore, #tpu.memory_space<semaphore_mem>>
    tpu.enqueue_indirect_dma source(%dma_start3A_3077 : memref<128xf32, #tpu.memory_space<vmem>>) target(%dma_start3A_3082 : memref<100000xf32, #tpu.memory_space<hbm>>) offsets(%dma_start3A_3080 : memref<128xi32, #tpu.memory_space<vmem>>) semaphore(%dma_start3A_3084 : memref<!tpu.dma_semaphore, #tpu.memory_space<semaphore_mem>>)
    %dma_wait3A_3085 = arith.constant 1 : i32
    %dma_wait3A_3086 = arith.constant 1 : i32
    %dma_wait3A_3087 = arith.constant 128 : i32
    %dma_wait3A_3088 = arith.constant 0 : i32
    %dma_wait3A_3089 = tpu.memref_slice %arg14[%dma_wait3A_3087, %dma_wait3A_3088] : memref<512x128xf32, #tpu.memory_space<vmem>> -> memref<128x128xf32, #tpu.memory_space<vmem>>
    %dma_wait3A_3090 = arith.constant 0 : i32
    %dma_wait3A_3091 = tpu.memref_slice %arg11[%dma_wait3A_3085, %dma_wait3A_3090] : memref<4x128xi32, #tpu.memory_space<vmem>> -> memref<1x128xi32, #tpu.memory_space<vmem>>
    %dma_wait3A_3092 = tpu.memref_squeeze %dma_wait3A_3091 : memref<1x128xi32, #tpu.memory_space<vmem>> -> memref<128xi32, #tpu.memory_space<vmem>>
    %dma_wait3A_3093 = arith.constant 0 : i32
    %dma_wait3A_3094 = arith.constant 0 : i32
    %dma_wait3A_3095 = tpu.memref_slice %arg2[%dma_wait3A_3093, %dma_wait3A_3094] : memref<16384x128xf32, #tpu.memory_space<hbm>> -> memref<16384x128xf32, #tpu.memory_space<hbm>>
    %dma_wait3A_3096 = tpu.memref_slice %arg18[%dma_wait3A_3086] : memref<4x!tpu.dma_semaphore, #tpu.memory_space<semaphore_mem>> -> memref<1x!tpu.dma_semaphore, #tpu.memory_space<semaphore_mem>>
    %dma_wait3A_3097 = tpu.memref_squeeze %dma_wait3A_3096 : memref<1x!tpu.dma_semaphore, #tpu.memory_space<semaphore_mem>> -> memref<!tpu.dma_semaphore, #tpu.memory_space<semaphore_mem>>
    tpu.wait_indirect_dma semaphore(%dma_wait3A_3097 : memref<!tpu.dma_semaphore, #tpu.memory_space<semaphore_mem>>) src(%dma_wait3A_3095 : memref<16384x128xf32, #tpu.memory_space<hbm>>) dst(%dma_wait3A_3089 : memref<128x128xf32, #tpu.memory_space<vmem>>)
    %add3A_3098 = arith.constant 1 : i32
    %add3A_3099 = arith.addi %mul3A_13, %add3A_3098 : i32
    %dma_start3A_3100 = arith.constant 1 : i32
    %dma_start3A_3101 = arith.constant 128 : i32
    %dma_start3A_3102 = arith.constant 0 : i32
    %dma_start3A_3103 = tpu.memref_slice %arg14[%dma_start3A_3101, %dma_start3A_3102] : memref<512x128xf32, #tpu.memory_space<vmem>> -> memref<128x128xf32, #tpu.memory_space<vmem>>
    %dma_start3A_3104 = arith.constant 0 : i32
    %dma_start3A_3105 = tpu.memref_slice %arg10[%add3A_3099, %dma_start3A_3104] : memref<8x128xi32, #tpu.memory_space<vmem>> -> memref<1x128xi32, #tpu.memory_space<vmem>>
    %dma_start3A_3106 = tpu.memref_squeeze %dma_start3A_3105 : memref<1x128xi32, #tpu.memory_space<vmem>> -> memref<128xi32, #tpu.memory_space<vmem>>
    %dma_start3A_3107 = arith.constant 0 : i32
    %dma_start3A_3108 = arith.constant 0 : i32
    %dma_start3A_3109 = tpu.memref_slice %arg6[%dma_start3A_3107, %dma_start3A_3108] : memref<100000x128xf32, #tpu.memory_space<hbm>> -> memref<100000x128xf32, #tpu.memory_space<hbm>>
    %dma_start3A_3110 = tpu.memref_slice %arg18[%dma_start3A_3100] : memref<4x!tpu.dma_semaphore, #tpu.memory_space<semaphore_mem>> -> memref<1x!tpu.dma_semaphore, #tpu.memory_space<semaphore_mem>>
    %dma_start3A_3111 = tpu.memref_squeeze %dma_start3A_3110 : memref<1x!tpu.dma_semaphore, #tpu.memory_space<semaphore_mem>> -> memref<!tpu.dma_semaphore, #tpu.memory_space<semaphore_mem>>
    tpu.enqueue_indirect_dma source(%dma_start3A_3103 : memref<128x128xf32, #tpu.memory_space<vmem>>) target(%dma_start3A_3109 : memref<100000x128xf32, #tpu.memory_space<hbm>>) offsets(%dma_start3A_3106 : memref<128xi32, #tpu.memory_space<vmem>>) semaphore(%dma_start3A_3111 : memref<!tpu.dma_semaphore, #tpu.memory_space<semaphore_mem>>)
    %add3A_3112 = arith.constant 1 : i32
    %add3A_3113 = arith.addi %mul3A_13, %add3A_3112 : i32
    %dma_start3A_3114 = arith.constant 1 : i32
    %dma_start3A_3115 = arith.constant 1 : i32
    %dma_start3A_3116 = arith.constant 0 : i32
    %dma_start3A_3117 = tpu.memref_slice %arg15[%dma_start3A_3114, %dma_start3A_3116] : memref<4x128xf32, #tpu.memory_space<vmem>> -> memref<1x128xf32, #tpu.memory_space<vmem>>
    %dma_start3A_3118 = tpu.memref_squeeze %dma_start3A_3117 : memref<1x128xf32, #tpu.memory_space<vmem>> -> memref<128xf32, #tpu.memory_space<vmem>>
    %dma_start3A_3119 = arith.constant 0 : i32
    %dma_start3A_3120 = tpu.memref_slice %arg10[%add3A_3113, %dma_start3A_3119] : memref<8x128xi32, #tpu.memory_space<vmem>> -> memref<1x128xi32, #tpu.memory_space<vmem>>
    %dma_start3A_3121 = tpu.memref_squeeze %dma_start3A_3120 : memref<1x128xi32, #tpu.memory_space<vmem>> -> memref<128xi32, #tpu.memory_space<vmem>>
    %dma_start3A_3122 = arith.constant 0 : i32
    %dma_start3A_3123 = tpu.memref_slice %arg7[%dma_start3A_3122] : memref<100000xf32, #tpu.memory_space<hbm>> -> memref<100000xf32, #tpu.memory_space<hbm>>
    %dma_start3A_3124 = tpu.memref_slice %arg19[%dma_start3A_3115] : memref<4x!tpu.dma_semaphore, #tpu.memory_space<semaphore_mem>> -> memref<1x!tpu.dma_semaphore, #tpu.memory_space<semaphore_mem>>
    %dma_start3A_3125 = tpu.memref_squeeze %dma_start3A_3124 : memref<1x!tpu.dma_semaphore, #tpu.memory_space<semaphore_mem>> -> memref<!tpu.dma_semaphore, #tpu.memory_space<semaphore_mem>>
    tpu.enqueue_indirect_dma source(%dma_start3A_3118 : memref<128xf32, #tpu.memory_space<vmem>>) target(%dma_start3A_3123 : memref<100000xf32, #tpu.memory_space<hbm>>) offsets(%dma_start3A_3121 : memref<128xi32, #tpu.memory_space<vmem>>) semaphore(%dma_start3A_3125 : memref<!tpu.dma_semaphore, #tpu.memory_space<semaphore_mem>>)
    %dma_wait3A_3126 = arith.constant 2 : i32
    %dma_wait3A_3127 = arith.constant 2 : i32
    %dma_wait3A_3128 = arith.constant 256 : i32
    %dma_wait3A_3129 = arith.constant 0 : i32
    %dma_wait3A_3130 = tpu.memref_slice %arg14[%dma_wait3A_3128, %dma_wait3A_3129] : memref<512x128xf32, #tpu.memory_space<vmem>> -> memref<128x128xf32, #tpu.memory_space<vmem>>
    %dma_wait3A_3131 = arith.constant 0 : i32
    %dma_wait3A_3132 = tpu.memref_slice %arg11[%dma_wait3A_3126, %dma_wait3A_3131] : memref<4x128xi32, #tpu.memory_space<vmem>> -> memref<1x128xi32, #tpu.memory_space<vmem>>
    %dma_wait3A_3133 = tpu.memref_squeeze %dma_wait3A_3132 : memref<1x128xi32, #tpu.memory_space<vmem>> -> memref<128xi32, #tpu.memory_space<vmem>>
    %dma_wait3A_3134 = arith.constant 0 : i32
    %dma_wait3A_3135 = arith.constant 0 : i32
    %dma_wait3A_3136 = tpu.memref_slice %arg2[%dma_wait3A_3134, %dma_wait3A_3135] : memref<16384x128xf32, #tpu.memory_space<hbm>> -> memref<16384x128xf32, #tpu.memory_space<hbm>>
    %dma_wait3A_3137 = tpu.memref_slice %arg18[%dma_wait3A_3127] : memref<4x!tpu.dma_semaphore, #tpu.memory_space<semaphore_mem>> -> memref<1x!tpu.dma_semaphore, #tpu.memory_space<semaphore_mem>>
    %dma_wait3A_3138 = tpu.memref_squeeze %dma_wait3A_3137 : memref<1x!tpu.dma_semaphore, #tpu.memory_space<semaphore_mem>> -> memref<!tpu.dma_semaphore, #tpu.memory_space<semaphore_mem>>
    tpu.wait_indirect_dma semaphore(%dma_wait3A_3138 : memref<!tpu.dma_semaphore, #tpu.memory_space<semaphore_mem>>) src(%dma_wait3A_3136 : memref<16384x128xf32, #tpu.memory_space<hbm>>) dst(%dma_wait3A_3130 : memref<128x128xf32, #tpu.memory_space<vmem>>)
    %add3A_3139 = arith.constant 2 : i32
    %add3A_3140 = arith.addi %mul3A_13, %add3A_3139 : i32
    %dma_start3A_3141 = arith.constant 2 : i32
    %dma_start3A_3142 = arith.constant 256 : i32
    %dma_start3A_3143 = arith.constant 0 : i32
    %dma_start3A_3144 = tpu.memref_slice %arg14[%dma_start3A_3142, %dma_start3A_3143] : memref<512x128xf32, #tpu.memory_space<vmem>> -> memref<128x128xf32, #tpu.memory_space<vmem>>
    %dma_start3A_3145 = arith.constant 0 : i32
    %dma_start3A_3146 = tpu.memref_slice %arg10[%add3A_3140, %dma_start3A_3145] : memref<8x128xi32, #tpu.memory_space<vmem>> -> memref<1x128xi32, #tpu.memory_space<vmem>>
    %dma_start3A_3147 = tpu.memref_squeeze %dma_start3A_3146 : memref<1x128xi32, #tpu.memory_space<vmem>> -> memref<128xi32, #tpu.memory_space<vmem>>
    %dma_start3A_3148 = arith.constant 0 : i32
    %dma_start3A_3149 = arith.constant 0 : i32
    %dma_start3A_3150 = tpu.memref_slice %arg6[%dma_start3A_3148, %dma_start3A_3149] : memref<100000x128xf32, #tpu.memory_space<hbm>> -> memref<100000x128xf32, #tpu.memory_space<hbm>>
    %dma_start3A_3151 = tpu.memref_slice %arg18[%dma_start3A_3141] : memref<4x!tpu.dma_semaphore, #tpu.memory_space<semaphore_mem>> -> memref<1x!tpu.dma_semaphore, #tpu.memory_space<semaphore_mem>>
    %dma_start3A_3152 = tpu.memref_squeeze %dma_start3A_3151 : memref<1x!tpu.dma_semaphore, #tpu.memory_space<semaphore_mem>> -> memref<!tpu.dma_semaphore, #tpu.memory_space<semaphore_mem>>
    tpu.enqueue_indirect_dma source(%dma_start3A_3144 : memref<128x128xf32, #tpu.memory_space<vmem>>) target(%dma_start3A_3150 : memref<100000x128xf32, #tpu.memory_space<hbm>>) offsets(%dma_start3A_3147 : memref<128xi32, #tpu.memory_space<vmem>>) semaphore(%dma_start3A_3152 : memref<!tpu.dma_semaphore, #tpu.memory_space<semaphore_mem>>)
    %add3A_3153 = arith.constant 2 : i32
    %add3A_3154 = arith.addi %mul3A_13, %add3A_3153 : i32
    %dma_start3A_3155 = arith.constant 2 : i32
    %dma_start3A_3156 = arith.constant 2 : i32
    %dma_start3A_3157 = arith.constant 0 : i32
    %dma_start3A_3158 = tpu.memref_slice %arg15[%dma_start3A_3155, %dma_start3A_3157] : memref<4x128xf32, #tpu.memory_space<vmem>> -> memref<1x128xf32, #tpu.memory_space<vmem>>
    %dma_start3A_3159 = tpu.memref_squeeze %dma_start3A_3158 : memref<1x128xf32, #tpu.memory_space<vmem>> -> memref<128xf32, #tpu.memory_space<vmem>>
    %dma_start3A_3160 = arith.constant 0 : i32
    %dma_start3A_3161 = tpu.memref_slice %arg10[%add3A_3154, %dma_start3A_3160] : memref<8x128xi32, #tpu.memory_space<vmem>> -> memref<1x128xi32, #tpu.memory_space<vmem>>
    %dma_start3A_3162 = tpu.memref_squeeze %dma_start3A_3161 : memref<1x128xi32, #tpu.memory_space<vmem>> -> memref<128xi32, #tpu.memory_space<vmem>>
    %dma_start3A_3163 = arith.constant 0 : i32
    %dma_start3A_3164 = tpu.memref_slice %arg7[%dma_start3A_3163] : memref<100000xf32, #tpu.memory_space<hbm>> -> memref<100000xf32, #tpu.memory_space<hbm>>
    %dma_start3A_3165 = tpu.memref_slice %arg19[%dma_start3A_3156] : memref<4x!tpu.dma_semaphore, #tpu.memory_space<semaphore_mem>> -> memref<1x!tpu.dma_semaphore, #tpu.memory_space<semaphore_mem>>
    %dma_start3A_3166 = tpu.memref_squeeze %dma_start3A_3165 : memref<1x!tpu.dma_semaphore, #tpu.memory_space<semaphore_mem>> -> memref<!tpu.dma_semaphore, #tpu.memory_space<semaphore_mem>>
    tpu.enqueue_indirect_dma source(%dma_start3A_3159 : memref<128xf32, #tpu.memory_space<vmem>>) target(%dma_start3A_3164 : memref<100000xf32, #tpu.memory_space<hbm>>) offsets(%dma_start3A_3162 : memref<128xi32, #tpu.memory_space<vmem>>) semaphore(%dma_start3A_3166 : memref<!tpu.dma_semaphore, #tpu.memory_space<semaphore_mem>>)
    %dma_wait3A_3167 = arith.constant 3 : i32
    %dma_wait3A_3168 = arith.constant 3 : i32
    %dma_wait3A_3169 = arith.constant 384 : i32
    %dma_wait3A_3170 = arith.constant 0 : i32
    %dma_wait3A_3171 = tpu.memref_slice %arg14[%dma_wait3A_3169, %dma_wait3A_3170] : memref<512x128xf32, #tpu.memory_space<vmem>> -> memref<128x128xf32, #tpu.memory_space<vmem>>
    %dma_wait3A_3172 = arith.constant 0 : i32
    %dma_wait3A_3173 = tpu.memref_slice %arg11[%dma_wait3A_3167, %dma_wait3A_3172] : memref<4x128xi32, #tpu.memory_space<vmem>> -> memref<1x128xi32, #tpu.memory_space<vmem>>
    %dma_wait3A_3174 = tpu.memref_squeeze %dma_wait3A_3173 : memref<1x128xi32, #tpu.memory_space<vmem>> -> memref<128xi32, #tpu.memory_space<vmem>>
    %dma_wait3A_3175 = arith.constant 0 : i32
    %dma_wait3A_3176 = arith.constant 0 : i32
    %dma_wait3A_3177 = tpu.memref_slice %arg2[%dma_wait3A_3175, %dma_wait3A_3176] : memref<16384x128xf32, #tpu.memory_space<hbm>> -> memref<16384x128xf32, #tpu.memory_space<hbm>>
    %dma_wait3A_3178 = tpu.memref_slice %arg18[%dma_wait3A_3168] : memref<4x!tpu.dma_semaphore, #tpu.memory_space<semaphore_mem>> -> memref<1x!tpu.dma_semaphore, #tpu.memory_space<semaphore_mem>>
    %dma_wait3A_3179 = tpu.memref_squeeze %dma_wait3A_3178 : memref<1x!tpu.dma_semaphore, #tpu.memory_space<semaphore_mem>> -> memref<!tpu.dma_semaphore, #tpu.memory_space<semaphore_mem>>
    tpu.wait_indirect_dma semaphore(%dma_wait3A_3179 : memref<!tpu.dma_semaphore, #tpu.memory_space<semaphore_mem>>) src(%dma_wait3A_3177 : memref<16384x128xf32, #tpu.memory_space<hbm>>) dst(%dma_wait3A_3171 : memref<128x128xf32, #tpu.memory_space<vmem>>)
    %add3A_3180 = arith.constant 3 : i32
    %add3A_3181 = arith.addi %mul3A_13, %add3A_3180 : i32
    %dma_start3A_3182 = arith.constant 3 : i32
    %dma_start3A_3183 = arith.constant 384 : i32
    %dma_start3A_3184 = arith.constant 0 : i32
    %dma_start3A_3185 = tpu.memref_slice %arg14[%dma_start3A_3183, %dma_start3A_3184] : memref<512x128xf32, #tpu.memory_space<vmem>> -> memref<128x128xf32, #tpu.memory_space<vmem>>
    %dma_start3A_3186 = arith.constant 0 : i32
    %dma_start3A_3187 = tpu.memref_slice %arg10[%add3A_3181, %dma_start3A_3186] : memref<8x128xi32, #tpu.memory_space<vmem>> -> memref<1x128xi32, #tpu.memory_space<vmem>>
    %dma_start3A_3188 = tpu.memref_squeeze %dma_start3A_3187 : memref<1x128xi32, #tpu.memory_space<vmem>> -> memref<128xi32, #tpu.memory_space<vmem>>
    %dma_start3A_3189 = arith.constant 0 : i32
    %dma_start3A_3190 = arith.constant 0 : i32
    %dma_start3A_3191 = tpu.memref_slice %arg6[%dma_start3A_3189, %dma_start3A_3190] : memref<100000x128xf32, #tpu.memory_space<hbm>> -> memref<100000x128xf32, #tpu.memory_space<hbm>>
    %dma_start3A_3192 = tpu.memref_slice %arg18[%dma_start3A_3182] : memref<4x!tpu.dma_semaphore, #tpu.memory_space<semaphore_mem>> -> memref<1x!tpu.dma_semaphore, #tpu.memory_space<semaphore_mem>>
    %dma_start3A_3193 = tpu.memref_squeeze %dma_start3A_3192 : memref<1x!tpu.dma_semaphore, #tpu.memory_space<semaphore_mem>> -> memref<!tpu.dma_semaphore, #tpu.memory_space<semaphore_mem>>
    tpu.enqueue_indirect_dma source(%dma_start3A_3185 : memref<128x128xf32, #tpu.memory_space<vmem>>) target(%dma_start3A_3191 : memref<100000x128xf32, #tpu.memory_space<hbm>>) offsets(%dma_start3A_3188 : memref<128xi32, #tpu.memory_space<vmem>>) semaphore(%dma_start3A_3193 : memref<!tpu.dma_semaphore, #tpu.memory_space<semaphore_mem>>)
    %add3A_3194 = arith.constant 3 : i32
    %add3A_3195 = arith.addi %mul3A_13, %add3A_3194 : i32
    %dma_start3A_3196 = arith.constant 3 : i32
    %dma_start3A_3197 = arith.constant 3 : i32
    %dma_start3A_3198 = arith.constant 0 : i32
    %dma_start3A_3199 = tpu.memref_slice %arg15[%dma_start3A_3196, %dma_start3A_3198] : memref<4x128xf32, #tpu.memory_space<vmem>> -> memref<1x128xf32, #tpu.memory_space<vmem>>
    %dma_start3A_3200 = tpu.memref_squeeze %dma_start3A_3199 : memref<1x128xf32, #tpu.memory_space<vmem>> -> memref<128xf32, #tpu.memory_space<vmem>>
    %dma_start3A_3201 = arith.constant 0 : i32
    %dma_start3A_3202 = tpu.memref_slice %arg10[%add3A_3195, %dma_start3A_3201] : memref<8x128xi32, #tpu.memory_space<vmem>> -> memref<1x128xi32, #tpu.memory_space<vmem>>
    %dma_start3A_3203 = tpu.memref_squeeze %dma_start3A_3202 : memref<1x128xi32, #tpu.memory_space<vmem>> -> memref<128xi32, #tpu.memory_space<vmem>>
    %dma_start3A_3204 = arith.constant 0 : i32
    %dma_start3A_3205 = tpu.memref_slice %arg7[%dma_start3A_3204] : memref<100000xf32, #tpu.memory_space<hbm>> -> memref<100000xf32, #tpu.memory_space<hbm>>
    %dma_start3A_3206 = tpu.memref_slice %arg19[%dma_start3A_3197] : memref<4x!tpu.dma_semaphore, #tpu.memory_space<semaphore_mem>> -> memref<1x!tpu.dma_semaphore, #tpu.memory_space<semaphore_mem>>
    %dma_start3A_3207 = tpu.memref_squeeze %dma_start3A_3206 : memref<1x!tpu.dma_semaphore, #tpu.memory_space<semaphore_mem>> -> memref<!tpu.dma_semaphore, #tpu.memory_space<semaphore_mem>>
    tpu.enqueue_indirect_dma source(%dma_start3A_3200 : memref<128xf32, #tpu.memory_space<vmem>>) target(%dma_start3A_3205 : memref<100000xf32, #tpu.memory_space<hbm>>) offsets(%dma_start3A_3203 : memref<128xi32, #tpu.memory_space<vmem>>) semaphore(%dma_start3A_3207 : memref<!tpu.dma_semaphore, #tpu.memory_space<semaphore_mem>>)
    %dma_wait3A_3208 = arith.constant 0 : i32
    %dma_wait3A_3209 = arith.constant 0 : i32
    %dma_wait3A_3210 = arith.constant 0 : i32
    %dma_wait3A_3211 = tpu.memref_slice %arg14[%dma_wait3A_3209, %dma_wait3A_3210] : memref<512x128xf32, #tpu.memory_space<vmem>> -> memref<128x128xf32, #tpu.memory_space<vmem>>
    %dma_wait3A_3212 = arith.constant 0 : i32
    %dma_wait3A_3213 = tpu.memref_slice %arg10[%add3A_3058, %dma_wait3A_3212] : memref<8x128xi32, #tpu.memory_space<vmem>> -> memref<1x128xi32, #tpu.memory_space<vmem>>
    %dma_wait3A_3214 = tpu.memref_squeeze %dma_wait3A_3213 : memref<1x128xi32, #tpu.memory_space<vmem>> -> memref<128xi32, #tpu.memory_space<vmem>>
    %dma_wait3A_3215 = arith.constant 0 : i32
    %dma_wait3A_3216 = arith.constant 0 : i32
    %dma_wait3A_3217 = tpu.memref_slice %arg6[%dma_wait3A_3215, %dma_wait3A_3216] : memref<100000x128xf32, #tpu.memory_space<hbm>> -> memref<100000x128xf32, #tpu.memory_space<hbm>>
    %dma_wait3A_3218 = tpu.memref_slice %arg18[%dma_wait3A_3208] : memref<4x!tpu.dma_semaphore, #tpu.memory_space<semaphore_mem>> -> memref<1x!tpu.dma_semaphore, #tpu.memory_space<semaphore_mem>>
    %dma_wait3A_3219 = tpu.memref_squeeze %dma_wait3A_3218 : memref<1x!tpu.dma_semaphore, #tpu.memory_space<semaphore_mem>> -> memref<!tpu.dma_semaphore, #tpu.memory_space<semaphore_mem>>
    tpu.wait_indirect_dma semaphore(%dma_wait3A_3219 : memref<!tpu.dma_semaphore, #tpu.memory_space<semaphore_mem>>) src(%dma_wait3A_3211 : memref<128x128xf32, #tpu.memory_space<vmem>>) dst(%dma_wait3A_3217 : memref<100000x128xf32, #tpu.memory_space<hbm>>)
    %dma_wait3A_3220 = arith.constant 1 : i32
    %dma_wait3A_3221 = arith.constant 128 : i32
    %dma_wait3A_3222 = arith.constant 0 : i32
    %dma_wait3A_3223 = tpu.memref_slice %arg14[%dma_wait3A_3221, %dma_wait3A_3222] : memref<512x128xf32, #tpu.memory_space<vmem>> -> memref<128x128xf32, #tpu.memory_space<vmem>>
    %dma_wait3A_3224 = arith.constant 0 : i32
    %dma_wait3A_3225 = tpu.memref_slice %arg10[%add3A_3099, %dma_wait3A_3224] : memref<8x128xi32, #tpu.memory_space<vmem>> -> memref<1x128xi32, #tpu.memory_space<vmem>>
    %dma_wait3A_3226 = tpu.memref_squeeze %dma_wait3A_3225 : memref<1x128xi32, #tpu.memory_space<vmem>> -> memref<128xi32, #tpu.memory_space<vmem>>
    %dma_wait3A_3227 = arith.constant 0 : i32
    %dma_wait3A_3228 = arith.constant 0 : i32
    %dma_wait3A_3229 = tpu.memref_slice %arg6[%dma_wait3A_3227, %dma_wait3A_3228] : memref<100000x128xf32, #tpu.memory_space<hbm>> -> memref<100000x128xf32, #tpu.memory_space<hbm>>
    %dma_wait3A_3230 = tpu.memref_slice %arg18[%dma_wait3A_3220] : memref<4x!tpu.dma_semaphore, #tpu.memory_space<semaphore_mem>> -> memref<1x!tpu.dma_semaphore, #tpu.memory_space<semaphore_mem>>
    %dma_wait3A_3231 = tpu.memref_squeeze %dma_wait3A_3230 : memref<1x!tpu.dma_semaphore, #tpu.memory_space<semaphore_mem>> -> memref<!tpu.dma_semaphore, #tpu.memory_space<semaphore_mem>>
    tpu.wait_indirect_dma semaphore(%dma_wait3A_3231 : memref<!tpu.dma_semaphore, #tpu.memory_space<semaphore_mem>>) src(%dma_wait3A_3223 : memref<128x128xf32, #tpu.memory_space<vmem>>) dst(%dma_wait3A_3229 : memref<100000x128xf32, #tpu.memory_space<hbm>>)
    %dma_wait3A_3232 = arith.constant 2 : i32
    %dma_wait3A_3233 = arith.constant 256 : i32
    %dma_wait3A_3234 = arith.constant 0 : i32
    %dma_wait3A_3235 = tpu.memref_slice %arg14[%dma_wait3A_3233, %dma_wait3A_3234] : memref<512x128xf32, #tpu.memory_space<vmem>> -> memref<128x128xf32, #tpu.memory_space<vmem>>
    %dma_wait3A_3236 = arith.constant 0 : i32
    %dma_wait3A_3237 = tpu.memref_slice %arg10[%add3A_3140, %dma_wait3A_3236] : memref<8x128xi32, #tpu.memory_space<vmem>> -> memref<1x128xi32, #tpu.memory_space<vmem>>
    %dma_wait3A_3238 = tpu.memref_squeeze %dma_wait3A_3237 : memref<1x128xi32, #tpu.memory_space<vmem>> -> memref<128xi32, #tpu.memory_space<vmem>>
    %dma_wait3A_3239 = arith.constant 0 : i32
    %dma_wait3A_3240 = arith.constant 0 : i32
    %dma_wait3A_3241 = tpu.memref_slice %arg6[%dma_wait3A_3239, %dma_wait3A_3240] : memref<100000x128xf32, #tpu.memory_space<hbm>> -> memref<100000x128xf32, #tpu.memory_space<hbm>>
    %dma_wait3A_3242 = tpu.memref_slice %arg18[%dma_wait3A_3232] : memref<4x!tpu.dma_semaphore, #tpu.memory_space<semaphore_mem>> -> memref<1x!tpu.dma_semaphore, #tpu.memory_space<semaphore_mem>>
    %dma_wait3A_3243 = tpu.memref_squeeze %dma_wait3A_3242 : memref<1x!tpu.dma_semaphore, #tpu.memory_space<semaphore_mem>> -> memref<!tpu.dma_semaphore, #tpu.memory_space<semaphore_mem>>
    tpu.wait_indirect_dma semaphore(%dma_wait3A_3243 : memref<!tpu.dma_semaphore, #tpu.memory_space<semaphore_mem>>) src(%dma_wait3A_3235 : memref<128x128xf32, #tpu.memory_space<vmem>>) dst(%dma_wait3A_3241 : memref<100000x128xf32, #tpu.memory_space<hbm>>)
    %dma_wait3A_3244 = arith.constant 3 : i32
    %dma_wait3A_3245 = arith.constant 384 : i32
    %dma_wait3A_3246 = arith.constant 0 : i32
    %dma_wait3A_3247 = tpu.memref_slice %arg14[%dma_wait3A_3245, %dma_wait3A_3246] : memref<512x128xf32, #tpu.memory_space<vmem>> -> memref<128x128xf32, #tpu.memory_space<vmem>>
    %dma_wait3A_3248 = arith.constant 0 : i32
    %dma_wait3A_3249 = tpu.memref_slice %arg10[%add3A_3181, %dma_wait3A_3248] : memref<8x128xi32, #tpu.memory_space<vmem>> -> memref<1x128xi32, #tpu.memory_space<vmem>>
    %dma_wait3A_3250 = tpu.memref_squeeze %dma_wait3A_3249 : memref<1x128xi32, #tpu.memory_space<vmem>> -> memref<128xi32, #tpu.memory_space<vmem>>
    %dma_wait3A_3251 = arith.constant 0 : i32
    %dma_wait3A_3252 = arith.constant 0 : i32
    %dma_wait3A_3253 = tpu.memref_slice %arg6[%dma_wait3A_3251, %dma_wait3A_3252] : memref<100000x128xf32, #tpu.memory_space<hbm>> -> memref<100000x128xf32, #tpu.memory_space<hbm>>
    %dma_wait3A_3254 = tpu.memref_slice %arg18[%dma_wait3A_3244] : memref<4x!tpu.dma_semaphore, #tpu.memory_space<semaphore_mem>> -> memref<1x!tpu.dma_semaphore, #tpu.memory_space<semaphore_mem>>
    %dma_wait3A_3255 = tpu.memref_squeeze %dma_wait3A_3254 : memref<1x!tpu.dma_semaphore, #tpu.memory_space<semaphore_mem>> -> memref<!tpu.dma_semaphore, #tpu.memory_space<semaphore_mem>>
    tpu.wait_indirect_dma semaphore(%dma_wait3A_3255 : memref<!tpu.dma_semaphore, #tpu.memory_space<semaphore_mem>>) src(%dma_wait3A_3247 : memref<128x128xf32, #tpu.memory_space<vmem>>) dst(%dma_wait3A_3253 : memref<100000x128xf32, #tpu.memory_space<hbm>>)
    %dma_wait3A_3256 = arith.constant 0 : i32
    %dma_wait3A_3257 = arith.constant 0 : i32
    %dma_wait3A_3258 = arith.constant 0 : i32
    %dma_wait3A_3259 = tpu.memref_slice %arg15[%dma_wait3A_3256, %dma_wait3A_3258] : memref<4x128xf32, #tpu.memory_space<vmem>> -> memref<1x128xf32, #tpu.memory_space<vmem>>
    %dma_wait3A_3260 = tpu.memref_squeeze %dma_wait3A_3259 : memref<1x128xf32, #tpu.memory_space<vmem>> -> memref<128xf32, #tpu.memory_space<vmem>>
    %dma_wait3A_3261 = arith.constant 0 : i32
    %dma_wait3A_3262 = tpu.memref_slice %arg10[%add3A_3072, %dma_wait3A_3261] : memref<8x128xi32, #tpu.memory_space<vmem>> -> memref<1x128xi32, #tpu.memory_space<vmem>>
    %dma_wait3A_3263 = tpu.memref_squeeze %dma_wait3A_3262 : memref<1x128xi32, #tpu.memory_space<vmem>> -> memref<128xi32, #tpu.memory_space<vmem>>
    %dma_wait3A_3264 = arith.constant 0 : i32
    %dma_wait3A_3265 = tpu.memref_slice %arg7[%dma_wait3A_3264] : memref<100000xf32, #tpu.memory_space<hbm>> -> memref<100000xf32, #tpu.memory_space<hbm>>
    %dma_wait3A_3266 = tpu.memref_slice %arg19[%dma_wait3A_3257] : memref<4x!tpu.dma_semaphore, #tpu.memory_space<semaphore_mem>> -> memref<1x!tpu.dma_semaphore, #tpu.memory_space<semaphore_mem>>
    %dma_wait3A_3267 = tpu.memref_squeeze %dma_wait3A_3266 : memref<1x!tpu.dma_semaphore, #tpu.memory_space<semaphore_mem>> -> memref<!tpu.dma_semaphore, #tpu.memory_space<semaphore_mem>>
    tpu.wait_indirect_dma semaphore(%dma_wait3A_3267 : memref<!tpu.dma_semaphore, #tpu.memory_space<semaphore_mem>>) src(%dma_wait3A_3260 : memref<128xf32, #tpu.memory_space<vmem>>) dst(%dma_wait3A_3265 : memref<100000xf32, #tpu.memory_space<hbm>>)
    %dma_wait3A_3268 = arith.constant 1 : i32
    %dma_wait3A_3269 = arith.constant 1 : i32
    %dma_wait3A_3270 = arith.constant 0 : i32
    %dma_wait3A_3271 = tpu.memref_slice %arg15[%dma_wait3A_3268, %dma_wait3A_3270] : memref<4x128xf32, #tpu.memory_space<vmem>> -> memref<1x128xf32, #tpu.memory_space<vmem>>
    %dma_wait3A_3272 = tpu.memref_squeeze %dma_wait3A_3271 : memref<1x128xf32, #tpu.memory_space<vmem>> -> memref<128xf32, #tpu.memory_space<vmem>>
    %dma_wait3A_3273 = arith.constant 0 : i32
    %dma_wait3A_3274 = tpu.memref_slice %arg10[%add3A_3113, %dma_wait3A_3273] : memref<8x128xi32, #tpu.memory_space<vmem>> -> memref<1x128xi32, #tpu.memory_space<vmem>>
    %dma_wait3A_3275 = tpu.memref_squeeze %dma_wait3A_3274 : memref<1x128xi32, #tpu.memory_space<vmem>> -> memref<128xi32, #tpu.memory_space<vmem>>
    %dma_wait3A_3276 = arith.constant 0 : i32
    %dma_wait3A_3277 = tpu.memref_slice %arg7[%dma_wait3A_3276] : memref<100000xf32, #tpu.memory_space<hbm>> -> memref<100000xf32, #tpu.memory_space<hbm>>
    %dma_wait3A_3278 = tpu.memref_slice %arg19[%dma_wait3A_3269] : memref<4x!tpu.dma_semaphore, #tpu.memory_space<semaphore_mem>> -> memref<1x!tpu.dma_semaphore, #tpu.memory_space<semaphore_mem>>
    %dma_wait3A_3279 = tpu.memref_squeeze %dma_wait3A_3278 : memref<1x!tpu.dma_semaphore, #tpu.memory_space<semaphore_mem>> -> memref<!tpu.dma_semaphore, #tpu.memory_space<semaphore_mem>>
    tpu.wait_indirect_dma semaphore(%dma_wait3A_3279 : memref<!tpu.dma_semaphore, #tpu.memory_space<semaphore_mem>>) src(%dma_wait3A_3272 : memref<128xf32, #tpu.memory_space<vmem>>) dst(%dma_wait3A_3277 : memref<100000xf32, #tpu.memory_space<hbm>>)
    %dma_wait3A_3280 = arith.constant 2 : i32
    %dma_wait3A_3281 = arith.constant 2 : i32
    %dma_wait3A_3282 = arith.constant 0 : i32
    %dma_wait3A_3283 = tpu.memref_slice %arg15[%dma_wait3A_3280, %dma_wait3A_3282] : memref<4x128xf32, #tpu.memory_space<vmem>> -> memref<1x128xf32, #tpu.memory_space<vmem>>
    %dma_wait3A_3284 = tpu.memref_squeeze %dma_wait3A_3283 : memref<1x128xf32, #tpu.memory_space<vmem>> -> memref<128xf32, #tpu.memory_space<vmem>>
    %dma_wait3A_3285 = arith.constant 0 : i32
    %dma_wait3A_3286 = tpu.memref_slice %arg10[%add3A_3154, %dma_wait3A_3285] : memref<8x128xi32, #tpu.memory_space<vmem>> -> memref<1x128xi32, #tpu.memory_space<vmem>>
    %dma_wait3A_3287 = tpu.memref_squeeze %dma_wait3A_3286 : memref<1x128xi32, #tpu.memory_space<vmem>> -> memref<128xi32, #tpu.memory_space<vmem>>
    %dma_wait3A_3288 = arith.constant 0 : i32
    %dma_wait3A_3289 = tpu.memref_slice %arg7[%dma_wait3A_3288] : memref<100000xf32, #tpu.memory_space<hbm>> -> memref<100000xf32, #tpu.memory_space<hbm>>
    %dma_wait3A_3290 = tpu.memref_slice %arg19[%dma_wait3A_3281] : memref<4x!tpu.dma_semaphore, #tpu.memory_space<semaphore_mem>> -> memref<1x!tpu.dma_semaphore, #tpu.memory_space<semaphore_mem>>
    %dma_wait3A_3291 = tpu.memref_squeeze %dma_wait3A_3290 : memref<1x!tpu.dma_semaphore, #tpu.memory_space<semaphore_mem>> -> memref<!tpu.dma_semaphore, #tpu.memory_space<semaphore_mem>>
    tpu.wait_indirect_dma semaphore(%dma_wait3A_3291 : memref<!tpu.dma_semaphore, #tpu.memory_space<semaphore_mem>>) src(%dma_wait3A_3284 : memref<128xf32, #tpu.memory_space<vmem>>) dst(%dma_wait3A_3289 : memref<100000xf32, #tpu.memory_space<hbm>>)
    %dma_wait3A_3292 = arith.constant 3 : i32
    %dma_wait3A_3293 = arith.constant 3 : i32
    %dma_wait3A_3294 = arith.constant 0 : i32
    %dma_wait3A_3295 = tpu.memref_slice %arg15[%dma_wait3A_3292, %dma_wait3A_3294] : memref<4x128xf32, #tpu.memory_space<vmem>> -> memref<1x128xf32, #tpu.memory_space<vmem>>
    %dma_wait3A_3296 = tpu.memref_squeeze %dma_wait3A_3295 : memref<1x128xf32, #tpu.memory_space<vmem>> -> memref<128xf32, #tpu.memory_space<vmem>>
    %dma_wait3A_3297 = arith.constant 0 : i32
    %dma_wait3A_3298 = tpu.memref_slice %arg10[%add3A_3195, %dma_wait3A_3297] : memref<8x128xi32, #tpu.memory_space<vmem>> -> memref<1x128xi32, #tpu.memory_space<vmem>>
    %dma_wait3A_3299 = tpu.memref_squeeze %dma_wait3A_3298 : memref<1x128xi32, #tpu.memory_space<vmem>> -> memref<128xi32, #tpu.memory_space<vmem>>
    %dma_wait3A_3300 = arith.constant 0 : i32
    %dma_wait3A_3301 = tpu.memref_slice %arg7[%dma_wait3A_3300] : memref<100000xf32, #tpu.memory_space<hbm>> -> memref<100000xf32, #tpu.memory_space<hbm>>
    %dma_wait3A_3302 = tpu.memref_slice %arg19[%dma_wait3A_3293] : memref<4x!tpu.dma_semaphore, #tpu.memory_space<semaphore_mem>> -> memref<1x!tpu.dma_semaphore, #tpu.memory_space<semaphore_mem>>
    %dma_wait3A_3303 = tpu.memref_squeeze %dma_wait3A_3302 : memref<1x!tpu.dma_semaphore, #tpu.memory_space<semaphore_mem>> -> memref<!tpu.dma_semaphore, #tpu.memory_space<semaphore_mem>>
    tpu.wait_indirect_dma semaphore(%dma_wait3A_3303 : memref<!tpu.dma_semaphore, #tpu.memory_space<semaphore_mem>>) src(%dma_wait3A_3296 : memref<128xf32, #tpu.memory_space<vmem>>) dst(%dma_wait3A_3301 : memref<100000xf32, #tpu.memory_space<hbm>>)
    return
  }
}

#map = affine_map<(d0, d1) -> (0, 0)>
#map1 = affine_map<(d0, d1) -> (0)>
module attributes {stable_mosaic.version = 14 : i64} {
  func.func @_gather(%arg0: i32, %arg1: i32, %arg2: memref<100000x128xf32, #tpu.memory_space<hbm>>, %arg3: memref<16384xi32, #tpu.memory_space<hbm>>, %arg4: memref<16384x128xf32, #tpu.memory_space<hbm>>, %arg5: memref<512xi32, #tpu.memory_space<vmem>>, %arg6: memref<512x128xf32, #tpu.memory_space<vmem>>, %arg7: memref<!tpu.dma_semaphore, #tpu.memory_space<semaphore_mem>>) attributes {dimension_semantics = [#tpu.dimension_semantics<core_parallel>, #tpu.dimension_semantics<subcore_parallel>], iteration_bounds = array<i64: 2, 16>, scalar_prefetch = 0 : i64, scratch_operands = 3 : i64, tpu.core_type = #tpu.core_type<sc_vector_subcore>, window_params = [{transform_indices = #map}, {transform_indices = #map1}, {transform_indices = #map}]} {
    %mul3A = arith.constant 2 : i32
    %mul3A_0 = arith.muli %arg1, %mul3A : i32
    %add3A = arith.addi %mul3A_0, %arg0 : i32
    %mul3A_1 = arith.constant 512 : i32
    %mul3A_2 = arith.muli %add3A, %mul3A_1 : i32
    "tpu.region"() ({
      %run_scoped3A = tpu.sem_alloc : memref<!tpu.dma_semaphore, #tpu.memory_space<semaphore_mem>>
      %dma_start3A_65 = tpu.memref_slice %arg3[%mul3A_2] : memref<16384xi32, #tpu.memory_space<hbm>> -> memref<512xi32, #tpu.memory_space<hbm>>
      %dma_start3A_66 = tpu.memref_slice %arg3[%mul3A_2] : memref<16384xi32, #tpu.memory_space<hbm>> -> memref<512xi32, #tpu.memory_space<hbm>>
      tpu.enqueue_dma source(%dma_start3A_66 : memref<512xi32, #tpu.memory_space<hbm>>) target(%arg5 : memref<512xi32, #tpu.memory_space<vmem>>) target_semaphore(%run_scoped3A : memref<!tpu.dma_semaphore, #tpu.memory_space<semaphore_mem>>)
      %dma_wait3A_67 = tpu.memref_slice %arg3[%mul3A_2] : memref<16384xi32, #tpu.memory_space<hbm>> -> memref<512xi32, #tpu.memory_space<hbm>>
      %dma_wait3A_68 = tpu.memref_slice %arg3[%mul3A_2] : memref<16384xi32, #tpu.memory_space<hbm>> -> memref<512xi32, #tpu.memory_space<hbm>>
      tpu.wait_dma2 semaphore(%run_scoped3A : memref<!tpu.dma_semaphore, #tpu.memory_space<semaphore_mem>>) src(%dma_wait3A_68 : memref<512xi32, #tpu.memory_space<hbm>>) dst(%arg5 : memref<512xi32, #tpu.memory_space<vmem>>)
      tpu.yield
    }) : () -> ()
    %dma_start3A = arith.constant 0 : i32
    %dma_start3A_3 = arith.constant 0 : i32
    %dma_start3A_4 = tpu.memref_slice %arg6[%dma_start3A, %dma_start3A_3] : memref<512x128xf32, #tpu.memory_space<vmem>> -> memref<128x128xf32, #tpu.memory_space<vmem>>
    %dma_start3A_5 = arith.constant 0 : i32
    %dma_start3A_6 = tpu.memref_slice %arg5[%dma_start3A_5] : memref<512xi32, #tpu.memory_space<vmem>> -> memref<128xi32, #tpu.memory_space<vmem>>
    %dma_start3A_7 = arith.constant 0 : i32
    %dma_start3A_8 = arith.constant 0 : i32
    %dma_start3A_9 = tpu.memref_slice %arg2[%dma_start3A_7, %dma_start3A_8] : memref<100000x128xf32, #tpu.memory_space<hbm>> -> memref<100000x128xf32, #tpu.memory_space<hbm>>
    tpu.enqueue_indirect_dma source(%dma_start3A_9 : memref<100000x128xf32, #tpu.memory_space<hbm>>) target(%dma_start3A_4 : memref<128x128xf32, #tpu.memory_space<vmem>>) offsets(%dma_start3A_6 : memref<128xi32, #tpu.memory_space<vmem>>) semaphore(%arg7 : memref<!tpu.dma_semaphore, #tpu.memory_space<semaphore_mem>>)
    %dma_start3A_10 = arith.constant 128 : i32
    %dma_start3A_11 = arith.constant 0 : i32
    %dma_start3A_12 = tpu.memref_slice %arg6[%dma_start3A_10, %dma_start3A_11] : memref<512x128xf32, #tpu.memory_space<vmem>> -> memref<128x128xf32, #tpu.memory_space<vmem>>
    %dma_start3A_13 = arith.constant 128 : i32
    %dma_start3A_14 = tpu.memref_slice %arg5[%dma_start3A_13] : memref<512xi32, #tpu.memory_space<vmem>> -> memref<128xi32, #tpu.memory_space<vmem>>
    %dma_start3A_15 = arith.constant 0 : i32
    %dma_start3A_16 = arith.constant 0 : i32
    %dma_start3A_17 = tpu.memref_slice %arg2[%dma_start3A_15, %dma_start3A_16] : memref<100000x128xf32, #tpu.memory_space<hbm>> -> memref<100000x128xf32, #tpu.memory_space<hbm>>
    tpu.enqueue_indirect_dma source(%dma_start3A_17 : memref<100000x128xf32, #tpu.memory_space<hbm>>) target(%dma_start3A_12 : memref<128x128xf32, #tpu.memory_space<vmem>>) offsets(%dma_start3A_14 : memref<128xi32, #tpu.memory_space<vmem>>) semaphore(%arg7 : memref<!tpu.dma_semaphore, #tpu.memory_space<semaphore_mem>>)
    %dma_start3A_18 = arith.constant 256 : i32
    %dma_start3A_19 = arith.constant 0 : i32
    %dma_start3A_20 = tpu.memref_slice %arg6[%dma_start3A_18, %dma_start3A_19] : memref<512x128xf32, #tpu.memory_space<vmem>> -> memref<128x128xf32, #tpu.memory_space<vmem>>
    %dma_start3A_21 = arith.constant 256 : i32
    %dma_start3A_22 = tpu.memref_slice %arg5[%dma_start3A_21] : memref<512xi32, #tpu.memory_space<vmem>> -> memref<128xi32, #tpu.memory_space<vmem>>
    %dma_start3A_23 = arith.constant 0 : i32
    %dma_start3A_24 = arith.constant 0 : i32
    %dma_start3A_25 = tpu.memref_slice %arg2[%dma_start3A_23, %dma_start3A_24] : memref<100000x128xf32, #tpu.memory_space<hbm>> -> memref<100000x128xf32, #tpu.memory_space<hbm>>
    tpu.enqueue_indirect_dma source(%dma_start3A_25 : memref<100000x128xf32, #tpu.memory_space<hbm>>) target(%dma_start3A_20 : memref<128x128xf32, #tpu.memory_space<vmem>>) offsets(%dma_start3A_22 : memref<128xi32, #tpu.memory_space<vmem>>) semaphore(%arg7 : memref<!tpu.dma_semaphore, #tpu.memory_space<semaphore_mem>>)
    %dma_start3A_26 = arith.constant 384 : i32
    %dma_start3A_27 = arith.constant 0 : i32
    %dma_start3A_28 = tpu.memref_slice %arg6[%dma_start3A_26, %dma_start3A_27] : memref<512x128xf32, #tpu.memory_space<vmem>> -> memref<128x128xf32, #tpu.memory_space<vmem>>
    %dma_start3A_29 = arith.constant 384 : i32
    %dma_start3A_30 = tpu.memref_slice %arg5[%dma_start3A_29] : memref<512xi32, #tpu.memory_space<vmem>> -> memref<128xi32, #tpu.memory_space<vmem>>
    %dma_start3A_31 = arith.constant 0 : i32
    %dma_start3A_32 = arith.constant 0 : i32
    %dma_start3A_33 = tpu.memref_slice %arg2[%dma_start3A_31, %dma_start3A_32] : memref<100000x128xf32, #tpu.memory_space<hbm>> -> memref<100000x128xf32, #tpu.memory_space<hbm>>
    tpu.enqueue_indirect_dma source(%dma_start3A_33 : memref<100000x128xf32, #tpu.memory_space<hbm>>) target(%dma_start3A_28 : memref<128x128xf32, #tpu.memory_space<vmem>>) offsets(%dma_start3A_30 : memref<128xi32, #tpu.memory_space<vmem>>) semaphore(%arg7 : memref<!tpu.dma_semaphore, #tpu.memory_space<semaphore_mem>>)
    %dma_wait3A = arith.constant 0 : i32
    %dma_wait3A_34 = arith.constant 0 : i32
    %dma_wait3A_35 = tpu.memref_slice %arg6[%dma_wait3A, %dma_wait3A_34] : memref<512x128xf32, #tpu.memory_space<vmem>> -> memref<128x128xf32, #tpu.memory_space<vmem>>
    %dma_wait3A_36 = arith.constant 0 : i32
    %dma_wait3A_37 = tpu.memref_slice %arg5[%dma_wait3A_36] : memref<512xi32, #tpu.memory_space<vmem>> -> memref<128xi32, #tpu.memory_space<vmem>>
    %dma_wait3A_38 = arith.constant 0 : i32
    %dma_wait3A_39 = arith.constant 0 : i32
    %dma_wait3A_40 = tpu.memref_slice %arg2[%dma_wait3A_38, %dma_wait3A_39] : memref<100000x128xf32, #tpu.memory_space<hbm>> -> memref<100000x128xf32, #tpu.memory_space<hbm>>
    tpu.wait_indirect_dma semaphore(%arg7 : memref<!tpu.dma_semaphore, #tpu.memory_space<semaphore_mem>>) src(%dma_wait3A_40 : memref<100000x128xf32, #tpu.memory_space<hbm>>) dst(%dma_wait3A_35 : memref<128x128xf32, #tpu.memory_space<vmem>>)
    %dma_wait3A_41 = arith.constant 128 : i32
    %dma_wait3A_42 = arith.constant 0 : i32
    %dma_wait3A_43 = tpu.memref_slice %arg6[%dma_wait3A_41, %dma_wait3A_42] : memref<512x128xf32, #tpu.memory_space<vmem>> -> memref<128x128xf32, #tpu.memory_space<vmem>>
    %dma_wait3A_44 = arith.constant 128 : i32
    %dma_wait3A_45 = tpu.memref_slice %arg5[%dma_wait3A_44] : memref<512xi32, #tpu.memory_space<vmem>> -> memref<128xi32, #tpu.memory_space<vmem>>
    %dma_wait3A_46 = arith.constant 0 : i32
    %dma_wait3A_47 = arith.constant 0 : i32
    %dma_wait3A_48 = tpu.memref_slice %arg2[%dma_wait3A_46, %dma_wait3A_47] : memref<100000x128xf32, #tpu.memory_space<hbm>> -> memref<100000x128xf32, #tpu.memory_space<hbm>>
    tpu.wait_indirect_dma semaphore(%arg7 : memref<!tpu.dma_semaphore, #tpu.memory_space<semaphore_mem>>) src(%dma_wait3A_48 : memref<100000x128xf32, #tpu.memory_space<hbm>>) dst(%dma_wait3A_43 : memref<128x128xf32, #tpu.memory_space<vmem>>)
    %dma_wait3A_49 = arith.constant 256 : i32
    %dma_wait3A_50 = arith.constant 0 : i32
    %dma_wait3A_51 = tpu.memref_slice %arg6[%dma_wait3A_49, %dma_wait3A_50] : memref<512x128xf32, #tpu.memory_space<vmem>> -> memref<128x128xf32, #tpu.memory_space<vmem>>
    %dma_wait3A_52 = arith.constant 256 : i32
    %dma_wait3A_53 = tpu.memref_slice %arg5[%dma_wait3A_52] : memref<512xi32, #tpu.memory_space<vmem>> -> memref<128xi32, #tpu.memory_space<vmem>>
    %dma_wait3A_54 = arith.constant 0 : i32
    %dma_wait3A_55 = arith.constant 0 : i32
    %dma_wait3A_56 = tpu.memref_slice %arg2[%dma_wait3A_54, %dma_wait3A_55] : memref<100000x128xf32, #tpu.memory_space<hbm>> -> memref<100000x128xf32, #tpu.memory_space<hbm>>
    tpu.wait_indirect_dma semaphore(%arg7 : memref<!tpu.dma_semaphore, #tpu.memory_space<semaphore_mem>>) src(%dma_wait3A_56 : memref<100000x128xf32, #tpu.memory_space<hbm>>) dst(%dma_wait3A_51 : memref<128x128xf32, #tpu.memory_space<vmem>>)
    %dma_wait3A_57 = arith.constant 384 : i32
    %dma_wait3A_58 = arith.constant 0 : i32
    %dma_wait3A_59 = tpu.memref_slice %arg6[%dma_wait3A_57, %dma_wait3A_58] : memref<512x128xf32, #tpu.memory_space<vmem>> -> memref<128x128xf32, #tpu.memory_space<vmem>>
    %dma_wait3A_60 = arith.constant 384 : i32
    %dma_wait3A_61 = tpu.memref_slice %arg5[%dma_wait3A_60] : memref<512xi32, #tpu.memory_space<vmem>> -> memref<128xi32, #tpu.memory_space<vmem>>
    %dma_wait3A_62 = arith.constant 0 : i32
    %dma_wait3A_63 = arith.constant 0 : i32
    %dma_wait3A_64 = tpu.memref_slice %arg2[%dma_wait3A_62, %dma_wait3A_63] : memref<100000x128xf32, #tpu.memory_space<hbm>> -> memref<100000x128xf32, #tpu.memory_space<hbm>>
    tpu.wait_indirect_dma semaphore(%arg7 : memref<!tpu.dma_semaphore, #tpu.memory_space<semaphore_mem>>) src(%dma_wait3A_64 : memref<100000x128xf32, #tpu.memory_space<hbm>>) dst(%dma_wait3A_59 : memref<128x128xf32, #tpu.memory_space<vmem>>)
    "tpu.region"() ({
      %run_scoped3A = tpu.sem_alloc : memref<!tpu.dma_semaphore, #tpu.memory_space<semaphore_mem>>
      %dma_start3A_65 = arith.constant 0 : i32
      %dma_start3A_66 = tpu.memref_slice %arg4[%mul3A_2, %dma_start3A_65] : memref<16384x128xf32, #tpu.memory_space<hbm>> -> memref<512x128xf32, #tpu.memory_space<hbm>>
      %dma_start3A_67 = arith.constant 0 : i32
      %dma_start3A_68 = tpu.memref_slice %arg4[%mul3A_2, %dma_start3A_67] : memref<16384x128xf32, #tpu.memory_space<hbm>> -> memref<512x128xf32, #tpu.memory_space<hbm>>
      tpu.enqueue_dma source(%arg6 : memref<512x128xf32, #tpu.memory_space<vmem>>) target(%dma_start3A_68 : memref<512x128xf32, #tpu.memory_space<hbm>>) target_semaphore(%run_scoped3A : memref<!tpu.dma_semaphore, #tpu.memory_space<semaphore_mem>>)
      %dma_wait3A_69 = arith.constant 0 : i32
      %dma_wait3A_70 = tpu.memref_slice %arg4[%mul3A_2, %dma_wait3A_69] : memref<16384x128xf32, #tpu.memory_space<hbm>> -> memref<512x128xf32, #tpu.memory_space<hbm>>
      %dma_wait3A_71 = arith.constant 0 : i32
      %dma_wait3A_72 = tpu.memref_slice %arg4[%mul3A_2, %dma_wait3A_71] : memref<16384x128xf32, #tpu.memory_space<hbm>> -> memref<512x128xf32, #tpu.memory_space<hbm>>
      tpu.wait_dma2 semaphore(%run_scoped3A : memref<!tpu.dma_semaphore, #tpu.memory_space<semaphore_mem>>) src(%arg6 : memref<512x128xf32, #tpu.memory_space<vmem>>) dst(%dma_wait3A_72 : memref<512x128xf32, #tpu.memory_space<hbm>>)
      tpu.yield
    }) : () -> ()
    return
  }
}

module attributes {stable_mosaic.version = 14 : i64} {
  func.func @_gru_body(%arg0: i32, %arg1: memref<2048x256xf32, #tpu.memory_space<vmem>>, %arg2: memref<2048x128xf32, #tpu.memory_space<vmem>>, %arg3: memref<384x256xf32, #tpu.memory_space<vmem>>, %arg4: memref<384x128xf32, #tpu.memory_space<vmem>>, %arg5: memref<1x384xf32, #tpu.memory_space<vmem>>, %arg6: memref<1x384xf32, #tpu.memory_space<vmem>>, %arg7: memref<12512x128xf32, #tpu.memory_space<vmem>>, %arg8: memref<2048x128xf32, #tpu.memory_space<vmem>>, %arg9: memref<12512x128xf32, #tpu.memory_space<vmem>>) attributes {dimension_semantics = [#tpu.dimension_semantics<arbitrary>], iteration_bounds = array<i64: 8>, scalar_prefetch = 0 : i64, scratch_operands = 0 : i64, tpu.core_type = #tpu.core_type<tc>, window_params = [{transform_indices = @transform_0, window_bounds = array<i64: 2048, 256>}, {transform_indices = @transform_1, window_bounds = array<i64: 2048, 128>}, {pipeline_mode = #tpu.pipeline_mode<synchronous>, transform_indices = @transform_2, window_bounds = array<i64: 384, 256>}, {pipeline_mode = #tpu.pipeline_mode<synchronous>, transform_indices = @transform_3, window_bounds = array<i64: 384, 128>}, {pipeline_mode = #tpu.pipeline_mode<synchronous>, transform_indices = @transform_4, window_bounds = array<i64: 1, 384>}, {pipeline_mode = #tpu.pipeline_mode<synchronous>, transform_indices = @transform_5, window_bounds = array<i64: 1, 384>}, {transform_indices = @transform_6, window_bounds = array<i64: 12512, 128>}, {transform_indices = @transform_7, window_bounds = array<i64: 2048, 128>}, {transform_indices = @transform_8, window_bounds = array<i64: 12512, 128>}]} {
    %get3A = arith.constant 0 : index
    %get3A_0 = arith.constant 0 : index
    %get3A_1 = vector.load %arg1[%get3A, %get3A_0] : memref<2048x256xf32, #tpu.memory_space<vmem>>, vector<2048x256xf32>
    %get3A_2 = arith.constant 0 : index
    %get3A_3 = arith.constant 0 : index
    %get3A_4 = vector.load %arg2[%get3A_2, %get3A_3] : memref<2048x128xf32, #tpu.memory_space<vmem>>, vector<2048x128xf32>
    %get3A_5 = arith.constant 0 : index
    %get3A_6 = arith.constant 0 : index
    %get3A_7 = vector.load %arg3[%get3A_5, %get3A_6] : memref<384x256xf32, #tpu.memory_space<vmem>>, vector<384x256xf32>
    %dot_general3A = arith.constant dense<0.000000e+00> : vector<2048x384xf32>
    %dot_general3A_8 = tpu.matmul %get3A_1, %get3A_7, %dot_general3A {dimension_numbers = #tpu.dot_dimension_numbers<[1], [1], [0], [0], [0, 0, 1, 0], [], []>, transpose_lhs_hint = false} : vector<2048x256xf32>, vector<384x256xf32>, vector<2048x384xf32> -> vector<2048x384xf32>
    %get3A_9 = arith.constant 0 : index
    %get3A_10 = arith.constant 0 : index
    %get3A_11 = vector.load %arg5[%get3A_9, %get3A_10] : memref<1x384xf32, #tpu.memory_space<vmem>>, vector<1x384xf32>
    %add3A = vector.broadcast %get3A_11 : vector<1x384xf32> to vector<2048x384xf32>
    %add3A_12 = arith.addf %dot_general3A_8, %add3A : vector<2048x384xf32>
    %get3A_13 = arith.constant 0 : index
    %get3A_14 = arith.constant 0 : index
    %get3A_15 = vector.load %arg4[%get3A_13, %get3A_14] : memref<384x128xf32, #tpu.memory_space<vmem>>, vector<384x128xf32>
    %dot_general3A_16 = arith.constant dense<0.000000e+00> : vector<2048x384xf32>
    %dot_general3A_17 = tpu.matmul %get3A_4, %get3A_15, %dot_general3A_16 {dimension_numbers = #tpu.dot_dimension_numbers<[1], [1], [0], [0], [0, 0, 1, 0], [], []>, transpose_lhs_hint = false} : vector<2048x128xf32>, vector<384x128xf32>, vector<2048x384xf32> -> vector<2048x384xf32>
    %get3A_18 = arith.constant 0 : index
    %get3A_19 = arith.constant 0 : index
    %get3A_20 = vector.load %arg6[%get3A_18, %get3A_19] : memref<1x384xf32, #tpu.memory_space<vmem>>, vector<1x384xf32>
    %add3A_21 = vector.broadcast %get3A_20 : vector<1x384xf32> to vector<2048x384xf32>
    %add3A_22 = arith.addf %dot_general3A_17, %add3A_21 : vector<2048x384xf32>
    %slice3A = vector.extract_strided_slice %add3A_12 {offsets = [0, 0], sizes = [2048, 128], strides = [1, 1]} : vector<2048x384xf32> to vector<2048x128xf32>
    %slice3A_23 = vector.extract_strided_slice %add3A_22 {offsets = [0, 0], sizes = [2048, 128], strides = [1, 1]} : vector<2048x384xf32> to vector<2048x128xf32>
    %add3A_24 = arith.addf %slice3A, %slice3A_23 : vector<2048x128xf32>
    %logistic3A = arith.negf %add3A_24 : vector<2048x128xf32>
    %logistic3A_25 = math.exp %logistic3A : vector<2048x128xf32>
    %logistic3A_26 = arith.constant 1.000000e+00 : f32
    %logistic3A_27 = vector.broadcast %logistic3A_26 : f32 to vector<2048x128xf32>
    %logistic3A_28 = arith.addf %logistic3A_27, %logistic3A_25 : vector<2048x128xf32>
    %logistic3A_29 = arith.divf %logistic3A_27, %logistic3A_28 : vector<2048x128xf32>
    %slice3A_30 = vector.extract_strided_slice %add3A_12 {offsets = [0, 128], sizes = [2048, 128], strides = [1, 1]} : vector<2048x384xf32> to vector<2048x128xf32>
    %slice3A_31 = vector.extract_strided_slice %add3A_22 {offsets = [0, 128], sizes = [2048, 128], strides = [1, 1]} : vector<2048x384xf32> to vector<2048x128xf32>
    %add3A_32 = arith.addf %slice3A_30, %slice3A_31 : vector<2048x128xf32>
    %logistic3A_33 = arith.negf %add3A_32 : vector<2048x128xf32>
    %logistic3A_34 = math.exp %logistic3A_33 : vector<2048x128xf32>
    %logistic3A_35 = arith.constant 1.000000e+00 : f32
    %logistic3A_36 = vector.broadcast %logistic3A_35 : f32 to vector<2048x128xf32>
    %logistic3A_37 = arith.addf %logistic3A_36, %logistic3A_34 : vector<2048x128xf32>
    %logistic3A_38 = arith.divf %logistic3A_36, %logistic3A_37 : vector<2048x128xf32>
    %slice3A_39 = vector.extract_strided_slice %add3A_12 {offsets = [0, 256], sizes = [2048, 128], strides = [1, 1]} : vector<2048x384xf32> to vector<2048x128xf32>
    %slice3A_40 = vector.extract_strided_slice %add3A_22 {offsets = [0, 256], sizes = [2048, 128], strides = [1, 1]} : vector<2048x384xf32> to vector<2048x128xf32>
    %mul3A = arith.mulf %logistic3A_29, %slice3A_40 : vector<2048x128xf32>
    %add3A_41 = arith.addf %slice3A_39, %mul3A : vector<2048x128xf32>
    %tanh3A = math.tanh %add3A_41 : vector<2048x128xf32>
    %sub3A = arith.constant 1.000000e+00 : f32
    %sub3A_42 = vector.broadcast %sub3A : f32 to vector<2048x128xf32>
    %sub3A_43 = arith.subf %sub3A_42, %logistic3A_38 : vector<2048x128xf32>
    %mul3A_44 = arith.mulf %sub3A_43, %tanh3A : vector<2048x128xf32>
    %mul3A_45 = arith.mulf %logistic3A_38, %get3A_4 : vector<2048x128xf32>
    %add3A_46 = arith.addf %mul3A_44, %mul3A_45 : vector<2048x128xf32>
    %swap3A = arith.constant 0 : index
    %swap3A_47 = arith.constant 0 : index
    %swap3A_48 = vector.load %arg8[%swap3A, %swap3A_47] : memref<2048x128xf32, #tpu.memory_space<vmem>>, vector<2048x128xf32>
    tpu.vector_store %arg8[%swap3A, %swap3A_47], %add3A_46 {strides = array<i32>} : memref<2048x128xf32, #tpu.memory_space<vmem>>, vector<2048x128xf32>,
    %get3A_49 = arith.constant 0 : index
    %get3A_50 = arith.constant 0 : index
    %get3A_51 = vector.load %arg7[%get3A_49, %get3A_50] : memref<12512x128xf32, #tpu.memory_space<vmem>>, vector<12512x128xf32>
    %swap3A_52 = arith.constant 0 : index
    %swap3A_53 = arith.constant 0 : index
    %swap3A_54 = vector.load %arg9[%swap3A_52, %swap3A_53] : memref<12512x128xf32, #tpu.memory_space<vmem>>, vector<12512x128xf32>
    tpu.vector_store %arg9[%swap3A_52, %swap3A_53], %get3A_51 {strides = array<i32>} : memref<12512x128xf32, #tpu.memory_space<vmem>>, vector<12512x128xf32>,
    return
  }
  func.func @transform_0(%arg0: i32) -> (i32, i32) {
    %c0_i32 = arith.constant 0 : i32
    %c0_i32_0 = arith.constant 0 : i32
    return %arg0, %c0_i32 : i32, i32
  }
  func.func @transform_1(%arg0: i32) -> (i32, i32) {
    %c0_i32 = arith.constant 0 : i32
    %c0_i32_0 = arith.constant 0 : i32
    return %arg0, %c0_i32 : i32, i32
  }
  func.func @transform_2(%arg0: i32) -> (i32, i32) {
    %c0_i32 = arith.constant 0 : i32
    %c0_i32_0 = arith.constant 0 : i32
    %c0_i32_1 = arith.constant 0 : i32
    return %c0_i32, %c0_i32_0 : i32, i32
  }
  func.func @transform_3(%arg0: i32) -> (i32, i32) {
    %c0_i32 = arith.constant 0 : i32
    %c0_i32_0 = arith.constant 0 : i32
    %c0_i32_1 = arith.constant 0 : i32
    return %c0_i32, %c0_i32_0 : i32, i32
  }
  func.func @transform_4(%arg0: i32) -> (i32, i32) {
    %c0_i32 = arith.constant 0 : i32
    %c0_i32_0 = arith.constant 0 : i32
    %c0_i32_1 = arith.constant 0 : i32
    return %c0_i32, %c0_i32_0 : i32, i32
  }
  func.func @transform_5(%arg0: i32) -> (i32, i32) {
    %c0_i32 = arith.constant 0 : i32
    %c0_i32_0 = arith.constant 0 : i32
    %c0_i32_1 = arith.constant 0 : i32
    return %c0_i32, %c0_i32_0 : i32, i32
  }
  func.func @transform_6(%arg0: i32) -> (i32, i32) {
    %c0_i32 = arith.constant 0 : i32
    %c0_i32_0 = arith.constant 0 : i32
    return %arg0, %c0_i32 : i32, i32
  }
  func.func @transform_7(%arg0: i32) -> (i32, i32) {
    %c0_i32 = arith.constant 0 : i32
    %c0_i32_0 = arith.constant 0 : i32
    return %arg0, %c0_i32 : i32, i32
  }
  func.func @transform_8(%arg0: i32) -> (i32, i32) {
    %c0_i32 = arith.constant 0 : i32
    %c0_i32_0 = arith.constant 0 : i32
    return %arg0, %c0_i32 : i32, i32
  }
}

</mosaic_0001>

<sc_bundles>
// kernel: kernel.12.cloned.1.call-start
scs
__scs_entry_jumppad:
0x0: {  	(pc) =	sbr.rel $0x88, $3  }
0x1: {  	(tag) =	ssettag $0x0;
	lr =	simm.s32 $0x1  }
0x2: {  	[smem:$0x3F98] =	sst lr;
	_ =	strace $0xD0000000  }
0x3: {  	_ = 	snop  }
0x4: {  	_ = 	snop  }
0x5: {  	_ = 	snop  }
0x6: {  	_ = 	snop  }
0x7: {  	_ = 	snop  }
__scs_overlays_trampoline_lowered:
0x8: {  	[smem:$0x3FA7] =	sst s0  }
0x9: {  	[smem:$0x3FA8] =	sst s1  }
0xa: {  	[smem:$0x3FA9] =	sst s2  }
0xb: {  	[smem:$0x3FAA] =	sst s3  }
0xc: {  	[smem:$0x3FAB] =	sst s4  }
0xd: {  	[smem:$0x3FAC] =	sst s5  }
0xe: {  	[smem:$0x3FAD] =	sst s6  }
0xf: {  	[smem:$0x3FAE] =	sst s7  }
0x10: {  	[smem:$0x3FAF] =	sst s8  }
0x11: {  	[smem:$0x3FB0] =	sst s9;
	s0 =	simm.s32 @!p0 $0x0  }
0x12: {  	s1 =	sld [smem:$0x3F96];
	s0 =	simm.s32 @p0 $0x1  }
0x13: {  	[smem:$0x3FB1] =	sst s0;
	s0 =	simm.s32 @!p1 $0x0  }
0x14: {  	s2 =	sld [smem:$0x3F95];
	s0 =	simm.s32 @p1 $0x1  }
0x15: {  	[smem:$0x3FB2] =	sst s0;
	s0 =	simm.s32 @!p2 $0x0  }
0x16: {  	s3 =	sld [smem:$0x3FDB];
	s0 =	simm.s32 @p2 $0x1  }
0x17: {  	s4 =	simm.s32 $0x1BF5;
	[smem:$0x3FB4] =	sst s0  }
0x18: {  	s0 =	sld [smem:$0x3F97];
	_ =	swait.ge [sflag:s4], $0x0  }
0x19: {  	s7 =	sld [smem:$0x3F98]  }
0x1a: {  	s8 =	sadd.s32 $0xFFFFE003, lr  }
0x1b: {  	s9 =	sadd.s32 $0xFFFFFEF7, lr;
	s5 =	simm.s32 $0xFFFFFFFF;
	p2 =	slt.u32 s8, $0xFFFFF086  }
0x1c: {  	p1 =	slt.u32 s9, $0xF7A;
	s5 =	simm.s32 @!p2 $0x0  }
0x1d: {  	s5 =	simm.s32 @p1 $0x1;
	p0 =	seq.s32 s7, s2  }
0x1e: {  	s7 =	smul.u32 @!p0 $0xF7A, s2;
	p2 =	seq.s32 @!p0 s5, $0x0  }
0x1f: {  	s9 =	smul.u32 $0xF7A, s1;
	s8 =	simm.s32 @!p0 $0x1BF5;
	p2 =	por !p2, p0  }
0x20: {  	[sflag:s8] =	ssyncset.s32 @!p0 $0xFFFFF086;
	s6 =	sadd.s32 @!p0 s3, s7;
	s7 =	simm.s32 @!p0 $0x108  }
0x21: {  	s3 =	sadd.s32 s3, s9;
	s6 =	sadd.s32 @!p0 $0x88, s6;
	s7 =	simm.s32 @p2 $0x1082  }
0x22: {  	[simem:s7], [sflag:s8] =	dma.local @!p0 [hbm:s6], $0xF7A  }
0x23: {  	s9 =	sor.u32 $0xD0000000, s2;
	s6 =	simm.s32 $0x108;
	_ =	swait.ge @!p0 [sflag:s8], $0x0  }
0x24: {  	s3 =	sadd.s32 $0x88, s3;
	s6 =	simm.s32 @!p1 $0x1082;
	[sflag:s4] =	ssyncset.s32 $0xFFFFF086  }
0x25: {  	[simem:s6], [sflag:s4] =	dma.local [hbm:s3], $0xF7A  }
0x26: {  	[smem:$0x3F98] =	sst s1;
	(tag) =	ssettag s2;
	_ =	strace s9  }
0x27: {  	s1 =	sld [smem:$0x3FA8]  }
0x28: {  	s2 =	sld [smem:$0x3FA9]  }
0x29: {  	s4 =	sld [smem:$0x3FAB]  }
0x2a: {  	p0 =	seq.s32 s5, $0x0;
	s5 =	sld [smem:$0x3FAC]  }
0x2b: {  	s6 =	sld [smem:$0x3FAD]  }
0x2c: {  	s7 =	sld [smem:$0x3FAE]  }
0x2d: {  	s3 =	simm.s32 $0x108;
	s8 =	sld [smem:$0x3FAF]  }
0x2e: {  	s3 =	simm.s32 @!p0 $0x1082;
	s9 =	sld [smem:$0x3FB0]  }
0x2f: {  	lr =	sadd.s32 s0, s3;
	s0 =	sld [smem:$0x3FA7]  }
0x30: {  	s3 =	sld [smem:$0x3FAA]  }
0x31: {  	[smem:$0x3FB3] =	sst s10  }
0x32: {  	s10 =	sld [smem:$0x3FB1];
	_ =	sdelay $0x3  }
0x33: {  	p0 =	seq.s32 s10, $0x1;
	s10 =	sld [smem:$0x3FB3];
	_ =	sdelay $0x3  }
0x34: {  	[smem:$0x3FB3] =	sst s10  }
0x35: {  	s10 =	sld [smem:$0x3FB2];
	_ =	sdelay $0x3  }
0x36: {  	p1 =	seq.s32 s10, $0x1;
	s10 =	sld [smem:$0x3FB3];
	_ =	sdelay $0x3  }
0x37: {  	[smem:$0x3FB3] =	sst s10  }
0x38: {  	s10 =	sld [smem:$0x3FB4]  }
0x39: {  	_ = 	snop;
	(pc) =	sbr.ind lr, $3  }
0x3a: {  	_ = 	snop  }
0x3b: {  	_ = 	snop  }
0x3c: {  	p2 =	seq.s32 s10, $0x1;
	s10 =	sld [smem:$0x3FB3]  }
0x3d: {  	_ =	shalt  }
0x3e: {  	_ =	shalt  }
0x3f: {  	_ =	shalt  }
0x40: {  	_ =	shalt  }
0x41: {  	_ =	shalt  }
0x42: {  	_ =	shalt  }
0x43: {  	_ =	shalt  }
0x44: {  	_ =	shalt  }
0x45: {  	_ =	shalt  }
0x46: {  	_ =	shalt  }
0x47: {  	_ =	shalt  }
0x48: {  	_ =	shalt  }
0x49: {  	_ =	shalt  }
0x4a: {  	_ =	shalt  }
0x4b: {  	_ =	shalt  }
0x4c: {  	_ =	shalt  }
0x4d: {  	_ =	shalt  }
0x4e: {  	_ =	shalt  }
0x4f: {  	_ =	shalt  }
0x50: {  	_ =	shalt  }
0x51: {  	_ =	shalt  }
0x52: {  	_ =	shalt  }
0x53: {  	_ =	shalt  }
0x54: {  	_ =	shalt  }
0x55: {  	_ =	shalt  }
0x56: {  	_ =	shalt  }
0x57: {  	_ =	shalt  }
0x58: {  	_ =	shalt  }
0x59: {  	_ =	shalt  }
0x5a: {  	_ =	shalt  }
0x5b: {  	_ =	shalt  }
0x5c: {  	_ =	shalt  }
0x5d: {  	_ =	shalt  }
0x5e: {  	_ =	shalt  }
0x5f: {  	_ =	shalt  }
0x60: {  	_ =	shalt  }
0x61: {  	_ =	shalt  }
0x62: {  	_ =	shalt  }
0x63: {  	_ =	shalt  }
0x64: {  	_ =	shalt  }
0x65: {  	_ =	shalt  }
0x66: {  	_ =	shalt  }
0x67: {  	_ =	shalt  }
0x68: {  	_ =	shalt  }
0x69: {  	_ =	shalt  }
0x6a: {  	_ =	shalt  }
0x6b: {  	_ =	shalt  }
0x6c: {  	_ =	shalt  }
0x6d: {  	_ =	shalt  }
0x6e: {  	_ =	shalt  }
0x6f: {  	_ =	shalt  }
0x70: {  	_ =	shalt  }
0x71: {  	_ =	shalt  }
0x72: {  	_ =	shalt  }
0x73: {  	_ =	shalt  }
0x74: {  	_ =	shalt  }
0x75: {  	_ =	shalt  }
0x76: {  	_ =	shalt  }
0x77: {  	_ =	shalt  }
0x78: {  	_ =	shalt  }
0x79: {  	_ =	shalt  }
0x7a: {  	_ =	shalt  }
0x7b: {  	_ =	shalt  }
0x7c: {  	_ =	shalt  }
0x7d: {  	_ =	shalt  }
0x7e: {  	_ =	shalt  }
0x7f: {  	_ =	shalt  }
0x80: {  	_ =	shalt  }
0x81: {  	_ =	shalt  }
0x82: {  	_ =	shalt  }
0x83: {  	_ =	shalt  }
0x84: {  	_ =	shalt  }
0x85: {  	_ =	shalt  }
0x86: {  	_ =	shalt  }
0x87: {  	_ =	shalt  }
.Lfunc_end0:
.L_simem_size_0:
called_computation.2_lowered:
.L_overlay_start_0:
0x88: {  	s2 =	sld [smem:$0x3FD9]  }
0x89: {  	s3 =	sld [smem:$0x3FFE];
	_ =	sdelay $0x1  }
0x8a: {  	s1 =	srdreg.scid  }
0x8b: {  	s0 =	sand.u32 $0x1, s1  }
0x8c: {  	s14 =	sshll.u32 s0, $0xA;
	s2 =	sadd.s32 s3, s2  }
0x8d: {  	s2 =	sadd.s32 s2, s14  }
0x8e: {  	[smem:$0x3FBF] =	sst s2  }
0x8f: {  	_ = 	snop  }
0x90: {  	s2 =	sld [smem:$0x3FD0];
	_ =	sdelay $0x1  }
0x91: {  	s15 =	sld [smem:$0x3FC7]  }
0x92: {  	s5 =	simm.s32 $0xB;
	s6 =	simm.s32 $0x10;
	s4 =	sld [smem:$0x3FC5]  }
0x93: {  	[smem:s6], [sflag:s5] =	dma.local [hbm:s2], $0x1  }
0x94: {  	_ =	swait.eq [sflag:s5], $0x1  }
0x95: {  	[sflag:s5] =	ssyncset.done $0x0  }
0x96: {  	s16 =	sld [smem:$0x10];
	[sflag:s5] =	ssyncadd.s32 $0xFFFFFFFF  }
0x97: {  	s17 =	sld [smem:$0x11];
	(tm) =	ssettm $0x1  }
0x98: {  	s18 =	sld [smem:$0x3FFB];
	_ =	sdelay $0x3  }
0x99: {  	_ =	strace s18  }
0x9a: {  	s6 =	sld [smem:$0x3FFC];
	_ =	sdelay $0x3  }
0x9b: {  	_ =	strace s6  }
0x9c: {  	s6 =	sld [smem:$0x3FFD];
	_ =	sdelay $0x3  }
0x9d: {  	_ =	strace s6  }
0x9e: {  	_ =	strace $0x8FFFFFFF  }
0x9f: {  	s19 =	sld [smem:$0x3FDB];
	_ =	sdelay $0x1  }
0xa0: {  	s7 =	simm.s32 $_scs_section_size  }
0xa1: {  	s8 =	simm.s32 $_size__tile_overlayer_lowered;
	s9 =	simm.s32 $_tile_overlayer_lowered  }
0xa2: {  	s22 =	simm.s32 $0x1BFF;
	s21 =	sshll.u32 s9, $0x1;
	s6 =	sadd.s32 s7, s19  }
0xa3: {  	s10 =	simm.s32 $0x0;
	s20 =	sshll.u32 s8, $0x1;
	s8 =	sadd.s32 s21, s6  }
0xa4: {  	[timem:s10], [sflag:s22] =	dma.local [hbm:s8], s20  }
0xa5: {  	_ =	swait.ge [sflag:s22], s20  }
0xa6: {  	s7 =	ssub.s32 $0x0, s20;
	[sflag:s22] =	ssyncset.done $0x0  }
0xa7: {  	[sflag:s22] =	ssyncadd.s32 s7;
	_ =	sdelay $0x1  }
0xa8: {  	s23 =	simm.s32 $0x1B8B  }
0xa9: {  	_ =	swait.ge [sflag:s23], $0x1  }
0xaa: {  	[sflag:s23] =	ssyncset.done $0x0  }
0xab: {  	s25 =	simm.s32 $0x1B8E;
	s24 =	sld [smem:$0x3FFE];
	[sflag:s23] =	ssyncadd.s32 $0xFFFFFFFF  }
0xac: {  	s26 =	simm.s32 $execute0_lowered;
	[smem:$0x3FD2] =	sst s25  }
0xad: {  	s8 =	sshll.u32 s26, $0x1;
	_ =	strace $0x8000004C;
	[dreg:$0x1] =	wrdreg $0xFFFFFFFF  }
0xae: {  	s28 =	simm.s32 $_size_execute0_lowered;
	s6 =	sadd.s32 s6, s8;
	[dreg:$0x0] =	wrdreg $0x0  }
0xaf: {  	s8 =	sshll.u32 s28, $0x1;
	[dreg:$0x2] =	wrdreg s6  }
0xb0: {  	[dreg:$0x3] =	wrdreg s8  }
0xb1: {  	[dreg:$0x4] =	wrdreg $0xC0  }
0xb2: {  	_ =	task [dreg:s10], $0x5FFFF  }
0xb3: {  	[dreg:$0x1] =	wrdreg $0xFFFFFFFF  }
0xb4: {  	[dreg:$0x0] =	wrdreg $0x60  }
0xb5: {  	[dreg:$0x2] =	wrdreg s24  }
0xb6: {  	[dreg:$0x3] =	wrdreg s15  }
0xb7: {  	[dreg:$0x4] =	wrdreg s4  }
0xb8: {  	[dreg:$0x5] =	wrdreg s16  }
0xb9: {  	[dreg:$0x6] =	wrdreg s17  }
0xba: {  	[dreg:$0x7] =	wrdreg $0x9  }
0xbb: {  	_ =	task.clear_ibuf [dreg:s10], $0x8FFFF;
	_ =	strace $0x9000004C  }
0xbc: {  	s29 =	simm.s32 $0x9;
	_ =	strace $0x8000004E  }
0xbd: {  	_ =	swait.ge [sflag:s29], $0x1  }
0xbe: {  	[sflag:s29] =	ssyncadd.s32 $0xFFFFFFFF  }
0xbf: {  	_ =	strace $0x9000004E  }
0xc0: {  	_ =	sfence  }
0xc1: {  	s30 =	sld [smem:$0x0];
	_ =	sdelay $0x2  }
0xc2: {  	s31 =	sshll.u32 s1, $0xD;
	s1 =	sshrl.u32 s1, $0x2  }
0xc3: {  	s3 =	sand.u32 $0x4000, s31;
	s1 =	sadd.s32 s1, s30  }
0xc4: {  	s0 =	sor.u32 s3, s0;
	s1 =	sshll.u32 s1, $0x11  }
0xc5: {  	s0 =	sor.u32 s1, s0  }
0xc6: {  	s0 =	sadd.s32 $0x8F2B, s0  }
0xc7: {  	[sflag:s0] =	ssyncadd.remote.s32 $0x1  }
0xc8: {  	_ =	sfence.sel $0xFFFF  }
0xc9: {  	[dreg:$0x0] =	wrdreg $0xFFFFFFFF;
	(pc) =	sbr.abs _section_cstart, $3  }
0xca: {  	[dreg:$0x1] =	wrdreg $0xFFFFFFFF  }
0xcb: {  	_ =	task.clear_ibuf [dreg:s10], $0x2FFFF;
	_ =	strace $0x9FFFFFFF  }
0xcc: {  	(tm) =	ssettm $0x7FFFFFFF  }
0xcd: {  	_ =	shalt  }
tec
execute0_lowered:
.L_overlay_start_1:
0x0: {  	(tag) =	ssettag $0x1  }
0x1: {  	s1 =	rddreg [dreg:$0x0];
	s2 =	srdreg.scid  }
0x2: {  	s0 =	stileid.u32;
	s6 =	rddreg [dreg:$0x1]  }
0x3: {  	s3 =	rddreg [dreg:$0x2];
	s5 =	simm.s32 $0x1;
	s4 =	simm.s32 $0x0  }
0x4: {  	s21 =	simm.s32 $0x1000;
	s22 =	simm.s32 $0x20000;
	s23 =	simm.s32 $0x600  }
0x5: {  	s12 =	simm.s32 $0x2600;
	s24 =	simm.s32 $0x400;
	[dreg:$0x6] =	wrdreg s3  }
0x6: {  	s13 =	simm.s32 $0x2;
	s7 =	sand.u32 $0x1, s2;
	s2 =	rddreg [dreg:$0x3]  }
0x7: {  	s25 =	simm.s32 $0x480;
	s14 =	simm.s32 $0x80;
	s3 =	rddreg [dreg:$0x4]  }
0x8: {  	s26 =	simm.s32 $0x500;
	s15 =	simm.s32 $0x6600;
	[smem:$0x7FF] =	sst s4  }
0x9: {  	s16 =	simm.s32 $0xA600;
	_ =	strace $0x8000004D;
	[dreg:$0x9] =	wrdreg s21  }
0xa: {  	s17 =	simm.s32 $0xE600;
	s28 =	simm.s32 $0x16780;
	[dreg:$0xa] =	wrdreg s22  }
0xb: {  	s29 =	simm.s32 $0x7;
	s30 =	simm.s32 $0x8;
	[dreg:$0xb] =	wrdreg s23  }
0xc: {  	s31 =	simm.s32 $0x9;
	s19 =	sshll.u32 s0, $0x1;
	[dreg:$0xc] =	wrdreg s24  }
0xd: {  	s8 =	sor.u32 s7, s19;
	p1 =	seq.s32 s7, $0x1;
	[dreg:$0xd] =	wrdreg s25  }
0xe: {  	s10 =	ssub.s32 $0x2, s7;
	s7 =	sshll.u32 s7, $0x9;
	[dreg:$0xe] =	wrdreg s26  }
0xf: {  	s19 =	simm.s32 $0x12600;
	s22 =	simm.s32 $0x4;
	p0 =	seq.s32 s8, $0x0  }
0x10: {  	s24 =	simm.s32 $0x5;
	s26 =	simm.s32 $0x6;
	p0 =	por !p0, !p1  }
0x11: {  	s8 =	sshll.u32 s8, $0x9;
	s20 =	sshrl.u32 s10, $0x1;
	p0 =	por !p0, !p0  }
0x12: {  	s11 =	ssub.s32 s10, s20;
	s10 =	sor.u32 $0x180, s7;
	s5 =	simm.s32 @!p0 $0x0  }
0x13: {  	s20 =	simm.s32 $0x3;
	s11 =	smax.u32 s11, $0x1;
	s9 =	ssub.s32 s0, s5  }
0x14: {  	s5 =	sadd.s32 $0x9C00, s1;
	s1 =	sadd.s32 s8, s1;
	s9 =	sshll.u32 s9, $0x7  }
0x15: {  	s8 =	sor.u32 $0x80, s7;
	s1 =	sadd.s32 $0x1C00, s1;
	s9 =	sand.u32 $0x1FFFFF80, s9  }
0x16: {  	[dreg:$0x8] =	wrdreg s1;
	s1 =	simm.s32 $0xA;
	s6 =	sadd.s32 s6, s9  }
0x17: {  	s9 =	sor.u32 $0x100, s7;
	[dreg:$0x7] =	wrdreg s6;
	s6 =	simm.s32 $0x1  }
.LBB2_1:
0x18: {  	s0 =	rddreg [dreg:$0x7]  }
0x19: {  	s18 =	rddreg [dreg:$0x8]  }
0x1a: {  	s21 =	rddreg [dreg:$0x9]  }
0x1b: {  	s23 =	rddreg [dreg:$0xa]  }
0x1c: {  	[tilespmem:s4], [sflag:$0x1] =	stream.linear.gather [hbm4b:s0+s4], $0x400, $0x38;
	[tilespmem:$0x16800] =	vst v63  }
0x1d: {  	s0 =	rddreg [dreg:$0x6]  }
0x1e: {  	[tilespmem:s12], [sflag:$0x1] =	stream.linear.gather [hbm4b:s0+s4], $0x4000, $0x38;
	[tilespmem:$0x16800] =	vst v63  }
0x1f: {  	s25 =	rddreg [dreg:$0xb]  }
0x20: {  	[tilespmem:s25], [sflag:$0x2] =	stream.strided.gather [hbm4b:s18+s21], $0x2000, s23, s21, $0x38;
	[tilespmem:$0x16800] =	vst v63  }
0x21: {  	_ =	swait.ge [sflag:s13], $0x2000  }
0x22: {  	[sflag:s13] =	ssyncset.done $0x0  }
0x23: {  	[sflag:s13] =	ssyncadd.s32 $0xFFFFE000  }
0x24: {  	_ =	swait.ge [sflag:s6], $0x4000  }
0x25: {  	[sflag:s6] =	ssyncset.done $0x0  }
0x26: {  	[sflag:s6] =	ssyncadd.s32 $0xFFFFC000  }
0x27: {  	v7 =	vld [tilespmem:$0x600]  }
0x28: {  	v6 =	vld [tilespmem:$0x680]  }
0x29: {  	v8 =	vld [tilespmem:$0x700]  }
0x2a: {  	v10 =	vld [tilespmem:$0x780]  }
0x2b: {  	v11 =	vld [tilespmem:$0x800]  }
0x2c: {  	v13 =	vld [tilespmem:$0x880]  }
0x2d: {  	v15 =	vld [tilespmem:$0x900]  }
0x2e: {  	v16 =	vld [tilespmem:$0x980]  }
0x2f: {  	v18 =	vld [tilespmem:$0x1600]  }
0x30: {  	v39 =	vld [tilespmem:$0x1680]  }
0x31: {  	v41 =	vld [tilespmem:$0x1700]  }
0x32: {  	v44 =	vld [tilespmem:$0x1780]  }
0x33: {  	v47 =	vld [tilespmem:$0x1800]  }
0x34: {  	v58 =	vld [tilespmem:$0x1880]  }
0x35: {  	v0 =	vld [tilespmem:$0x1900]  }
0x36: {  	v59 =	vld [tilespmem:$0x1980]  }
0x37: {  	v19 =	vld [tilespmem:$0x610]  }
0x38: {  	v20 =	vld [tilespmem:$0x690]  }
0x39: {  	v21 =	vld [tilespmem:$0x710]  }
0x3a: {  	v22 =	vld [tilespmem:$0x790]  }
0x3b: {  	v23 =	vld [tilespmem:$0x810]  }
0x3c: {  	v24 =	vld [tilespmem:$0x890]  }
0x3d: {  	v25 =	vld [tilespmem:$0x910]  }
0x3e: {  	v26 =	vld [tilespmem:$0x990]  }
0x3f: {  	v27 =	vld [tilespmem:$0x1610]  }
0x40: {  	v28 =	vld [tilespmem:$0x1690]  }
0x41: {  	v29 =	vld [tilespmem:$0x1710]  }
0x42: {  	v30 =	vld [tilespmem:$0x1790]  }
0x43: {  	v31 =	vld [tilespmem:$0x1810]  }
0x44: {  	v32 =	vld [tilespmem:$0x1890]  }
0x45: {  	v33 =	vld [tilespmem:$0x1910]  }
0x46: {  	v40 =	vld [tilespmem:$0x1990]  }
0x47: {  	v35 =	vld [tilespmem:$0x620]  }
0x48: {  	v36 =	vld [tilespmem:$0x6A0]  }
0x49: {  	v37 =	vld [tilespmem:$0x720]  }
0x4a: {  	v38 =	vld [tilespmem:$0x7A0]  }
0x4b: {  	v43 =	vld [tilespmem:$0x820]  }
0x4c: {  	v46 =	vld [tilespmem:$0x8A0]  }
0x4d: {  	v62 =	vld [tilespmem:$0x920]  }
0x4e: {  	v60 =	vld [tilespmem:$0x9A0]  }
0x4f: {  	v61 =	vld [tilespmem:$0x1620]  }
0x50: {  	v63 =	vld [tilespmem:$0x16A0]  }
0x51: {  	v4 =	vld [tilespmem:$0x1720]  }
0x52: {  	v5 =	vld [tilespmem:$0x17A0]  }
0x53: {  	v9 =	vld [tilespmem:$0x1820]  }
0x54: {  	v12 =	vld [tilespmem:$0x18A0]  }
0x55: {  	v14 =	vld [tilespmem:$0x1920]  }
0x56: {  	v17 =	vld [tilespmem:$0x19A0]  }
0x57: {  	v48 =	vld [tilespmem:$0x630]  }
0x58: {  	v49 =	vld [tilespmem:$0x6B0]  }
0x59: {  	v50 =	vld [tilespmem:$0x730]  }
0x5a: {  	v51 =	vld [tilespmem:$0x7B0]  }
0x5b: {  	v52 =	vld [tilespmem:$0x830]  }
0x5c: {  	v53 =	vld [tilespmem:$0x8B0]  }
0x5d: {  	v54 =	vld [tilespmem:$0x930]  }
0x5e: {  	v55 =	vld [tilespmem:$0x9B0]  }
0x5f: {  	v56 =	vld [tilespmem:$0x1630]  }
0x60: {  	v57 =	vld [tilespmem:$0x16B0]  }
0x61: {  	v34 =	vld [tilespmem:$0x1730]  }
0x62: {  	v42 =	vld [tilespmem:$0x17B0]  }
0x63: {  	v45 =	vld [tilespmem:$0x1830]  }
0x64: {  	v1 =	vld [tilespmem:$0x640]  }
0x65: {  	v2 =	vld [tilespmem:$0x740]  }
0x66: {  	v3 =	vld [tilespmem:$0x7C0]  }
0x67: {  	[tilespmem:$0x1FAE0] =	vst v59;
	v59 =	vld [tilespmem:$0x18B0]  }
0x68: {  	[tilespmem:$0x1FAF0] =	vst v60;
	v60 =	vld [tilespmem:$0x1930]  }
0x69: {  	[tilespmem:$0x1FB00] =	vst v61;
	v61 =	vld [tilespmem:$0x19B0]  }
0x6a: {  	[tilespmem:$0x1FAD0] =	vst v0;
	v0 =	vld [tilespmem:$0x6C0]  }
0x6b: {  	[tilespmem:$0x1FB20] =	vst v4;
	v4 =	vld [tilespmem:$0x840]  }
0x6c: {  	[tilespmem:$0x1FB30] =	vst v5;
	v5 =	vld [tilespmem:$0x8C0]  }
0x6d: {  	[tilespmem:$0x1FB50] =	vst v9;
	v9 =	vld [tilespmem:$0x940]  }
0x6e: {  	[tilespmem:$0x1FB70] =	vst v12;
	v12 =	vld [tilespmem:$0x9C0]  }
0x6f: {  	[tilespmem:$0x1FB90] =	vst v14;
	v14 =	vld [tilespmem:$0x1640]  }
0x70: {  	[tilespmem:$0x1FBB0] =	vst v17;
	v17 =	vld [tilespmem:$0x16C0]  }
0x71: {  	[tilespmem:$0x1FB40] =	vst v34;
	v34 =	vld [tilespmem:$0x1740]  }
0x72: {  	[tilespmem:$0x1FB60] =	vst v42;
	v42 =	vld [tilespmem:$0x17C0]  }
0x73: {  	[tilespmem:$0x1FB80] =	vst v45;
	v45 =	vld [tilespmem:$0x1840]  }
0x74: {  	[tilespmem:$0x1FB10] =	vst v63;
	v63 =	vld [tilespmem:$0x750];
	v6 =	vadd.s32 v7, v6  }
0x75: {  	v7 =	vld [tilespmem:$0x9D0];
	v6 =	vadd.s32 v8, v6  }
0x76: {  	v48 =	vadd.s32 v48, v49;
	v49 =	vld [tilespmem:$0x1FAF0];
	v6 =	vadd.s32 v10, v6  }
0x77: {  	v6 =	vadd.s32 v11, v6;
	v11 =	vld [tilespmem:$0x18D0]  }
0x78: {  	v6 =	vadd.s32 v13, v6;
	v13 =	vld [tilespmem:$0x17D0]  }
0x79: {  	[tilespmem:$0x1FC00] =	vst v63;
	v63 =	vld [tilespmem:$0x7D0]  }
0x7a: {  	[tilespmem:$0x1FBA0] =	vst v59;
	v59 =	vld [tilespmem:$0x18C0]  }
0x7b: {  	[tilespmem:$0x1FBC0] =	vst v60;
	v60 =	vld [tilespmem:$0x1940]  }
0x7c: {  	[tilespmem:$0x1FBD0] =	vst v61;
	v61 =	vld [tilespmem:$0x650]  }
0x7d: {  	v0 =	vadd.s32 v1, v0;
	v1 =	vld [tilespmem:$0x9E0]  }
0x7e: {  	[tilespmem:$0x1FC10] =	vst v63;
	v63 =	vld [tilespmem:$0x850]  }
0x7f: {  	v0 =	vadd.s32 v2, v0;
	v2 =	vld [tilespmem:$0x1660]  }
0x80: {  	v0 =	vadd.s32 v3, v0;
	v3 =	vld [tilespmem:$0x16E0]  }
0x81: {  	v0 =	vadd.s32 v4, v0;
	v4 =	vld [tilespmem:$0x1760]  }
0x82: {  	v0 =	vadd.s32 v5, v0;
	v5 =	vld [tilespmem:$0x17E0]  }
0x83: {  	[tilespmem:$0x1FC20] =	vst v63;
	v63 =	vld [tilespmem:$0x8D0]  }
0x84: {  	[tilespmem:$0x1FBE0] =	vst v60;
	v60 =	vld [tilespmem:$0x19C0]  }
0x85: {  	v0 =	vadd.s32 v9, v0;
	v9 =	vld [tilespmem:$0x1860]  }
0x86: {  	v0 =	vadd.s32 v12, v0;
	v12 =	vld [tilespmem:$0x18E0]  }
0x87: {  	v0 =	vadd.s32 v14, v0;
	v14 =	vld [tilespmem:$0x1960]  }
0x88: {  	[tilespmem:$0x1FC30] =	vst v63;
	v63 =	vld [tilespmem:$0x950]  }
0x89: {  	v0 =	vadd.s32 v17, v0;
	v17 =	vld [tilespmem:$0x19E0]  }
0x8a: {  	v0 =	vadd.s32 v34, v0;
	[tilespmem:$0x1FBF0] =	vst v60;
	v60 =	vld [tilespmem:$0x6D0]  }
0x8b: {  	v0 =	vadd.s32 v42, v0;
	v42 =	vld [tilespmem:$0x1FBB0]  }
0x8c: {  	v0 =	vadd.s32 v45, v0;
	v45 =	vld [tilespmem:$0x1FBD0]  }
0x8d: {  	[tilespmem:$0x1FC40] =	vst v63;
	v63 =	vadd.s32 v19, v20;
	v19 =	vld [tilespmem:$0x1650]  }
0x8e: {  	v20 =	vld [tilespmem:$0x16D0]  }
0x8f: {  	v8 =	vadd.s32 v21, v63;
	v21 =	vld [tilespmem:$0x1750]  }
0x90: {  	v63 =	vld [tilespmem:$0x6F0]  }
0x91: {  	v0 =	vadd.s32 v59, v0;
	v59 =	vld [tilespmem:$0x1FC40]  }
0x92: {  	v8 =	vadd.s32 v22, v8;
	v22 =	vld [tilespmem:$0x6E0]  }
0x93: {  	v8 =	vadd.s32 v23, v8;
	v23 =	vadd.s32 v15, v6;
	v6 =	vld [tilespmem:$0x1850]  }
0x94: {  	v10 =	vadd.s32 v16, v23;
	v23 =	vld [tilespmem:$0x760]  }
0x95: {  	v8 =	vadd.s32 v24, v8;
	v24 =	vld [tilespmem:$0x7E0]  }
0x96: {  	v8 =	vadd.s32 v25, v8;
	v25 =	vadd.s32 v18, v10;
	v10 =	vld [tilespmem:$0x1950]  }
0x97: {  	v18 =	vld [tilespmem:$0x660]  }
0x98: {  	v15 =	vadd.s32 v39, v25;
	v25 =	vld [tilespmem:$0x860]  }
0x99: {  	v8 =	vadd.s32 v26, v8;
	v15 =	vadd.s32 v41, v15;
	v41 =	vld [tilespmem:$0x1FAD0]  }
0x9a: {  	v39 =	vadd.s32 v27, v8;
	v27 =	vld [tilespmem:$0x8E0]  }
0x9b: {  	v15 =	vadd.s32 v44, v15;
	v44 =	vld [tilespmem:$0x1FAE0]  }
0x9c: {  	v16 =	vadd.s32 v28, v39;
	v28 =	vadd.s32 v50, v48;
	v50 =	vld [tilespmem:$0x1FB00]  }
0x9d: {  	v39 =	vld [tilespmem:$0x1FB90]  }
0x9e: {  	v48 =	vld [tilespmem:$0x870]  }
0x9f: {  	v16 =	vadd.s32 v29, v16;
	v29 =	vld [tilespmem:$0x960]  }
0xa0: {  	v28 =	vadd.s32 v51, v28;
	v51 =	vld [tilespmem:$0x1FB10]  }
0xa1: {  	v15 =	vadd.s32 v47, v15;
	v28 =	vadd.s32 v52, v28;
	v52 =	vld [tilespmem:$0x1FB20]  }
0xa2: {  	v47 =	vadd.s32 v35, v36;
	v15 =	vadd.s32 v58, v15;
	v58 =	vld [tilespmem:$0x1FB70]  }
0xa3: {  	v26 =	vadd.s32 v37, v47;
	v47 =	vadd.s32 v61, v60;
	v60 =	vld [tilespmem:$0x16F0]  }
0xa4: {  	v28 =	vadd.s32 v53, v28;
	v53 =	vld [tilespmem:$0x1FB30]  }
0xa5: {  	v28 =	vadd.s32 v54, v28;
	v54 =	vld [tilespmem:$0x1FB40]  }
0xa6: {  	v15 =	vadd.s32 v41, v15;
	v41 =	vld [tilespmem:$0x770]  }
0xa7: {  	v26 =	vadd.s32 v38, v26;
	v28 =	vadd.s32 v55, v28;
	v55 =	vld [tilespmem:$0x1FB50]  }
0xa8: {  	v16 =	vadd.s32 v30, v16;
	v26 =	vadd.s32 v43, v26;
	v15 =	vadd.s32 v44, v15;
	v44 =	vld [tilespmem:$0x7F0]  }
0xa9: {  	v16 =	vadd.s32 v31, v16;
	v26 =	vadd.s32 v46, v26;
	v46 =	vld [tilespmem:$0x1FBE0]  }
0xaa: {  	v16 =	vadd.s32 v32, v16;
	v28 =	vadd.s32 v56, v28;
	v56 =	vld [tilespmem:$0x1FB60]  }
0xab: {  	v16 =	vadd.s32 v33, v16;
	v26 =	vadd.s32 v62, v26;
	v62 =	vld [tilespmem:$0x1FB80]  }
0xac: {  	v18 =	vadd.s32 v18, v22;
	v16 =	vadd.s32 v40, v16;
	v40 =	vld [tilespmem:$0x1FBA0]  }
0xad: {  	v18 =	vadd.s32 v23, v18;
	v28 =	vadd.s32 v57, v28;
	v57 =	vld [tilespmem:$0x670]  }
0xae: {  	v18 =	vadd.s32 v24, v18;
	v26 =	vadd.s32 v49, v26;
	v49 =	vld [tilespmem:$0x1FBF0]  }
0xaf: {  	v18 =	vadd.s32 v25, v18;
	v26 =	vadd.s32 v50, v26;
	v50 =	vld [tilespmem:$0x1FC00]  }
0xb0: {  	v18 =	vadd.s32 v27, v18;
	v26 =	vadd.s32 v51, v26;
	v51 =	vld [tilespmem:$0x8F0]  }
0xb1: {  	v18 =	vadd.s32 v29, v18;
	v28 =	vadd.s32 v54, v28;
	v54 =	vld [tilespmem:$0x970];
	v26 =	vadd.s32 v52, v26  }
0xb2: {  	v1 =	vadd.s32 v1, v18;
	v52 =	vld [tilespmem:$0x1FC10];
	v26 =	vadd.s32 v53, v26  }
0xb3: {  	v1 =	vadd.s32 v2, v1;
	v0 =	vadd.s32 v46, v0;
	v26 =	vadd.s32 v55, v26;
	v55 =	vld [tilespmem:$0x1FC20]  }
0xb4: {  	v1 =	vadd.s32 v3, v1;
	v28 =	vadd.s32 v56, v28;
	v53 =	vadd.s32 v57, v63;
	v57 =	vld [tilespmem:$0x1FC30]  }
0xb5: {  	v56 =	vld [tilespmem:$0x9F0];
	v1 =	vadd.s32 v4, v1;
	v28 =	vadd.s32 v62, v28;
	v23 =	vadd.s32 v41, v53  }
0xb6: {  	v26 =	vadd.s32 v58, v26;
	v34 =	vadd.s32 v50, v47;
	v58 =	vld [tilespmem:$0x1670];
	v23 =	vadd.s32 v44, v23  }
0xb7: {  	v43 =	vld [tilespmem:$0x1FBC0];
	v0 =	vadd.s32 v49, v0;
	v34 =	vadd.s32 v52, v34;
	v23 =	vadd.s32 v48, v23  }
0xb8: {  	v61 =	vld [tilespmem:$0x1770];
	v1 =	vadd.s32 v5, v1;
	v22 =	vadd.s32 v51, v23;
	v31 =	vadd.s32 v55, v34  }
0xb9: {  	v63 =	vld [tilespmem:$0x17F0];
	v28 =	vadd.s32 v40, v28;
	v62 =	vadd.s32 v54, v22;
	v31 =	vadd.s32 v57, v31  }
0xba: {  	v24 =	vld [tilespmem:$0x1870];
	v1 =	vadd.s32 v9, v1;
	v22 =	vadd.s32 v56, v62;
	v31 =	vadd.s32 v59, v31  }
0xbb: {  	v25 =	vld [tilespmem:$0x18F0];
	v26 =	vadd.s32 v39, v26;
	v2 =	vadd.s32 v58, v22;
	v7 =	vadd.s32 v7, v31  }
0xbc: {  	v29 =	vld [tilespmem:$0x1970];
	v28 =	vadd.s32 v43, v28;
	v2 =	vadd.s32 v60, v2;
	v7 =	vadd.s32 v19, v7  }
0xbd: {  	v30 =	vld [tilespmem:$0x19F0];
	[tilespmem:$0x400] =	vst v15;
	v1 =	vadd.s32 v12, v1;
	v2 =	vadd.s32 v61, v2;
	v7 =	vadd.s32 v20, v7  }
0xbe: {  	v8 =	vld [tilespmem:$0x19D0];
	[tilespmem:$0x410] =	vst v16;
	v26 =	vadd.s32 v42, v26;
	v2 =	vadd.s32 v63, v2;
	v7 =	vadd.s32 v21, v7  }
0xbf: {  	[tilespmem:$0x440] =	vst v0;
	v28 =	vadd.s32 v45, v28;
	v2 =	vadd.s32 v24, v2;
	v7 =	vadd.s32 v13, v7  }
0xc0: {  	v1 =	vadd.s32 v14, v1;
	[tilespmem:$0x420] =	vst v26;
	v2 =	vadd.s32 v25, v2;
	v6 =	vadd.s32 v6, v7  }
0xc1: {  	[tilespmem:$0x430] =	vst v28;
	v32 =	vadd.s32 v17, v1;
	v33 =	vadd.s32 v29, v2;
	v6 =	vadd.s32 v11, v6  }
0xc2: {  	[tilespmem:$0x460] =	vst v32;
	v34 =	vadd.s32 v30, v33;
	v6 =	vadd.s32 v10, v6  }
0xc3: {  	[tilespmem:$0x470] =	vst v34;
	v31 =	vadd.s32 v8, v6  }
0xc4: {  	s21 =	rddreg [dreg:$0xc];
	[tilespmem:$0x450] =	vst v31  }
0xc5: {  	[tilespmem:s15], [sflag:$0x3] =	stream.indirect.gather [hbm4b:s5+s14], $0x80, s21, s14, $0xb8;
	[tilespmem:$0x16800] =	vst v63  }
0xc6: {  	v35 =	vld [tilespmem:$0x400]  }
0xc7: {  	v36 =	vld [tilespmem:$0x410]  }
0xc8: {  	v37 =	vld [tilespmem:$0x420]  }
0xc9: {  	v38 =	vld [tilespmem:$0x430]  }
0xca: {  	v39 =	vld [tilespmem:$0x440]  }
0xcb: {  	v40 =	vld [tilespmem:$0x450]  }
0xcc: {  	v41 =	vld [tilespmem:$0x460]  }
0xcd: {  	v42 =	vld [tilespmem:$0x470]  }
0xce: {  	v43 =	vld [tilespmem:$0xA00]  }
0xcf: {  	v44 =	vld [tilespmem:$0xA80]  }
0xd0: {  	v45 =	vld [tilespmem:$0xB00]  }
0xd1: {  	v46 =	vld [tilespmem:$0xB80]  }
0xd2: {  	v47 =	vld [tilespmem:$0xC00]  }
0xd3: {  	v48 =	vld [tilespmem:$0xC80]  }
0xd4: {  	v49 =	vld [tilespmem:$0xD00]  }
0xd5: {  	v50 =	vld [tilespmem:$0xD80]  }
0xd6: {  	v51 =	vld [tilespmem:$0x1A00]  }
0xd7: {  	v52 =	vld [tilespmem:$0x1A80]  }
0xd8: {  	v53 =	vld [tilespmem:$0x1B00]  }
0xd9: {  	v54 =	vld [tilespmem:$0x1B80]  }
0xda: {  	v55 =	vld [tilespmem:$0x1C00]  }
0xdb: {  	v56 =	vld [tilespmem:$0x1C80]  }
0xdc: {  	v57 =	vld [tilespmem:$0x1D00]  }
0xdd: {  	v58 =	vld [tilespmem:$0x1D80]  }
0xde: {  	v2 =	vld [tilespmem:$0xB10]  }
0xdf: {  	v3 =	vld [tilespmem:$0xB90]  }
0xe0: {  	v4 =	vld [tilespmem:$0xC10]  }
0xe1: {  	v5 =	vld [tilespmem:$0xC90]  }
0xe2: {  	v6 =	vld [tilespmem:$0xD10]  }
0xe3: {  	v7 =	vld [tilespmem:$0xD90]  }
0xe4: {  	v8 =	vld [tilespmem:$0x1A10]  }
0xe5: {  	v9 =	vld [tilespmem:$0x1A90]  }
0xe6: {  	v10 =	vld [tilespmem:$0x1B10]  }
0xe7: {  	v11 =	vld [tilespmem:$0x1B90]  }
0xe8: {  	v12 =	vld [tilespmem:$0x1C10]  }
0xe9: {  	v13 =	vld [tilespmem:$0x1C90]  }
0xea: {  	v14 =	vld [tilespmem:$0x1D10]  }
0xeb: {  	v15 =	vld [tilespmem:$0x1D90]  }
0xec: {  	v16 =	vld [tilespmem:$0xA20]  }
0xed: {  	v17 =	vld [tilespmem:$0xAA0]  }
0xee: {  	v18 =	vld [tilespmem:$0xB20]  }
0xef: {  	v19 =	vld [tilespmem:$0xBA0]  }
0xf0: {  	v20 =	vld [tilespmem:$0xC20]  }
0xf1: {  	v21 =	vld [tilespmem:$0xCA0]  }
0xf2: {  	v24 =	vld [tilespmem:$0xD20]  }
0xf3: {  	v26 =	vld [tilespmem:$0xDA0]  }
0xf4: {  	v28 =	vld [tilespmem:$0x1A20]  }
0xf5: {  	v30 =	vld [tilespmem:$0x1AA0]  }
0xf6: {  	v60 =	vld [tilespmem:$0x1B20]  }
0xf7: {  	v61 =	vld [tilespmem:$0x1BA0]  }
0xf8: {  	v62 =	vld [tilespmem:$0x1C20]  }
0xf9: {  	v63 =	vld [tilespmem:$0x1CA0]  }
0xfa: {  	v25 =	vld [tilespmem:$0x1D20]  }
0xfb: {  	v27 =	vld [tilespmem:$0x1DA0]  }
0xfc: {  	v32 =	vld [tilespmem:$0xA30]  }
0xfd: {  	v0 =	vld.idx.msk [tilespmem:v35+s12+$0x0], $0xffff  }
0xfe: {  	v33 =	vld [tilespmem:$0xAB0]  }
0xff: {  	v34 =	vld [tilespmem:$0xB30]  }
0x100: {  	v29 =	vld [tilespmem:$0x1D30]  }
0x101: {  	v31 =	vld [tilespmem:$0x1DB0]  }
0x102: {  	v23 =	vld [tilespmem:$0xA50];
	[tilespmem:$0x16600] =	vst v0  }
0x103: {  	v0 =	vld.idx.msk [tilespmem:v36+s12+$0x0], $0xffff  }
0x104: {  	v22 =	vld [tilespmem:$0xAD0]  }
0x105: {  	v1 =	vadd.s32 v43, v44;
	v43 =	vld [tilespmem:$0x1BB0]  }
0x106: {  	[tilespmem:$0x1FC50] =	vst v60;
	v44 =	vld [tilespmem:$0x1C30]  }
0x107: {  	[tilespmem:$0x1FC60] =	vst v61;
	v60 =	vld [tilespmem:$0x1C40]  }
0x108: {  	v61 =	vld [tilespmem:$0x1CC0];
	[tilespmem:$0x16610] =	vst v0  }
0x109: {  	[tilespmem:$0x1FC70] =	vst v62;
	v0 =	vld.idx.msk [tilespmem:v37+s12+$0x0], $0xffff  }
0x10a: {  	[tilespmem:$0x1FC80] =	vst v63;
	v62 =	vld [tilespmem:$0x1D40]  }
0x10b: {  	[tilespmem:$0x1FC90] =	vst v25;
	v63 =	vld [tilespmem:$0x1DC0]  }
0x10c: {  	[tilespmem:$0x1FCA0] =	vst v27;
	v25 =	vld [tilespmem:$0xB50]  }
0x10d: {  	[tilespmem:$0x1FCB0] =	vst v29;
	v27 =	vld [tilespmem:$0xBD0]  }
0x10e: {  	v29 =	vld [tilespmem:$0xC50];
	[tilespmem:$0x16620] =	vst v0  }
0x10f: {  	v0 =	vld.idx.msk [tilespmem:v38+s12+$0x0], $0xffff  }
0x110: {  	[tilespmem:$0x1FCC0] =	vst v31;
	v31 =	vld [tilespmem:$0xCD0]  }
0x111: {  	v33 =	vadd.s32 v32, v33;
	v32 =	vld [tilespmem:$0x1D60]  }
0x112: {  	v1 =	vadd.s32 v45, v1;
	v45 =	vld [tilespmem:$0x1CB0]  }
0x113: {  	v1 =	vadd.s32 v46, v1;
	v46 =	vld [tilespmem:$0xDD0]  }
0x114: {  	v35 =	vld [tilespmem:$0xBB0];
	[tilespmem:$0x16630] =	vst v0  }
0x115: {  	v0 =	vld.idx.msk [tilespmem:v39+s12+$0x0], $0xffff  }
0x116: {  	v1 =	vadd.s32 v47, v1;
	v47 =	vld [tilespmem:$0xD50]  }
0x117: {  	v1 =	vadd.s32 v48, v1;
	v48 =	vld [tilespmem:$0xA40]  }
0x118: {  	v1 =	vadd.s32 v49, v1;
	v49 =	vld [tilespmem:$0xAC0]  }
0x119: {  	v1 =	vadd.s32 v50, v1;
	v50 =	vld [tilespmem:$0xB40]  }
0x11a: {  	v1 =	vadd.s32 v51, v1;
	v51 =	vld [tilespmem:$0xBC0];
	[tilespmem:$0x16640] =	vst v0  }
0x11b: {  	v0 =	vld.idx.msk [tilespmem:v40+s12+$0x0], $0xffff  }
0x11c: {  	[tilespmem:$0x1FCD0] =	vst v46;
	v46 =	vadd.s32 v16, v17;
	v16 =	vld [tilespmem:$0xCE0]  }
0x11d: {  	v17 =	vld [tilespmem:$0xD60]  }
0x11e: {  	v1 =	vadd.s32 v52, v1;
	v52 =	vld [tilespmem:$0xC40]  }
0x11f: {  	v36 =	vld [tilespmem:$0xC30]  }
0x120: {  	v1 =	vadd.s32 v53, v1;
	v53 =	vld [tilespmem:$0xCC0];
	[tilespmem:$0x16650] =	vst v0  }
0x121: {  	v0 =	vld.idx.msk [tilespmem:v41+s12+$0x0], $0xffff  }
0x122: {  	v1 =	vadd.s32 v54, v1;
	v54 =	vld [tilespmem:$0xD40]  }
0x123: {  	v1 =	vadd.s32 v55, v1;
	v55 =	vld [tilespmem:$0xDC0]  }
0x124: {  	v1 =	vadd.s32 v56, v1;
	v56 =	vld [tilespmem:$0x1A40]  }
0x125: {  	v1 =	vadd.s32 v57, v1;
	v57 =	vld [tilespmem:$0x1AC0]  }
0x126: {  	v59 =	vadd.s32 v58, v1;
	v1 =	vld [tilespmem:$0xA10];
	[tilespmem:$0x16660] =	vst v0  }
0x127: {  	v0 =	vld.idx.msk [tilespmem:v42+s12+$0x0], $0xffff  }
0x128: {  	v58 =	vld [tilespmem:$0x1B40]  }
0x129: {  	v37 =	vld [tilespmem:$0xCB0]  }
0x12a: {  	v38 =	vld [tilespmem:$0xD30]  }
0x12b: {  	v39 =	vld [tilespmem:$0xDB0]  }
0x12c: {  	[tilespmem:$0x16670] =	vst v0;
	v0 =	vld [tilespmem:$0xA90]  }
0x12d: {  	v40 =	vld [tilespmem:$0x1A30]  }
0x12e: {  	v41 =	vld [tilespmem:$0x1AB0]  }
0x12f: {  	v42 =	vld [tilespmem:$0x1B30]  }
0x130: {  	[tilespmem:$0x480] =	vst v59;
	v59 =	vld [tilespmem:$0x1BC0]  }
0x131: {  	v0 =	vadd.s32 v1, v0;
	v1 =	vld [tilespmem:$0x1A50]  }
0x132: {  	v0 =	vadd.s32 v2, v0;
	v2 =	vld [tilespmem:$0x1AD0]  }
0x133: {  	v0 =	vadd.s32 v3, v0;
	v3 =	vld [tilespmem:$0x1B50]  }
0x134: {  	v0 =	vadd.s32 v4, v0;
	v4 =	vld [tilespmem:$0x1BD0]  }
0x135: {  	v0 =	vadd.s32 v5, v0;
	v5 =	vld [tilespmem:$0x1C50]  }
0x136: {  	v0 =	vadd.s32 v6, v0;
	v6 =	vld [tilespmem:$0x1CD0]  }
0x137: {  	v0 =	vadd.s32 v7, v0;
	v7 =	vld [tilespmem:$0x1D50]  }
0x138: {  	v0 =	vadd.s32 v8, v0;
	v8 =	vld [tilespmem:$0x1DD0]  }
0x139: {  	v0 =	vadd.s32 v9, v0;
	v9 =	vld [tilespmem:$0xA60]  }
0x13a: {  	v0 =	vadd.s32 v10, v0;
	v10 =	vld [tilespmem:$0xAE0]  }
0x13b: {  	v0 =	vadd.s32 v11, v0;
	v11 =	vld [tilespmem:$0xB60]  }
0x13c: {  	v0 =	vadd.s32 v12, v0;
	v12 =	vld [tilespmem:$0xBE0]  }
0x13d: {  	v0 =	vadd.s32 v13, v0;
	v13 =	vld [tilespmem:$0xC60]  }
0x13e: {  	v0 =	vadd.s32 v14, v0;
	v14 =	vadd.s32 v18, v46;
	v46 =	vld [tilespmem:$0x1FC50]  }
0x13f: {  	v14 =	vadd.s32 v19, v14;
	v19 =	vld [tilespmem:$0xDE0]  }
0x140: {  	v0 =	vadd.s32 v15, v0;
	v15 =	vadd.s32 v34, v33;
	v34 =	vadd.s32 v48, v49;
	v48 =	vld [tilespmem:$0x1FC60]  }
0x141: {  	v49 =	vld [tilespmem:$0x1DE0]  }
0x142: {  	v14 =	vadd.s32 v20, v14;
	v20 =	vld [tilespmem:$0x1A60]  }
0x143: {  	v18 =	vadd.s32 v50, v34;
	v50 =	vld [tilespmem:$0x1FC70]  }
0x144: {  	v14 =	vadd.s32 v21, v14;
	v21 =	vld [tilespmem:$0x1AE0]  }
0x145: {  	v18 =	vadd.s32 v51, v18;
	v51 =	vld [tilespmem:$0xA70]  }
0x146: {  	v14 =	vadd.s32 v24, v14;
	v24 =	vld [tilespmem:$0x1B60]  }
0x147: {  	v18 =	vadd.s32 v52, v18;
	v52 =	vld [tilespmem:$0x1FC80]  }
0x148: {  	v14 =	vadd.s32 v26, v14;
	v26 =	vld [tilespmem:$0x1BE0]  }
0x149: {  	v18 =	vadd.s32 v53, v18;
	v53 =	vld [tilespmem:$0xAF0]  }
0x14a: {  	v14 =	vadd.s32 v28, v14;
	v28 =	vld [tilespmem:$0x1C60]  }
0x14b: {  	v22 =	vadd.s32 v23, v22;
	v18 =	vadd.s32 v54, v18;
	v54 =	vld [tilespmem:$0x1FC90]  }
0x14c: {  	v22 =	vadd.s32 v25, v22;
	v14 =	vadd.s32 v30, v14;
	v18 =	vadd.s32 v55, v18;
	v30 =	vld [tilespmem:$0x1CE0]  }
0x14d: {  	v22 =	vadd.s32 v27, v22;
	v55 =	vld [tilespmem:$0xB70];
	v18 =	vadd.s32 v56, v18  }
0x14e: {  	v22 =	vadd.s32 v29, v22;
	v56 =	vld [tilespmem:$0x1FCA0];
	v18 =	vadd.s32 v57, v18  }
0x14f: {  	v22 =	vadd.s32 v31, v22;
	v9 =	vadd.s32 v9, v10;
	v57 =	vld [tilespmem:$0x1FCB0];
	v18 =	vadd.s32 v58, v18  }
0x150: {  	v15 =	vadd.s32 v35, v15;
	v9 =	vadd.s32 v11, v9;
	v58 =	vld [tilespmem:$0xBF0];
	v18 =	vadd.s32 v59, v18  }
0x151: {  	v15 =	vadd.s32 v36, v15;
	v9 =	vadd.s32 v12, v9;
	v59 =	vld [tilespmem:$0x1FCC0];
	v18 =	vadd.s32 v60, v18  }
0x152: {  	v15 =	vadd.s32 v37, v15;
	v9 =	vadd.s32 v13, v9;
	v60 =	vld [tilespmem:$0xC70];
	v18 =	vadd.s32 v61, v18  }
0x153: {  	v15 =	vadd.s32 v38, v15;
	v9 =	vadd.s32 v16, v9;
	v61 =	vld [tilespmem:$0xCF0];
	v18 =	vadd.s32 v62, v18  }
0x154: {  	v15 =	vadd.s32 v39, v15;
	v9 =	vadd.s32 v17, v9;
	v18 =	vadd.s32 v63, v18;
	v63 =	vld [tilespmem:$0xD70]  }
0x155: {  	v22 =	vadd.s32 v47, v22;
	v15 =	vadd.s32 v40, v15;
	v9 =	vadd.s32 v19, v9;
	v27 =	vld [tilespmem:$0xDF0]  }
0x156: {  	v14 =	vadd.s32 v46, v14;
	v15 =	vadd.s32 v41, v15;
	v37 =	vadd.s32 v20, v9;
	v34 =	vld [tilespmem:$0x1FCD0]  }
0x157: {  	v14 =	vadd.s32 v48, v14;
	v15 =	vadd.s32 v42, v15;
	v62 =	vadd.s32 v51, v53  }
0x158: {  	v14 =	vadd.s32 v50, v14;
	v15 =	vadd.s32 v43, v15;
	v11 =	vadd.s32 v55, v62  }
0x159: {  	v14 =	vadd.s32 v52, v14;
	v15 =	vadd.s32 v44, v15;
	v29 =	vld [tilespmem:$0x1A70];
	v11 =	vadd.s32 v58, v11  }
0x15a: {  	v14 =	vadd.s32 v54, v14;
	v15 =	vadd.s32 v45, v15;
	v31 =	vld [tilespmem:$0x1AF0];
	v11 =	vadd.s32 v60, v11  }
0x15b: {  	v14 =	vadd.s32 v56, v14;
	v35 =	vld [tilespmem:$0x1B70];
	v10 =	vadd.s32 v61, v11;
	v22 =	vadd.s32 v34, v22  }
0x15c: {  	v15 =	vadd.s32 v57, v15;
	v36 =	vld [tilespmem:$0x1BF0];
	v10 =	vadd.s32 v63, v10;
	v1 =	vadd.s32 v1, v22  }
0x15d: {  	v39 =	vld [tilespmem:$0x1C70];
	v15 =	vadd.s32 v59, v15;
	v38 =	vadd.s32 v27, v10;
	v1 =	vadd.s32 v2, v1  }
0x15e: {  	v41 =	vld [tilespmem:$0x1CF0];
	v2 =	vadd.s32 v21, v37;
	v40 =	vadd.s32 v29, v38;
	v1 =	vadd.s32 v3, v1  }
0x15f: {  	v42 =	vld [tilespmem:$0x1D70];
	v2 =	vadd.s32 v24, v2;
	v3 =	vadd.s32 v31, v40;
	v1 =	vadd.s32 v4, v1  }
0x160: {  	[tilespmem:$0x490] =	vst v0;
	v46 =	vld [tilespmem:$0x1DF0];
	v44 =	vadd.s32 v26, v2;
	v45 =	vadd.s32 v35, v3;
	v43 =	vadd.s32 v5, v1  }
0x161: {  	[tilespmem:$0x4A0] =	vst v14;
	v1 =	vadd.s32 v28, v44;
	v2 =	vadd.s32 v36, v45;
	v0 =	vadd.s32 v6, v43  }
0x162: {  	[tilespmem:$0x4C0] =	vst v18;
	v1 =	vadd.s32 v30, v1;
	v2 =	vadd.s32 v39, v2;
	v0 =	vadd.s32 v7, v0  }
0x163: {  	[tilespmem:$0x4B0] =	vst v15;
	v1 =	vadd.s32 v32, v1;
	v2 =	vadd.s32 v41, v2;
	v0 =	vadd.s32 v8, v0  }
0x164: {  	v47 =	vadd.s32 v49, v1;
	v48 =	vadd.s32 v42, v2;
	[tilespmem:$0x4D0] =	vst v0  }
0x165: {  	[tilespmem:$0x4E0] =	vst v47;
	v49 =	vadd.s32 v46, v48  }
0x166: {  	s23 =	rddreg [dreg:$0xd];
	[tilespmem:$0x4F0] =	vst v49  }
0x167: {  	[tilespmem:s16], [sflag:$0x4] =	stream.indirect.gather [hbm4b:s5+s14], $0x80, s23, s14, $0xb8;
	[tilespmem:$0x16800] =	vst v63  }
0x168: {  	v50 =	vld [tilespmem:$0x480]  }
0x169: {  	v51 =	vld [tilespmem:$0x490]  }
0x16a: {  	v52 =	vld [tilespmem:$0x4A0]  }
0x16b: {  	v53 =	vld [tilespmem:$0x4B0]  }
0x16c: {  	v54 =	vld [tilespmem:$0x4C0]  }
0x16d: {  	v55 =	vld [tilespmem:$0x4D0]  }
0x16e: {  	v56 =	vld [tilespmem:$0x4E0]  }
0x16f: {  	v57 =	vld [tilespmem:$0x4F0]  }
0x170: {  	v8 =	vld [tilespmem:$0xE00]  }
0x171: {  	v6 =	vld [tilespmem:$0xE80]  }
0x172: {  	v7 =	vld [tilespmem:$0xF00]  }
0x173: {  	v10 =	vld [tilespmem:$0xF80]  }
0x174: {  	v11 =	vld [tilespmem:$0x1000]  }
0x175: {  	v13 =	vld [tilespmem:$0x1080]  }
0x176: {  	v15 =	vld [tilespmem:$0x1100]  }
0x177: {  	v16 =	vld [tilespmem:$0x1180]  }
0x178: {  	v18 =	vld [tilespmem:$0x1E00]  }
0x179: {  	v40 =	vld [tilespmem:$0x1E80]  }
0x17a: {  	v41 =	vld [tilespmem:$0x1F00]  }
0x17b: {  	v44 =	vld [tilespmem:$0x1F80]  }
0x17c: {  	v46 =	vld [tilespmem:$0x2000]  }
0x17d: {  	v48 =	vld [tilespmem:$0x2080]  }
0x17e: {  	v58 =	vld [tilespmem:$0x2100]  }
0x17f: {  	v59 =	vld [tilespmem:$0x2180]  }
0x180: {  	v20 =	vld [tilespmem:$0xE10]  }
0x181: {  	v21 =	vld [tilespmem:$0xE90]  }
0x182: {  	v22 =	vld [tilespmem:$0xF10]  }
0x183: {  	v23 =	vld [tilespmem:$0xF90]  }
0x184: {  	v24 =	vld [tilespmem:$0x1010]  }
0x185: {  	v25 =	vld [tilespmem:$0x1090]  }
0x186: {  	v26 =	vld [tilespmem:$0x1110]  }
0x187: {  	v27 =	vld [tilespmem:$0x1190]  }
0x188: {  	v28 =	vld [tilespmem:$0x1E10]  }
0x189: {  	v29 =	vld [tilespmem:$0x1E90]  }
0x18a: {  	v30 =	vld [tilespmem:$0x1F10]  }
0x18b: {  	v31 =	vld [tilespmem:$0x1F90]  }
0x18c: {  	v32 =	vld [tilespmem:$0x2010]  }
0x18d: {  	v33 =	vld [tilespmem:$0x2090]  }
0x18e: {  	v34 =	vld [tilespmem:$0x2110]  }
0x18f: {  	v35 =	vld [tilespmem:$0x2190]  }
0x190: {  	v36 =	vld [tilespmem:$0xE20]  }
0x191: {  	v37 =	vld [tilespmem:$0xEA0]  }
0x192: {  	v38 =	vld [tilespmem:$0xF20]  }
0x193: {  	v39 =	vld [tilespmem:$0xFA0]  }
0x194: {  	v43 =	vld [tilespmem:$0x1020]  }
0x195: {  	v47 =	vld [tilespmem:$0x10A0]  }
0x196: {  	v62 =	vld [tilespmem:$0x1120]  }
0x197: {  	v60 =	vld [tilespmem:$0x11A0]  }
0x198: {  	v61 =	vld [tilespmem:$0x1E20]  }
0x199: {  	v63 =	vld [tilespmem:$0x1EA0]  }
0x19a: {  	v4 =	vld [tilespmem:$0x1F20]  }
0x19b: {  	v5 =	vld [tilespmem:$0x1FA0]  }
0x19c: {  	v9 =	vld [tilespmem:$0x2020]  }
0x19d: {  	v12 =	vld [tilespmem:$0x20A0]  }
0x19e: {  	v14 =	vld [tilespmem:$0x2120]  }
0x19f: {  	v17 =	vld [tilespmem:$0x21A0]  }
0x1a0: {  	v49 =	vld [tilespmem:$0xE30]  }
0x1a1: {  	v19 =	vld [tilespmem:$0x1F30]  }
0x1a2: {  	v42 =	vld [tilespmem:$0x1FB0]  }
0x1a3: {  	v45 =	vld [tilespmem:$0x2030]  }
0x1a4: {  	v1 =	vld [tilespmem:$0xE40]  }
0x1a5: {  	v2 =	vld [tilespmem:$0xF40]  }
0x1a6: {  	v3 =	vld [tilespmem:$0xFC0]  }
0x1a7: {  	[tilespmem:$0x1FCE0] =	vst v58;
	v58 =	vld [tilespmem:$0x1EB0]  }
0x1a8: {  	[tilespmem:$0x1FCF0] =	vst v59;
	v59 =	vld [tilespmem:$0x20B0]  }
0x1a9: {  	[tilespmem:$0x1FD00] =	vst v60;
	v60 =	vld [tilespmem:$0x2130]  }
0x1aa: {  	[tilespmem:$0x1FD10] =	vst v61;
	v61 =	vld [tilespmem:$0x21B0]  }
0x1ab: {  	[tilespmem:$0x1FD30] =	vst v4;
	v4 =	vld [tilespmem:$0x1040]  }
0x1ac: {  	[tilespmem:$0x1FD40] =	vst v5;
	v5 =	vld [tilespmem:$0x10C0]  }
0x1ad: {  	[tilespmem:$0x1FD60] =	vst v9;
	v9 =	vld [tilespmem:$0x1140]  }
0x1ae: {  	[tilespmem:$0x1FD80] =	vst v12;
	v12 =	vld [tilespmem:$0x11C0]  }
0x1af: {  	[tilespmem:$0x1FDA0] =	vst v14;
	v14 =	vld [tilespmem:$0x1E40]  }
0x1b0: {  	[tilespmem:$0x1FDC0] =	vst v17;
	v17 =	vld [tilespmem:$0x1EC0]  }
0x1b1: {  	[tilespmem:$0x1FD20] =	vst v63;
	v63 =	vld [tilespmem:$0xF50]  }
0x1b2: {  	[tilespmem:$0x1FD50] =	vst v19;
	v19 =	vld [tilespmem:$0x1F40]  }
0x1b3: {  	[tilespmem:$0x1FD70] =	vst v42;
	v42 =	vld [tilespmem:$0x1FC0]  }
0x1b4: {  	[tilespmem:$0x1FD90] =	vst v45;
	v45 =	vld [tilespmem:$0x2040]  }
0x1b5: {  	v0 =	vld.idx.msk [tilespmem:v50+s12+$0x0], $0xffff  }
0x1b6: {  	v6 =	vadd.s32 v8, v6;
	[tilespmem:$0x1FE10] =	vst v63;
	v63 =	vld [tilespmem:$0xFD0]  }
0x1b7: {  	v8 =	vld [tilespmem:$0x11D0];
	v6 =	vadd.s32 v7, v6  }
0x1b8: {  	v6 =	vadd.s32 v10, v6;
	v10 =	vld [tilespmem:$0x20D0]  }
0x1b9: {  	v50 =	vld [tilespmem:$0xEB0];
	[tilespmem:$0x1FDD0] =	vst v60  }
0x1ba: {  	v60 =	vld [tilespmem:$0x2140];
	[tilespmem:$0x16680] =	vst v0  }
0x1bb: {  	[tilespmem:$0x1FE20] =	vst v63;
	v63 =	vld [tilespmem:$0x1050]  }
0x1bc: {  	v6 =	vadd.s32 v11, v6;
	v0 =	vld.idx.msk [tilespmem:v51+s12+$0x0], $0xffff  }
0x1bd: {  	v6 =	vadd.s32 v13, v6;
	v13 =	vld [tilespmem:$0x1FD0];
	[tilespmem:$0x1FDB0] =	vst v59  }
0x1be: {  	[tilespmem:$0x1FDE0] =	vst v61;
	v59 =	vld [tilespmem:$0x20C0]  }
0x1bf: {  	v61 =	vld [tilespmem:$0xE50];
	[tilespmem:$0x1FDF0] =	vst v60  }
0x1c0: {  	[tilespmem:$0x1FE30] =	vst v63;
	v63 =	vld [tilespmem:$0x10D0]  }
0x1c1: {  	v60 =	vld [tilespmem:$0x21C0];
	[tilespmem:$0x16690] =	vst v0  }
0x1c2: {  	v0 =	vld.idx.msk [tilespmem:v52+s12+$0x0], $0xffff  }
0x1c3: {  	v50 =	vadd.s32 v49, v50;
	v49 =	vld [tilespmem:$0xFF0]  }
0x1c4: {  	v51 =	vld [tilespmem:$0xF30]  }
0x1c5: {  	[tilespmem:$0x1FE40] =	vst v63;
	v63 =	vld [tilespmem:$0x1150]  }
0x1c6: {  	v52 =	vld [tilespmem:$0xFB0];
	[tilespmem:$0x1FE00] =	vst v60  }
0x1c7: {  	v60 =	vld [tilespmem:$0xED0];
	[tilespmem:$0x166A0] =	vst v0  }
0x1c8: {  	v0 =	vld.idx.msk [tilespmem:v53+s12+$0x0], $0xffff  }
0x1c9: {  	v53 =	vld [tilespmem:$0x1030]  }
0x1ca: {  	[tilespmem:$0x1FE50] =	vst v63;
	v63 =	vadd.s32 v20, v21;
	v20 =	vld [tilespmem:$0x1E50]  }
0x1cb: {  	v21 =	vld [tilespmem:$0x1ED0]  }
0x1cc: {  	v7 =	vadd.s32 v22, v63;
	v22 =	vld [tilespmem:$0x1F50]  }
0x1cd: {  	[tilespmem:$0x166B0] =	vst v0;
	v63 =	vld [tilespmem:$0xE70]  }
0x1ce: {  	v0 =	vld.idx.msk [tilespmem:v54+s12+$0x0], $0xffff  }
0x1cf: {  	v54 =	vld [tilespmem:$0x10B0]  }
0x1d0: {  	v7 =	vadd.s32 v23, v7;
	v23 =	vld [tilespmem:$0xEE0]  }
0x1d1: {  	v7 =	vadd.s32 v24, v7;
	v24 =	vadd.s32 v15, v6;
	v6 =	vld [tilespmem:$0x2050]  }
0x1d2: {  	v7 =	vadd.s32 v25, v7;
	v25 =	vadd.s32 v16, v24;
	v24 =	vld [tilespmem:$0xF60]  }
0x1d3: {  	v11 =	vadd.s32 v18, v25;
	v18 =	vld [tilespmem:$0xE60]  }
0x1d4: {  	v25 =	vld [tilespmem:$0xFE0]  }
0x1d5: {  	v7 =	vadd.s32 v26, v7;
	v26 =	vld [tilespmem:$0x1060]  }
0x1d6: {  	v27 =	vadd.s32 v27, v7;
	v7 =	vld [tilespmem:$0x2150]  }
0x1d7: {  	v40 =	vadd.s32 v40, v11;
	v11 =	vld [tilespmem:$0x21D0]  }
0x1d8: {  	v15 =	vadd.s32 v28, v27;
	v28 =	vld [tilespmem:$0x10E0]  }
0x1d9: {  	v16 =	vadd.s32 v41, v40;
	v40 =	vld [tilespmem:$0x1FD80]  }
0x1da: {  	[tilespmem:$0x166C0] =	vst v0;
	v41 =	vld [tilespmem:$0x1FD90]  }
0x1db: {  	v0 =	vld.idx.msk [tilespmem:v55+s12+$0x0], $0xffff  }
0x1dc: {  	v55 =	vld [tilespmem:$0x1130]  }
0x1dd: {  	v16 =	vadd.s32 v44, v16;
	v44 =	vld [tilespmem:$0x1FCE0]  }
0x1de: {  	v15 =	vadd.s32 v29, v15;
	v29 =	vadd.s32 v51, v50;
	v50 =	vld [tilespmem:$0x1FDE0]  }
0x1df: {  	v51 =	vld [tilespmem:$0x1FDF0]  }
0x1e0: {  	v16 =	vadd.s32 v46, v16;
	v46 =	vld [tilespmem:$0x1FCF0]  }
0x1e1: {  	v15 =	vadd.s32 v30, v15;
	v30 =	vld [tilespmem:$0x1160]  }
0x1e2: {  	v29 =	vadd.s32 v52, v29;
	v52 =	vld [tilespmem:$0x1FD00]  }
0x1e3: {  	v29 =	vadd.s32 v53, v29;
	v53 =	vld [tilespmem:$0x1FD10]  }
0x1e4: {  	v16 =	vadd.s32 v48, v16;
	v48 =	vadd.s32 v36, v37;
	v36 =	vld [tilespmem:$0x1EF0]  }
0x1e5: {  	v37 =	vld [tilespmem:$0x1F70]  }
0x1e6: {  	v29 =	vadd.s32 v54, v29;
	v54 =	vld [tilespmem:$0x1FD20];
	[tilespmem:$0x166D0] =	vst v0  }
0x1e7: {  	v0 =	vld.idx.msk [tilespmem:v56+s12+$0x0], $0xffff  }
0x1e8: {  	v27 =	vadd.s32 v38, v48;
	v48 =	vld [tilespmem:$0x1FDD0]  }
0x1e9: {  	v27 =	vadd.s32 v39, v27;
	v39 =	vld [tilespmem:$0x1FF0]  }
0x1ea: {  	v29 =	vadd.s32 v55, v29;
	v55 =	vld [tilespmem:$0x1FD30]  }
0x1eb: {  	v27 =	vadd.s32 v43, v27;
	v43 =	vld [tilespmem:$0x1FDA0]  }
0x1ec: {  	v16 =	vadd.s32 v44, v16;
	v44 =	vld [tilespmem:$0x1FDB0];
	[tilespmem:$0x166E0] =	vst v0  }
0x1ed: {  	v0 =	vld.idx.msk [tilespmem:v57+s12+$0x0], $0xffff  }
0x1ee: {  	v56 =	vld [tilespmem:$0x11B0]  }
0x1ef: {  	v16 =	vadd.s32 v46, v16;
	v46 =	vld [tilespmem:$0xF70]  }
0x1f0: {  	v27 =	vadd.s32 v47, v27;
	v47 =	vld [tilespmem:$0x1FDC0]  }
0x1f1: {  	v27 =	vadd.s32 v62, v27;
	v62 =	vld [tilespmem:$0x1FD70]  }
0x1f2: {  	[tilespmem:$0x1FE60] =	vst v0;
	v0 =	vld [tilespmem:$0xEC0]  }
0x1f3: {  	v27 =	vadd.s32 v52, v27;
	v52 =	vadd.s32 v61, v60;
	v60 =	vld [tilespmem:$0x11F0]  }
0x1f4: {  	v57 =	vld [tilespmem:$0x1E30]  }
0x1f5: {  	v61 =	vld [tilespmem:$0x1FE40]  }
0x1f6: {  	v27 =	vadd.s32 v53, v27;
	v53 =	vld [tilespmem:$0x1070]  }
0x1f7: {  	v29 =	vadd.s32 v56, v29;
	v56 =	vld [tilespmem:$0x1FD40];
	v0 =	vadd.s32 v1, v0  }
0x1f8: {  	v27 =	vadd.s32 v54, v27;
	v54 =	vld [tilespmem:$0x1FE00];
	v0 =	vadd.s32 v2, v0  }
0x1f9: {  	v29 =	vadd.s32 v57, v29;
	v57 =	vld [tilespmem:$0x1FD50];
	v0 =	vadd.s32 v3, v0  }
0x1fa: {  	v27 =	vadd.s32 v55, v27;
	v55 =	vld [tilespmem:$0x1FE10];
	v0 =	vadd.s32 v4, v0  }
0x1fb: {  	v29 =	vadd.s32 v58, v29;
	v58 =	vld [tilespmem:$0x1FD60];
	v0 =	vadd.s32 v5, v0  }
0x1fc: {  	v27 =	vadd.s32 v56, v27;
	v56 =	vld [tilespmem:$0x10F0];
	v0 =	vadd.s32 v9, v0  }
0x1fd: {  	v1 =	vld [tilespmem:$0x11E0];
	v0 =	vadd.s32 v12, v0  }
0x1fe: {  	v29 =	vadd.s32 v57, v29;
	v57 =	vld [tilespmem:$0x1FE20];
	v0 =	vadd.s32 v14, v0  }
0x1ff: {  	v15 =	vadd.s32 v31, v15;
	v18 =	vadd.s32 v18, v23;
	v2 =	vld [tilespmem:$0x1E60];
	v0 =	vadd.s32 v17, v0  }
0x200: {  	v15 =	vadd.s32 v32, v15;
	v27 =	vadd.s32 v58, v27;
	v58 =	vld [tilespmem:$0x1170];
	v0 =	vadd.s32 v19, v0  }
0x201: {  	v18 =	vadd.s32 v24, v18;
	v15 =	vadd.s32 v33, v15;
	v0 =	vadd.s32 v42, v0;
	v42 =	vld [tilespmem:$0xEF0]  }
0x202: {  	v18 =	vadd.s32 v25, v18;
	v15 =	vadd.s32 v34, v15;
	v29 =	vadd.s32 v62, v29;
	v62 =	vld [tilespmem:$0x1E70]  }
0x203: {  	v18 =	vadd.s32 v26, v18;
	v15 =	vadd.s32 v35, v15;
	v3 =	vld [tilespmem:$0x1EE0];
	v0 =	vadd.s32 v45, v0  }
0x204: {  	v18 =	vadd.s32 v28, v18;
	v29 =	vadd.s32 v41, v29;
	v0 =	vadd.s32 v59, v0;
	v59 =	vld [tilespmem:$0x1FE30]  }
0x205: {  	v18 =	vadd.s32 v30, v18;
	v27 =	vadd.s32 v40, v27;
	v4 =	vld [tilespmem:$0x1F60];
	v29 =	vadd.s32 v44, v29  }
0x206: {  	v27 =	vadd.s32 v43, v27;
	v29 =	vadd.s32 v48, v29;
	v19 =	vadd.s32 v63, v42;
	v63 =	vld [tilespmem:$0x1FE50]  }
0x207: {  	v34 =	vadd.s32 v55, v52;
	v5 =	vld [tilespmem:$0x1FE0];
	v27 =	vadd.s32 v47, v27;
	v29 =	vadd.s32 v50, v29  }
0x208: {  	v9 =	vld [tilespmem:$0x2060];
	v34 =	vadd.s32 v57, v34;
	v1 =	vadd.s32 v1, v18;
	v19 =	vadd.s32 v46, v19  }
0x209: {  	v12 =	vld [tilespmem:$0x20E0];
	v1 =	vadd.s32 v2, v1;
	v31 =	vadd.s32 v59, v34;
	v19 =	vadd.s32 v49, v19  }
0x20a: {  	v14 =	vld [tilespmem:$0x2160];
	v1 =	vadd.s32 v3, v1;
	v31 =	vadd.s32 v61, v31;
	v19 =	vadd.s32 v53, v19  }
0x20b: {  	v41 =	vld [tilespmem:$0x2070];
	v1 =	vadd.s32 v4, v1;
	v19 =	vadd.s32 v56, v19;
	v31 =	vadd.s32 v63, v31  }
0x20c: {  	v17 =	vld [tilespmem:$0x21E0];
	v1 =	vadd.s32 v5, v1;
	v38 =	vadd.s32 v58, v19;
	v8 =	vadd.s32 v8, v31  }
0x20d: {  	v43 =	vld [tilespmem:$0x20F0];
	v1 =	vadd.s32 v9, v1;
	v40 =	vadd.s32 v60, v38;
	v8 =	vadd.s32 v20, v8  }
0x20e: {  	[tilespmem:$0x500] =	vst v16;
	v44 =	vld [tilespmem:$0x2170];
	v1 =	vadd.s32 v12, v1;
	v2 =	vadd.s32 v62, v40;
	v8 =	vadd.s32 v21, v8  }
0x20f: {  	[tilespmem:$0x510] =	vst v15;
	v1 =	vadd.s32 v14, v1;
	v42 =	vld [tilespmem:$0x1FE60];
	v2 =	vadd.s32 v36, v2;
	v8 =	vadd.s32 v22, v8  }
0x210: {  	[tilespmem:$0x520] =	vst v27;
	v45 =	vld [tilespmem:$0x21F0];
	v0 =	vadd.s32 v51, v0;
	v2 =	vadd.s32 v37, v2;
	v8 =	vadd.s32 v13, v8  }
0x211: {  	[tilespmem:$0x530] =	vst v29;
	v47 =	vadd.s32 v17, v1;
	v2 =	vadd.s32 v39, v2;
	v6 =	vadd.s32 v6, v8  }
0x212: {  	v0 =	vadd.s32 v54, v0;
	[tilespmem:$0x560] =	vst v47;
	v2 =	vadd.s32 v41, v2;
	v6 =	vadd.s32 v10, v6  }
0x213: {  	[tilespmem:$0x540] =	vst v0;
	v2 =	vadd.s32 v43, v2;
	v6 =	vadd.s32 v7, v6  }
0x214: {  	[tilespmem:$0x166F0] =	vst v42;
	v48 =	vadd.s32 v44, v2;
	v46 =	vadd.s32 v11, v6  }
0x215: {  	v49 =	vadd.s32 v45, v48;
	[tilespmem:$0x550] =	vst v46  }
0x216: {  	s25 =	rddreg [dreg:$0xe];
	[tilespmem:$0x570] =	vst v49  }
0x217: {  	[tilespmem:s17], [sflag:$0x5] =	stream.indirect.gather [hbm4b:s5+s14], $0x80, s25, s14, $0xb8;
	[tilespmem:$0x16800] =	vst v63  }
0x218: {  	v50 =	vld [tilespmem:$0x500]  }
0x219: {  	v51 =	vld [tilespmem:$0x510]  }
0x21a: {  	v52 =	vld [tilespmem:$0x520]  }
0x21b: {  	v53 =	vld [tilespmem:$0x530]  }
0x21c: {  	v54 =	vld [tilespmem:$0x540]  }
0x21d: {  	v55 =	vld [tilespmem:$0x550]  }
0x21e: {  	v56 =	vld [tilespmem:$0x560]  }
0x21f: {  	v57 =	vld [tilespmem:$0x570]  }
0x220: {  	v8 =	vld [tilespmem:$0x1200]  }
0x221: {  	v6 =	vld [tilespmem:$0x1280]  }
0x222: {  	v7 =	vld [tilespmem:$0x1300]  }
0x223: {  	v10 =	vld [tilespmem:$0x1380]  }
0x224: {  	v11 =	vld [tilespmem:$0x1400]  }
0x225: {  	v13 =	vld [tilespmem:$0x1480]  }
0x226: {  	v15 =	vld [tilespmem:$0x1500]  }
0x227: {  	v16 =	vld [tilespmem:$0x1580]  }
0x228: {  	v18 =	vld [tilespmem:$0x2200]  }
0x229: {  	v40 =	vld [tilespmem:$0x2280]  }
0x22a: {  	v41 =	vld [tilespmem:$0x2300]  }
0x22b: {  	v44 =	vld [tilespmem:$0x2380]  }
0x22c: {  	v46 =	vld [tilespmem:$0x2400]  }
0x22d: {  	v48 =	vld [tilespmem:$0x2480]  }
0x22e: {  	v58 =	vld [tilespmem:$0x2500]  }
0x22f: {  	v59 =	vld [tilespmem:$0x2580]  }
0x230: {  	v20 =	vld [tilespmem:$0x1210]  }
0x231: {  	v21 =	vld [tilespmem:$0x1290]  }
0x232: {  	v22 =	vld [tilespmem:$0x1310]  }
0x233: {  	v23 =	vld [tilespmem:$0x1390]  }
0x234: {  	v24 =	vld [tilespmem:$0x1410]  }
0x235: {  	v25 =	vld [tilespmem:$0x1490]  }
0x236: {  	v26 =	vld [tilespmem:$0x1510]  }
0x237: {  	v27 =	vld [tilespmem:$0x1590]  }
0x238: {  	v28 =	vld [tilespmem:$0x2210]  }
0x239: {  	v29 =	vld [tilespmem:$0x2290]  }
0x23a: {  	v30 =	vld [tilespmem:$0x2310]  }
0x23b: {  	v31 =	vld [tilespmem:$0x2390]  }
0x23c: {  	v32 =	vld [tilespmem:$0x2410]  }
0x23d: {  	v33 =	vld [tilespmem:$0x2490]  }
0x23e: {  	v34 =	vld [tilespmem:$0x2510]  }
0x23f: {  	v35 =	vld [tilespmem:$0x2590]  }
0x240: {  	v36 =	vld [tilespmem:$0x1220]  }
0x241: {  	v37 =	vld [tilespmem:$0x12A0]  }
0x242: {  	v38 =	vld [tilespmem:$0x1320]  }
0x243: {  	v39 =	vld [tilespmem:$0x13A0]  }
0x244: {  	v43 =	vld [tilespmem:$0x1420]  }
0x245: {  	v47 =	vld [tilespmem:$0x14A0]  }
0x246: {  	v62 =	vld [tilespmem:$0x1520]  }
0x247: {  	v60 =	vld [tilespmem:$0x15A0]  }
0x248: {  	v61 =	vld [tilespmem:$0x2220]  }
0x249: {  	v63 =	vld [tilespmem:$0x22A0]  }
0x24a: {  	v4 =	vld [tilespmem:$0x2320]  }
0x24b: {  	v5 =	vld [tilespmem:$0x23A0]  }
0x24c: {  	v9 =	vld [tilespmem:$0x2420]  }
0x24d: {  	v12 =	vld [tilespmem:$0x24A0]  }
0x24e: {  	v14 =	vld [tilespmem:$0x2520]  }
0x24f: {  	v17 =	vld [tilespmem:$0x25A0]  }
0x250: {  	v49 =	vld [tilespmem:$0x1230]  }
0x251: {  	v19 =	vld [tilespmem:$0x2330]  }
0x252: {  	v42 =	vld [tilespmem:$0x23B0]  }
0x253: {  	v45 =	vld [tilespmem:$0x2430]  }
0x254: {  	v1 =	vld [tilespmem:$0x1240]  }
0x255: {  	v2 =	vld [tilespmem:$0x1340]  }
0x256: {  	v3 =	vld [tilespmem:$0x13C0]  }
0x257: {  	[tilespmem:$0x1FE70] =	vst v58;
	v58 =	vld [tilespmem:$0x22B0]  }
0x258: {  	[tilespmem:$0x1FE80] =	vst v59;
	v59 =	vld [tilespmem:$0x24B0]  }
0x259: {  	[tilespmem:$0x1FE90] =	vst v60;
	v60 =	vld [tilespmem:$0x2530]  }
0x25a: {  	[tilespmem:$0x1FEA0] =	vst v61;
	v61 =	vld [tilespmem:$0x25B0]  }
0x25b: {  	[tilespmem:$0x1FEC0] =	vst v4;
	v4 =	vld [tilespmem:$0x1440]  }
0x25c: {  	[tilespmem:$0x1FED0] =	vst v5;
	v5 =	vld [tilespmem:$0x14C0]  }
0x25d: {  	[tilespmem:$0x1FEF0] =	vst v9;
	v9 =	vld [tilespmem:$0x1540]  }
0x25e: {  	[tilespmem:$0x1FF10] =	vst v12;
	v12 =	vld [tilespmem:$0x15C0]  }
0x25f: {  	[tilespmem:$0x1FF30] =	vst v14;
	v14 =	vld [tilespmem:$0x2240]  }
0x260: {  	[tilespmem:$0x1FEB0] =	vst v63;
	v63 =	vld [tilespmem:$0x1350]  }
0x261: {  	[tilespmem:$0x1FF50] =	vst v17;
	v17 =	vld [tilespmem:$0x22C0]  }
0x262: {  	[tilespmem:$0x1FEE0] =	vst v19;
	v19 =	vld [tilespmem:$0x2340]  }
0x263: {  	[tilespmem:$0x1FF00] =	vst v42;
	v42 =	vld [tilespmem:$0x23C0]  }
0x264: {  	v0 =	vld.idx.msk [tilespmem:v50+s12+$0x0], $0xffff  }
0x265: {  	[tilespmem:$0x1FFA0] =	vst v63;
	v63 =	vld [tilespmem:$0x13D0]  }
0x266: {  	[tilespmem:$0x1FF20] =	vst v45;
	v45 =	vld [tilespmem:$0x2440];
	v6 =	vadd.s32 v8, v6  }
0x267: {  	v8 =	vld [tilespmem:$0x15D0];
	v6 =	vadd.s32 v7, v6  }
0x268: {  	v6 =	vadd.s32 v10, v6;
	v10 =	vld [tilespmem:$0x24D0];
	[tilespmem:$0x1FF60] =	vst v60  }
0x269: {  	v60 =	vld [tilespmem:$0x2540];
	[tilespmem:$0x16700] =	vst v0  }
0x26a: {  	[tilespmem:$0x1FFB0] =	vst v63;
	v63 =	vld [tilespmem:$0x1450]  }
0x26b: {  	v0 =	vld.idx.msk [tilespmem:v51+s12+$0x0], $0xffff  }
0x26c: {  	v50 =	vld [tilespmem:$0x12B0];
	v6 =	vadd.s32 v11, v6  }
0x26d: {  	v6 =	vadd.s32 v13, v6;
	v13 =	vld [tilespmem:$0x23D0];
	[tilespmem:$0x1FF40] =	vst v59  }
0x26e: {  	v59 =	vld [tilespmem:$0x24C0];
	[tilespmem:$0x1FF80] =	vst v60  }
0x26f: {  	[tilespmem:$0x1FFC0] =	vst v63;
	v63 =	vld [tilespmem:$0x14D0]  }
0x270: {  	v60 =	vld [tilespmem:$0x25C0];
	[tilespmem:$0x16710] =	vst v0  }
0x271: {  	v0 =	vld.idx.msk [tilespmem:v52+s12+$0x0], $0xffff  }
0x272: {  	[tilespmem:$0x1FF70] =	vst v61;
	v61 =	vld [tilespmem:$0x1250]  }
0x273: {  	v51 =	vld [tilespmem:$0x1330]  }
0x274: {  	[tilespmem:$0x1FFD0] =	vst v63;
	v63 =	vld [tilespmem:$0x1550]  }
0x275: {  	v52 =	vld [tilespmem:$0x13B0];
	[tilespmem:$0x1FF90] =	vst v60  }
0x276: {  	v60 =	vld [tilespmem:$0x12D0];
	[tilespmem:$0x16720] =	vst v0  }
0x277: {  	v0 =	vld.idx.msk [tilespmem:v53+s12+$0x0], $0xffff  }
0x278: {  	v53 =	vld [tilespmem:$0x1430]  }
0x279: {  	[tilespmem:$0x1FFE0] =	vst v63;
	v63 =	vadd.s32 v20, v21;
	v20 =	vld [tilespmem:$0x2250]  }
0x27a: {  	v21 =	vld [tilespmem:$0x22D0]  }
0x27b: {  	v7 =	vadd.s32 v22, v63;
	v22 =	vld [tilespmem:$0x2350]  }
0x27c: {  	[tilespmem:$0x16730] =	vst v0;
	v63 =	vld [tilespmem:$0x12E0]  }
0x27d: {  	v0 =	vld.idx.msk [tilespmem:v54+s12+$0x0], $0xffff  }
0x27e: {  	v54 =	vld [tilespmem:$0x14B0];
	v7 =	vadd.s32 v23, v7  }
0x27f: {  	v7 =	vadd.s32 v24, v7;
	v24 =	vadd.s32 v15, v6;
	v6 =	vld [tilespmem:$0x2450]  }
0x280: {  	v7 =	vadd.s32 v25, v7;
	v25 =	vadd.s32 v16, v24;
	v24 =	vld [tilespmem:$0x1360]  }
0x281: {  	v11 =	vadd.s32 v18, v25;
	v18 =	vld [tilespmem:$0x1260]  }
0x282: {  	v25 =	vld [tilespmem:$0x13E0]  }
0x283: {  	v7 =	vadd.s32 v26, v7;
	v26 =	vld [tilespmem:$0x1460]  }
0x284: {  	v27 =	vadd.s32 v27, v7;
	v7 =	vld [tilespmem:$0x2550]  }
0x285: {  	v40 =	vadd.s32 v40, v11;
	v11 =	vld [tilespmem:$0x25D0]  }
0x286: {  	v15 =	vadd.s32 v28, v27;
	v28 =	vld [tilespmem:$0x14E0]  }
0x287: {  	v16 =	vadd.s32 v41, v40;
	v40 =	vld [tilespmem:$0x1FED0]  }
0x288: {  	[tilespmem:$0x16740] =	vst v0;
	v41 =	vld [tilespmem:$0x1FEE0]  }
0x289: {  	v0 =	vld.idx.msk [tilespmem:v55+s12+$0x0], $0xffff  }
0x28a: {  	v55 =	vld [tilespmem:$0x1530]  }
0x28b: {  	v15 =	vadd.s32 v29, v15;
	v16 =	vadd.s32 v44, v16;
	v44 =	vld [tilespmem:$0x1FF00]  }
0x28c: {  	v15 =	vadd.s32 v30, v15;
	v30 =	vld [tilespmem:$0x1560]  }
0x28d: {  	v16 =	vadd.s32 v46, v16;
	v46 =	vld [tilespmem:$0x1270]  }
0x28e: {  	v16 =	vadd.s32 v48, v16;
	v48 =	vld [tilespmem:$0x1FF20]  }
0x28f: {  	v15 =	vadd.s32 v31, v15;
	v18 =	vadd.s32 v18, v63;
	v63 =	vld [tilespmem:$0x1FFB0]  }
0x290: {  	v15 =	vadd.s32 v32, v15;
	v32 =	vld [tilespmem:$0x1FE70]  }
0x291: {  	v15 =	vadd.s32 v33, v15;
	v33 =	vld [tilespmem:$0x1FE80]  }
0x292: {  	v15 =	vadd.s32 v34, v15;
	v34 =	vadd.s32 v36, v37;
	v36 =	vld [tilespmem:$0x1FE90]  }
0x293: {  	[tilespmem:$0x16750] =	vst v0;
	v37 =	vld [tilespmem:$0x1FEA0]  }
0x294: {  	v0 =	vld.idx.msk [tilespmem:v56+s12+$0x0], $0xffff  }
0x295: {  	v56 =	vld [tilespmem:$0x15B0]  }
0x296: {  	v27 =	vadd.s32 v38, v34;
	v38 =	vld [tilespmem:$0x1FEB0]  }
0x297: {  	v15 =	vadd.s32 v35, v15;
	v35 =	vadd.s32 v49, v50;
	v49 =	vld [tilespmem:$0x12F0]  }
0x298: {  	v50 =	vld [tilespmem:$0x1FF30]  }
0x299: {  	v27 =	vadd.s32 v39, v27;
	v39 =	vld [tilespmem:$0x1FEC0]  }
0x29a: {  	v29 =	vadd.s32 v51, v35;
	v51 =	vld [tilespmem:$0x1FF40]  }
0x29b: {  	v27 =	vadd.s32 v43, v27;
	v43 =	vld [tilespmem:$0x1FEF0]  }
0x29c: {  	v29 =	vadd.s32 v52, v29;
	v52 =	vld [tilespmem:$0x1370]  }
0x29d: {  	v27 =	vadd.s32 v47, v27;
	v47 =	vld [tilespmem:$0x1FF10]  }
0x29e: {  	v29 =	vadd.s32 v53, v29;
	v53 =	vld [tilespmem:$0x1FF50];
	[tilespmem:$0x16760] =	vst v0  }
0x29f: {  	v0 =	vld.idx.msk [tilespmem:v57+s12+$0x0], $0xffff  }
0x2a0: {  	v29 =	vadd.s32 v54, v29;
	v54 =	vld [tilespmem:$0x1FF60]  }
0x2a1: {  	v27 =	vadd.s32 v62, v27;
	v62 =	vld [tilespmem:$0x14F0]  }
0x2a2: {  	v29 =	vadd.s32 v55, v29;
	v55 =	vld [tilespmem:$0x13F0]  }
0x2a3: {  	v27 =	vadd.s32 v36, v27;
	v36 =	vld [tilespmem:$0x1570]  }
0x2a4: {  	[tilespmem:$0x1FFF0] =	vst v0;
	v0 =	vld [tilespmem:$0x12C0]  }
0x2a5: {  	v57 =	vld [tilespmem:$0x2230]  }
0x2a6: {  	v29 =	vadd.s32 v56, v29;
	v56 =	vld [tilespmem:$0x1FF70]  }
0x2a7: {  	v27 =	vadd.s32 v37, v27;
	v37 =	vld [tilespmem:$0x1FFC0]  }
0x2a8: {  	v27 =	vadd.s32 v38, v27;
	v38 =	vld [tilespmem:$0x15F0]  }
0x2a9: {  	v27 =	vadd.s32 v39, v27;
	v39 =	vld [tilespmem:$0x1FFD0];
	v0 =	vadd.s32 v1, v0  }
0x2aa: {  	v27 =	vadd.s32 v40, v27;
	v40 =	vld [tilespmem:$0x2270];
	v0 =	vadd.s32 v2, v0  }
0x2ab: {  	v27 =	vadd.s32 v43, v27;
	v43 =	vld [tilespmem:$0x2370];
	v0 =	vadd.s32 v3, v0  }
0x2ac: {  	v29 =	vadd.s32 v57, v29;
	v57 =	vld [tilespmem:$0x1FF80];
	v0 =	vadd.s32 v4, v0  }
0x2ad: {  	v27 =	vadd.s32 v47, v27;
	v47 =	vld [tilespmem:$0x2470];
	v0 =	vadd.s32 v5, v0  }
0x2ae: {  	v29 =	vadd.s32 v58, v29;
	v58 =	vadd.s32 v61, v60;
	v60 =	vld [tilespmem:$0x1FF90];
	v0 =	vadd.s32 v9, v0  }
0x2af: {  	v61 =	vld [tilespmem:$0x1FFA0];
	v29 =	vadd.s32 v41, v29;
	v0 =	vadd.s32 v12, v0  }
0x2b0: {  	v18 =	vadd.s32 v24, v18;
	v41 =	vld [tilespmem:$0x1FFE0];
	v29 =	vadd.s32 v44, v29;
	v0 =	vadd.s32 v14, v0  }
0x2b1: {  	v18 =	vadd.s32 v25, v18;
	v29 =	vadd.s32 v48, v29;
	v48 =	vld [tilespmem:$0x1FFF0];
	v0 =	vadd.s32 v17, v0  }
0x2b2: {  	v18 =	vadd.s32 v26, v18;
	v1 =	vld [tilespmem:$0x15E0];
	v0 =	vadd.s32 v19, v0  }
0x2b3: {  	v18 =	vadd.s32 v28, v18;
	v2 =	vld [tilespmem:$0x2260];
	v0 =	vadd.s32 v42, v0  }
0x2b4: {  	v18 =	vadd.s32 v30, v18;
	v3 =	vld [tilespmem:$0x22E0];
	v0 =	vadd.s32 v45, v0  }
0x2b5: {  	v16 =	vadd.s32 v32, v16;
	v27 =	vadd.s32 v50, v27;
	v0 =	vadd.s32 v59, v0;
	v59 =	vld [tilespmem:$0x1470]  }
0x2b6: {  	v16 =	vadd.s32 v33, v16;
	v27 =	vadd.s32 v53, v27;
	v34 =	vadd.s32 v61, v58;
	v4 =	vld [tilespmem:$0x2360]  }
0x2b7: {  	v29 =	vadd.s32 v51, v29;
	v34 =	vadd.s32 v63, v34;
	v5 =	vld [tilespmem:$0x23E0];
	v19 =	vadd.s32 v46, v49  }
0x2b8: {  	v29 =	vadd.s32 v54, v29;
	v31 =	vadd.s32 v37, v34;
	v9 =	vld [tilespmem:$0x2460];
	v19 =	vadd.s32 v52, v19  }
0x2b9: {  	v29 =	vadd.s32 v56, v29;
	v31 =	vadd.s32 v39, v31;
	v12 =	vld [tilespmem:$0x24E0];
	v19 =	vadd.s32 v55, v19  }
0x2ba: {  	v31 =	vadd.s32 v41, v31;
	v1 =	vadd.s32 v1, v18;
	v42 =	vld [tilespmem:$0x22F0];
	v19 =	vadd.s32 v59, v19  }
0x2bb: {  	v8 =	vadd.s32 v8, v31;
	v1 =	vadd.s32 v2, v1;
	v14 =	vld [tilespmem:$0x2560];
	v19 =	vadd.s32 v62, v19  }
0x2bc: {  	v8 =	vadd.s32 v20, v8;
	v1 =	vadd.s32 v3, v1;
	v45 =	vld [tilespmem:$0x23F0];
	v44 =	vadd.s32 v36, v19  }
0x2bd: {  	v17 =	vld [tilespmem:$0x25E0];
	v8 =	vadd.s32 v21, v8;
	v1 =	vadd.s32 v4, v1;
	v46 =	vadd.s32 v38, v44  }
0x2be: {  	[tilespmem:$0x580] =	vst v16;
	v8 =	vadd.s32 v22, v8;
	v49 =	vld [tilespmem:$0x24F0];
	v1 =	vadd.s32 v5, v1;
	v2 =	vadd.s32 v40, v46  }
0x2bf: {  	[tilespmem:$0x590] =	vst v15;
	v50 =	vld [tilespmem:$0x2570];
	v8 =	vadd.s32 v13, v8;
	v1 =	vadd.s32 v9, v1;
	v2 =	vadd.s32 v42, v2  }
0x2c0: {  	[tilespmem:$0x5A0] =	vst v27;
	v51 =	vld [tilespmem:$0x25F0];
	v6 =	vadd.s32 v6, v8;
	v1 =	vadd.s32 v12, v1;
	v2 =	vadd.s32 v43, v2  }
0x2c1: {  	[tilespmem:$0x5B0] =	vst v29;
	v6 =	vadd.s32 v10, v6;
	v1 =	vadd.s32 v14, v1;
	v2 =	vadd.s32 v45, v2  }
0x2c2: {  	[tilespmem:$0x16770] =	vst v48;
	v0 =	vadd.s32 v57, v0;
	v53 =	vadd.s32 v17, v1;
	v2 =	vadd.s32 v47, v2  }
0x2c3: {  	v6 =	vadd.s32 v7, v6;
	v0 =	vadd.s32 v60, v0;
	[tilespmem:$0x5E0] =	vst v53;
	v2 =	vadd.s32 v49, v2  }
0x2c4: {  	v52 =	vadd.s32 v11, v6;
	[tilespmem:$0x5C0] =	vst v0;
	v54 =	vadd.s32 v50, v2  }
0x2c5: {  	[tilespmem:$0x5D0] =	vst v52;
	v55 =	vadd.s32 v51, v54  }
0x2c6: {  	s18 =	simm.s32 $0x580;
	[tilespmem:$0x5F0] =	vst v55  }
0x2c7: {  	[tilespmem:s19], [sflag:$0x6] =	stream.indirect.gather [hbm4b:s5+s14], $0x80, s18, s14, $0xb8;
	[tilespmem:$0x16800] =	vst v63  }
0x2c8: {  	v56 =	vld [tilespmem:$0x580];
	_ =	sdelay $0x5  }
0x2c9: {  	v57 =	vld [tilespmem:$0x590];
	_ =	sdelay $0x1  }
0x2ca: {  	v0 =	vld.idx.msk [tilespmem:v56+s12+$0x0], $0xffff;
	_ =	sdelay $0x3  }
0x2cb: {  	v58 =	vld [tilespmem:$0x5A0]  }
0x2cc: {  	[tilespmem:$0x16780] =	vst v0  }
0x2cd: {  	v0 =	vld.idx.msk [tilespmem:v57+s12+$0x0], $0xffff;
	_ =	sdelay $0x3  }
0x2ce: {  	v59 =	vld [tilespmem:$0x5B0]  }
0x2cf: {  	[tilespmem:$0x16790] =	vst v0  }
0x2d0: {  	v0 =	vld.idx.msk [tilespmem:v58+s12+$0x0], $0xffff;
	_ =	sdelay $0x3  }
0x2d1: {  	v60 =	vld [tilespmem:$0x5C0]  }
0x2d2: {  	[tilespmem:$0x167A0] =	vst v0  }
0x2d3: {  	v0 =	vld.idx.msk [tilespmem:v59+s12+$0x0], $0xffff;
	_ =	sdelay $0x3  }
0x2d4: {  	v61 =	vld [tilespmem:$0x5D0]  }
0x2d5: {  	[tilespmem:$0x167B0] =	vst v0  }
0x2d6: {  	v0 =	vld.idx.msk [tilespmem:v60+s12+$0x0], $0xffff;
	_ =	sdelay $0x3  }
0x2d7: {  	v62 =	vld [tilespmem:$0x5E0]  }
0x2d8: {  	[tilespmem:$0x167C0] =	vst v0  }
0x2d9: {  	v0 =	vld.idx.msk [tilespmem:v61+s12+$0x0], $0xffff;
	_ =	sdelay $0x3  }
0x2da: {  	v63 =	vld [tilespmem:$0x5F0]  }
0x2db: {  	[tilespmem:$0x167D0] =	vst v0  }
0x2dc: {  	v0 =	vld.idx.msk [tilespmem:v62+s12+$0x0], $0xffff;
	_ =	sdelay $0x4  }
0x2dd: {  	[tilespmem:$0x167E0] =	vst v0  }
0x2de: {  	v0 =	vld.idx.msk [tilespmem:v63+s12+$0x0], $0xffff;
	_ =	sdelay $0x4  }
0x2df: {  	[tilespmem:$0x167F0] =	vst v0  }
0x2e0: {  	_ =	swait.ge [sflag:s6], $0x400  }
0x2e1: {  	[sflag:s6] =	ssyncset.done $0x0  }
0x2e2: {  	[sflag:s6] =	ssyncadd.s32 $0xFFFFFC00  }
0x2e3: {  	_ =	swait.ge [sflag:s20], $0x4000  }
0x2e4: {  	[sflag:s20] =	ssyncset.done $0x0  }
0x2e5: {  	[sflag:s20] =	ssyncadd.s32 $0xFFFFC000  }
0x2e6: {  	[hbm4b:s2+s14] =	stream.indirect.scatter [tilespmem:s15], [sflag:$0x3], $0x80, s7, s14, $0xb8;
	[tilespmem:$0x16800] =	vst v63  }
0x2e7: {  	s21 =	simm.s32 $0x16600  }
0x2e8: {  	[hbm4b:s3+s14] =	stream.indirect.scatter [tilespmem:s21], [sflag:$0x7], $0x1, s7, s14, $0xb8;
	[tilespmem:$0x16800] =	vst v63  }
0x2e9: {  	_ =	swait.ge [sflag:s22], $0x4000  }
0x2ea: {  	[sflag:s22] =	ssyncset.done $0x0  }
0x2eb: {  	[sflag:s22] =	ssyncadd.s32 $0xFFFFC000  }
0x2ec: {  	[hbm4b:s2+s14] =	stream.indirect.scatter [tilespmem:s16], [sflag:$0x4], $0x80, s8, s14, $0xb8;
	[tilespmem:$0x16800] =	vst v63  }
0x2ed: {  	s23 =	simm.s32 $0x16680  }
0x2ee: {  	[hbm4b:s3+s14] =	stream.indirect.scatter [tilespmem:s23], [sflag:$0x8], $0x1, s8, s14, $0xb8;
	[tilespmem:$0x16800] =	vst v63  }
0x2ef: {  	_ =	swait.ge [sflag:s24], $0x4000  }
0x2f0: {  	[sflag:s24] =	ssyncset.done $0x0  }
0x2f1: {  	[sflag:s24] =	ssyncadd.s32 $0xFFFFC000  }
0x2f2: {  	[hbm4b:s2+s14] =	stream.indirect.scatter [tilespmem:s17], [sflag:$0x5], $0x80, s9, s14, $0xb8;
	[tilespmem:$0x16800] =	vst v63  }
0x2f3: {  	s25 =	simm.s32 $0x16700  }
0x2f4: {  	[hbm4b:s3+s14] =	stream.indirect.scatter [tilespmem:s25], [sflag:$0x9], $0x1, s9, s14, $0xb8;
	[tilespmem:$0x16800] =	vst v63  }
0x2f5: {  	_ =	swait.ge [sflag:s26], $0x4000  }
0x2f6: {  	[sflag:s26] =	ssyncset.done $0x0  }
0x2f7: {  	[sflag:s26] =	ssyncadd.s32 $0xFFFFC000  }
0x2f8: {  	[hbm4b:s2+s14] =	stream.indirect.scatter [tilespmem:s19], [sflag:$0x6], $0x80, s10, s14, $0xb8;
	[tilespmem:$0x16800] =	vst v63  }
0x2f9: {  	_ = 	snop  }
0x2fa: {  	[hbm4b:s3+s14] =	stream.indirect.scatter [tilespmem:s28], [sflag:$0xA], $0x1, s10, s14, $0xb8;
	[tilespmem:$0x16800] =	vst v63  }
0x2fb: {  	_ =	swait.ge [sflag:s20], $0x4000  }
0x2fc: {  	[sflag:s20] =	ssyncset.done $0x0  }
0x2fd: {  	[sflag:s20] =	ssyncadd.s32 $0xFFFFC000  }
0x2fe: {  	_ =	swait.ge [sflag:s22], $0x4000  }
0x2ff: {  	[sflag:s22] =	ssyncset.done $0x0  }
0x300: {  	[sflag:s22] =	ssyncadd.s32 $0xFFFFC000  }
0x301: {  	_ =	swait.ge [sflag:s24], $0x4000  }
0x302: {  	[sflag:s24] =	ssyncset.done $0x0  }
0x303: {  	[sflag:s24] =	ssyncadd.s32 $0xFFFFC000  }
0x304: {  	_ =	swait.ge [sflag:s26], $0x4000  }
0x305: {  	[sflag:s26] =	ssyncset.done $0x0  }
0x306: {  	[sflag:s26] =	ssyncadd.s32 $0xFFFFC000  }
0x307: {  	_ =	swait.ge [sflag:s29], $0x80  }
0x308: {  	[sflag:s29] =	ssyncset.done $0x0  }
0x309: {  	[sflag:s29] =	ssyncadd.s32 $0xFFFFFF80  }
0x30a: {  	_ =	swait.ge [sflag:s30], $0x80  }
0x30b: {  	[sflag:s30] =	ssyncset.done $0x0  }
0x30c: {  	[sflag:s30] =	ssyncadd.s32 $0xFFFFFF80  }
0x30d: {  	p0 =	sne.s32 s11, $0x1;
	_ =	swait.ge [sflag:s31], $0x80  }
.Ltmp0:
0x30e: {  	[sflag:s31] =	ssyncset.done $0x0;
	(pc) =	sbr.rel @p0 .LBB2_1-.Ltmp0, $4  }
0x30f: {  	[sflag:s31] =	ssyncadd.s32 $0xFFFFFF80  }
0x310: {  	_ =	swait.ge [sflag:s1], $0x80  }
0x311: {  	[sflag:s1] =	ssyncset.done $0x0  }
0x312: {  	s11 =	sadd.s32 $0xFFFFFFFF, s11;
	[sflag:s1] =	ssyncadd.s32 $0xFFFFFF80  }
0x313: {  	_ =	sfence.sel $0x180000  }
0x314: {  	[bflag:$0x0] =	sbarrier.arrive $0xFFFF  }
0x315: {  	_ =	strace $0x9000004D  }
0x316: {  	s0 =	stileid.u32;
	[bflag:$0x2] =	sbarrier.arrive $0xFFFF  }
0x317: {  	p0 =	sne.s32 s0, $0x0;
	s0 =	rddreg [dreg:$0x5]  }
0x318: {  	s0 =	sadd.s32 @!p0 $0x100000, s0  }
0x319: {  	[sflag:s0] =	ssyncadd.tile.s32 @!p0 $0x1;
	_ =	shalt  }
.Lfunc_end2:
_tile_overlayer_lowered:
.L_overlay_start_2:
0x31a: {  	(tag) =	ssettag $0x2  }
0x31b: {  	s0 =	rddreg [dreg:$0x0];
	s2 =	stileid.u32  }
0x31c: {  	s1 =	rddreg [dreg:$0x1];
	p0 =	sne.s32 s2, $0x0  }
0x31d: {  	s3 =	rddreg [dreg:$0x2];
	[bflag:$0x3] =	sbarrier.arrive $0xFFFF;
	s2 =	simm.s32 @!p0 $0x1C0B  }
0x31e: {  	[timem:s3], [sflag:s2] =	dma.local @!p0 [hbm:s0], s1  }
0x31f: {  	s0 =	simm.s32 @!p0 $0xB  }
0x320: {  	_ =	swait.ge @!p0 [sflag:s0], s1  }
0x321: {  	s1 =	ssub.s32 @!p0 $0x0, s1;
	[sflag:s0] =	ssyncset.done @!p0 $0x0  }
0x322: {  	[sflag:s0] =	ssyncadd.s32 @!p0 s1  }
0x323: {  	[bflag:$0x3] =	sbarrier.arrive $0xFFFF  }
0x324: {  	_ =	shalt  }

// kernel: kernel.6.cloned.1.call-start
scs
__scs_entry_jumppad:
0x0: {  	(pc) =	sbr.rel $0x88, $3  }
0x1: {  	(tag) =	ssettag $0x0;
	lr =	simm.s32 $0x1  }
0x2: {  	[smem:$0x3F98] =	sst lr;
	_ =	strace $0xD0000000  }
0x3: {  	_ = 	snop  }
0x4: {  	_ = 	snop  }
0x5: {  	_ = 	snop  }
0x6: {  	_ = 	snop  }
0x7: {  	_ = 	snop  }
__scs_overlays_trampoline_lowered:
0x8: {  	[smem:$0x3FA7] =	sst s0  }
0x9: {  	[smem:$0x3FA8] =	sst s1  }
0xa: {  	[smem:$0x3FA9] =	sst s2  }
0xb: {  	[smem:$0x3FAA] =	sst s3  }
0xc: {  	[smem:$0x3FAB] =	sst s4  }
0xd: {  	[smem:$0x3FAC] =	sst s5  }
0xe: {  	[smem:$0x3FAD] =	sst s6  }
0xf: {  	[smem:$0x3FAE] =	sst s7  }
0x10: {  	[smem:$0x3FAF] =	sst s8  }
0x11: {  	[smem:$0x3FB0] =	sst s9;
	s0 =	simm.s32 @!p0 $0x0  }
0x12: {  	s1 =	sld [smem:$0x3F96];
	s0 =	simm.s32 @p0 $0x1  }
0x13: {  	[smem:$0x3FB1] =	sst s0;
	s0 =	simm.s32 @!p1 $0x0  }
0x14: {  	s2 =	sld [smem:$0x3F95];
	s0 =	simm.s32 @p1 $0x1  }
0x15: {  	[smem:$0x3FB2] =	sst s0;
	s0 =	simm.s32 @!p2 $0x0  }
0x16: {  	s3 =	sld [smem:$0x3FDB];
	s0 =	simm.s32 @p2 $0x1  }
0x17: {  	s4 =	simm.s32 $0x1BF5;
	[smem:$0x3FB4] =	sst s0  }
0x18: {  	s0 =	sld [smem:$0x3F97];
	_ =	swait.ge [sflag:s4], $0x0  }
0x19: {  	s7 =	sld [smem:$0x3F98]  }
0x1a: {  	s8 =	sadd.s32 $0xFFFFE003, lr  }
0x1b: {  	s9 =	sadd.s32 $0xFFFFFEF7, lr;
	s5 =	simm.s32 $0xFFFFFFFF;
	p2 =	slt.u32 s8, $0xFFFFF086  }
0x1c: {  	p1 =	slt.u32 s9, $0xF7A;
	s5 =	simm.s32 @!p2 $0x0  }
0x1d: {  	s5 =	simm.s32 @p1 $0x1;
	p0 =	seq.s32 s7, s2  }
0x1e: {  	s7 =	smul.u32 @!p0 $0xF7A, s2;
	p2 =	seq.s32 @!p0 s5, $0x0  }
0x1f: {  	s9 =	smul.u32 $0xF7A, s1;
	s8 =	simm.s32 @!p0 $0x1BF5;
	p2 =	por !p2, p0  }
0x20: {  	[sflag:s8] =	ssyncset.s32 @!p0 $0xFFFFF086;
	s6 =	sadd.s32 @!p0 s3, s7;
	s7 =	simm.s32 @!p0 $0x108  }
0x21: {  	s3 =	sadd.s32 s3, s9;
	s6 =	sadd.s32 @!p0 $0x88, s6;
	s7 =	simm.s32 @p2 $0x1082  }
0x22: {  	[simem:s7], [sflag:s8] =	dma.local @!p0 [hbm:s6], $0xF7A  }
0x23: {  	s9 =	sor.u32 $0xD0000000, s2;
	s6 =	simm.s32 $0x108;
	_ =	swait.ge @!p0 [sflag:s8], $0x0  }
0x24: {  	s3 =	sadd.s32 $0x88, s3;
	s6 =	simm.s32 @!p1 $0x1082;
	[sflag:s4] =	ssyncset.s32 $0xFFFFF086  }
0x25: {  	[simem:s6], [sflag:s4] =	dma.local [hbm:s3], $0xF7A  }
0x26: {  	[smem:$0x3F98] =	sst s1;
	(tag) =	ssettag s2;
	_ =	strace s9  }
0x27: {  	s1 =	sld [smem:$0x3FA8]  }
0x28: {  	s2 =	sld [smem:$0x3FA9]  }
0x29: {  	s4 =	sld [smem:$0x3FAB]  }
0x2a: {  	p0 =	seq.s32 s5, $0x0;
	s5 =	sld [smem:$0x3FAC]  }
0x2b: {  	s6 =	sld [smem:$0x3FAD]  }
0x2c: {  	s7 =	sld [smem:$0x3FAE]  }
0x2d: {  	s3 =	simm.s32 $0x108;
	s8 =	sld [smem:$0x3FAF]  }
0x2e: {  	s3 =	simm.s32 @!p0 $0x1082;
	s9 =	sld [smem:$0x3FB0]  }
0x2f: {  	lr =	sadd.s32 s0, s3;
	s0 =	sld [smem:$0x3FA7]  }
0x30: {  	s3 =	sld [smem:$0x3FAA]  }
0x31: {  	[smem:$0x3FB3] =	sst s10  }
0x32: {  	s10 =	sld [smem:$0x3FB1];
	_ =	sdelay $0x3  }
0x33: {  	p0 =	seq.s32 s10, $0x1;
	s10 =	sld [smem:$0x3FB3];
	_ =	sdelay $0x3  }
0x34: {  	[smem:$0x3FB3] =	sst s10  }
0x35: {  	s10 =	sld [smem:$0x3FB2];
	_ =	sdelay $0x3  }
0x36: {  	p1 =	seq.s32 s10, $0x1;
	s10 =	sld [smem:$0x3FB3];
	_ =	sdelay $0x3  }
0x37: {  	[smem:$0x3FB3] =	sst s10  }
0x38: {  	s10 =	sld [smem:$0x3FB4]  }
0x39: {  	_ = 	snop;
	(pc) =	sbr.ind lr, $3  }
0x3a: {  	_ = 	snop  }
0x3b: {  	_ = 	snop  }
0x3c: {  	p2 =	seq.s32 s10, $0x1;
	s10 =	sld [smem:$0x3FB3]  }
0x3d: {  	_ =	shalt  }
0x3e: {  	_ =	shalt  }
0x3f: {  	_ =	shalt  }
0x40: {  	_ =	shalt  }
0x41: {  	_ =	shalt  }
0x42: {  	_ =	shalt  }
0x43: {  	_ =	shalt  }
0x44: {  	_ =	shalt  }
0x45: {  	_ =	shalt  }
0x46: {  	_ =	shalt  }
0x47: {  	_ =	shalt  }
0x48: {  	_ =	shalt  }
0x49: {  	_ =	shalt  }
0x4a: {  	_ =	shalt  }
0x4b: {  	_ =	shalt  }
0x4c: {  	_ =	shalt  }
0x4d: {  	_ =	shalt  }
0x4e: {  	_ =	shalt  }
0x4f: {  	_ =	shalt  }
0x50: {  	_ =	shalt  }
0x51: {  	_ =	shalt  }
0x52: {  	_ =	shalt  }
0x53: {  	_ =	shalt  }
0x54: {  	_ =	shalt  }
0x55: {  	_ =	shalt  }
0x56: {  	_ =	shalt  }
0x57: {  	_ =	shalt  }
0x58: {  	_ =	shalt  }
0x59: {  	_ =	shalt  }
0x5a: {  	_ =	shalt  }
0x5b: {  	_ =	shalt  }
0x5c: {  	_ =	shalt  }
0x5d: {  	_ =	shalt  }
0x5e: {  	_ =	shalt  }
0x5f: {  	_ =	shalt  }
0x60: {  	_ =	shalt  }
0x61: {  	_ =	shalt  }
0x62: {  	_ =	shalt  }
0x63: {  	_ =	shalt  }
0x64: {  	_ =	shalt  }
0x65: {  	_ =	shalt  }
0x66: {  	_ =	shalt  }
0x67: {  	_ =	shalt  }
0x68: {  	_ =	shalt  }
0x69: {  	_ =	shalt  }
0x6a: {  	_ =	shalt  }
0x6b: {  	_ =	shalt  }
0x6c: {  	_ =	shalt  }
0x6d: {  	_ =	shalt  }
0x6e: {  	_ =	shalt  }
0x6f: {  	_ =	shalt  }
0x70: {  	_ =	shalt  }
0x71: {  	_ =	shalt  }
0x72: {  	_ =	shalt  }
0x73: {  	_ =	shalt  }
0x74: {  	_ =	shalt  }
0x75: {  	_ =	shalt  }
0x76: {  	_ =	shalt  }
0x77: {  	_ =	shalt  }
0x78: {  	_ =	shalt  }
0x79: {  	_ =	shalt  }
0x7a: {  	_ =	shalt  }
0x7b: {  	_ =	shalt  }
0x7c: {  	_ =	shalt  }
0x7d: {  	_ =	shalt  }
0x7e: {  	_ =	shalt  }
0x7f: {  	_ =	shalt  }
0x80: {  	_ =	shalt  }
0x81: {  	_ =	shalt  }
0x82: {  	_ =	shalt  }
0x83: {  	_ =	shalt  }
0x84: {  	_ =	shalt  }
0x85: {  	_ =	shalt  }
0x86: {  	_ =	shalt  }
0x87: {  	_ =	shalt  }
.Lfunc_end0:
.L_simem_size_0:
called_computation_lowered:
.L_overlay_start_0:
0x88: {  	s2 =	sld [smem:$0x3FD9]  }
0x89: {  	s3 =	sld [smem:$0x3FFE];
	_ =	sdelay $0x1  }
0x8a: {  	s1 =	srdreg.scid  }
0x8b: {  	s0 =	sand.u32 $0x1, s1  }
0x8c: {  	s15 =	sshll.u32 s0, $0xA;
	s2 =	sadd.s32 s3, s2  }
0x8d: {  	s2 =	sadd.s32 s2, s15  }
0x8e: {  	[smem:$0x3FBF] =	sst s2  }
0x8f: {  	_ = 	snop  }
0x90: {  	s2 =	sld [smem:$0x3FD0];
	_ =	sdelay $0x1  }
0x91: {  	s16 =	sld [smem:$0x3FC9]  }
0x92: {  	s5 =	simm.s32 $0xB;
	s6 =	simm.s32 $0x10;
	s4 =	sld [smem:$0x3FC7]  }
0x93: {  	[smem:s6], [sflag:s5] =	dma.local [hbm:s2], $0x1  }
0x94: {  	_ =	swait.eq [sflag:s5], $0x1  }
0x95: {  	[sflag:s5] =	ssyncset.done $0x0  }
0x96: {  	[sflag:s5] =	ssyncadd.s32 $0xFFFFFFFF  }
0x97: {  	s17 =	sld [smem:$0x10];
	(tm) =	ssettm $0x1  }
0x98: {  	s18 =	sld [smem:$0x3FFB];
	_ =	sdelay $0x3  }
0x99: {  	_ =	strace s18  }
0x9a: {  	s5 =	sld [smem:$0x3FFC];
	_ =	sdelay $0x3  }
0x9b: {  	_ =	strace s5  }
0x9c: {  	s5 =	sld [smem:$0x3FFD];
	_ =	sdelay $0x3  }
0x9d: {  	_ =	strace s5  }
0x9e: {  	_ =	strace $0x8FFFFFFF  }
0x9f: {  	s19 =	sld [smem:$0x3FDB];
	_ =	sdelay $0x1  }
0xa0: {  	s20 =	simm.s32 $_scs_section_size  }
0xa1: {  	s7 =	simm.s32 $_size__tile_overlayer_lowered;
	s8 =	simm.s32 $_tile_overlayer_lowered  }
0xa2: {  	s23 =	simm.s32 $0x1BFF;
	s22 =	sshll.u32 s8, $0x1;
	s5 =	sadd.s32 s20, s19  }
0xa3: {  	s9 =	simm.s32 $0x0;
	s21 =	sshll.u32 s7, $0x1;
	s7 =	sadd.s32 s22, s5  }
0xa4: {  	[timem:s9], [sflag:s23] =	dma.local [hbm:s7], s21  }
0xa5: {  	_ =	swait.ge [sflag:s23], s21  }
0xa6: {  	s6 =	ssub.s32 $0x0, s21;
	[sflag:s23] =	ssyncset.done $0x0  }
0xa7: {  	[sflag:s23] =	ssyncadd.s32 s6;
	_ =	sdelay $0x1  }
0xa8: {  	s24 =	simm.s32 $0x1B8B  }
0xa9: {  	_ =	swait.ge [sflag:s24], $0x1  }
0xaa: {  	[sflag:s24] =	ssyncset.done $0x0  }
0xab: {  	s25 =	simm.s32 $0x1B8E;
	[sflag:s24] =	ssyncadd.s32 $0xFFFFFFFF  }
0xac: {  	s26 =	simm.s32 $execute0_lowered;
	[smem:$0x3FD2] =	sst s25  }
0xad: {  	s6 =	sshll.u32 s26, $0x1;
	_ =	strace $0x80000046;
	[dreg:$0x1] =	wrdreg $0xFFFFFFFF  }
0xae: {  	s28 =	simm.s32 $_size_execute0_lowered;
	s5 =	sadd.s32 s5, s6;
	[dreg:$0x0] =	wrdreg $0x0  }
0xaf: {  	s6 =	sshll.u32 s28, $0x1;
	[dreg:$0x2] =	wrdreg s5  }
0xb0: {  	[dreg:$0x3] =	wrdreg s6  }
0xb1: {  	[dreg:$0x4] =	wrdreg $0xC0  }
0xb2: {  	_ =	task [dreg:s9], $0x5FFFF  }
0xb3: {  	[dreg:$0x1] =	wrdreg $0xFFFFFFFF  }
0xb4: {  	[dreg:$0x0] =	wrdreg $0x60  }
0xb5: {  	[dreg:$0x2] =	wrdreg s16  }
0xb6: {  	[dreg:$0x3] =	wrdreg s4  }
0xb7: {  	[dreg:$0x4] =	wrdreg s17  }
0xb8: {  	[dreg:$0x5] =	wrdreg $0x9  }
0xb9: {  	_ =	task.clear_ibuf [dreg:s9], $0x6FFFF;
	_ =	strace $0x90000046  }
0xba: {  	s29 =	simm.s32 $0x9;
	_ =	strace $0x80000048  }
0xbb: {  	_ =	swait.ge [sflag:s29], $0x1  }
0xbc: {  	[sflag:s29] =	ssyncadd.s32 $0xFFFFFFFF  }
0xbd: {  	_ =	strace $0x90000048  }
0xbe: {  	_ =	sfence  }
0xbf: {  	s30 =	sld [smem:$0x0];
	_ =	sdelay $0x2  }
0xc0: {  	s31 =	sshll.u32 s1, $0xD;
	s1 =	sshrl.u32 s1, $0x2  }
0xc1: {  	s3 =	sand.u32 $0x4000, s31;
	s1 =	sadd.s32 s1, s30  }
0xc2: {  	s0 =	sor.u32 s3, s0;
	s1 =	sshll.u32 s1, $0x11  }
0xc3: {  	s0 =	sor.u32 s1, s0  }
0xc4: {  	s0 =	sadd.s32 $0x8F2B, s0  }
0xc5: {  	[sflag:s0] =	ssyncadd.remote.s32 $0x1  }
0xc6: {  	_ =	sfence.sel $0xFFFF  }
0xc7: {  	[dreg:$0x0] =	wrdreg $0xFFFFFFFF;
	(pc) =	sbr.abs _section_cstart, $3  }
0xc8: {  	[dreg:$0x1] =	wrdreg $0xFFFFFFFF  }
0xc9: {  	_ =	task.clear_ibuf [dreg:s9], $0x2FFFF;
	_ =	strace $0x9FFFFFFF  }
0xca: {  	(tm) =	ssettm $0x7FFFFFFF  }
0xcb: {  	_ =	shalt  }
tec
execute0_lowered:
.L_overlay_start_1:
0x0: {  	(tag) =	ssettag $0x1  }
0x1: {  	s1 =	rddreg [dreg:$0x0];
	s2 =	srdreg.scid  }
0x2: {  	s4 =	rddreg [dreg:$0x1];
	s0 =	stileid.u32;
	s14 =	sand.u32 $0x1, s2  }
0x3: {  	s15 =	rddreg [dreg:$0x2];
	s5 =	sshll.u32 s0, $0xA;
	s6 =	sshll.u32 s14, $0x9  }
0x4: {  	s3 =	simm.s32 $0x0;
	s2 =	rddreg [dreg:$0x3];
	s16 =	sor.u32 s6, s5  }
0x5: {  	[smem:$0x7FF] =	sst s3;
	s5 =	sshrl.u32 s16, $0x3  }
0x6: {  	_ =	strace $0x80000047;
	s5 =	sadd.s32 s4, s5;
	s4 =	simm.s32 $0x2  }
0x7: {  	[tilespmem:s3], [sflag:$0x2] =	stream.linear.gather [hbm4b:s5+s3], $0x200, $0x38;
	[tilespmem:$0x10200] =	vst v63  }
0x8: {  	_ =	swait.ge [sflag:s4], $0x200  }
0x9: {  	[sflag:s4] =	ssyncset.done $0x0  }
0xa: {  	s7 =	simm.s32 $0x200;
	s6 =	simm.s32 $0x80;
	[sflag:s4] =	ssyncadd.s32 $0xFFFFFE00  }
0xb: {  	[tilespmem:s7], [sflag:$0x1] =	stream.indirect.gather [hbm4b:s1+s6], $0x80, s3, s6, $0xb8;
	[tilespmem:$0x10200] =	vst v63  }
0xc: {  	s8 =	simm.s32 $0x4200  }
0xd: {  	[tilespmem:s8], [sflag:$0x1] =	stream.indirect.gather [hbm4b:s1+s6], $0x80, s6, s6, $0xb8;
	[tilespmem:$0x10200] =	vst v63  }
0xe: {  	s9 =	simm.s32 $0x100;
	s10 =	simm.s32 $0x8200  }
0xf: {  	[tilespmem:s10], [sflag:$0x1] =	stream.indirect.gather [hbm4b:s1+s6], $0x80, s9, s6, $0xb8;
	[tilespmem:$0x10200] =	vst v63  }
0x10: {  	s11 =	simm.s32 $0x180;
	s12 =	simm.s32 $0xC200;
	s13 =	simm.s32 $0x1  }
0x11: {  	[tilespmem:s12], [sflag:$0x1] =	stream.indirect.gather [hbm4b:s1+s6], $0x80, s11, s6, $0xb8;
	[tilespmem:$0x10200] =	vst v63  }
0x12: {  	_ =	swait.ge [sflag:s13], $0x4000  }
0x13: {  	[sflag:s13] =	ssyncset.done $0x0  }
0x14: {  	[sflag:s13] =	ssyncadd.s32 $0xFFFFC000  }
0x15: {  	_ =	swait.ge [sflag:s13], $0x4000  }
0x16: {  	[sflag:s13] =	ssyncset.done $0x0  }
0x17: {  	s14 =	ssub.s32 $0x2, s14;
	[sflag:s13] =	ssyncadd.s32 $0xFFFFC000  }
0x18: {  	s17 =	sshrl.u32 s14, $0x1;
	_ =	swait.ge [sflag:s13], $0x4000  }
0x19: {  	s17 =	ssub.s32 s14, s17;
	[sflag:s13] =	ssyncset.done $0x0  }
0x1a: {  	s31 =	smax.u32 s17, $0x1;
	[sflag:s13] =	ssyncadd.s32 $0xFFFFC000  }
0x1b: {  	p0 =	sne.s32 s31, $0x1;
	_ =	swait.ge [sflag:s13], $0x4000  }
.Ltmp0:
0x1c: {  	s30 =	sshll.u32 s16, $0x4;
	[sflag:s13] =	ssyncset.done $0x0;
	(pc) =	sbr.rel @!p0 .LBB2_2-.Ltmp0, $4  }
0x1d: {  	s14 =	sadd.s32 s15, s30;
	[sflag:s13] =	ssyncadd.s32 $0xFFFFC000  }
0x1e: {  	[hbm4b:s14+s3] =	stream.linear.scatter [tilespmem:s7], [sflag:$0x2], $0x10000, $0x38;
	[tilespmem:$0x10200] =	vst v63  }
0x1f: {  	_ =	swait.ge [sflag:s4], $0x10000  }
0x20: {  	s15 =	sadd.s32 $0xFFFFFFFF, s31;
	[sflag:s4] =	ssyncset.done $0x0  }
.LBB2_1:
0x21: {  	p0 =	sne.s32 s15, $0x1;
	s15 =	sadd.s32 $0xFFFFFFFF, s15;
	[sflag:s4] =	ssyncadd.s32 $0xFFFF0000  }
0x22: {  	[tilespmem:s3], [sflag:$0x2] =	stream.linear.gather [hbm4b:s5+s3], $0x200, $0x38;
	[tilespmem:$0x10200] =	vst v63  }
0x23: {  	_ =	swait.ge [sflag:s4], $0x200  }
0x24: {  	[sflag:s4] =	ssyncset.done $0x0  }
0x25: {  	[sflag:s4] =	ssyncadd.s32 $0xFFFFFE00  }
0x26: {  	[tilespmem:s7], [sflag:$0x1] =	stream.indirect.gather [hbm4b:s1+s6], $0x80, s3, s6, $0xb8;
	[tilespmem:$0x10200] =	vst v63  }
0x27: {  	_ = 	snop  }
0x28: {  	[tilespmem:s8], [sflag:$0x1] =	stream.indirect.gather [hbm4b:s1+s6], $0x80, s6, s6, $0xb8;
	[tilespmem:$0x10200] =	vst v63  }
0x29: {  	_ = 	snop  }
0x2a: {  	[tilespmem:s10], [sflag:$0x1] =	stream.indirect.gather [hbm4b:s1+s6], $0x80, s9, s6, $0xb8;
	[tilespmem:$0x10200] =	vst v63  }
0x2b: {  	_ = 	snop  }
0x2c: {  	[tilespmem:s12], [sflag:$0x1] =	stream.indirect.gather [hbm4b:s1+s6], $0x80, s11, s6, $0xb8;
	[tilespmem:$0x10200] =	vst v63  }
0x2d: {  	_ =	swait.ge [sflag:s13], $0x4000  }
0x2e: {  	[sflag:s13] =	ssyncset.done $0x0  }
0x2f: {  	[sflag:s13] =	ssyncadd.s32 $0xFFFFC000  }
0x30: {  	_ =	swait.ge [sflag:s13], $0x4000  }
0x31: {  	[sflag:s13] =	ssyncset.done $0x0  }
0x32: {  	[sflag:s13] =	ssyncadd.s32 $0xFFFFC000  }
0x33: {  	_ =	swait.ge [sflag:s13], $0x4000  }
0x34: {  	[sflag:s13] =	ssyncset.done $0x0  }
0x35: {  	[sflag:s13] =	ssyncadd.s32 $0xFFFFC000  }
0x36: {  	_ =	swait.ge [sflag:s13], $0x4000  }
.Ltmp1:
0x37: {  	[sflag:s13] =	ssyncset.done $0x0;
	(pc) =	sbr.rel @p0 .LBB2_1-.Ltmp1, $4  }
0x38: {  	[sflag:s13] =	ssyncadd.s32 $0xFFFFC000  }
0x39: {  	[hbm4b:s14+s3] =	stream.linear.scatter [tilespmem:s7], [sflag:$0x2], $0x10000, $0x38;
	[tilespmem:$0x10200] =	vst v63  }
0x3a: {  	_ =	swait.ge [sflag:s4], $0x10000  }
0x3b: {  	[sflag:s4] =	ssyncset.done $0x0  }
.LBB2_2:
0x3c: {  	[sflag:s4] =	ssyncadd.s32 $0xFFFF0000  }
0x3d: {  	_ =	sfence.sel $0x180000  }
0x3e: {  	[bflag:$0x0] =	sbarrier.arrive $0xFFFF  }
0x3f: {  	p0 =	sne.s32 s0, $0x0;
	_ =	strace $0x90000047  }
0x40: {  	s0 =	sadd.s32 @!p0 $0x100000, s2;
	[bflag:$0x2] =	sbarrier.arrive $0xFFFF  }
0x41: {  	[sflag:s0] =	ssyncadd.tile.s32 @!p0 $0x1;
	_ =	shalt  }
.Lfunc_end2:
_tile_overlayer_lowered:
.L_overlay_start_2:
0x42: {  	(tag) =	ssettag $0x2  }
0x43: {  	s0 =	rddreg [dreg:$0x0];
	s2 =	stileid.u32  }
0x44: {  	s1 =	rddreg [dreg:$0x1];
	p0 =	sne.s32 s2, $0x0  }
0x45: {  	s3 =	rddreg [dreg:$0x2];
	[bflag:$0x3] =	sbarrier.arrive $0xFFFF;
	s2 =	simm.s32 @!p0 $0x1C02  }
0x46: {  	[timem:s3], [sflag:s2] =	dma.local @!p0 [hbm:s0], s1  }
0x47: {  	s0 =	simm.s32 @!p0 $0x2  }
0x48: {  	_ =	swait.ge @!p0 [sflag:s0], s1  }
0x49: {  	s1 =	ssub.s32 @!p0 $0x0, s1;
	[sflag:s0] =	ssyncset.done @!p0 $0x0  }
0x4a: {  	[sflag:s0] =	ssyncadd.s32 @!p0 s1  }
0x4b: {  	[bflag:$0x3] =	sbarrier.arrive $0xFFFF  }
0x4c: {  	_ =	shalt  }

// kernel: kernel.9.cloned.1.call-start
scs
__scs_entry_jumppad:
0x0: {  	(pc) =	sbr.rel $0x88, $3  }
0x1: {  	(tag) =	ssettag $0x0;
	lr =	simm.s32 $0x1  }
0x2: {  	[smem:$0x3F98] =	sst lr;
	_ =	strace $0xD0000000  }
0x3: {  	_ = 	snop  }
0x4: {  	_ = 	snop  }
0x5: {  	_ = 	snop  }
0x6: {  	_ = 	snop  }
0x7: {  	_ = 	snop  }
__scs_overlays_trampoline_lowered:
0x8: {  	[smem:$0x3FA7] =	sst s0  }
0x9: {  	[smem:$0x3FA8] =	sst s1  }
0xa: {  	[smem:$0x3FA9] =	sst s2  }
0xb: {  	[smem:$0x3FAA] =	sst s3  }
0xc: {  	[smem:$0x3FAB] =	sst s4  }
0xd: {  	[smem:$0x3FAC] =	sst s5  }
0xe: {  	[smem:$0x3FAD] =	sst s6  }
0xf: {  	[smem:$0x3FAE] =	sst s7  }
0x10: {  	[smem:$0x3FAF] =	sst s8  }
0x11: {  	[smem:$0x3FB0] =	sst s9;
	s0 =	simm.s32 @!p0 $0x0  }
0x12: {  	s1 =	sld [smem:$0x3F96];
	s0 =	simm.s32 @p0 $0x1  }
0x13: {  	[smem:$0x3FB1] =	sst s0;
	s0 =	simm.s32 @!p1 $0x0  }
0x14: {  	s2 =	sld [smem:$0x3F95];
	s0 =	simm.s32 @p1 $0x1  }
0x15: {  	[smem:$0x3FB2] =	sst s0;
	s0 =	simm.s32 @!p2 $0x0  }
0x16: {  	s3 =	sld [smem:$0x3FDB];
	s0 =	simm.s32 @p2 $0x1  }
0x17: {  	s4 =	simm.s32 $0x1BF5;
	[smem:$0x3FB4] =	sst s0  }
0x18: {  	s0 =	sld [smem:$0x3F97];
	_ =	swait.ge [sflag:s4], $0x0  }
0x19: {  	s7 =	sld [smem:$0x3F98]  }
0x1a: {  	s8 =	sadd.s32 $0xFFFFE003, lr  }
0x1b: {  	s9 =	sadd.s32 $0xFFFFFEF7, lr;
	s5 =	simm.s32 $0xFFFFFFFF;
	p2 =	slt.u32 s8, $0xFFFFF086  }
0x1c: {  	p1 =	slt.u32 s9, $0xF7A;
	s5 =	simm.s32 @!p2 $0x0  }
0x1d: {  	s5 =	simm.s32 @p1 $0x1;
	p0 =	seq.s32 s7, s2  }
0x1e: {  	s7 =	smul.u32 @!p0 $0xF7A, s2;
	p2 =	seq.s32 @!p0 s5, $0x0  }
0x1f: {  	s9 =	smul.u32 $0xF7A, s1;
	s8 =	simm.s32 @!p0 $0x1BF5;
	p2 =	por !p2, p0  }
0x20: {  	[sflag:s8] =	ssyncset.s32 @!p0 $0xFFFFF086;
	s6 =	sadd.s32 @!p0 s3, s7;
	s7 =	simm.s32 @!p0 $0x108  }
0x21: {  	s3 =	sadd.s32 s3, s9;
	s6 =	sadd.s32 @!p0 $0x88, s6;
	s7 =	simm.s32 @p2 $0x1082  }
0x22: {  	[simem:s7], [sflag:s8] =	dma.local @!p0 [hbm:s6], $0xF7A  }
0x23: {  	s9 =	sor.u32 $0xD0000000, s2;
	s6 =	simm.s32 $0x108;
	_ =	swait.ge @!p0 [sflag:s8], $0x0  }
0x24: {  	s3 =	sadd.s32 $0x88, s3;
	s6 =	simm.s32 @!p1 $0x1082;
	[sflag:s4] =	ssyncset.s32 $0xFFFFF086  }
0x25: {  	[simem:s6], [sflag:s4] =	dma.local [hbm:s3], $0xF7A  }
0x26: {  	[smem:$0x3F98] =	sst s1;
	(tag) =	ssettag s2;
	_ =	strace s9  }
0x27: {  	s1 =	sld [smem:$0x3FA8]  }
0x28: {  	s2 =	sld [smem:$0x3FA9]  }
0x29: {  	s4 =	sld [smem:$0x3FAB]  }
0x2a: {  	p0 =	seq.s32 s5, $0x0;
	s5 =	sld [smem:$0x3FAC]  }
0x2b: {  	s6 =	sld [smem:$0x3FAD]  }
0x2c: {  	s7 =	sld [smem:$0x3FAE]  }
0x2d: {  	s3 =	simm.s32 $0x108;
	s8 =	sld [smem:$0x3FAF]  }
0x2e: {  	s3 =	simm.s32 @!p0 $0x1082;
	s9 =	sld [smem:$0x3FB0]  }
0x2f: {  	lr =	sadd.s32 s0, s3;
	s0 =	sld [smem:$0x3FA7]  }
0x30: {  	s3 =	sld [smem:$0x3FAA]  }
0x31: {  	[smem:$0x3FB3] =	sst s10  }
0x32: {  	s10 =	sld [smem:$0x3FB1];
	_ =	sdelay $0x3  }
0x33: {  	p0 =	seq.s32 s10, $0x1;
	s10 =	sld [smem:$0x3FB3];
	_ =	sdelay $0x3  }
0x34: {  	[smem:$0x3FB3] =	sst s10  }
0x35: {  	s10 =	sld [smem:$0x3FB2];
	_ =	sdelay $0x3  }
0x36: {  	p1 =	seq.s32 s10, $0x1;
	s10 =	sld [smem:$0x3FB3];
	_ =	sdelay $0x3  }
0x37: {  	[smem:$0x3FB3] =	sst s10  }
0x38: {  	s10 =	sld [smem:$0x3FB4]  }
0x39: {  	_ = 	snop;
	(pc) =	sbr.ind lr, $3  }
0x3a: {  	_ = 	snop  }
0x3b: {  	_ = 	snop  }
0x3c: {  	p2 =	seq.s32 s10, $0x1;
	s10 =	sld [smem:$0x3FB3]  }
0x3d: {  	_ =	shalt  }
0x3e: {  	_ =	shalt  }
0x3f: {  	_ =	shalt  }
0x40: {  	_ =	shalt  }
0x41: {  	_ =	shalt  }
0x42: {  	_ =	shalt  }
0x43: {  	_ =	shalt  }
0x44: {  	_ =	shalt  }
0x45: {  	_ =	shalt  }
0x46: {  	_ =	shalt  }
0x47: {  	_ =	shalt  }
0x48: {  	_ =	shalt  }
0x49: {  	_ =	shalt  }
0x4a: {  	_ =	shalt  }
0x4b: {  	_ =	shalt  }
0x4c: {  	_ =	shalt  }
0x4d: {  	_ =	shalt  }
0x4e: {  	_ =	shalt  }
0x4f: {  	_ =	shalt  }
0x50: {  	_ =	shalt  }
0x51: {  	_ =	shalt  }
0x52: {  	_ =	shalt  }
0x53: {  	_ =	shalt  }
0x54: {  	_ =	shalt  }
0x55: {  	_ =	shalt  }
0x56: {  	_ =	shalt  }
0x57: {  	_ =	shalt  }
0x58: {  	_ =	shalt  }
0x59: {  	_ =	shalt  }
0x5a: {  	_ =	shalt  }
0x5b: {  	_ =	shalt  }
0x5c: {  	_ =	shalt  }
0x5d: {  	_ =	shalt  }
0x5e: {  	_ =	shalt  }
0x5f: {  	_ =	shalt  }
0x60: {  	_ =	shalt  }
0x61: {  	_ =	shalt  }
0x62: {  	_ =	shalt  }
0x63: {  	_ =	shalt  }
0x64: {  	_ =	shalt  }
0x65: {  	_ =	shalt  }
0x66: {  	_ =	shalt  }
0x67: {  	_ =	shalt  }
0x68: {  	_ =	shalt  }
0x69: {  	_ =	shalt  }
0x6a: {  	_ =	shalt  }
0x6b: {  	_ =	shalt  }
0x6c: {  	_ =	shalt  }
0x6d: {  	_ =	shalt  }
0x6e: {  	_ =	shalt  }
0x6f: {  	_ =	shalt  }
0x70: {  	_ =	shalt  }
0x71: {  	_ =	shalt  }
0x72: {  	_ =	shalt  }
0x73: {  	_ =	shalt  }
0x74: {  	_ =	shalt  }
0x75: {  	_ =	shalt  }
0x76: {  	_ =	shalt  }
0x77: {  	_ =	shalt  }
0x78: {  	_ =	shalt  }
0x79: {  	_ =	shalt  }
0x7a: {  	_ =	shalt  }
0x7b: {  	_ =	shalt  }
0x7c: {  	_ =	shalt  }
0x7d: {  	_ =	shalt  }
0x7e: {  	_ =	shalt  }
0x7f: {  	_ =	shalt  }
0x80: {  	_ =	shalt  }
0x81: {  	_ =	shalt  }
0x82: {  	_ =	shalt  }
0x83: {  	_ =	shalt  }
0x84: {  	_ =	shalt  }
0x85: {  	_ =	shalt  }
0x86: {  	_ =	shalt  }
0x87: {  	_ =	shalt  }
.Lfunc_end0:
.L_simem_size_0:
called_computation.1_lowered:
.L_overlay_start_0:
0x88: {  	s2 =	sld [smem:$0x3FD9]  }
0x89: {  	s3 =	sld [smem:$0x3FFE];
	_ =	sdelay $0x1  }
0x8a: {  	s1 =	srdreg.scid  }
0x8b: {  	s0 =	sand.u32 $0x1, s1  }
0x8c: {  	s17 =	sshll.u32 s0, $0xA;
	s2 =	sadd.s32 s3, s2  }
0x8d: {  	s2 =	sadd.s32 s2, s17  }
0x8e: {  	[smem:$0x3FBF] =	sst s2  }
0x8f: {  	_ = 	snop  }
0x90: {  	s18 =	sld [smem:$0x3FC7];
	(tm) =	ssettm $0x1  }
0x91: {  	s19 =	sld [smem:$0x3FFB];
	_ =	sdelay $0x3  }
0x92: {  	_ =	strace s19  }
0x93: {  	s2 =	sld [smem:$0x3FFC];
	_ =	sdelay $0x3  }
0x94: {  	_ =	strace s2  }
0x95: {  	s2 =	sld [smem:$0x3FFD];
	_ =	sdelay $0x3  }
0x96: {  	_ =	strace s2  }
0x97: {  	_ =	strace $0x8FFFFFFF  }
0x98: {  	s20 =	sld [smem:$0x3FDB];
	_ =	sdelay $0x1  }
0x99: {  	s4 =	simm.s32 $_scs_section_size  }
0x9a: {  	s5 =	simm.s32 $_size__tile_overlayer_lowered;
	s6 =	simm.s32 $_tile_overlayer_lowered  }
0x9b: {  	s7 =	simm.s32 $0x1BFF;
	s21 =	sshll.u32 s6, $0x1;
	s4 =	sadd.s32 s4, s20  }
0x9c: {  	s22 =	simm.s32 $0x0;
	s5 =	sshll.u32 s5, $0x1;
	s6 =	sadd.s32 s21, s4  }
0x9d: {  	[timem:s22], [sflag:s7] =	dma.local [hbm:s6], s5  }
0x9e: {  	_ =	swait.ge [sflag:s7], s5  }
0x9f: {  	s5 =	ssub.s32 $0x0, s5;
	[sflag:s7] =	ssyncset.done $0x0  }
0xa0: {  	[sflag:s7] =	ssyncadd.s32 s5;
	_ =	sdelay $0x1  }
0xa1: {  	s23 =	simm.s32 $0x1B8B  }
0xa2: {  	_ =	swait.ge [sflag:s23], $0x1  }
0xa3: {  	[sflag:s23] =	ssyncset.done $0x0  }
0xa4: {  	[sflag:s23] =	ssyncadd.s32 $0xFFFFFFFF  }
0xa5: {  	s5 =	sld [smem:$0x0]  }
0xa6: {  	s6 =	sand.u32 $0xFFFFFFFE, s1  }
0xa7: {  	p0 =	sne.s32 s1, s6  }
0xa8: {  	s6 =	sshll.u32 @p0 s6, $0xE  }
0xa9: {  	s6 =	sadd.s32 @p0 $0x11B8D, s6;
	s7 =	sshll.u32 @p0 s5, $0x11  }
0xaa: {  	s6 =	sor.u32 @p0 s7, s6  }
0xab: {  	[sflag:s6] =	ssyncadd.remote.s32 @p0 $0x1;
	_ =	sdelay $0x1  }
0xac: {  	s6 =	simm.s32 @p0 $0x1B8D  }
0xad: {  	_ =	swait.eq @p0 [sflag:s6], $0x1  }
0xae: {  	[sflag:s6] =	ssyncadd.s32 @p0 $0xFFFFFFFF  }
0xaf: {  	s7 =	sshll.u32 @!p0 s1, $0xE  }
0xb0: {  	s7 =	sor.u32 @!p0 $0x4000, s7;
	s6 =	simm.s32 @!p0 $0x1B8D  }
0xb1: {  	s5 =	sshll.u32 @!p0 s5, $0x11;
	s7 =	sadd.s32 @!p0 $0x11B8D, s7;
	_ =	swait.eq @!p0 [sflag:s6], $0x1  }
0xb2: {  	s5 =	sor.u32 @!p0 s5, s7;
	[sflag:s6] =	ssyncadd.s32 @!p0 $0xFFFFFFFF  }
0xb3: {  	s25 =	simm.s32 $0x1B8E;
	s24 =	sld [smem:$0x3FFE];
	[sflag:s5] =	ssyncadd.remote.s32 @!p0 $0x1  }
0xb4: {  	s26 =	simm.s32 $execute0_lowered;
	[smem:$0x3FD2] =	sst s25  }
0xb5: {  	s6 =	sshll.u32 s26, $0x1;
	_ =	strace $0x80000049;
	[dreg:$0x1] =	wrdreg $0xFFFFFFFF  }
0xb6: {  	s28 =	simm.s32 $_size_execute0_lowered;
	s4 =	sadd.s32 s4, s6;
	[dreg:$0x0] =	wrdreg $0x0  }
0xb7: {  	s6 =	sshll.u32 s28, $0x1;
	[dreg:$0x2] =	wrdreg s4  }
0xb8: {  	[dreg:$0x3] =	wrdreg s6  }
0xb9: {  	[dreg:$0x4] =	wrdreg $0xC0  }
0xba: {  	_ =	task [dreg:s22], $0x5FFFF  }
0xbb: {  	[dreg:$0x1] =	wrdreg $0xFFFFFFFF  }
0xbc: {  	[dreg:$0x0] =	wrdreg $0x60  }
0xbd: {  	[dreg:$0x2] =	wrdreg s18  }
0xbe: {  	[dreg:$0x3] =	wrdreg s24  }
0xbf: {  	[dreg:$0x4] =	wrdreg $0xA  }
0xc0: {  	_ =	task.clear_ibuf [dreg:s22], $0x5FFFF;
	_ =	strace $0x90000049  }
0xc1: {  	s29 =	simm.s32 $0xA;
	_ =	strace $0x8000004B  }
0xc2: {  	_ =	swait.ge [sflag:s29], $0x1  }
0xc3: {  	[sflag:s29] =	ssyncadd.s32 $0xFFFFFFFF  }
0xc4: {  	_ =	strace $0x9000004B  }
0xc5: {  	_ =	sfence  }
0xc6: {  	s30 =	sld [smem:$0x0];
	_ =	sdelay $0x2  }
0xc7: {  	s31 =	sshll.u32 s1, $0xD;
	s1 =	sshrl.u32 s1, $0x2  }
0xc8: {  	s4 =	sand.u32 $0x4000, s31;
	s1 =	sadd.s32 s1, s30  }
0xc9: {  	s0 =	sor.u32 s4, s0;
	s1 =	sshll.u32 s1, $0x11  }
0xca: {  	s0 =	sor.u32 s1, s0  }
0xcb: {  	s0 =	sadd.s32 $0x8F2B, s0  }
0xcc: {  	[sflag:s0] =	ssyncadd.remote.s32 $0x1  }
0xcd: {  	_ =	sfence.sel $0xFFFF  }
0xce: {  	[dreg:$0x0] =	wrdreg $0xFFFFFFFF;
	(pc) =	sbr.abs _section_cstart, $3  }
0xcf: {  	[dreg:$0x1] =	wrdreg $0xFFFFFFFF  }
0xd0: {  	_ =	task.clear_ibuf [dreg:s22], $0x2FFFF;
	_ =	strace $0x9FFFFFFF  }
0xd1: {  	(tm) =	ssettm $0x7FFFFFFF  }
tec
execute0_lowered:
.L_overlay_start_1:
0x0: {  	(tag) =	ssettag $0x1  }
0x1: {  	s1 =	rddreg [dreg:$0x0]  }
0x2: {  	s4 =	rddreg [dreg:$0x1]  }
0x3: {  	s0 =	rddreg [dreg:$0x2];
	s2 =	simm.s32 $0x0  }
0x4: {  	s3 =	srdreg.scid;
	s12 =	simm.s32 $0x0;
	[smem:$0x7FF] =	sst s2  }
0x5: {  	s5 =	sand.u32 $0x1, s3;
	s3 =	stileid.u32;
	_ =	strace $0x8000004A  }
0x6: {  	s6 =	sshll.u32 s5, $0xD;
	s5 =	ssub.s32 $0x2, s5;
	s7 =	sshll.u32 s3, $0xB  }
0x7: {  	s10 =	smul.u32 $0x186A, s3;
	s8 =	sshll.u32 s3, $0x4;
	s4 =	sadd.s32 s6, s4  }
0x8: {  	s7 =	sand.u32 $0x4000, s7;
	s9 =	sshrl.u32 s5, $0x1;
	s8 =	sand.u32 $0x70, s8  }
0x9: {  	s6 =	sor.u32 $0x40, s6;
	s4 =	sadd.s32 s7, s4;
	s5 =	ssub.s32 s5, s9  }
0xa: {  	s11 =	sadd.s32 $0x186A, s10;
	s7 =	simm.s32 $0x1;
	s9 =	simm.s32 $0x80  }
0xb: {  	v0 =	vmov s10;
	s10 =	simm.s32 $0x400;
	s4 =	sadd.s32 s8, s4;
	s5 =	smax.u32 s5, $0x1  }
0xc: {  	v2 =	vlaneseq.u32;
	s8 =	simm.s32 $0x4000;
	v1 =	vmov s11;
	s11 =	simm.s32 $0x5880;
	s4 =	sadd.s32 $0x1C00, s4  }
.LBB2_1:
0xd: {  	[tilespmem:s2], [sflag:$0x1] =	stream.linear.gather [hbm4b:s1+s2], $0x4000, $0x38;
	[tilespmem:$0x7880] =	vst v63  }
0xe: {  	_ =	swait.ge [sflag:s7], $0x4000  }
0xf: {  	s13 =	simm.s32 $0xFFFFFFF8;
	s15 =	simm.s32 $0x70;
	[sflag:s7] =	ssyncset.done $0x0  }
0x10: {  	s16 =	simm.s32 $0x40;
	s17 =	simm.s32 $0xFFFFFFF8;
	[sflag:s7] =	ssyncadd.s32 $0xFFFFC000  }
.LBB2_2:
0x11: {  	v3 =	vld [tilespmem:s16+$0xFFFFFFC0];
	_ =	sdelay $0x4  }
0x12: {  	vm0 =	vge.s32 v3, v0;
	vm1 =	vlt.s32 v3, v1  }
0x13: {  	vm0 =	vmand vm0, vm1  }
0x14: {  	v3 =	vsub.s32 v3, v0;
	_ =	sdelay $0x2  }
0x15: {  	s14 =	sadd.s32 $0xFFFFFF90, s15  }
0x16: {  	v4 =	vor.u32 s14, v2  }
0x17: {  	[tilespmem:v3+s8+$0x0] =	vst.idx.msk vm0, v4  }
0x18: {  	v3 =	vld [tilespmem:s16+$0xFFFFFFD0];
	_ =	sdelay $0x4  }
0x19: {  	vm14 =	vge.s32 v3, v0;
	vm15 =	vlt.s32 v3, v1  }
0x1a: {  	vm0 =	vmand vm14, vm15  }
0x1b: {  	v3 =	vsub.s32 v3, v0;
	_ =	sdelay $0x2  }
0x1c: {  	s25 =	sadd.s32 $0xFFFFFFA0, s15  }
0x1d: {  	v57 =	vor.u32 s25, v2  }
0x1e: {  	[tilespmem:v3+s8+$0x0] =	vst.idx.msk vm0, v57  }
0x1f: {  	v3 =	vld [tilespmem:s16+$0xFFFFFFE0];
	_ =	sdelay $0x4  }
0x20: {  	vm4 =	vge.s32 v3, v0;
	vm5 =	vlt.s32 v3, v1  }
0x21: {  	vm0 =	vmand vm4, vm5  }
0x22: {  	v3 =	vsub.s32 v3, v0;
	_ =	sdelay $0x2  }
0x23: {  	s26 =	sadd.s32 $0xFFFFFFB0, s15  }
0x24: {  	v58 =	vor.u32 s26, v2  }
0x25: {  	[tilespmem:v3+s8+$0x0] =	vst.idx.msk vm0, v58  }
0x26: {  	v3 =	vld [tilespmem:s16+$0xFFFFFFF0];
	_ =	sdelay $0x4  }
0x27: {  	vm6 =	vge.s32 v3, v0;
	vm7 =	vlt.s32 v3, v1  }
0x28: {  	vm0 =	vmand vm6, vm7  }
0x29: {  	v3 =	vsub.s32 v3, v0;
	_ =	sdelay $0x2  }
0x2a: {  	s28 =	sadd.s32 $0xFFFFFFC0, s15  }
0x2b: {  	v59 =	vor.u32 s28, v2  }
0x2c: {  	[tilespmem:v3+s8+$0x0] =	vst.idx.msk vm0, v59  }
0x2d: {  	v3 =	vld [tilespmem:s16+$0x0];
	_ =	sdelay $0x4  }
0x2e: {  	vm8 =	vge.s32 v3, v0;
	vm9 =	vlt.s32 v3, v1  }
0x2f: {  	vm0 =	vmand vm8, vm9  }
0x30: {  	v3 =	vsub.s32 v3, v0;
	_ =	sdelay $0x2  }
0x31: {  	s29 =	sadd.s32 $0xFFFFFFD0, s15  }
0x32: {  	v60 =	vor.u32 s29, v2  }
0x33: {  	[tilespmem:v3+s8+$0x0] =	vst.idx.msk vm0, v60  }
0x34: {  	v3 =	vld [tilespmem:s16+$0x10];
	_ =	sdelay $0x4  }
0x35: {  	vm10 =	vge.s32 v3, v0;
	vm11 =	vlt.s32 v3, v1  }
0x36: {  	vm0 =	vmand vm10, vm11  }
0x37: {  	v3 =	vsub.s32 v3, v0;
	_ =	sdelay $0x2  }
0x38: {  	s30 =	sadd.s32 $0xFFFFFFE0, s15  }
0x39: {  	v61 =	vor.u32 s30, v2  }
0x3a: {  	[tilespmem:v3+s8+$0x0] =	vst.idx.msk vm0, v61  }
0x3b: {  	v3 =	vld [tilespmem:s16+$0x20];
	_ =	sdelay $0x4  }
0x3c: {  	vm12 =	vge.s32 v3, v0;
	vm13 =	vlt.s32 v3, v1  }
0x3d: {  	vm0 =	vmand vm12, vm13  }
0x3e: {  	v3 =	vsub.s32 v3, v0;
	_ =	sdelay $0x2  }
0x3f: {  	s31 =	sadd.s32 $0xFFFFFFF0, s15  }
0x40: {  	v62 =	vor.u32 s31, v2  }
0x41: {  	[tilespmem:v3+s8+$0x0] =	vst.idx.msk vm0, v62  }
0x42: {  	v3 =	vld [tilespmem:s16+$0x30];
	_ =	sdelay $0x4  }
0x43: {  	vm14 =	vge.s32 v3, v0;
	vm15 =	vlt.s32 v3, v1  }
0x44: {  	s17 =	sadd.s32 $0x8, s17;
	vm0 =	vmand vm14, vm15  }
0x45: {  	p0 =	slt.u32 s17, $0x3F8;
	v3 =	vsub.s32 v3, v0  }
.Ltmp0:
0x46: {  	_ = 	snop;
	(pc) =	sbr.rel @p0 .LBB2_2-.Ltmp0, $3  }
0x47: {  	_ =	sdelay $0x1  }
0x48: {  	v63 =	vor.u32 s15, v2  }
0x49: {  	s15 =	sadd.s32 $0x80, s15;
	s14 =	simm.s32 $0x58C0;
	s16 =	sadd.s32 $0x80, s16;
	[tilespmem:v3+s8+$0x0] =	vst.idx.msk vm0, v63  }
0x4a: {  	s15 =	smov.u32 s6  }
.LBB2_4:
0x4b: {  	v3 =	vld [tilespmem:s15+$0xFFFFFFC0];
	_ =	sdelay $0x4  }
0x4c: {  	vm0 =	vge.s32 v3, v0;
	vm1 =	vlt.s32 v3, v1  }
0x4d: {  	vm0 =	vmand vm0, vm1  }
0x4e: {  	v3 =	vsub.s32 v3, v0;
	_ =	sdelay $0x4  }
0x4f: {  	v3 =	vld.idx.msk [tilespmem:v3+s8+$0x0], vm0;
	_ =	sdelay $0x4  }
0x50: {  	v3 =	vnsel vm0, $0x0, v3  }
0x51: {  	[tilespmem:s14+$0xFFFFFFC0] =	vst v3  }
0x52: {  	v3 =	vld [tilespmem:s15+$0xFFFFFFD0];
	_ =	sdelay $0x4  }
0x53: {  	vm14 =	vge.s32 v3, v0;
	vm15 =	vlt.s32 v3, v1  }
0x54: {  	vm0 =	vmand vm14, vm15  }
0x55: {  	v3 =	vsub.s32 v3, v0;
	_ =	sdelay $0x4  }
0x56: {  	v3 =	vld.idx.msk [tilespmem:v3+s8+$0x0], vm0;
	_ =	sdelay $0x4  }
0x57: {  	v3 =	vnsel vm0, $0x0, v3  }
0x58: {  	[tilespmem:s14+$0xFFFFFFD0] =	vst v3  }
0x59: {  	v3 =	vld [tilespmem:s15+$0xFFFFFFE0];
	_ =	sdelay $0x4  }
0x5a: {  	vm4 =	vge.s32 v3, v0;
	vm5 =	vlt.s32 v3, v1  }
0x5b: {  	vm0 =	vmand vm4, vm5  }
0x5c: {  	v3 =	vsub.s32 v3, v0;
	_ =	sdelay $0x4  }
0x5d: {  	v3 =	vld.idx.msk [tilespmem:v3+s8+$0x0], vm0;
	_ =	sdelay $0x4  }
0x5e: {  	v3 =	vnsel vm0, $0x0, v3  }
0x5f: {  	[tilespmem:s14+$0xFFFFFFE0] =	vst v3  }
0x60: {  	v3 =	vld [tilespmem:s15+$0xFFFFFFF0];
	_ =	sdelay $0x4  }
0x61: {  	vm6 =	vge.s32 v3, v0;
	vm7 =	vlt.s32 v3, v1  }
0x62: {  	vm0 =	vmand vm6, vm7  }
0x63: {  	v3 =	vsub.s32 v3, v0;
	_ =	sdelay $0x4  }
0x64: {  	v3 =	vld.idx.msk [tilespmem:v3+s8+$0x0], vm0;
	_ =	sdelay $0x4  }
0x65: {  	v3 =	vnsel vm0, $0x0, v3  }
0x66: {  	[tilespmem:s14+$0xFFFFFFF0] =	vst v3  }
0x67: {  	v3 =	vld [tilespmem:s15+$0x0];
	_ =	sdelay $0x4  }
0x68: {  	vm8 =	vge.s32 v3, v0;
	vm9 =	vlt.s32 v3, v1  }
0x69: {  	vm0 =	vmand vm8, vm9  }
0x6a: {  	v3 =	vsub.s32 v3, v0;
	_ =	sdelay $0x4  }
0x6b: {  	v3 =	vld.idx.msk [tilespmem:v3+s8+$0x0], vm0;
	_ =	sdelay $0x4  }
0x6c: {  	v3 =	vnsel vm0, $0x0, v3  }
0x6d: {  	[tilespmem:s14+$0x0] =	vst v3  }
0x6e: {  	v3 =	vld [tilespmem:s15+$0x10];
	_ =	sdelay $0x4  }
0x6f: {  	vm10 =	vge.s32 v3, v0;
	vm11 =	vlt.s32 v3, v1  }
0x70: {  	vm0 =	vmand vm10, vm11  }
0x71: {  	v3 =	vsub.s32 v3, v0;
	_ =	sdelay $0x4  }
0x72: {  	v3 =	vld.idx.msk [tilespmem:v3+s8+$0x0], vm0;
	_ =	sdelay $0x4  }
0x73: {  	v3 =	vnsel vm0, $0x0, v3  }
0x74: {  	[tilespmem:s14+$0x10] =	vst v3  }
0x75: {  	v3 =	vld [tilespmem:s15+$0x20];
	_ =	sdelay $0x4  }
0x76: {  	vm12 =	vge.s32 v3, v0;
	vm13 =	vlt.s32 v3, v1  }
0x77: {  	vm0 =	vmand vm12, vm13  }
0x78: {  	v3 =	vsub.s32 v3, v0;
	_ =	sdelay $0x4  }
0x79: {  	v3 =	vld.idx.msk [tilespmem:v3+s8+$0x0], vm0;
	_ =	sdelay $0x4  }
0x7a: {  	v3 =	vnsel vm0, $0x0, v3  }
0x7b: {  	[tilespmem:s14+$0x20] =	vst v3  }
0x7c: {  	v3 =	vld [tilespmem:s15+$0x30];
	_ =	sdelay $0x4  }
0x7d: {  	vm14 =	vge.s32 v3, v0;
	vm15 =	vlt.s32 v3, v1  }
0x7e: {  	vm0 =	vmand vm14, vm15  }
0x7f: {  	v3 =	vsub.s32 v3, v0;
	_ =	sdelay $0x4  }
0x80: {  	s13 =	sadd.s32 $0x8, s13;
	v3 =	vld.idx.msk [tilespmem:v3+s8+$0x0], vm0  }
0x81: {  	p0 =	slt.u32 s13, $0x1F8  }
.Ltmp1:
0x82: {  	_ = 	snop;
	(pc) =	sbr.rel @p0 .LBB2_4-.Ltmp1, $3  }
0x83: {  	_ =	sdelay $0x1  }
0x84: {  	v3 =	vnsel vm0, $0x0, v3  }
0x85: {  	s15 =	sadd.s32 $0x80, s15;
	[tilespmem:s14+$0x30] =	vst v3;
	s14 =	sadd.s32 $0x80, s14  }
0x86: {  	s12 =	sadd.s32 $0x1, s12  }
0x87: {  	p0 =	sne.s32 s12, s5  }
.Ltmp2:
0x88: {  	_ = 	snop;
	(pc) =	sbr.rel @p0 .LBB2_1-.Ltmp2, $4  }
0x89: {  	[hbm4b:s4+s9] =	stream.strided.scatter [tilespmem:s11], [sflag:$0x1], $0x2000, s10, s9, $0x38;
	[tilespmem:$0x7880] =	vst v63  }
0x8a: {  	_ =	swait.ge [sflag:s7], $0x2000  }
0x8b: {  	[sflag:s7] =	ssyncset.done $0x0  }
0x8c: {  	[sflag:s7] =	ssyncadd.s32 $0xFFFFE000  }
0x8d: {  	_ =	sfence.sel $0x180000  }
0x8e: {  	[bflag:$0x0] =	sbarrier.arrive $0xFFFF  }
0x8f: {  	p0 =	sne.s32 s3, $0x0;
	_ =	strace $0x9000004A  }
0x90: {  	s0 =	sadd.s32 @!p0 $0x100000, s0;
	[bflag:$0x2] =	sbarrier.arrive $0xFFFF  }
0x91: {  	[sflag:s0] =	ssyncadd.tile.s32 @!p0 $0x1;
	_ =	shalt  }
.Lfunc_end2:
_tile_overlayer_lowered:
.L_overlay_start_2:
0x92: {  	(tag) =	ssettag $0x2  }
0x93: {  	s0 =	rddreg [dreg:$0x0];
	s2 =	stileid.u32  }
0x94: {  	s1 =	rddreg [dreg:$0x1];
	p0 =	sne.s32 s2, $0x0  }
0x95: {  	s3 =	rddreg [dreg:$0x2];
	[bflag:$0x3] =	sbarrier.arrive $0xFFFF;
	s2 =	simm.s32 @!p0 $0x1C01  }
0x96: {  	[timem:s3], [sflag:s2] =	dma.local @!p0 [hbm:s0], s1  }
0x97: {  	s0 =	simm.s32 @!p0 $0x1  }
0x98: {  	_ =	swait.ge @!p0 [sflag:s0], s1  }
0x99: {  	s1 =	ssub.s32 @!p0 $0x0, s1;
	[sflag:s0] =	ssyncset.done @!p0 $0x0  }
0x9a: {  	[sflag:s0] =	ssyncadd.s32 @!p0 s1  }
0x9b: {  	[bflag:$0x3] =	sbarrier.arrive $0xFFFF  }
0x9c: {  	_ =	shalt  }

</sc_bundles>
